<compile_context>
chip_gen: v7x
topology: tpu7x:2x2x1
jax: 0.10.2.dev20260603
libtpu: 0.0.44.dev20260713+nightly
codegen_flags: <defaults>
</compile_context>

<pallas_src>
import functools

import jax
import jax.numpy as jnp
from jax import lax
from jax.experimental import pallas as pl
from jax.experimental.pallas import tpu as pltpu
from jax.experimental.pallas import tpu_sc as plsc


def _sc_gather(user_ids, item_ids, idx14, utable, itable, nbtable):
    b = user_ids.shape[0]
    cn = utable.shape[1]
    d_in = itable.shape[1]
    mm = idx14.shape[0] // b
    info = plsc.get_sparse_core_info()
    nw = info.num_cores * info.num_subcores
    b_per_w = b // nw
    ch = 128
    nch = b_per_w // ch
    chi = ch * mm
    mesh = plsc.VectorSubcoreMesh(core_axis_name="c", subcore_axis_name="s")

    nrow = b * mm // ch

    @functools.partial(
        pl.kernel,
        mesh=mesh,
        compiler_params=pltpu.CompilerParams(use_tc_tiling_on_sc=False),
        out_type=[
            jax.ShapeDtypeStruct((b, cn), jnp.float32),
            jax.ShapeDtypeStruct((nrow, ch, d_in), jnp.float32),
            jax.ShapeDtypeStruct((b,), jnp.int32),
        ],
        scratch_types=[
            pltpu.VMEM((ch,), jnp.int32),
            pltpu.VMEM((ch,), jnp.int32),
            pltpu.VMEM((mm, ch), jnp.int32),
            pltpu.VMEM((ch, cn), jnp.float32),
            pltpu.VMEM((mm, ch, d_in), jnp.float32),
            pltpu.VMEM((ch,), jnp.int32),
            pltpu.SemaphoreType.DMA,
            pltpu.SemaphoreType.DMA,
            pltpu.SemaphoreType.DMA,
        ],
    )
    def k(uid_hbm, iid_hbm, idx14_hbm, ut_hbm, it_hbm, nb_hbm,
          uout, iout, nbout,
          uidx_v, iidx_v, idx14_v, urow_v, irow_v, nb_v, s1, s2, s3):
        wid = lax.axis_index("s") * info.num_cores + lax.axis_index("c")
        for c in range(nch):
            base = wid * b_per_w + c * ch
            r0 = base * mm // ch
            pltpu.sync_copy(uid_hbm.at[pl.ds(base, ch)], uidx_v)
            a0 = pltpu.async_copy(ut_hbm.at[uidx_v], urow_v, s1)
            pltpu.sync_copy(iid_hbm.at[pl.ds(base, ch)], iidx_v)
            a2 = pltpu.async_copy(nb_hbm.at[iidx_v], nb_v, s3)
            pltpu.sync_copy(idx14_hbm.at[pl.ds(r0, mm)], idx14_v)
            gathers = [
                pltpu.async_copy(it_hbm.at[idx14_v.at[k_]],
                                 irow_v.at[k_], s2)
                for k_ in range(mm)
            ]
            a0.wait()
            pltpu.sync_copy(urow_v, uout.at[pl.ds(base, ch)])
            a2.wait()
            pltpu.sync_copy(nb_v, nbout.at[pl.ds(base, ch)])
            for g in gathers:
                g.wait()
            pltpu.sync_copy(irow_v, iout.at[pl.ds(r0, mm)])

    idx14_2d = idx14.reshape(nrow, ch)
    return k(user_ids, item_ids, idx14_2d, utable, itable, nbtable)


def _tc_body(m, d_in, cn, bb, cid_ref, nbm_ref, u_ref, ir_ref, wf_ref, out_ref):
    cid = cid_ref[...]
    nbm = nbm_ref[...]
    u = u_ref[...]
    ir = ir_ref[...]
    wf = wf_ref[...]

    onehot = (lax.broadcasted_iota(jnp.int32, (bb, cn), 1) == cid)
    wtf = jnp.dot(onehot.astype(jnp.float32), wf,
                  preferred_element_type=jnp.float32)
    irb = ir.astype(jnp.bfloat16).astype(jnp.float32)

    minv = jnp.full((bb, 1), jnp.inf, dtype=jnp.float32)
    argm = jnp.zeros((bb, 1), dtype=jnp.int32)
    for s in range(1, m - 1):
        im = jnp.zeros((bb, cn), jnp.float32)
        for d in range(d_in):
            im = im + irb[:, s * d_in + d:s * d_in + d + 1] \
                * wtf[:, d * cn:(d + 1) * cn]
        diff = u - im
        p = jnp.sum(diff * diff, axis=1, keepdims=True)
        pv = jnp.where(nbm >= s, p, jnp.inf)
        better = pv < minv
        minv = jnp.where(better, pv, minv)
        argm = jnp.where(better, s, argm)

    resp = (argm - 1).astype(jnp.float32) / (nbm - 1).astype(jnp.float32) + 1.0
    out_ref[...] = resp


def kernel(user_ids, item_ids, concept_ids, users_emb_weight,
           item_resp_weight, W, mask, nb_modalities):
    b = user_ids.shape[0]
    m = mask.shape[1]
    item_n = nb_modalities.shape[0]
    cn = users_emb_weight.shape[1]
    d_in = item_resp_weight.shape[1]

    idx14 = (item_ids[:, None] * m + jnp.arange(m, dtype=item_ids.dtype)
             ).reshape(b * m)
    u_g, ir14_g, nb_g = _sc_gather(user_ids, item_ids, idx14,
                                   users_emb_weight, item_resp_weight,
                                   nb_modalities)
    ir_g = ir14_g.reshape(b, m * d_in)

    bb = 256
    nblk = b // bb
    wf = W.reshape(cn, d_in * cn)
    cid2 = concept_ids.reshape(b, 1)
    nbm2 = nb_g.reshape(b, 1)

    out = pl.pallas_call(
        functools.partial(_tc_body, m, d_in, cn, bb),
        grid=(nblk,),
        in_specs=[
            pl.BlockSpec((bb, 1), lambda i: (i, 0)),
            pl.BlockSpec((bb, 1), lambda i: (i, 0)),
            pl.BlockSpec((bb, cn), lambda i: (i, 0)),
            pl.BlockSpec((bb, m * d_in), lambda i: (i, 0)),
            pl.BlockSpec((cn, d_in * cn), lambda i: (0, 0)),
        ],
        out_specs=pl.BlockSpec((bb, 1), lambda i: (i, 0)),
        out_shape=jax.ShapeDtypeStruct((b, 1), jnp.float32),
    )(cid2, nbm2, u_g, ir_g, wf)
    return out.reshape(b)

# --- scband reference (transcript-rebuilt; emitter-appended) ---
"""Pipeline reference for scband-impactmodel-low-mem-21234318311842 (READ-ONLY COPY).

The authoritative reference and input builder live on the scoring server;
editing this copy changes nothing except your own understanding.
"""

import jax, jax.numpy as jnp
import numpy as np

USER_N = 100000
ITEM_N = 100000
CONCEPT_N = 128
D_IN = 16
NB_MOD_MAX = 12
M = NB_MOD_MAX + 2  # nb_mod_max_plus_sent
B = 16384


def setup_inputs(seed: int = 0) -> dict:
    key = jax.random.key(seed)
    ks = jax.random.split(key, 8)
    user_ids = jax.random.randint(ks[0], (B,), 0, USER_N)
    item_ids = jax.random.randint(ks[1], (B,), 0, ITEM_N)
    concept_ids = jax.random.randint(ks[2], (B,), 0, CONCEPT_N)
    users_emb_weight = jax.random.normal(ks[3], (USER_N, CONCEPT_N), dtype=jnp.float32) * 0.1
    item_resp_weight = jax.random.normal(ks[4], (ITEM_N * M, D_IN), dtype=jnp.float32) * 0.1
    W = jax.random.normal(ks[5], (CONCEPT_N, D_IN, CONCEPT_N), dtype=jnp.float32) * 0.05
    # buffers: per-item number of modalities (>=2) and additive inf-mask over slots
    nb_modalities = jax.random.randint(ks[6], (ITEM_N,), 2, NB_MOD_MAX + 1)
    cols = jnp.arange(M)
    mask = jnp.where((cols[None, :] >= 1) & (cols[None, :] <= nb_modalities[:, None]),
                     0.0, jnp.inf).astype(jnp.float32)
    return {
        'user_ids': user_ids,
        'item_ids': item_ids,
        'concept_ids': concept_ids,
        'users_emb_weight': users_emb_weight,
        'item_resp_weight': item_resp_weight,
        'W': W,
        'mask': mask,
        'nb_modalities': nb_modalities,
    }


def reference(user_ids, item_ids, concept_ids, users_emb_weight, item_resp_weight, W, mask, nb_modalities):
    m = mask.shape[1]
    # W_t = self.W[concept_ids]  -> [B, d_in, concept_n]
    W_t = jnp.take(W, concept_ids, axis=0)
    # im_idx = self.im_idx[item_ids] = item_ids*M + arange(M)  -> [B, M]
    im_idx = item_ids[:, None] * m + jnp.arange(m)[None, :]
    # embedding lookup -> [B, M, d_in]
    im_emb_prime = jnp.take(item_resp_weight, im_idx, axis=0)
    # bmm -> [B, M, concept_n]
    im_emb = jnp.einsum('bmd,bdc->bmc', im_emb_prime, W_t)
    # user embedding lookup -> [B, concept_n]
    u_emb = jnp.take(users_emb_weight, user_ids, axis=0)
    diff = u_emb[:, None, :] - im_emb
    p_uim = jnp.sum(diff ** 2, axis=2)  # [B, M]
    idx = jnp.argmin(p_uim + jnp.take(mask, item_ids, axis=0), axis=1)
    # mod_to_resp: ((idx - 1) / (nb - 1)) + 1
    nbm = jnp.take(nb_modalities, item_ids, axis=0)
    resp = (idx - 1).astype(jnp.float32) / (nbm - 1).astype(jnp.float32) + 1.0
    return resp

if __name__ == "__main__":
    import jax
    _d = setup_inputs()
    print(jax.jit(kernel)(*tuple(_d.values())))

</pallas_src>

<mosaic_0001>
#map = affine_map<(d0, d1) -> (0)>
#map1 = affine_map<(d0, d1) -> (0, 0)>
#map2 = affine_map<(d0, d1) -> (0, 0, 0)>
module attributes {stable_mosaic.version = 14 : i64} {
  func.func @k(%arg0: i32, %arg1: i32, %arg2: memref<16384xi32, #tpu.memory_space<hbm>>, %arg3: memref<16384xi32, #tpu.memory_space<hbm>>, %arg4: memref<1792x128xi32, #tpu.memory_space<hbm>>, %arg5: memref<100000x128xf32, #tpu.memory_space<hbm>>, %arg6: memref<1400000x16xf32, #tpu.memory_space<hbm>>, %arg7: memref<100000xi32, #tpu.memory_space<hbm>>, %arg8: memref<16384x128xf32, #tpu.memory_space<hbm>>, %arg9: memref<1792x128x16xf32, #tpu.memory_space<hbm>>, %arg10: memref<16384xi32, #tpu.memory_space<hbm>>, %arg11: memref<128xi32, #tpu.memory_space<vmem>>, %arg12: memref<128xi32, #tpu.memory_space<vmem>>, %arg13: memref<14x128xi32, #tpu.memory_space<vmem>>, %arg14: memref<128x128xf32, #tpu.memory_space<vmem>>, %arg15: memref<14x128x16xf32, #tpu.memory_space<vmem>>, %arg16: memref<128xi32, #tpu.memory_space<vmem>>, %arg17: memref<!tpu.dma_semaphore, #tpu.memory_space<semaphore_mem>>, %arg18: memref<!tpu.dma_semaphore, #tpu.memory_space<semaphore_mem>>, %arg19: memref<!tpu.dma_semaphore, #tpu.memory_space<semaphore_mem>>) attributes {dimension_semantics = [#tpu.dimension_semantics<core_parallel>, #tpu.dimension_semantics<subcore_parallel>], iteration_bounds = array<i64: 2, 16>, scalar_prefetch = 0 : i64, scratch_operands = 9 : i64, tpu.core_type = #tpu.core_type<sc_vector_subcore>, window_params = [{transform_indices = #map}, {transform_indices = #map}, {transform_indices = #map1}, {transform_indices = #map1}, {transform_indices = #map1}, {transform_indices = #map}, {transform_indices = #map1}, {transform_indices = #map2}, {transform_indices = #map}]} {
    %mul3A = arith.constant 2 : i32
    %mul3A_0 = arith.muli %arg1, %mul3A : i32
    %add3A = arith.addi %mul3A_0, %arg0 : i32
    %mul3A_1 = arith.constant 512 : i32
    %mul3A_2 = arith.muli %add3A, %mul3A_1 : i32
    %add3A_3 = arith.constant 0 : i32
    %add3A_4 = arith.addi %mul3A_2, %add3A_3 : i32
    %mul3A_5 = arith.constant 14 : i32
    %mul3A_6 = arith.muli %add3A_4, %mul3A_5 : i32
    %jit3A = arith.constant 128 : i32
    %div3A = arith.divsi %mul3A_6, %jit3A : i32
    %sign3A = arith.constant 0 : i32
    %sign3A_7 = arith.cmpi sgt, %mul3A_6, %sign3A : i32
    %sign3A_8 = arith.extui %sign3A_7 : i1 to i32
    %sign3A_9 = arith.constant 0 : i32
    %sign3A_10 = arith.cmpi slt, %mul3A_6, %sign3A_9 : i32
    %sign3A_11 = arith.extui %sign3A_10 : i1 to i32
    %sign3A_12 = arith.subi %sign3A_8, %sign3A_11 : i32
    %sign3A_13 = arith.constant 0 : i32
    %sign3A_14 = arith.cmpi sgt, %jit3A, %sign3A_13 : i32
    %sign3A_15 = arith.extui %sign3A_14 : i1 to i32
    %sign3A_16 = arith.constant 0 : i32
    %sign3A_17 = arith.cmpi slt, %jit3A, %sign3A_16 : i32
    %sign3A_18 = arith.extui %sign3A_17 : i1 to i32
    %sign3A_19 = arith.subi %sign3A_15, %sign3A_18 : i32
    %ne3A = arith.cmpi ne, %sign3A_12, %sign3A_19 : i32
    %rem3A = arith.remsi %mul3A_6, %jit3A : i32
    %ne3A_20 = arith.constant 0 : i32
    %ne3A_21 = arith.cmpi ne, %rem3A, %ne3A_20 : i32
    %and3A = arith.andi %ne3A, %ne3A_21 : i1
    %sub3A = arith.constant 1 : i32
    %sub3A_22 = arith.subi %div3A, %sub3A : i32
    %select_n3A = arith.select %and3A, %sub3A_22, %div3A : i32
    "tpu.region"() ({
      %run_scoped3A = tpu.sem_alloc : memref<!tpu.dma_semaphore, #tpu.memory_space<semaphore_mem>>
      %dma_start3A_1495 = tpu.memref_slice %arg2[%add3A_4] : memref<16384xi32, #tpu.memory_space<hbm>> -> memref<128xi32, #tpu.memory_space<hbm>>
      %dma_start3A_1496 = tpu.memref_slice %arg2[%add3A_4] : memref<16384xi32, #tpu.memory_space<hbm>> -> memref<128xi32, #tpu.memory_space<hbm>>
      tpu.enqueue_dma source(%dma_start3A_1496 : memref<128xi32, #tpu.memory_space<hbm>>) target(%arg11 : memref<128xi32, #tpu.memory_space<vmem>>) target_semaphore(%run_scoped3A : memref<!tpu.dma_semaphore, #tpu.memory_space<semaphore_mem>>)
      %dma_wait3A_1497 = tpu.memref_slice %arg2[%add3A_4] : memref<16384xi32, #tpu.memory_space<hbm>> -> memref<128xi32, #tpu.memory_space<hbm>>
      %dma_wait3A_1498 = tpu.memref_slice %arg2[%add3A_4] : memref<16384xi32, #tpu.memory_space<hbm>> -> memref<128xi32, #tpu.memory_space<hbm>>
      tpu.wait_dma2 semaphore(%run_scoped3A : memref<!tpu.dma_semaphore, #tpu.memory_space<semaphore_mem>>) src(%dma_wait3A_1498 : memref<128xi32, #tpu.memory_space<hbm>>) dst(%arg11 : memref<128xi32, #tpu.memory_space<vmem>>)
      tpu.yield
    }) : () -> ()
    %dma_start3A = arith.constant 0 : i32
    %dma_start3A_23 = arith.constant 0 : i32
    %dma_start3A_24 = tpu.memref_slice %arg5[%dma_start3A, %dma_start3A_23] : memref<100000x128xf32, #tpu.memory_space<hbm>> -> memref<100000x128xf32, #tpu.memory_space<hbm>>
    tpu.enqueue_indirect_dma source(%dma_start3A_24 : memref<100000x128xf32, #tpu.memory_space<hbm>>) target(%arg14 : memref<128x128xf32, #tpu.memory_space<vmem>>) offsets(%arg11 : memref<128xi32, #tpu.memory_space<vmem>>) semaphore(%arg17 : memref<!tpu.dma_semaphore, #tpu.memory_space<semaphore_mem>>)
    "tpu.region"() ({
      %run_scoped3A = tpu.sem_alloc : memref<!tpu.dma_semaphore, #tpu.memory_space<semaphore_mem>>
      %dma_start3A_1495 = tpu.memref_slice %arg3[%add3A_4] : memref<16384xi32, #tpu.memory_space<hbm>> -> memref<128xi32, #tpu.memory_space<hbm>>
      %dma_start3A_1496 = tpu.memref_slice %arg3[%add3A_4] : memref<16384xi32, #tpu.memory_space<hbm>> -> memref<128xi32, #tpu.memory_space<hbm>>
      tpu.enqueue_dma source(%dma_start3A_1496 : memref<128xi32, #tpu.memory_space<hbm>>) target(%arg12 : memref<128xi32, #tpu.memory_space<vmem>>) target_semaphore(%run_scoped3A : memref<!tpu.dma_semaphore, #tpu.memory_space<semaphore_mem>>)
      %dma_wait3A_1497 = tpu.memref_slice %arg3[%add3A_4] : memref<16384xi32, #tpu.memory_space<hbm>> -> memref<128xi32, #tpu.memory_space<hbm>>
      %dma_wait3A_1498 = tpu.memref_slice %arg3[%add3A_4] : memref<16384xi32, #tpu.memory_space<hbm>> -> memref<128xi32, #tpu.memory_space<hbm>>
      tpu.wait_dma2 semaphore(%run_scoped3A : memref<!tpu.dma_semaphore, #tpu.memory_space<semaphore_mem>>) src(%dma_wait3A_1498 : memref<128xi32, #tpu.memory_space<hbm>>) dst(%arg12 : memref<128xi32, #tpu.memory_space<vmem>>)
      tpu.yield
    }) : () -> ()
    %dma_start3A_25 = arith.constant 0 : i32
    %dma_start3A_26 = tpu.memref_slice %arg7[%dma_start3A_25] : memref<100000xi32, #tpu.memory_space<hbm>> -> memref<100000xi32, #tpu.memory_space<hbm>>
    tpu.enqueue_indirect_dma source(%dma_start3A_26 : memref<100000xi32, #tpu.memory_space<hbm>>) target(%arg16 : memref<128xi32, #tpu.memory_space<vmem>>) offsets(%arg12 : memref<128xi32, #tpu.memory_space<vmem>>) semaphore(%arg19 : memref<!tpu.dma_semaphore, #tpu.memory_space<semaphore_mem>>)
    "tpu.region"() ({
      %run_scoped3A = tpu.sem_alloc : memref<!tpu.dma_semaphore, #tpu.memory_space<semaphore_mem>>
      %dma_start3A_1495 = arith.constant 0 : i32
      %dma_start3A_1496 = tpu.memref_slice %arg4[%select_n3A, %dma_start3A_1495] : memref<1792x128xi32, #tpu.memory_space<hbm>> -> memref<14x128xi32, #tpu.memory_space<hbm>>
      %dma_start3A_1497 = arith.constant 0 : i32
      %dma_start3A_1498 = tpu.memref_slice %arg4[%select_n3A, %dma_start3A_1497] : memref<1792x128xi32, #tpu.memory_space<hbm>> -> memref<14x128xi32, #tpu.memory_space<hbm>>
      tpu.enqueue_dma source(%dma_start3A_1498 : memref<14x128xi32, #tpu.memory_space<hbm>>) target(%arg13 : memref<14x128xi32, #tpu.memory_space<vmem>>) target_semaphore(%run_scoped3A : memref<!tpu.dma_semaphore, #tpu.memory_space<semaphore_mem>>)
      %dma_wait3A_1499 = arith.constant 0 : i32
      %dma_wait3A_1500 = tpu.memref_slice %arg4[%select_n3A, %dma_wait3A_1499] : memref<1792x128xi32, #tpu.memory_space<hbm>> -> memref<14x128xi32, #tpu.memory_space<hbm>>
      %dma_wait3A_1501 = arith.constant 0 : i32
      %dma_wait3A_1502 = tpu.memref_slice %arg4[%select_n3A, %dma_wait3A_1501] : memref<1792x128xi32, #tpu.memory_space<hbm>> -> memref<14x128xi32, #tpu.memory_space<hbm>>
      tpu.wait_dma2 semaphore(%run_scoped3A : memref<!tpu.dma_semaphore, #tpu.memory_space<semaphore_mem>>) src(%dma_wait3A_1502 : memref<14x128xi32, #tpu.memory_space<hbm>>) dst(%arg13 : memref<14x128xi32, #tpu.memory_space<vmem>>)
      tpu.yield
    }) : () -> ()
    %dma_start3A_27 = arith.constant 0 : i32
    %dma_start3A_28 = arith.constant 0 : i32
    %dma_start3A_29 = arith.constant 0 : i32
    %dma_start3A_30 = arith.constant 0 : i32
    %dma_start3A_31 = tpu.memref_slice %arg15[%dma_start3A_28, %dma_start3A_29, %dma_start3A_30] : memref<14x128x16xf32, #tpu.memory_space<vmem>> -> memref<1x128x16xf32, #tpu.memory_space<vmem>>
    %dma_start3A_32 = tpu.memref_squeeze %dma_start3A_31 : memref<1x128x16xf32, #tpu.memory_space<vmem>> -> memref<128x16xf32, #tpu.memory_space<vmem>>
    %dma_start3A_33 = arith.constant 0 : i32
    %dma_start3A_34 = tpu.memref_slice %arg13[%dma_start3A_27, %dma_start3A_33] : memref<14x128xi32, #tpu.memory_space<vmem>> -> memref<1x128xi32, #tpu.memory_space<vmem>>
    %dma_start3A_35 = tpu.memref_squeeze %dma_start3A_34 : memref<1x128xi32, #tpu.memory_space<vmem>> -> memref<128xi32, #tpu.memory_space<vmem>>
    %dma_start3A_36 = arith.constant 0 : i32
    %dma_start3A_37 = arith.constant 0 : i32
    %dma_start3A_38 = tpu.memref_slice %arg6[%dma_start3A_36, %dma_start3A_37] : memref<1400000x16xf32, #tpu.memory_space<hbm>> -> memref<1400000x16xf32, #tpu.memory_space<hbm>>
    tpu.enqueue_indirect_dma source(%dma_start3A_38 : memref<1400000x16xf32, #tpu.memory_space<hbm>>) target(%dma_start3A_32 : memref<128x16xf32, #tpu.memory_space<vmem>>) offsets(%dma_start3A_35 : memref<128xi32, #tpu.memory_space<vmem>>) semaphore(%arg18 : memref<!tpu.dma_semaphore, #tpu.memory_space<semaphore_mem>>)
    %dma_start3A_39 = arith.constant 1 : i32
    %dma_start3A_40 = arith.constant 1 : i32
    %dma_start3A_41 = arith.constant 0 : i32
    %dma_start3A_42 = arith.constant 0 : i32
    %dma_start3A_43 = tpu.memref_slice %arg15[%dma_start3A_40, %dma_start3A_41, %dma_start3A_42] : memref<14x128x16xf32, #tpu.memory_space<vmem>> -> memref<1x128x16xf32, #tpu.memory_space<vmem>>
    %dma_start3A_44 = tpu.memref_squeeze %dma_start3A_43 : memref<1x128x16xf32, #tpu.memory_space<vmem>> -> memref<128x16xf32, #tpu.memory_space<vmem>>
    %dma_start3A_45 = arith.constant 0 : i32
    %dma_start3A_46 = tpu.memref_slice %arg13[%dma_start3A_39, %dma_start3A_45] : memref<14x128xi32, #tpu.memory_space<vmem>> -> memref<1x128xi32, #tpu.memory_space<vmem>>
    %dma_start3A_47 = tpu.memref_squeeze %dma_start3A_46 : memref<1x128xi32, #tpu.memory_space<vmem>> -> memref<128xi32, #tpu.memory_space<vmem>>
    %dma_start3A_48 = arith.constant 0 : i32
    %dma_start3A_49 = arith.constant 0 : i32
    %dma_start3A_50 = tpu.memref_slice %arg6[%dma_start3A_48, %dma_start3A_49] : memref<1400000x16xf32, #tpu.memory_space<hbm>> -> memref<1400000x16xf32, #tpu.memory_space<hbm>>
    tpu.enqueue_indirect_dma source(%dma_start3A_50 : memref<1400000x16xf32, #tpu.memory_space<hbm>>) target(%dma_start3A_44 : memref<128x16xf32, #tpu.memory_space<vmem>>) offsets(%dma_start3A_47 : memref<128xi32, #tpu.memory_space<vmem>>) semaphore(%arg18 : memref<!tpu.dma_semaphore, #tpu.memory_space<semaphore_mem>>)
    %dma_start3A_51 = arith.constant 2 : i32
    %dma_start3A_52 = arith.constant 2 : i32
    %dma_start3A_53 = arith.constant 0 : i32
    %dma_start3A_54 = arith.constant 0 : i32
    %dma_start3A_55 = tpu.memref_slice %arg15[%dma_start3A_52, %dma_start3A_53, %dma_start3A_54] : memref<14x128x16xf32, #tpu.memory_space<vmem>> -> memref<1x128x16xf32, #tpu.memory_space<vmem>>
    %dma_start3A_56 = tpu.memref_squeeze %dma_start3A_55 : memref<1x128x16xf32, #tpu.memory_space<vmem>> -> memref<128x16xf32, #tpu.memory_space<vmem>>
    %dma_start3A_57 = arith.constant 0 : i32
    %dma_start3A_58 = tpu.memref_slice %arg13[%dma_start3A_51, %dma_start3A_57] : memref<14x128xi32, #tpu.memory_space<vmem>> -> memref<1x128xi32, #tpu.memory_space<vmem>>
    %dma_start3A_59 = tpu.memref_squeeze %dma_start3A_58 : memref<1x128xi32, #tpu.memory_space<vmem>> -> memref<128xi32, #tpu.memory_space<vmem>>
    %dma_start3A_60 = arith.constant 0 : i32
    %dma_start3A_61 = arith.constant 0 : i32
    %dma_start3A_62 = tpu.memref_slice %arg6[%dma_start3A_60, %dma_start3A_61] : memref<1400000x16xf32, #tpu.memory_space<hbm>> -> memref<1400000x16xf32, #tpu.memory_space<hbm>>
    tpu.enqueue_indirect_dma source(%dma_start3A_62 : memref<1400000x16xf32, #tpu.memory_space<hbm>>) target(%dma_start3A_56 : memref<128x16xf32, #tpu.memory_space<vmem>>) offsets(%dma_start3A_59 : memref<128xi32, #tpu.memory_space<vmem>>) semaphore(%arg18 : memref<!tpu.dma_semaphore, #tpu.memory_space<semaphore_mem>>)
    %dma_start3A_63 = arith.constant 3 : i32
    %dma_start3A_64 = arith.constant 3 : i32
    %dma_start3A_65 = arith.constant 0 : i32
    %dma_start3A_66 = arith.constant 0 : i32
    %dma_start3A_67 = tpu.memref_slice %arg15[%dma_start3A_64, %dma_start3A_65, %dma_start3A_66] : memref<14x128x16xf32, #tpu.memory_space<vmem>> -> memref<1x128x16xf32, #tpu.memory_space<vmem>>
    %dma_start3A_68 = tpu.memref_squeeze %dma_start3A_67 : memref<1x128x16xf32, #tpu.memory_space<vmem>> -> memref<128x16xf32, #tpu.memory_space<vmem>>
    %dma_start3A_69 = arith.constant 0 : i32
    %dma_start3A_70 = tpu.memref_slice %arg13[%dma_start3A_63, %dma_start3A_69] : memref<14x128xi32, #tpu.memory_space<vmem>> -> memref<1x128xi32, #tpu.memory_space<vmem>>
    %dma_start3A_71 = tpu.memref_squeeze %dma_start3A_70 : memref<1x128xi32, #tpu.memory_space<vmem>> -> memref<128xi32, #tpu.memory_space<vmem>>
    %dma_start3A_72 = arith.constant 0 : i32
    %dma_start3A_73 = arith.constant 0 : i32
    %dma_start3A_74 = tpu.memref_slice %arg6[%dma_start3A_72, %dma_start3A_73] : memref<1400000x16xf32, #tpu.memory_space<hbm>> -> memref<1400000x16xf32, #tpu.memory_space<hbm>>
    tpu.enqueue_indirect_dma source(%dma_start3A_74 : memref<1400000x16xf32, #tpu.memory_space<hbm>>) target(%dma_start3A_68 : memref<128x16xf32, #tpu.memory_space<vmem>>) offsets(%dma_start3A_71 : memref<128xi32, #tpu.memory_space<vmem>>) semaphore(%arg18 : memref<!tpu.dma_semaphore, #tpu.memory_space<semaphore_mem>>)
    %dma_start3A_75 = arith.constant 4 : i32
    %dma_start3A_76 = arith.constant 4 : i32
    %dma_start3A_77 = arith.constant 0 : i32
    %dma_start3A_78 = arith.constant 0 : i32
    %dma_start3A_79 = tpu.memref_slice %arg15[%dma_start3A_76, %dma_start3A_77, %dma_start3A_78] : memref<14x128x16xf32, #tpu.memory_space<vmem>> -> memref<1x128x16xf32, #tpu.memory_space<vmem>>
    %dma_start3A_80 = tpu.memref_squeeze %dma_start3A_79 : memref<1x128x16xf32, #tpu.memory_space<vmem>> -> memref<128x16xf32, #tpu.memory_space<vmem>>
    %dma_start3A_81 = arith.constant 0 : i32
    %dma_start3A_82 = tpu.memref_slice %arg13[%dma_start3A_75, %dma_start3A_81] : memref<14x128xi32, #tpu.memory_space<vmem>> -> memref<1x128xi32, #tpu.memory_space<vmem>>
    %dma_start3A_83 = tpu.memref_squeeze %dma_start3A_82 : memref<1x128xi32, #tpu.memory_space<vmem>> -> memref<128xi32, #tpu.memory_space<vmem>>
    %dma_start3A_84 = arith.constant 0 : i32
    %dma_start3A_85 = arith.constant 0 : i32
    %dma_start3A_86 = tpu.memref_slice %arg6[%dma_start3A_84, %dma_start3A_85] : memref<1400000x16xf32, #tpu.memory_space<hbm>> -> memref<1400000x16xf32, #tpu.memory_space<hbm>>
    tpu.enqueue_indirect_dma source(%dma_start3A_86 : memref<1400000x16xf32, #tpu.memory_space<hbm>>) target(%dma_start3A_80 : memref<128x16xf32, #tpu.memory_space<vmem>>) offsets(%dma_start3A_83 : memref<128xi32, #tpu.memory_space<vmem>>) semaphore(%arg18 : memref<!tpu.dma_semaphore, #tpu.memory_space<semaphore_mem>>)
    %dma_start3A_87 = arith.constant 5 : i32
    %dma_start3A_88 = arith.constant 5 : i32
    %dma_start3A_89 = arith.constant 0 : i32
    %dma_start3A_90 = arith.constant 0 : i32
    %dma_start3A_91 = tpu.memref_slice %arg15[%dma_start3A_88, %dma_start3A_89, %dma_start3A_90] : memref<14x128x16xf32, #tpu.memory_space<vmem>> -> memref<1x128x16xf32, #tpu.memory_space<vmem>>
    %dma_start3A_92 = tpu.memref_squeeze %dma_start3A_91 : memref<1x128x16xf32, #tpu.memory_space<vmem>> -> memref<128x16xf32, #tpu.memory_space<vmem>>
    %dma_start3A_93 = arith.constant 0 : i32
    %dma_start3A_94 = tpu.memref_slice %arg13[%dma_start3A_87, %dma_start3A_93] : memref<14x128xi32, #tpu.memory_space<vmem>> -> memref<1x128xi32, #tpu.memory_space<vmem>>
    %dma_start3A_95 = tpu.memref_squeeze %dma_start3A_94 : memref<1x128xi32, #tpu.memory_space<vmem>> -> memref<128xi32, #tpu.memory_space<vmem>>
    %dma_start3A_96 = arith.constant 0 : i32
    %dma_start3A_97 = arith.constant 0 : i32
    %dma_start3A_98 = tpu.memref_slice %arg6[%dma_start3A_96, %dma_start3A_97] : memref<1400000x16xf32, #tpu.memory_space<hbm>> -> memref<1400000x16xf32, #tpu.memory_space<hbm>>
    tpu.enqueue_indirect_dma source(%dma_start3A_98 : memref<1400000x16xf32, #tpu.memory_space<hbm>>) target(%dma_start3A_92 : memref<128x16xf32, #tpu.memory_space<vmem>>) offsets(%dma_start3A_95 : memref<128xi32, #tpu.memory_space<vmem>>) semaphore(%arg18 : memref<!tpu.dma_semaphore, #tpu.memory_space<semaphore_mem>>)
    %dma_start3A_99 = arith.constant 6 : i32
    %dma_start3A_100 = arith.constant 6 : i32
    %dma_start3A_101 = arith.constant 0 : i32
    %dma_start3A_102 = arith.constant 0 : i32
    %dma_start3A_103 = tpu.memref_slice %arg15[%dma_start3A_100, %dma_start3A_101, %dma_start3A_102] : memref<14x128x16xf32, #tpu.memory_space<vmem>> -> memref<1x128x16xf32, #tpu.memory_space<vmem>>
    %dma_start3A_104 = tpu.memref_squeeze %dma_start3A_103 : memref<1x128x16xf32, #tpu.memory_space<vmem>> -> memref<128x16xf32, #tpu.memory_space<vmem>>
    %dma_start3A_105 = arith.constant 0 : i32
    %dma_start3A_106 = tpu.memref_slice %arg13[%dma_start3A_99, %dma_start3A_105] : memref<14x128xi32, #tpu.memory_space<vmem>> -> memref<1x128xi32, #tpu.memory_space<vmem>>
    %dma_start3A_107 = tpu.memref_squeeze %dma_start3A_106 : memref<1x128xi32, #tpu.memory_space<vmem>> -> memref<128xi32, #tpu.memory_space<vmem>>
    %dma_start3A_108 = arith.constant 0 : i32
    %dma_start3A_109 = arith.constant 0 : i32
    %dma_start3A_110 = tpu.memref_slice %arg6[%dma_start3A_108, %dma_start3A_109] : memref<1400000x16xf32, #tpu.memory_space<hbm>> -> memref<1400000x16xf32, #tpu.memory_space<hbm>>
    tpu.enqueue_indirect_dma source(%dma_start3A_110 : memref<1400000x16xf32, #tpu.memory_space<hbm>>) target(%dma_start3A_104 : memref<128x16xf32, #tpu.memory_space<vmem>>) offsets(%dma_start3A_107 : memref<128xi32, #tpu.memory_space<vmem>>) semaphore(%arg18 : memref<!tpu.dma_semaphore, #tpu.memory_space<semaphore_mem>>)
    %dma_start3A_111 = arith.constant 7 : i32
    %dma_start3A_112 = arith.constant 7 : i32
    %dma_start3A_113 = arith.constant 0 : i32
    %dma_start3A_114 = arith.constant 0 : i32
    %dma_start3A_115 = tpu.memref_slice %arg15[%dma_start3A_112, %dma_start3A_113, %dma_start3A_114] : memref<14x128x16xf32, #tpu.memory_space<vmem>> -> memref<1x128x16xf32, #tpu.memory_space<vmem>>
    %dma_start3A_116 = tpu.memref_squeeze %dma_start3A_115 : memref<1x128x16xf32, #tpu.memory_space<vmem>> -> memref<128x16xf32, #tpu.memory_space<vmem>>
    %dma_start3A_117 = arith.constant 0 : i32
    %dma_start3A_118 = tpu.memref_slice %arg13[%dma_start3A_111, %dma_start3A_117] : memref<14x128xi32, #tpu.memory_space<vmem>> -> memref<1x128xi32, #tpu.memory_space<vmem>>
    %dma_start3A_119 = tpu.memref_squeeze %dma_start3A_118 : memref<1x128xi32, #tpu.memory_space<vmem>> -> memref<128xi32, #tpu.memory_space<vmem>>
    %dma_start3A_120 = arith.constant 0 : i32
    %dma_start3A_121 = arith.constant 0 : i32
    %dma_start3A_122 = tpu.memref_slice %arg6[%dma_start3A_120, %dma_start3A_121] : memref<1400000x16xf32, #tpu.memory_space<hbm>> -> memref<1400000x16xf32, #tpu.memory_space<hbm>>
    tpu.enqueue_indirect_dma source(%dma_start3A_122 : memref<1400000x16xf32, #tpu.memory_space<hbm>>) target(%dma_start3A_116 : memref<128x16xf32, #tpu.memory_space<vmem>>) offsets(%dma_start3A_119 : memref<128xi32, #tpu.memory_space<vmem>>) semaphore(%arg18 : memref<!tpu.dma_semaphore, #tpu.memory_space<semaphore_mem>>)
    %dma_start3A_123 = arith.constant 8 : i32
    %dma_start3A_124 = arith.constant 8 : i32
    %dma_start3A_125 = arith.constant 0 : i32
    %dma_start3A_126 = arith.constant 0 : i32
    %dma_start3A_127 = tpu.memref_slice %arg15[%dma_start3A_124, %dma_start3A_125, %dma_start3A_126] : memref<14x128x16xf32, #tpu.memory_space<vmem>> -> memref<1x128x16xf32, #tpu.memory_space<vmem>>
    %dma_start3A_128 = tpu.memref_squeeze %dma_start3A_127 : memref<1x128x16xf32, #tpu.memory_space<vmem>> -> memref<128x16xf32, #tpu.memory_space<vmem>>
    %dma_start3A_129 = arith.constant 0 : i32
    %dma_start3A_130 = tpu.memref_slice %arg13[%dma_start3A_123, %dma_start3A_129] : memref<14x128xi32, #tpu.memory_space<vmem>> -> memref<1x128xi32, #tpu.memory_space<vmem>>
    %dma_start3A_131 = tpu.memref_squeeze %dma_start3A_130 : memref<1x128xi32, #tpu.memory_space<vmem>> -> memref<128xi32, #tpu.memory_space<vmem>>
    %dma_start3A_132 = arith.constant 0 : i32
    %dma_start3A_133 = arith.constant 0 : i32
    %dma_start3A_134 = tpu.memref_slice %arg6[%dma_start3A_132, %dma_start3A_133] : memref<1400000x16xf32, #tpu.memory_space<hbm>> -> memref<1400000x16xf32, #tpu.memory_space<hbm>>
    tpu.enqueue_indirect_dma source(%dma_start3A_134 : memref<1400000x16xf32, #tpu.memory_space<hbm>>) target(%dma_start3A_128 : memref<128x16xf32, #tpu.memory_space<vmem>>) offsets(%dma_start3A_131 : memref<128xi32, #tpu.memory_space<vmem>>) semaphore(%arg18 : memref<!tpu.dma_semaphore, #tpu.memory_space<semaphore_mem>>)
    %dma_start3A_135 = arith.constant 9 : i32
    %dma_start3A_136 = arith.constant 9 : i32
    %dma_start3A_137 = arith.constant 0 : i32
    %dma_start3A_138 = arith.constant 0 : i32
    %dma_start3A_139 = tpu.memref_slice %arg15[%dma_start3A_136, %dma_start3A_137, %dma_start3A_138] : memref<14x128x16xf32, #tpu.memory_space<vmem>> -> memref<1x128x16xf32, #tpu.memory_space<vmem>>
    %dma_start3A_140 = tpu.memref_squeeze %dma_start3A_139 : memref<1x128x16xf32, #tpu.memory_space<vmem>> -> memref<128x16xf32, #tpu.memory_space<vmem>>
    %dma_start3A_141 = arith.constant 0 : i32
    %dma_start3A_142 = tpu.memref_slice %arg13[%dma_start3A_135, %dma_start3A_141] : memref<14x128xi32, #tpu.memory_space<vmem>> -> memref<1x128xi32, #tpu.memory_space<vmem>>
    %dma_start3A_143 = tpu.memref_squeeze %dma_start3A_142 : memref<1x128xi32, #tpu.memory_space<vmem>> -> memref<128xi32, #tpu.memory_space<vmem>>
    %dma_start3A_144 = arith.constant 0 : i32
    %dma_start3A_145 = arith.constant 0 : i32
    %dma_start3A_146 = tpu.memref_slice %arg6[%dma_start3A_144, %dma_start3A_145] : memref<1400000x16xf32, #tpu.memory_space<hbm>> -> memref<1400000x16xf32, #tpu.memory_space<hbm>>
    tpu.enqueue_indirect_dma source(%dma_start3A_146 : memref<1400000x16xf32, #tpu.memory_space<hbm>>) target(%dma_start3A_140 : memref<128x16xf32, #tpu.memory_space<vmem>>) offsets(%dma_start3A_143 : memref<128xi32, #tpu.memory_space<vmem>>) semaphore(%arg18 : memref<!tpu.dma_semaphore, #tpu.memory_space<semaphore_mem>>)
    %dma_start3A_147 = arith.constant 10 : i32
    %dma_start3A_148 = arith.constant 10 : i32
    %dma_start3A_149 = arith.constant 0 : i32
    %dma_start3A_150 = arith.constant 0 : i32
    %dma_start3A_151 = tpu.memref_slice %arg15[%dma_start3A_148, %dma_start3A_149, %dma_start3A_150] : memref<14x128x16xf32, #tpu.memory_space<vmem>> -> memref<1x128x16xf32, #tpu.memory_space<vmem>>
    %dma_start3A_152 = tpu.memref_squeeze %dma_start3A_151 : memref<1x128x16xf32, #tpu.memory_space<vmem>> -> memref<128x16xf32, #tpu.memory_space<vmem>>
    %dma_start3A_153 = arith.constant 0 : i32
    %dma_start3A_154 = tpu.memref_slice %arg13[%dma_start3A_147, %dma_start3A_153] : memref<14x128xi32, #tpu.memory_space<vmem>> -> memref<1x128xi32, #tpu.memory_space<vmem>>
    %dma_start3A_155 = tpu.memref_squeeze %dma_start3A_154 : memref<1x128xi32, #tpu.memory_space<vmem>> -> memref<128xi32, #tpu.memory_space<vmem>>
    %dma_start3A_156 = arith.constant 0 : i32
    %dma_start3A_157 = arith.constant 0 : i32
    %dma_start3A_158 = tpu.memref_slice %arg6[%dma_start3A_156, %dma_start3A_157] : memref<1400000x16xf32, #tpu.memory_space<hbm>> -> memref<1400000x16xf32, #tpu.memory_space<hbm>>
    tpu.enqueue_indirect_dma source(%dma_start3A_158 : memref<1400000x16xf32, #tpu.memory_space<hbm>>) target(%dma_start3A_152 : memref<128x16xf32, #tpu.memory_space<vmem>>) offsets(%dma_start3A_155 : memref<128xi32, #tpu.memory_space<vmem>>) semaphore(%arg18 : memref<!tpu.dma_semaphore, #tpu.memory_space<semaphore_mem>>)
    %dma_start3A_159 = arith.constant 11 : i32
    %dma_start3A_160 = arith.constant 11 : i32
    %dma_start3A_161 = arith.constant 0 : i32
    %dma_start3A_162 = arith.constant 0 : i32
    %dma_start3A_163 = tpu.memref_slice %arg15[%dma_start3A_160, %dma_start3A_161, %dma_start3A_162] : memref<14x128x16xf32, #tpu.memory_space<vmem>> -> memref<1x128x16xf32, #tpu.memory_space<vmem>>
    %dma_start3A_164 = tpu.memref_squeeze %dma_start3A_163 : memref<1x128x16xf32, #tpu.memory_space<vmem>> -> memref<128x16xf32, #tpu.memory_space<vmem>>
    %dma_start3A_165 = arith.constant 0 : i32
    %dma_start3A_166 = tpu.memref_slice %arg13[%dma_start3A_159, %dma_start3A_165] : memref<14x128xi32, #tpu.memory_space<vmem>> -> memref<1x128xi32, #tpu.memory_space<vmem>>
    %dma_start3A_167 = tpu.memref_squeeze %dma_start3A_166 : memref<1x128xi32, #tpu.memory_space<vmem>> -> memref<128xi32, #tpu.memory_space<vmem>>
    %dma_start3A_168 = arith.constant 0 : i32
    %dma_start3A_169 = arith.constant 0 : i32
    %dma_start3A_170 = tpu.memref_slice %arg6[%dma_start3A_168, %dma_start3A_169] : memref<1400000x16xf32, #tpu.memory_space<hbm>> -> memref<1400000x16xf32, #tpu.memory_space<hbm>>
    tpu.enqueue_indirect_dma source(%dma_start3A_170 : memref<1400000x16xf32, #tpu.memory_space<hbm>>) target(%dma_start3A_164 : memref<128x16xf32, #tpu.memory_space<vmem>>) offsets(%dma_start3A_167 : memref<128xi32, #tpu.memory_space<vmem>>) semaphore(%arg18 : memref<!tpu.dma_semaphore, #tpu.memory_space<semaphore_mem>>)
    %dma_start3A_171 = arith.constant 12 : i32
    %dma_start3A_172 = arith.constant 12 : i32
    %dma_start3A_173 = arith.constant 0 : i32
    %dma_start3A_174 = arith.constant 0 : i32
    %dma_start3A_175 = tpu.memref_slice %arg15[%dma_start3A_172, %dma_start3A_173, %dma_start3A_174] : memref<14x128x16xf32, #tpu.memory_space<vmem>> -> memref<1x128x16xf32, #tpu.memory_space<vmem>>
    %dma_start3A_176 = tpu.memref_squeeze %dma_start3A_175 : memref<1x128x16xf32, #tpu.memory_space<vmem>> -> memref<128x16xf32, #tpu.memory_space<vmem>>
    %dma_start3A_177 = arith.constant 0 : i32
    %dma_start3A_178 = tpu.memref_slice %arg13[%dma_start3A_171, %dma_start3A_177] : memref<14x128xi32, #tpu.memory_space<vmem>> -> memref<1x128xi32, #tpu.memory_space<vmem>>
    %dma_start3A_179 = tpu.memref_squeeze %dma_start3A_178 : memref<1x128xi32, #tpu.memory_space<vmem>> -> memref<128xi32, #tpu.memory_space<vmem>>
    %dma_start3A_180 = arith.constant 0 : i32
    %dma_start3A_181 = arith.constant 0 : i32
    %dma_start3A_182 = tpu.memref_slice %arg6[%dma_start3A_180, %dma_start3A_181] : memref<1400000x16xf32, #tpu.memory_space<hbm>> -> memref<1400000x16xf32, #tpu.memory_space<hbm>>
    tpu.enqueue_indirect_dma source(%dma_start3A_182 : memref<1400000x16xf32, #tpu.memory_space<hbm>>) target(%dma_start3A_176 : memref<128x16xf32, #tpu.memory_space<vmem>>) offsets(%dma_start3A_179 : memref<128xi32, #tpu.memory_space<vmem>>) semaphore(%arg18 : memref<!tpu.dma_semaphore, #tpu.memory_space<semaphore_mem>>)
    %dma_start3A_183 = arith.constant 13 : i32
    %dma_start3A_184 = arith.constant 13 : i32
    %dma_start3A_185 = arith.constant 0 : i32
    %dma_start3A_186 = arith.constant 0 : i32
    %dma_start3A_187 = tpu.memref_slice %arg15[%dma_start3A_184, %dma_start3A_185, %dma_start3A_186] : memref<14x128x16xf32, #tpu.memory_space<vmem>> -> memref<1x128x16xf32, #tpu.memory_space<vmem>>
    %dma_start3A_188 = tpu.memref_squeeze %dma_start3A_187 : memref<1x128x16xf32, #tpu.memory_space<vmem>> -> memref<128x16xf32, #tpu.memory_space<vmem>>
    %dma_start3A_189 = arith.constant 0 : i32
    %dma_start3A_190 = tpu.memref_slice %arg13[%dma_start3A_183, %dma_start3A_189] : memref<14x128xi32, #tpu.memory_space<vmem>> -> memref<1x128xi32, #tpu.memory_space<vmem>>
    %dma_start3A_191 = tpu.memref_squeeze %dma_start3A_190 : memref<1x128xi32, #tpu.memory_space<vmem>> -> memref<128xi32, #tpu.memory_space<vmem>>
    %dma_start3A_192 = arith.constant 0 : i32
    %dma_start3A_193 = arith.constant 0 : i32
    %dma_start3A_194 = tpu.memref_slice %arg6[%dma_start3A_192, %dma_start3A_193] : memref<1400000x16xf32, #tpu.memory_space<hbm>> -> memref<1400000x16xf32, #tpu.memory_space<hbm>>
    tpu.enqueue_indirect_dma source(%dma_start3A_194 : memref<1400000x16xf32, #tpu.memory_space<hbm>>) target(%dma_start3A_188 : memref<128x16xf32, #tpu.memory_space<vmem>>) offsets(%dma_start3A_191 : memref<128xi32, #tpu.memory_space<vmem>>) semaphore(%arg18 : memref<!tpu.dma_semaphore, #tpu.memory_space<semaphore_mem>>)
    %dma_wait3A = arith.constant 0 : i32
    %dma_wait3A_195 = arith.constant 0 : i32
    %dma_wait3A_196 = tpu.memref_slice %arg5[%dma_wait3A, %dma_wait3A_195] : memref<100000x128xf32, #tpu.memory_space<hbm>> -> memref<100000x128xf32, #tpu.memory_space<hbm>>
    tpu.wait_indirect_dma semaphore(%arg17 : memref<!tpu.dma_semaphore, #tpu.memory_space<semaphore_mem>>) src(%dma_wait3A_196 : memref<100000x128xf32, #tpu.memory_space<hbm>>) dst(%arg14 : memref<128x128xf32, #tpu.memory_space<vmem>>)
    "tpu.region"() ({
      %run_scoped3A = tpu.sem_alloc : memref<!tpu.dma_semaphore, #tpu.memory_space<semaphore_mem>>
      %dma_start3A_1495 = arith.constant 0 : i32
      %dma_start3A_1496 = tpu.memref_slice %arg8[%add3A_4, %dma_start3A_1495] : memref<16384x128xf32, #tpu.memory_space<hbm>> -> memref<128x128xf32, #tpu.memory_space<hbm>>
      %dma_start3A_1497 = arith.constant 0 : i32
      %dma_start3A_1498 = tpu.memref_slice %arg8[%add3A_4, %dma_start3A_1497] : memref<16384x128xf32, #tpu.memory_space<hbm>> -> memref<128x128xf32, #tpu.memory_space<hbm>>
      tpu.enqueue_dma source(%arg14 : memref<128x128xf32, #tpu.memory_space<vmem>>) target(%dma_start3A_1498 : memref<128x128xf32, #tpu.memory_space<hbm>>) target_semaphore(%run_scoped3A : memref<!tpu.dma_semaphore, #tpu.memory_space<semaphore_mem>>)
      %dma_wait3A_1499 = arith.constant 0 : i32
      %dma_wait3A_1500 = tpu.memref_slice %arg8[%add3A_4, %dma_wait3A_1499] : memref<16384x128xf32, #tpu.memory_space<hbm>> -> memref<128x128xf32, #tpu.memory_space<hbm>>
      %dma_wait3A_1501 = arith.constant 0 : i32
      %dma_wait3A_1502 = tpu.memref_slice %arg8[%add3A_4, %dma_wait3A_1501] : memref<16384x128xf32, #tpu.memory_space<hbm>> -> memref<128x128xf32, #tpu.memory_space<hbm>>
      tpu.wait_dma2 semaphore(%run_scoped3A : memref<!tpu.dma_semaphore, #tpu.memory_space<semaphore_mem>>) src(%arg14 : memref<128x128xf32, #tpu.memory_space<vmem>>) dst(%dma_wait3A_1502 : memref<128x128xf32, #tpu.memory_space<hbm>>)
      tpu.yield
    }) : () -> ()
    %dma_wait3A_197 = arith.constant 0 : i32
    %dma_wait3A_198 = tpu.memref_slice %arg7[%dma_wait3A_197] : memref<100000xi32, #tpu.memory_space<hbm>> -> memref<100000xi32, #tpu.memory_space<hbm>>
    tpu.wait_indirect_dma semaphore(%arg19 : memref<!tpu.dma_semaphore, #tpu.memory_space<semaphore_mem>>) src(%dma_wait3A_198 : memref<100000xi32, #tpu.memory_space<hbm>>) dst(%arg16 : memref<128xi32, #tpu.memory_space<vmem>>)
    "tpu.region"() ({
      %run_scoped3A = tpu.sem_alloc : memref<!tpu.dma_semaphore, #tpu.memory_space<semaphore_mem>>
      %dma_start3A_1495 = tpu.memref_slice %arg10[%add3A_4] : memref<16384xi32, #tpu.memory_space<hbm>> -> memref<128xi32, #tpu.memory_space<hbm>>
      %dma_start3A_1496 = tpu.memref_slice %arg10[%add3A_4] : memref<16384xi32, #tpu.memory_space<hbm>> -> memref<128xi32, #tpu.memory_space<hbm>>
      tpu.enqueue_dma source(%arg16 : memref<128xi32, #tpu.memory_space<vmem>>) target(%dma_start3A_1496 : memref<128xi32, #tpu.memory_space<hbm>>) target_semaphore(%run_scoped3A : memref<!tpu.dma_semaphore, #tpu.memory_space<semaphore_mem>>)
      %dma_wait3A_1497 = tpu.memref_slice %arg10[%add3A_4] : memref<16384xi32, #tpu.memory_space<hbm>> -> memref<128xi32, #tpu.memory_space<hbm>>
      %dma_wait3A_1498 = tpu.memref_slice %arg10[%add3A_4] : memref<16384xi32, #tpu.memory_space<hbm>> -> memref<128xi32, #tpu.memory_space<hbm>>
      tpu.wait_dma2 semaphore(%run_scoped3A : memref<!tpu.dma_semaphore, #tpu.memory_space<semaphore_mem>>) src(%arg16 : memref<128xi32, #tpu.memory_space<vmem>>) dst(%dma_wait3A_1498 : memref<128xi32, #tpu.memory_space<hbm>>)
      tpu.yield
    }) : () -> ()
    %dma_wait3A_199 = arith.constant 0 : i32
    %dma_wait3A_200 = arith.constant 0 : i32
    %dma_wait3A_201 = arith.constant 0 : i32
    %dma_wait3A_202 = arith.constant 0 : i32
    %dma_wait3A_203 = tpu.memref_slice %arg15[%dma_wait3A_200, %dma_wait3A_201, %dma_wait3A_202] : memref<14x128x16xf32, #tpu.memory_space<vmem>> -> memref<1x128x16xf32, #tpu.memory_space<vmem>>
    %dma_wait3A_204 = tpu.memref_squeeze %dma_wait3A_203 : memref<1x128x16xf32, #tpu.memory_space<vmem>> -> memref<128x16xf32, #tpu.memory_space<vmem>>
    %dma_wait3A_205 = arith.constant 0 : i32
    %dma_wait3A_206 = tpu.memref_slice %arg13[%dma_wait3A_199, %dma_wait3A_205] : memref<14x128xi32, #tpu.memory_space<vmem>> -> memref<1x128xi32, #tpu.memory_space<vmem>>
    %dma_wait3A_207 = tpu.memref_squeeze %dma_wait3A_206 : memref<1x128xi32, #tpu.memory_space<vmem>> -> memref<128xi32, #tpu.memory_space<vmem>>
    %dma_wait3A_208 = arith.constant 0 : i32
    %dma_wait3A_209 = arith.constant 0 : i32
    %dma_wait3A_210 = tpu.memref_slice %arg6[%dma_wait3A_208, %dma_wait3A_209] : memref<1400000x16xf32, #tpu.memory_space<hbm>> -> memref<1400000x16xf32, #tpu.memory_space<hbm>>
    tpu.wait_indirect_dma semaphore(%arg18 : memref<!tpu.dma_semaphore, #tpu.memory_space<semaphore_mem>>) src(%dma_wait3A_210 : memref<1400000x16xf32, #tpu.memory_space<hbm>>) dst(%dma_wait3A_204 : memref<128x16xf32, #tpu.memory_space<vmem>>)
    %dma_wait3A_211 = arith.constant 1 : i32
    %dma_wait3A_212 = arith.constant 1 : i32
    %dma_wait3A_213 = arith.constant 0 : i32
    %dma_wait3A_214 = arith.constant 0 : i32
    %dma_wait3A_215 = tpu.memref_slice %arg15[%dma_wait3A_212, %dma_wait3A_213, %dma_wait3A_214] : memref<14x128x16xf32, #tpu.memory_space<vmem>> -> memref<1x128x16xf32, #tpu.memory_space<vmem>>
    %dma_wait3A_216 = tpu.memref_squeeze %dma_wait3A_215 : memref<1x128x16xf32, #tpu.memory_space<vmem>> -> memref<128x16xf32, #tpu.memory_space<vmem>>
    %dma_wait3A_217 = arith.constant 0 : i32
    %dma_wait3A_218 = tpu.memref_slice %arg13[%dma_wait3A_211, %dma_wait3A_217] : memref<14x128xi32, #tpu.memory_space<vmem>> -> memref<1x128xi32, #tpu.memory_space<vmem>>
    %dma_wait3A_219 = tpu.memref_squeeze %dma_wait3A_218 : memref<1x128xi32, #tpu.memory_space<vmem>> -> memref<128xi32, #tpu.memory_space<vmem>>
    %dma_wait3A_220 = arith.constant 0 : i32
    %dma_wait3A_221 = arith.constant 0 : i32
    %dma_wait3A_222 = tpu.memref_slice %arg6[%dma_wait3A_220, %dma_wait3A_221] : memref<1400000x16xf32, #tpu.memory_space<hbm>> -> memref<1400000x16xf32, #tpu.memory_space<hbm>>
    tpu.wait_indirect_dma semaphore(%arg18 : memref<!tpu.dma_semaphore, #tpu.memory_space<semaphore_mem>>) src(%dma_wait3A_222 : memref<1400000x16xf32, #tpu.memory_space<hbm>>) dst(%dma_wait3A_216 : memref<128x16xf32, #tpu.memory_space<vmem>>)
    %dma_wait3A_223 = arith.constant 2 : i32
    %dma_wait3A_224 = arith.constant 2 : i32
    %dma_wait3A_225 = arith.constant 0 : i32
    %dma_wait3A_226 = arith.constant 0 : i32
    %dma_wait3A_227 = tpu.memref_slice %arg15[%dma_wait3A_224, %dma_wait3A_225, %dma_wait3A_226] : memref<14x128x16xf32, #tpu.memory_space<vmem>> -> memref<1x128x16xf32, #tpu.memory_space<vmem>>
    %dma_wait3A_228 = tpu.memref_squeeze %dma_wait3A_227 : memref<1x128x16xf32, #tpu.memory_space<vmem>> -> memref<128x16xf32, #tpu.memory_space<vmem>>
    %dma_wait3A_229 = arith.constant 0 : i32
    %dma_wait3A_230 = tpu.memref_slice %arg13[%dma_wait3A_223, %dma_wait3A_229] : memref<14x128xi32, #tpu.memory_space<vmem>> -> memref<1x128xi32, #tpu.memory_space<vmem>>
    %dma_wait3A_231 = tpu.memref_squeeze %dma_wait3A_230 : memref<1x128xi32, #tpu.memory_space<vmem>> -> memref<128xi32, #tpu.memory_space<vmem>>
    %dma_wait3A_232 = arith.constant 0 : i32
    %dma_wait3A_233 = arith.constant 0 : i32
    %dma_wait3A_234 = tpu.memref_slice %arg6[%dma_wait3A_232, %dma_wait3A_233] : memref<1400000x16xf32, #tpu.memory_space<hbm>> -> memref<1400000x16xf32, #tpu.memory_space<hbm>>
    tpu.wait_indirect_dma semaphore(%arg18 : memref<!tpu.dma_semaphore, #tpu.memory_space<semaphore_mem>>) src(%dma_wait3A_234 : memref<1400000x16xf32, #tpu.memory_space<hbm>>) dst(%dma_wait3A_228 : memref<128x16xf32, #tpu.memory_space<vmem>>)
    %dma_wait3A_235 = arith.constant 3 : i32
    %dma_wait3A_236 = arith.constant 3 : i32
    %dma_wait3A_237 = arith.constant 0 : i32
    %dma_wait3A_238 = arith.constant 0 : i32
    %dma_wait3A_239 = tpu.memref_slice %arg15[%dma_wait3A_236, %dma_wait3A_237, %dma_wait3A_238] : memref<14x128x16xf32, #tpu.memory_space<vmem>> -> memref<1x128x16xf32, #tpu.memory_space<vmem>>
    %dma_wait3A_240 = tpu.memref_squeeze %dma_wait3A_239 : memref<1x128x16xf32, #tpu.memory_space<vmem>> -> memref<128x16xf32, #tpu.memory_space<vmem>>
    %dma_wait3A_241 = arith.constant 0 : i32
    %dma_wait3A_242 = tpu.memref_slice %arg13[%dma_wait3A_235, %dma_wait3A_241] : memref<14x128xi32, #tpu.memory_space<vmem>> -> memref<1x128xi32, #tpu.memory_space<vmem>>
    %dma_wait3A_243 = tpu.memref_squeeze %dma_wait3A_242 : memref<1x128xi32, #tpu.memory_space<vmem>> -> memref<128xi32, #tpu.memory_space<vmem>>
    %dma_wait3A_244 = arith.constant 0 : i32
    %dma_wait3A_245 = arith.constant 0 : i32
    %dma_wait3A_246 = tpu.memref_slice %arg6[%dma_wait3A_244, %dma_wait3A_245] : memref<1400000x16xf32, #tpu.memory_space<hbm>> -> memref<1400000x16xf32, #tpu.memory_space<hbm>>
    tpu.wait_indirect_dma semaphore(%arg18 : memref<!tpu.dma_semaphore, #tpu.memory_space<semaphore_mem>>) src(%dma_wait3A_246 : memref<1400000x16xf32, #tpu.memory_space<hbm>>) dst(%dma_wait3A_240 : memref<128x16xf32, #tpu.memory_space<vmem>>)
    %dma_wait3A_247 = arith.constant 4 : i32
    %dma_wait3A_248 = arith.constant 4 : i32
    %dma_wait3A_249 = arith.constant 0 : i32
    %dma_wait3A_250 = arith.constant 0 : i32
    %dma_wait3A_251 = tpu.memref_slice %arg15[%dma_wait3A_248, %dma_wait3A_249, %dma_wait3A_250] : memref<14x128x16xf32, #tpu.memory_space<vmem>> -> memref<1x128x16xf32, #tpu.memory_space<vmem>>
    %dma_wait3A_252 = tpu.memref_squeeze %dma_wait3A_251 : memref<1x128x16xf32, #tpu.memory_space<vmem>> -> memref<128x16xf32, #tpu.memory_space<vmem>>
    %dma_wait3A_253 = arith.constant 0 : i32
    %dma_wait3A_254 = tpu.memref_slice %arg13[%dma_wait3A_247, %dma_wait3A_253] : memref<14x128xi32, #tpu.memory_space<vmem>> -> memref<1x128xi32, #tpu.memory_space<vmem>>
    %dma_wait3A_255 = tpu.memref_squeeze %dma_wait3A_254 : memref<1x128xi32, #tpu.memory_space<vmem>> -> memref<128xi32, #tpu.memory_space<vmem>>
    %dma_wait3A_256 = arith.constant 0 : i32
    %dma_wait3A_257 = arith.constant 0 : i32
    %dma_wait3A_258 = tpu.memref_slice %arg6[%dma_wait3A_256, %dma_wait3A_257] : memref<1400000x16xf32, #tpu.memory_space<hbm>> -> memref<1400000x16xf32, #tpu.memory_space<hbm>>
    tpu.wait_indirect_dma semaphore(%arg18 : memref<!tpu.dma_semaphore, #tpu.memory_space<semaphore_mem>>) src(%dma_wait3A_258 : memref<1400000x16xf32, #tpu.memory_space<hbm>>) dst(%dma_wait3A_252 : memref<128x16xf32, #tpu.memory_space<vmem>>)
    %dma_wait3A_259 = arith.constant 5 : i32
    %dma_wait3A_260 = arith.constant 5 : i32
    %dma_wait3A_261 = arith.constant 0 : i32
    %dma_wait3A_262 = arith.constant 0 : i32
    %dma_wait3A_263 = tpu.memref_slice %arg15[%dma_wait3A_260, %dma_wait3A_261, %dma_wait3A_262] : memref<14x128x16xf32, #tpu.memory_space<vmem>> -> memref<1x128x16xf32, #tpu.memory_space<vmem>>
    %dma_wait3A_264 = tpu.memref_squeeze %dma_wait3A_263 : memref<1x128x16xf32, #tpu.memory_space<vmem>> -> memref<128x16xf32, #tpu.memory_space<vmem>>
    %dma_wait3A_265 = arith.constant 0 : i32
    %dma_wait3A_266 = tpu.memref_slice %arg13[%dma_wait3A_259, %dma_wait3A_265] : memref<14x128xi32, #tpu.memory_space<vmem>> -> memref<1x128xi32, #tpu.memory_space<vmem>>
    %dma_wait3A_267 = tpu.memref_squeeze %dma_wait3A_266 : memref<1x128xi32, #tpu.memory_space<vmem>> -> memref<128xi32, #tpu.memory_space<vmem>>
    %dma_wait3A_268 = arith.constant 0 : i32
    %dma_wait3A_269 = arith.constant 0 : i32
    %dma_wait3A_270 = tpu.memref_slice %arg6[%dma_wait3A_268, %dma_wait3A_269] : memref<1400000x16xf32, #tpu.memory_space<hbm>> -> memref<1400000x16xf32, #tpu.memory_space<hbm>>
    tpu.wait_indirect_dma semaphore(%arg18 : memref<!tpu.dma_semaphore, #tpu.memory_space<semaphore_mem>>) src(%dma_wait3A_270 : memref<1400000x16xf32, #tpu.memory_space<hbm>>) dst(%dma_wait3A_264 : memref<128x16xf32, #tpu.memory_space<vmem>>)
    %dma_wait3A_271 = arith.constant 6 : i32
    %dma_wait3A_272 = arith.constant 6 : i32
    %dma_wait3A_273 = arith.constant 0 : i32
    %dma_wait3A_274 = arith.constant 0 : i32
    %dma_wait3A_275 = tpu.memref_slice %arg15[%dma_wait3A_272, %dma_wait3A_273, %dma_wait3A_274] : memref<14x128x16xf32, #tpu.memory_space<vmem>> -> memref<1x128x16xf32, #tpu.memory_space<vmem>>
    %dma_wait3A_276 = tpu.memref_squeeze %dma_wait3A_275 : memref<1x128x16xf32, #tpu.memory_space<vmem>> -> memref<128x16xf32, #tpu.memory_space<vmem>>
    %dma_wait3A_277 = arith.constant 0 : i32
    %dma_wait3A_278 = tpu.memref_slice %arg13[%dma_wait3A_271, %dma_wait3A_277] : memref<14x128xi32, #tpu.memory_space<vmem>> -> memref<1x128xi32, #tpu.memory_space<vmem>>
    %dma_wait3A_279 = tpu.memref_squeeze %dma_wait3A_278 : memref<1x128xi32, #tpu.memory_space<vmem>> -> memref<128xi32, #tpu.memory_space<vmem>>
    %dma_wait3A_280 = arith.constant 0 : i32
    %dma_wait3A_281 = arith.constant 0 : i32
    %dma_wait3A_282 = tpu.memref_slice %arg6[%dma_wait3A_280, %dma_wait3A_281] : memref<1400000x16xf32, #tpu.memory_space<hbm>> -> memref<1400000x16xf32, #tpu.memory_space<hbm>>
    tpu.wait_indirect_dma semaphore(%arg18 : memref<!tpu.dma_semaphore, #tpu.memory_space<semaphore_mem>>) src(%dma_wait3A_282 : memref<1400000x16xf32, #tpu.memory_space<hbm>>) dst(%dma_wait3A_276 : memref<128x16xf32, #tpu.memory_space<vmem>>)
    %dma_wait3A_283 = arith.constant 7 : i32
    %dma_wait3A_284 = arith.constant 7 : i32
    %dma_wait3A_285 = arith.constant 0 : i32
    %dma_wait3A_286 = arith.constant 0 : i32
    %dma_wait3A_287 = tpu.memref_slice %arg15[%dma_wait3A_284, %dma_wait3A_285, %dma_wait3A_286] : memref<14x128x16xf32, #tpu.memory_space<vmem>> -> memref<1x128x16xf32, #tpu.memory_space<vmem>>
    %dma_wait3A_288 = tpu.memref_squeeze %dma_wait3A_287 : memref<1x128x16xf32, #tpu.memory_space<vmem>> -> memref<128x16xf32, #tpu.memory_space<vmem>>
    %dma_wait3A_289 = arith.constant 0 : i32
    %dma_wait3A_290 = tpu.memref_slice %arg13[%dma_wait3A_283, %dma_wait3A_289] : memref<14x128xi32, #tpu.memory_space<vmem>> -> memref<1x128xi32, #tpu.memory_space<vmem>>
    %dma_wait3A_291 = tpu.memref_squeeze %dma_wait3A_290 : memref<1x128xi32, #tpu.memory_space<vmem>> -> memref<128xi32, #tpu.memory_space<vmem>>
    %dma_wait3A_292 = arith.constant 0 : i32
    %dma_wait3A_293 = arith.constant 0 : i32
    %dma_wait3A_294 = tpu.memref_slice %arg6[%dma_wait3A_292, %dma_wait3A_293] : memref<1400000x16xf32, #tpu.memory_space<hbm>> -> memref<1400000x16xf32, #tpu.memory_space<hbm>>
    tpu.wait_indirect_dma semaphore(%arg18 : memref<!tpu.dma_semaphore, #tpu.memory_space<semaphore_mem>>) src(%dma_wait3A_294 : memref<1400000x16xf32, #tpu.memory_space<hbm>>) dst(%dma_wait3A_288 : memref<128x16xf32, #tpu.memory_space<vmem>>)
    %dma_wait3A_295 = arith.constant 8 : i32
    %dma_wait3A_296 = arith.constant 8 : i32
    %dma_wait3A_297 = arith.constant 0 : i32
    %dma_wait3A_298 = arith.constant 0 : i32
    %dma_wait3A_299 = tpu.memref_slice %arg15[%dma_wait3A_296, %dma_wait3A_297, %dma_wait3A_298] : memref<14x128x16xf32, #tpu.memory_space<vmem>> -> memref<1x128x16xf32, #tpu.memory_space<vmem>>
    %dma_wait3A_300 = tpu.memref_squeeze %dma_wait3A_299 : memref<1x128x16xf32, #tpu.memory_space<vmem>> -> memref<128x16xf32, #tpu.memory_space<vmem>>
    %dma_wait3A_301 = arith.constant 0 : i32
    %dma_wait3A_302 = tpu.memref_slice %arg13[%dma_wait3A_295, %dma_wait3A_301] : memref<14x128xi32, #tpu.memory_space<vmem>> -> memref<1x128xi32, #tpu.memory_space<vmem>>
    %dma_wait3A_303 = tpu.memref_squeeze %dma_wait3A_302 : memref<1x128xi32, #tpu.memory_space<vmem>> -> memref<128xi32, #tpu.memory_space<vmem>>
    %dma_wait3A_304 = arith.constant 0 : i32
    %dma_wait3A_305 = arith.constant 0 : i32
    %dma_wait3A_306 = tpu.memref_slice %arg6[%dma_wait3A_304, %dma_wait3A_305] : memref<1400000x16xf32, #tpu.memory_space<hbm>> -> memref<1400000x16xf32, #tpu.memory_space<hbm>>
    tpu.wait_indirect_dma semaphore(%arg18 : memref<!tpu.dma_semaphore, #tpu.memory_space<semaphore_mem>>) src(%dma_wait3A_306 : memref<1400000x16xf32, #tpu.memory_space<hbm>>) dst(%dma_wait3A_300 : memref<128x16xf32, #tpu.memory_space<vmem>>)
    %dma_wait3A_307 = arith.constant 9 : i32
    %dma_wait3A_308 = arith.constant 9 : i32
    %dma_wait3A_309 = arith.constant 0 : i32
    %dma_wait3A_310 = arith.constant 0 : i32
    %dma_wait3A_311 = tpu.memref_slice %arg15[%dma_wait3A_308, %dma_wait3A_309, %dma_wait3A_310] : memref<14x128x16xf32, #tpu.memory_space<vmem>> -> memref<1x128x16xf32, #tpu.memory_space<vmem>>
    %dma_wait3A_312 = tpu.memref_squeeze %dma_wait3A_311 : memref<1x128x16xf32, #tpu.memory_space<vmem>> -> memref<128x16xf32, #tpu.memory_space<vmem>>
    %dma_wait3A_313 = arith.constant 0 : i32
    %dma_wait3A_314 = tpu.memref_slice %arg13[%dma_wait3A_307, %dma_wait3A_313] : memref<14x128xi32, #tpu.memory_space<vmem>> -> memref<1x128xi32, #tpu.memory_space<vmem>>
    %dma_wait3A_315 = tpu.memref_squeeze %dma_wait3A_314 : memref<1x128xi32, #tpu.memory_space<vmem>> -> memref<128xi32, #tpu.memory_space<vmem>>
    %dma_wait3A_316 = arith.constant 0 : i32
    %dma_wait3A_317 = arith.constant 0 : i32
    %dma_wait3A_318 = tpu.memref_slice %arg6[%dma_wait3A_316, %dma_wait3A_317] : memref<1400000x16xf32, #tpu.memory_space<hbm>> -> memref<1400000x16xf32, #tpu.memory_space<hbm>>
    tpu.wait_indirect_dma semaphore(%arg18 : memref<!tpu.dma_semaphore, #tpu.memory_space<semaphore_mem>>) src(%dma_wait3A_318 : memref<1400000x16xf32, #tpu.memory_space<hbm>>) dst(%dma_wait3A_312 : memref<128x16xf32, #tpu.memory_space<vmem>>)
    %dma_wait3A_319 = arith.constant 10 : i32
    %dma_wait3A_320 = arith.constant 10 : i32
    %dma_wait3A_321 = arith.constant 0 : i32
    %dma_wait3A_322 = arith.constant 0 : i32
    %dma_wait3A_323 = tpu.memref_slice %arg15[%dma_wait3A_320, %dma_wait3A_321, %dma_wait3A_322] : memref<14x128x16xf32, #tpu.memory_space<vmem>> -> memref<1x128x16xf32, #tpu.memory_space<vmem>>
    %dma_wait3A_324 = tpu.memref_squeeze %dma_wait3A_323 : memref<1x128x16xf32, #tpu.memory_space<vmem>> -> memref<128x16xf32, #tpu.memory_space<vmem>>
    %dma_wait3A_325 = arith.constant 0 : i32
    %dma_wait3A_326 = tpu.memref_slice %arg13[%dma_wait3A_319, %dma_wait3A_325] : memref<14x128xi32, #tpu.memory_space<vmem>> -> memref<1x128xi32, #tpu.memory_space<vmem>>
    %dma_wait3A_327 = tpu.memref_squeeze %dma_wait3A_326 : memref<1x128xi32, #tpu.memory_space<vmem>> -> memref<128xi32, #tpu.memory_space<vmem>>
    %dma_wait3A_328 = arith.constant 0 : i32
    %dma_wait3A_329 = arith.constant 0 : i32
    %dma_wait3A_330 = tpu.memref_slice %arg6[%dma_wait3A_328, %dma_wait3A_329] : memref<1400000x16xf32, #tpu.memory_space<hbm>> -> memref<1400000x16xf32, #tpu.memory_space<hbm>>
    tpu.wait_indirect_dma semaphore(%arg18 : memref<!tpu.dma_semaphore, #tpu.memory_space<semaphore_mem>>) src(%dma_wait3A_330 : memref<1400000x16xf32, #tpu.memory_space<hbm>>) dst(%dma_wait3A_324 : memref<128x16xf32, #tpu.memory_space<vmem>>)
    %dma_wait3A_331 = arith.constant 11 : i32
    %dma_wait3A_332 = arith.constant 11 : i32
    %dma_wait3A_333 = arith.constant 0 : i32
    %dma_wait3A_334 = arith.constant 0 : i32
    %dma_wait3A_335 = tpu.memref_slice %arg15[%dma_wait3A_332, %dma_wait3A_333, %dma_wait3A_334] : memref<14x128x16xf32, #tpu.memory_space<vmem>> -> memref<1x128x16xf32, #tpu.memory_space<vmem>>
    %dma_wait3A_336 = tpu.memref_squeeze %dma_wait3A_335 : memref<1x128x16xf32, #tpu.memory_space<vmem>> -> memref<128x16xf32, #tpu.memory_space<vmem>>
    %dma_wait3A_337 = arith.constant 0 : i32
    %dma_wait3A_338 = tpu.memref_slice %arg13[%dma_wait3A_331, %dma_wait3A_337] : memref<14x128xi32, #tpu.memory_space<vmem>> -> memref<1x128xi32, #tpu.memory_space<vmem>>
    %dma_wait3A_339 = tpu.memref_squeeze %dma_wait3A_338 : memref<1x128xi32, #tpu.memory_space<vmem>> -> memref<128xi32, #tpu.memory_space<vmem>>
    %dma_wait3A_340 = arith.constant 0 : i32
    %dma_wait3A_341 = arith.constant 0 : i32
    %dma_wait3A_342 = tpu.memref_slice %arg6[%dma_wait3A_340, %dma_wait3A_341] : memref<1400000x16xf32, #tpu.memory_space<hbm>> -> memref<1400000x16xf32, #tpu.memory_space<hbm>>
    tpu.wait_indirect_dma semaphore(%arg18 : memref<!tpu.dma_semaphore, #tpu.memory_space<semaphore_mem>>) src(%dma_wait3A_342 : memref<1400000x16xf32, #tpu.memory_space<hbm>>) dst(%dma_wait3A_336 : memref<128x16xf32, #tpu.memory_space<vmem>>)
    %dma_wait3A_343 = arith.constant 12 : i32
    %dma_wait3A_344 = arith.constant 12 : i32
    %dma_wait3A_345 = arith.constant 0 : i32
    %dma_wait3A_346 = arith.constant 0 : i32
    %dma_wait3A_347 = tpu.memref_slice %arg15[%dma_wait3A_344, %dma_wait3A_345, %dma_wait3A_346] : memref<14x128x16xf32, #tpu.memory_space<vmem>> -> memref<1x128x16xf32, #tpu.memory_space<vmem>>
    %dma_wait3A_348 = tpu.memref_squeeze %dma_wait3A_347 : memref<1x128x16xf32, #tpu.memory_space<vmem>> -> memref<128x16xf32, #tpu.memory_space<vmem>>
    %dma_wait3A_349 = arith.constant 0 : i32
    %dma_wait3A_350 = tpu.memref_slice %arg13[%dma_wait3A_343, %dma_wait3A_349] : memref<14x128xi32, #tpu.memory_space<vmem>> -> memref<1x128xi32, #tpu.memory_space<vmem>>
    %dma_wait3A_351 = tpu.memref_squeeze %dma_wait3A_350 : memref<1x128xi32, #tpu.memory_space<vmem>> -> memref<128xi32, #tpu.memory_space<vmem>>
    %dma_wait3A_352 = arith.constant 0 : i32
    %dma_wait3A_353 = arith.constant 0 : i32
    %dma_wait3A_354 = tpu.memref_slice %arg6[%dma_wait3A_352, %dma_wait3A_353] : memref<1400000x16xf32, #tpu.memory_space<hbm>> -> memref<1400000x16xf32, #tpu.memory_space<hbm>>
    tpu.wait_indirect_dma semaphore(%arg18 : memref<!tpu.dma_semaphore, #tpu.memory_space<semaphore_mem>>) src(%dma_wait3A_354 : memref<1400000x16xf32, #tpu.memory_space<hbm>>) dst(%dma_wait3A_348 : memref<128x16xf32, #tpu.memory_space<vmem>>)
    %dma_wait3A_355 = arith.constant 13 : i32
    %dma_wait3A_356 = arith.constant 13 : i32
    %dma_wait3A_357 = arith.constant 0 : i32
    %dma_wait3A_358 = arith.constant 0 : i32
    %dma_wait3A_359 = tpu.memref_slice %arg15[%dma_wait3A_356, %dma_wait3A_357, %dma_wait3A_358] : memref<14x128x16xf32, #tpu.memory_space<vmem>> -> memref<1x128x16xf32, #tpu.memory_space<vmem>>
    %dma_wait3A_360 = tpu.memref_squeeze %dma_wait3A_359 : memref<1x128x16xf32, #tpu.memory_space<vmem>> -> memref<128x16xf32, #tpu.memory_space<vmem>>
    %dma_wait3A_361 = arith.constant 0 : i32
    %dma_wait3A_362 = tpu.memref_slice %arg13[%dma_wait3A_355, %dma_wait3A_361] : memref<14x128xi32, #tpu.memory_space<vmem>> -> memref<1x128xi32, #tpu.memory_space<vmem>>
    %dma_wait3A_363 = tpu.memref_squeeze %dma_wait3A_362 : memref<1x128xi32, #tpu.memory_space<vmem>> -> memref<128xi32, #tpu.memory_space<vmem>>
    %dma_wait3A_364 = arith.constant 0 : i32
    %dma_wait3A_365 = arith.constant 0 : i32
    %dma_wait3A_366 = tpu.memref_slice %arg6[%dma_wait3A_364, %dma_wait3A_365] : memref<1400000x16xf32, #tpu.memory_space<hbm>> -> memref<1400000x16xf32, #tpu.memory_space<hbm>>
    tpu.wait_indirect_dma semaphore(%arg18 : memref<!tpu.dma_semaphore, #tpu.memory_space<semaphore_mem>>) src(%dma_wait3A_366 : memref<1400000x16xf32, #tpu.memory_space<hbm>>) dst(%dma_wait3A_360 : memref<128x16xf32, #tpu.memory_space<vmem>>)
    "tpu.region"() ({
      %run_scoped3A = tpu.sem_alloc : memref<!tpu.dma_semaphore, #tpu.memory_space<semaphore_mem>>
      %dma_start3A_1495 = arith.constant 0 : i32
      %dma_start3A_1496 = arith.constant 0 : i32
      %dma_start3A_1497 = tpu.memref_slice %arg9[%select_n3A, %dma_start3A_1495, %dma_start3A_1496] : memref<1792x128x16xf32, #tpu.memory_space<hbm>> -> memref<14x128x16xf32, #tpu.memory_space<hbm>>
      %dma_start3A_1498 = arith.constant 0 : i32
      %dma_start3A_1499 = arith.constant 0 : i32
      %dma_start3A_1500 = tpu.memref_slice %arg9[%select_n3A, %dma_start3A_1498, %dma_start3A_1499] : memref<1792x128x16xf32, #tpu.memory_space<hbm>> -> memref<14x128x16xf32, #tpu.memory_space<hbm>>
      tpu.enqueue_dma source(%arg15 : memref<14x128x16xf32, #tpu.memory_space<vmem>>) target(%dma_start3A_1500 : memref<14x128x16xf32, #tpu.memory_space<hbm>>) target_semaphore(%run_scoped3A : memref<!tpu.dma_semaphore, #tpu.memory_space<semaphore_mem>>)
      %dma_wait3A_1501 = arith.constant 0 : i32
      %dma_wait3A_1502 = arith.constant 0 : i32
      %dma_wait3A_1503 = tpu.memref_slice %arg9[%select_n3A, %dma_wait3A_1501, %dma_wait3A_1502] : memref<1792x128x16xf32, #tpu.memory_space<hbm>> -> memref<14x128x16xf32, #tpu.memory_space<hbm>>
      %dma_wait3A_1504 = arith.constant 0 : i32
      %dma_wait3A_1505 = arith.constant 0 : i32
      %dma_wait3A_1506 = tpu.memref_slice %arg9[%select_n3A, %dma_wait3A_1504, %dma_wait3A_1505] : memref<1792x128x16xf32, #tpu.memory_space<hbm>> -> memref<14x128x16xf32, #tpu.memory_space<hbm>>
      tpu.wait_dma2 semaphore(%run_scoped3A : memref<!tpu.dma_semaphore, #tpu.memory_space<semaphore_mem>>) src(%arg15 : memref<14x128x16xf32, #tpu.memory_space<vmem>>) dst(%dma_wait3A_1506 : memref<14x128x16xf32, #tpu.memory_space<hbm>>)
      tpu.yield
    }) : () -> ()
    %mul3A_367 = arith.constant 512 : i32
    %mul3A_368 = arith.muli %add3A, %mul3A_367 : i32
    %add3A_369 = arith.constant 128 : i32
    %add3A_370 = arith.addi %mul3A_368, %add3A_369 : i32
    %mul3A_371 = arith.constant 14 : i32
    %mul3A_372 = arith.muli %add3A_370, %mul3A_371 : i32
    %jit3A_373 = arith.constant 128 : i32
    %div3A_374 = arith.divsi %mul3A_372, %jit3A_373 : i32
    %sign3A_375 = arith.constant 0 : i32
    %sign3A_376 = arith.cmpi sgt, %mul3A_372, %sign3A_375 : i32
    %sign3A_377 = arith.extui %sign3A_376 : i1 to i32
    %sign3A_378 = arith.constant 0 : i32
    %sign3A_379 = arith.cmpi slt, %mul3A_372, %sign3A_378 : i32
    %sign3A_380 = arith.extui %sign3A_379 : i1 to i32
    %sign3A_381 = arith.subi %sign3A_377, %sign3A_380 : i32
    %sign3A_382 = arith.constant 0 : i32
    %sign3A_383 = arith.cmpi sgt, %jit3A_373, %sign3A_382 : i32
    %sign3A_384 = arith.extui %sign3A_383 : i1 to i32
    %sign3A_385 = arith.constant 0 : i32
    %sign3A_386 = arith.cmpi slt, %jit3A_373, %sign3A_385 : i32
    %sign3A_387 = arith.extui %sign3A_386 : i1 to i32
    %sign3A_388 = arith.subi %sign3A_384, %sign3A_387 : i32
    %ne3A_389 = arith.cmpi ne, %sign3A_381, %sign3A_388 : i32
    %rem3A_390 = arith.remsi %mul3A_372, %jit3A_373 : i32
    %ne3A_391 = arith.constant 0 : i32
    %ne3A_392 = arith.cmpi ne, %rem3A_390, %ne3A_391 : i32
    %and3A_393 = arith.andi %ne3A_389, %ne3A_392 : i1
    %sub3A_394 = arith.constant 1 : i32
    %sub3A_395 = arith.subi %div3A_374, %sub3A_394 : i32
    %select_n3A_396 = arith.select %and3A_393, %sub3A_395, %div3A_374 : i32
    "tpu.region"() ({
      %run_scoped3A = tpu.sem_alloc : memref<!tpu.dma_semaphore, #tpu.memory_space<semaphore_mem>>
      %dma_start3A_1495 = tpu.memref_slice %arg2[%add3A_370] : memref<16384xi32, #tpu.memory_space<hbm>> -> memref<128xi32, #tpu.memory_space<hbm>>
      %dma_start3A_1496 = tpu.memref_slice %arg2[%add3A_370] : memref<16384xi32, #tpu.memory_space<hbm>> -> memref<128xi32, #tpu.memory_space<hbm>>
      tpu.enqueue_dma source(%dma_start3A_1496 : memref<128xi32, #tpu.memory_space<hbm>>) target(%arg11 : memref<128xi32, #tpu.memory_space<vmem>>) target_semaphore(%run_scoped3A : memref<!tpu.dma_semaphore, #tpu.memory_space<semaphore_mem>>)
      %dma_wait3A_1497 = tpu.memref_slice %arg2[%add3A_370] : memref<16384xi32, #tpu.memory_space<hbm>> -> memref<128xi32, #tpu.memory_space<hbm>>
      %dma_wait3A_1498 = tpu.memref_slice %arg2[%add3A_370] : memref<16384xi32, #tpu.memory_space<hbm>> -> memref<128xi32, #tpu.memory_space<hbm>>
      tpu.wait_dma2 semaphore(%run_scoped3A : memref<!tpu.dma_semaphore, #tpu.memory_space<semaphore_mem>>) src(%dma_wait3A_1498 : memref<128xi32, #tpu.memory_space<hbm>>) dst(%arg11 : memref<128xi32, #tpu.memory_space<vmem>>)
      tpu.yield
    }) : () -> ()
    %dma_start3A_397 = arith.constant 0 : i32
    %dma_start3A_398 = arith.constant 0 : i32
    %dma_start3A_399 = tpu.memref_slice %arg5[%dma_start3A_397, %dma_start3A_398] : memref<100000x128xf32, #tpu.memory_space<hbm>> -> memref<100000x128xf32, #tpu.memory_space<hbm>>
    tpu.enqueue_indirect_dma source(%dma_start3A_399 : memref<100000x128xf32, #tpu.memory_space<hbm>>) target(%arg14 : memref<128x128xf32, #tpu.memory_space<vmem>>) offsets(%arg11 : memref<128xi32, #tpu.memory_space<vmem>>) semaphore(%arg17 : memref<!tpu.dma_semaphore, #tpu.memory_space<semaphore_mem>>)
    "tpu.region"() ({
      %run_scoped3A = tpu.sem_alloc : memref<!tpu.dma_semaphore, #tpu.memory_space<semaphore_mem>>
      %dma_start3A_1495 = tpu.memref_slice %arg3[%add3A_370] : memref<16384xi32, #tpu.memory_space<hbm>> -> memref<128xi32, #tpu.memory_space<hbm>>
      %dma_start3A_1496 = tpu.memref_slice %arg3[%add3A_370] : memref<16384xi32, #tpu.memory_space<hbm>> -> memref<128xi32, #tpu.memory_space<hbm>>
      tpu.enqueue_dma source(%dma_start3A_1496 : memref<128xi32, #tpu.memory_space<hbm>>) target(%arg12 : memref<128xi32, #tpu.memory_space<vmem>>) target_semaphore(%run_scoped3A : memref<!tpu.dma_semaphore, #tpu.memory_space<semaphore_mem>>)
      %dma_wait3A_1497 = tpu.memref_slice %arg3[%add3A_370] : memref<16384xi32, #tpu.memory_space<hbm>> -> memref<128xi32, #tpu.memory_space<hbm>>
      %dma_wait3A_1498 = tpu.memref_slice %arg3[%add3A_370] : memref<16384xi32, #tpu.memory_space<hbm>> -> memref<128xi32, #tpu.memory_space<hbm>>
      tpu.wait_dma2 semaphore(%run_scoped3A : memref<!tpu.dma_semaphore, #tpu.memory_space<semaphore_mem>>) src(%dma_wait3A_1498 : memref<128xi32, #tpu.memory_space<hbm>>) dst(%arg12 : memref<128xi32, #tpu.memory_space<vmem>>)
      tpu.yield
    }) : () -> ()
    %dma_start3A_400 = arith.constant 0 : i32
    %dma_start3A_401 = tpu.memref_slice %arg7[%dma_start3A_400] : memref<100000xi32, #tpu.memory_space<hbm>> -> memref<100000xi32, #tpu.memory_space<hbm>>
    tpu.enqueue_indirect_dma source(%dma_start3A_401 : memref<100000xi32, #tpu.memory_space<hbm>>) target(%arg16 : memref<128xi32, #tpu.memory_space<vmem>>) offsets(%arg12 : memref<128xi32, #tpu.memory_space<vmem>>) semaphore(%arg19 : memref<!tpu.dma_semaphore, #tpu.memory_space<semaphore_mem>>)
    "tpu.region"() ({
      %run_scoped3A = tpu.sem_alloc : memref<!tpu.dma_semaphore, #tpu.memory_space<semaphore_mem>>
      %dma_start3A_1495 = arith.constant 0 : i32
      %dma_start3A_1496 = tpu.memref_slice %arg4[%select_n3A_396, %dma_start3A_1495] : memref<1792x128xi32, #tpu.memory_space<hbm>> -> memref<14x128xi32, #tpu.memory_space<hbm>>
      %dma_start3A_1497 = arith.constant 0 : i32
      %dma_start3A_1498 = tpu.memref_slice %arg4[%select_n3A_396, %dma_start3A_1497] : memref<1792x128xi32, #tpu.memory_space<hbm>> -> memref<14x128xi32, #tpu.memory_space<hbm>>
      tpu.enqueue_dma source(%dma_start3A_1498 : memref<14x128xi32, #tpu.memory_space<hbm>>) target(%arg13 : memref<14x128xi32, #tpu.memory_space<vmem>>) target_semaphore(%run_scoped3A : memref<!tpu.dma_semaphore, #tpu.memory_space<semaphore_mem>>)
      %dma_wait3A_1499 = arith.constant 0 : i32
      %dma_wait3A_1500 = tpu.memref_slice %arg4[%select_n3A_396, %dma_wait3A_1499] : memref<1792x128xi32, #tpu.memory_space<hbm>> -> memref<14x128xi32, #tpu.memory_space<hbm>>
      %dma_wait3A_1501 = arith.constant 0 : i32
      %dma_wait3A_1502 = tpu.memref_slice %arg4[%select_n3A_396, %dma_wait3A_1501] : memref<1792x128xi32, #tpu.memory_space<hbm>> -> memref<14x128xi32, #tpu.memory_space<hbm>>
      tpu.wait_dma2 semaphore(%run_scoped3A : memref<!tpu.dma_semaphore, #tpu.memory_space<semaphore_mem>>) src(%dma_wait3A_1502 : memref<14x128xi32, #tpu.memory_space<hbm>>) dst(%arg13 : memref<14x128xi32, #tpu.memory_space<vmem>>)
      tpu.yield
    }) : () -> ()
    %dma_start3A_402 = arith.constant 0 : i32
    %dma_start3A_403 = arith.constant 0 : i32
    %dma_start3A_404 = arith.constant 0 : i32
    %dma_start3A_405 = arith.constant 0 : i32
    %dma_start3A_406 = tpu.memref_slice %arg15[%dma_start3A_403, %dma_start3A_404, %dma_start3A_405] : memref<14x128x16xf32, #tpu.memory_space<vmem>> -> memref<1x128x16xf32, #tpu.memory_space<vmem>>
    %dma_start3A_407 = tpu.memref_squeeze %dma_start3A_406 : memref<1x128x16xf32, #tpu.memory_space<vmem>> -> memref<128x16xf32, #tpu.memory_space<vmem>>
    %dma_start3A_408 = arith.constant 0 : i32
    %dma_start3A_409 = tpu.memref_slice %arg13[%dma_start3A_402, %dma_start3A_408] : memref<14x128xi32, #tpu.memory_space<vmem>> -> memref<1x128xi32, #tpu.memory_space<vmem>>
    %dma_start3A_410 = tpu.memref_squeeze %dma_start3A_409 : memref<1x128xi32, #tpu.memory_space<vmem>> -> memref<128xi32, #tpu.memory_space<vmem>>
    %dma_start3A_411 = arith.constant 0 : i32
    %dma_start3A_412 = arith.constant 0 : i32
    %dma_start3A_413 = tpu.memref_slice %arg6[%dma_start3A_411, %dma_start3A_412] : memref<1400000x16xf32, #tpu.memory_space<hbm>> -> memref<1400000x16xf32, #tpu.memory_space<hbm>>
    tpu.enqueue_indirect_dma source(%dma_start3A_413 : memref<1400000x16xf32, #tpu.memory_space<hbm>>) target(%dma_start3A_407 : memref<128x16xf32, #tpu.memory_space<vmem>>) offsets(%dma_start3A_410 : memref<128xi32, #tpu.memory_space<vmem>>) semaphore(%arg18 : memref<!tpu.dma_semaphore, #tpu.memory_space<semaphore_mem>>)
    %dma_start3A_414 = arith.constant 1 : i32
    %dma_start3A_415 = arith.constant 1 : i32
    %dma_start3A_416 = arith.constant 0 : i32
    %dma_start3A_417 = arith.constant 0 : i32
    %dma_start3A_418 = tpu.memref_slice %arg15[%dma_start3A_415, %dma_start3A_416, %dma_start3A_417] : memref<14x128x16xf32, #tpu.memory_space<vmem>> -> memref<1x128x16xf32, #tpu.memory_space<vmem>>
    %dma_start3A_419 = tpu.memref_squeeze %dma_start3A_418 : memref<1x128x16xf32, #tpu.memory_space<vmem>> -> memref<128x16xf32, #tpu.memory_space<vmem>>
    %dma_start3A_420 = arith.constant 0 : i32
    %dma_start3A_421 = tpu.memref_slice %arg13[%dma_start3A_414, %dma_start3A_420] : memref<14x128xi32, #tpu.memory_space<vmem>> -> memref<1x128xi32, #tpu.memory_space<vmem>>
    %dma_start3A_422 = tpu.memref_squeeze %dma_start3A_421 : memref<1x128xi32, #tpu.memory_space<vmem>> -> memref<128xi32, #tpu.memory_space<vmem>>
    %dma_start3A_423 = arith.constant 0 : i32
    %dma_start3A_424 = arith.constant 0 : i32
    %dma_start3A_425 = tpu.memref_slice %arg6[%dma_start3A_423, %dma_start3A_424] : memref<1400000x16xf32, #tpu.memory_space<hbm>> -> memref<1400000x16xf32, #tpu.memory_space<hbm>>
    tpu.enqueue_indirect_dma source(%dma_start3A_425 : memref<1400000x16xf32, #tpu.memory_space<hbm>>) target(%dma_start3A_419 : memref<128x16xf32, #tpu.memory_space<vmem>>) offsets(%dma_start3A_422 : memref<128xi32, #tpu.memory_space<vmem>>) semaphore(%arg18 : memref<!tpu.dma_semaphore, #tpu.memory_space<semaphore_mem>>)
    %dma_start3A_426 = arith.constant 2 : i32
    %dma_start3A_427 = arith.constant 2 : i32
    %dma_start3A_428 = arith.constant 0 : i32
    %dma_start3A_429 = arith.constant 0 : i32
    %dma_start3A_430 = tpu.memref_slice %arg15[%dma_start3A_427, %dma_start3A_428, %dma_start3A_429] : memref<14x128x16xf32, #tpu.memory_space<vmem>> -> memref<1x128x16xf32, #tpu.memory_space<vmem>>
    %dma_start3A_431 = tpu.memref_squeeze %dma_start3A_430 : memref<1x128x16xf32, #tpu.memory_space<vmem>> -> memref<128x16xf32, #tpu.memory_space<vmem>>
    %dma_start3A_432 = arith.constant 0 : i32
    %dma_start3A_433 = tpu.memref_slice %arg13[%dma_start3A_426, %dma_start3A_432] : memref<14x128xi32, #tpu.memory_space<vmem>> -> memref<1x128xi32, #tpu.memory_space<vmem>>
    %dma_start3A_434 = tpu.memref_squeeze %dma_start3A_433 : memref<1x128xi32, #tpu.memory_space<vmem>> -> memref<128xi32, #tpu.memory_space<vmem>>
    %dma_start3A_435 = arith.constant 0 : i32
    %dma_start3A_436 = arith.constant 0 : i32
    %dma_start3A_437 = tpu.memref_slice %arg6[%dma_start3A_435, %dma_start3A_436] : memref<1400000x16xf32, #tpu.memory_space<hbm>> -> memref<1400000x16xf32, #tpu.memory_space<hbm>>
    tpu.enqueue_indirect_dma source(%dma_start3A_437 : memref<1400000x16xf32, #tpu.memory_space<hbm>>) target(%dma_start3A_431 : memref<128x16xf32, #tpu.memory_space<vmem>>) offsets(%dma_start3A_434 : memref<128xi32, #tpu.memory_space<vmem>>) semaphore(%arg18 : memref<!tpu.dma_semaphore, #tpu.memory_space<semaphore_mem>>)
    %dma_start3A_438 = arith.constant 3 : i32
    %dma_start3A_439 = arith.constant 3 : i32
    %dma_start3A_440 = arith.constant 0 : i32
    %dma_start3A_441 = arith.constant 0 : i32
    %dma_start3A_442 = tpu.memref_slice %arg15[%dma_start3A_439, %dma_start3A_440, %dma_start3A_441] : memref<14x128x16xf32, #tpu.memory_space<vmem>> -> memref<1x128x16xf32, #tpu.memory_space<vmem>>
    %dma_start3A_443 = tpu.memref_squeeze %dma_start3A_442 : memref<1x128x16xf32, #tpu.memory_space<vmem>> -> memref<128x16xf32, #tpu.memory_space<vmem>>
    %dma_start3A_444 = arith.constant 0 : i32
    %dma_start3A_445 = tpu.memref_slice %arg13[%dma_start3A_438, %dma_start3A_444] : memref<14x128xi32, #tpu.memory_space<vmem>> -> memref<1x128xi32, #tpu.memory_space<vmem>>
    %dma_start3A_446 = tpu.memref_squeeze %dma_start3A_445 : memref<1x128xi32, #tpu.memory_space<vmem>> -> memref<128xi32, #tpu.memory_space<vmem>>
    %dma_start3A_447 = arith.constant 0 : i32
    %dma_start3A_448 = arith.constant 0 : i32
    %dma_start3A_449 = tpu.memref_slice %arg6[%dma_start3A_447, %dma_start3A_448] : memref<1400000x16xf32, #tpu.memory_space<hbm>> -> memref<1400000x16xf32, #tpu.memory_space<hbm>>
    tpu.enqueue_indirect_dma source(%dma_start3A_449 : memref<1400000x16xf32, #tpu.memory_space<hbm>>) target(%dma_start3A_443 : memref<128x16xf32, #tpu.memory_space<vmem>>) offsets(%dma_start3A_446 : memref<128xi32, #tpu.memory_space<vmem>>) semaphore(%arg18 : memref<!tpu.dma_semaphore, #tpu.memory_space<semaphore_mem>>)
    %dma_start3A_450 = arith.constant 4 : i32
    %dma_start3A_451 = arith.constant 4 : i32
    %dma_start3A_452 = arith.constant 0 : i32
    %dma_start3A_453 = arith.constant 0 : i32
    %dma_start3A_454 = tpu.memref_slice %arg15[%dma_start3A_451, %dma_start3A_452, %dma_start3A_453] : memref<14x128x16xf32, #tpu.memory_space<vmem>> -> memref<1x128x16xf32, #tpu.memory_space<vmem>>
    %dma_start3A_455 = tpu.memref_squeeze %dma_start3A_454 : memref<1x128x16xf32, #tpu.memory_space<vmem>> -> memref<128x16xf32, #tpu.memory_space<vmem>>
    %dma_start3A_456 = arith.constant 0 : i32
    %dma_start3A_457 = tpu.memref_slice %arg13[%dma_start3A_450, %dma_start3A_456] : memref<14x128xi32, #tpu.memory_space<vmem>> -> memref<1x128xi32, #tpu.memory_space<vmem>>
    %dma_start3A_458 = tpu.memref_squeeze %dma_start3A_457 : memref<1x128xi32, #tpu.memory_space<vmem>> -> memref<128xi32, #tpu.memory_space<vmem>>
    %dma_start3A_459 = arith.constant 0 : i32
    %dma_start3A_460 = arith.constant 0 : i32
    %dma_start3A_461 = tpu.memref_slice %arg6[%dma_start3A_459, %dma_start3A_460] : memref<1400000x16xf32, #tpu.memory_space<hbm>> -> memref<1400000x16xf32, #tpu.memory_space<hbm>>
    tpu.enqueue_indirect_dma source(%dma_start3A_461 : memref<1400000x16xf32, #tpu.memory_space<hbm>>) target(%dma_start3A_455 : memref<128x16xf32, #tpu.memory_space<vmem>>) offsets(%dma_start3A_458 : memref<128xi32, #tpu.memory_space<vmem>>) semaphore(%arg18 : memref<!tpu.dma_semaphore, #tpu.memory_space<semaphore_mem>>)
    %dma_start3A_462 = arith.constant 5 : i32
    %dma_start3A_463 = arith.constant 5 : i32
    %dma_start3A_464 = arith.constant 0 : i32
    %dma_start3A_465 = arith.constant 0 : i32
    %dma_start3A_466 = tpu.memref_slice %arg15[%dma_start3A_463, %dma_start3A_464, %dma_start3A_465] : memref<14x128x16xf32, #tpu.memory_space<vmem>> -> memref<1x128x16xf32, #tpu.memory_space<vmem>>
    %dma_start3A_467 = tpu.memref_squeeze %dma_start3A_466 : memref<1x128x16xf32, #tpu.memory_space<vmem>> -> memref<128x16xf32, #tpu.memory_space<vmem>>
    %dma_start3A_468 = arith.constant 0 : i32
    %dma_start3A_469 = tpu.memref_slice %arg13[%dma_start3A_462, %dma_start3A_468] : memref<14x128xi32, #tpu.memory_space<vmem>> -> memref<1x128xi32, #tpu.memory_space<vmem>>
    %dma_start3A_470 = tpu.memref_squeeze %dma_start3A_469 : memref<1x128xi32, #tpu.memory_space<vmem>> -> memref<128xi32, #tpu.memory_space<vmem>>
    %dma_start3A_471 = arith.constant 0 : i32
    %dma_start3A_472 = arith.constant 0 : i32
    %dma_start3A_473 = tpu.memref_slice %arg6[%dma_start3A_471, %dma_start3A_472] : memref<1400000x16xf32, #tpu.memory_space<hbm>> -> memref<1400000x16xf32, #tpu.memory_space<hbm>>
    tpu.enqueue_indirect_dma source(%dma_start3A_473 : memref<1400000x16xf32, #tpu.memory_space<hbm>>) target(%dma_start3A_467 : memref<128x16xf32, #tpu.memory_space<vmem>>) offsets(%dma_start3A_470 : memref<128xi32, #tpu.memory_space<vmem>>) semaphore(%arg18 : memref<!tpu.dma_semaphore, #tpu.memory_space<semaphore_mem>>)
    %dma_start3A_474 = arith.constant 6 : i32
    %dma_start3A_475 = arith.constant 6 : i32
    %dma_start3A_476 = arith.constant 0 : i32
    %dma_start3A_477 = arith.constant 0 : i32
    %dma_start3A_478 = tpu.memref_slice %arg15[%dma_start3A_475, %dma_start3A_476, %dma_start3A_477] : memref<14x128x16xf32, #tpu.memory_space<vmem>> -> memref<1x128x16xf32, #tpu.memory_space<vmem>>
    %dma_start3A_479 = tpu.memref_squeeze %dma_start3A_478 : memref<1x128x16xf32, #tpu.memory_space<vmem>> -> memref<128x16xf32, #tpu.memory_space<vmem>>
    %dma_start3A_480 = arith.constant 0 : i32
    %dma_start3A_481 = tpu.memref_slice %arg13[%dma_start3A_474, %dma_start3A_480] : memref<14x128xi32, #tpu.memory_space<vmem>> -> memref<1x128xi32, #tpu.memory_space<vmem>>
    %dma_start3A_482 = tpu.memref_squeeze %dma_start3A_481 : memref<1x128xi32, #tpu.memory_space<vmem>> -> memref<128xi32, #tpu.memory_space<vmem>>
    %dma_start3A_483 = arith.constant 0 : i32
    %dma_start3A_484 = arith.constant 0 : i32
    %dma_start3A_485 = tpu.memref_slice %arg6[%dma_start3A_483, %dma_start3A_484] : memref<1400000x16xf32, #tpu.memory_space<hbm>> -> memref<1400000x16xf32, #tpu.memory_space<hbm>>
    tpu.enqueue_indirect_dma source(%dma_start3A_485 : memref<1400000x16xf32, #tpu.memory_space<hbm>>) target(%dma_start3A_479 : memref<128x16xf32, #tpu.memory_space<vmem>>) offsets(%dma_start3A_482 : memref<128xi32, #tpu.memory_space<vmem>>) semaphore(%arg18 : memref<!tpu.dma_semaphore, #tpu.memory_space<semaphore_mem>>)
    %dma_start3A_486 = arith.constant 7 : i32
    %dma_start3A_487 = arith.constant 7 : i32
    %dma_start3A_488 = arith.constant 0 : i32
    %dma_start3A_489 = arith.constant 0 : i32
    %dma_start3A_490 = tpu.memref_slice %arg15[%dma_start3A_487, %dma_start3A_488, %dma_start3A_489] : memref<14x128x16xf32, #tpu.memory_space<vmem>> -> memref<1x128x16xf32, #tpu.memory_space<vmem>>
    %dma_start3A_491 = tpu.memref_squeeze %dma_start3A_490 : memref<1x128x16xf32, #tpu.memory_space<vmem>> -> memref<128x16xf32, #tpu.memory_space<vmem>>
    %dma_start3A_492 = arith.constant 0 : i32
    %dma_start3A_493 = tpu.memref_slice %arg13[%dma_start3A_486, %dma_start3A_492] : memref<14x128xi32, #tpu.memory_space<vmem>> -> memref<1x128xi32, #tpu.memory_space<vmem>>
    %dma_start3A_494 = tpu.memref_squeeze %dma_start3A_493 : memref<1x128xi32, #tpu.memory_space<vmem>> -> memref<128xi32, #tpu.memory_space<vmem>>
    %dma_start3A_495 = arith.constant 0 : i32
    %dma_start3A_496 = arith.constant 0 : i32
    %dma_start3A_497 = tpu.memref_slice %arg6[%dma_start3A_495, %dma_start3A_496] : memref<1400000x16xf32, #tpu.memory_space<hbm>> -> memref<1400000x16xf32, #tpu.memory_space<hbm>>
    tpu.enqueue_indirect_dma source(%dma_start3A_497 : memref<1400000x16xf32, #tpu.memory_space<hbm>>) target(%dma_start3A_491 : memref<128x16xf32, #tpu.memory_space<vmem>>) offsets(%dma_start3A_494 : memref<128xi32, #tpu.memory_space<vmem>>) semaphore(%arg18 : memref<!tpu.dma_semaphore, #tpu.memory_space<semaphore_mem>>)
    %dma_start3A_498 = arith.constant 8 : i32
    %dma_start3A_499 = arith.constant 8 : i32
    %dma_start3A_500 = arith.constant 0 : i32
    %dma_start3A_501 = arith.constant 0 : i32
    %dma_start3A_502 = tpu.memref_slice %arg15[%dma_start3A_499, %dma_start3A_500, %dma_start3A_501] : memref<14x128x16xf32, #tpu.memory_space<vmem>> -> memref<1x128x16xf32, #tpu.memory_space<vmem>>
    %dma_start3A_503 = tpu.memref_squeeze %dma_start3A_502 : memref<1x128x16xf32, #tpu.memory_space<vmem>> -> memref<128x16xf32, #tpu.memory_space<vmem>>
    %dma_start3A_504 = arith.constant 0 : i32
    %dma_start3A_505 = tpu.memref_slice %arg13[%dma_start3A_498, %dma_start3A_504] : memref<14x128xi32, #tpu.memory_space<vmem>> -> memref<1x128xi32, #tpu.memory_space<vmem>>
    %dma_start3A_506 = tpu.memref_squeeze %dma_start3A_505 : memref<1x128xi32, #tpu.memory_space<vmem>> -> memref<128xi32, #tpu.memory_space<vmem>>
    %dma_start3A_507 = arith.constant 0 : i32
    %dma_start3A_508 = arith.constant 0 : i32
    %dma_start3A_509 = tpu.memref_slice %arg6[%dma_start3A_507, %dma_start3A_508] : memref<1400000x16xf32, #tpu.memory_space<hbm>> -> memref<1400000x16xf32, #tpu.memory_space<hbm>>
    tpu.enqueue_indirect_dma source(%dma_start3A_509 : memref<1400000x16xf32, #tpu.memory_space<hbm>>) target(%dma_start3A_503 : memref<128x16xf32, #tpu.memory_space<vmem>>) offsets(%dma_start3A_506 : memref<128xi32, #tpu.memory_space<vmem>>) semaphore(%arg18 : memref<!tpu.dma_semaphore, #tpu.memory_space<semaphore_mem>>)
    %dma_start3A_510 = arith.constant 9 : i32
    %dma_start3A_511 = arith.constant 9 : i32
    %dma_start3A_512 = arith.constant 0 : i32
    %dma_start3A_513 = arith.constant 0 : i32
    %dma_start3A_514 = tpu.memref_slice %arg15[%dma_start3A_511, %dma_start3A_512, %dma_start3A_513] : memref<14x128x16xf32, #tpu.memory_space<vmem>> -> memref<1x128x16xf32, #tpu.memory_space<vmem>>
    %dma_start3A_515 = tpu.memref_squeeze %dma_start3A_514 : memref<1x128x16xf32, #tpu.memory_space<vmem>> -> memref<128x16xf32, #tpu.memory_space<vmem>>
    %dma_start3A_516 = arith.constant 0 : i32
    %dma_start3A_517 = tpu.memref_slice %arg13[%dma_start3A_510, %dma_start3A_516] : memref<14x128xi32, #tpu.memory_space<vmem>> -> memref<1x128xi32, #tpu.memory_space<vmem>>
    %dma_start3A_518 = tpu.memref_squeeze %dma_start3A_517 : memref<1x128xi32, #tpu.memory_space<vmem>> -> memref<128xi32, #tpu.memory_space<vmem>>
    %dma_start3A_519 = arith.constant 0 : i32
    %dma_start3A_520 = arith.constant 0 : i32
    %dma_start3A_521 = tpu.memref_slice %arg6[%dma_start3A_519, %dma_start3A_520] : memref<1400000x16xf32, #tpu.memory_space<hbm>> -> memref<1400000x16xf32, #tpu.memory_space<hbm>>
    tpu.enqueue_indirect_dma source(%dma_start3A_521 : memref<1400000x16xf32, #tpu.memory_space<hbm>>) target(%dma_start3A_515 : memref<128x16xf32, #tpu.memory_space<vmem>>) offsets(%dma_start3A_518 : memref<128xi32, #tpu.memory_space<vmem>>) semaphore(%arg18 : memref<!tpu.dma_semaphore, #tpu.memory_space<semaphore_mem>>)
    %dma_start3A_522 = arith.constant 10 : i32
    %dma_start3A_523 = arith.constant 10 : i32
    %dma_start3A_524 = arith.constant 0 : i32
    %dma_start3A_525 = arith.constant 0 : i32
    %dma_start3A_526 = tpu.memref_slice %arg15[%dma_start3A_523, %dma_start3A_524, %dma_start3A_525] : memref<14x128x16xf32, #tpu.memory_space<vmem>> -> memref<1x128x16xf32, #tpu.memory_space<vmem>>
    %dma_start3A_527 = tpu.memref_squeeze %dma_start3A_526 : memref<1x128x16xf32, #tpu.memory_space<vmem>> -> memref<128x16xf32, #tpu.memory_space<vmem>>
    %dma_start3A_528 = arith.constant 0 : i32
    %dma_start3A_529 = tpu.memref_slice %arg13[%dma_start3A_522, %dma_start3A_528] : memref<14x128xi32, #tpu.memory_space<vmem>> -> memref<1x128xi32, #tpu.memory_space<vmem>>
    %dma_start3A_530 = tpu.memref_squeeze %dma_start3A_529 : memref<1x128xi32, #tpu.memory_space<vmem>> -> memref<128xi32, #tpu.memory_space<vmem>>
    %dma_start3A_531 = arith.constant 0 : i32
    %dma_start3A_532 = arith.constant 0 : i32
    %dma_start3A_533 = tpu.memref_slice %arg6[%dma_start3A_531, %dma_start3A_532] : memref<1400000x16xf32, #tpu.memory_space<hbm>> -> memref<1400000x16xf32, #tpu.memory_space<hbm>>
    tpu.enqueue_indirect_dma source(%dma_start3A_533 : memref<1400000x16xf32, #tpu.memory_space<hbm>>) target(%dma_start3A_527 : memref<128x16xf32, #tpu.memory_space<vmem>>) offsets(%dma_start3A_530 : memref<128xi32, #tpu.memory_space<vmem>>) semaphore(%arg18 : memref<!tpu.dma_semaphore, #tpu.memory_space<semaphore_mem>>)
    %dma_start3A_534 = arith.constant 11 : i32
    %dma_start3A_535 = arith.constant 11 : i32
    %dma_start3A_536 = arith.constant 0 : i32
    %dma_start3A_537 = arith.constant 0 : i32
    %dma_start3A_538 = tpu.memref_slice %arg15[%dma_start3A_535, %dma_start3A_536, %dma_start3A_537] : memref<14x128x16xf32, #tpu.memory_space<vmem>> -> memref<1x128x16xf32, #tpu.memory_space<vmem>>
    %dma_start3A_539 = tpu.memref_squeeze %dma_start3A_538 : memref<1x128x16xf32, #tpu.memory_space<vmem>> -> memref<128x16xf32, #tpu.memory_space<vmem>>
    %dma_start3A_540 = arith.constant 0 : i32
    %dma_start3A_541 = tpu.memref_slice %arg13[%dma_start3A_534, %dma_start3A_540] : memref<14x128xi32, #tpu.memory_space<vmem>> -> memref<1x128xi32, #tpu.memory_space<vmem>>
    %dma_start3A_542 = tpu.memref_squeeze %dma_start3A_541 : memref<1x128xi32, #tpu.memory_space<vmem>> -> memref<128xi32, #tpu.memory_space<vmem>>
    %dma_start3A_543 = arith.constant 0 : i32
    %dma_start3A_544 = arith.constant 0 : i32
    %dma_start3A_545 = tpu.memref_slice %arg6[%dma_start3A_543, %dma_start3A_544] : memref<1400000x16xf32, #tpu.memory_space<hbm>> -> memref<1400000x16xf32, #tpu.memory_space<hbm>>
    tpu.enqueue_indirect_dma source(%dma_start3A_545 : memref<1400000x16xf32, #tpu.memory_space<hbm>>) target(%dma_start3A_539 : memref<128x16xf32, #tpu.memory_space<vmem>>) offsets(%dma_start3A_542 : memref<128xi32, #tpu.memory_space<vmem>>) semaphore(%arg18 : memref<!tpu.dma_semaphore, #tpu.memory_space<semaphore_mem>>)
    %dma_start3A_546 = arith.constant 12 : i32
    %dma_start3A_547 = arith.constant 12 : i32
    %dma_start3A_548 = arith.constant 0 : i32
    %dma_start3A_549 = arith.constant 0 : i32
    %dma_start3A_550 = tpu.memref_slice %arg15[%dma_start3A_547, %dma_start3A_548, %dma_start3A_549] : memref<14x128x16xf32, #tpu.memory_space<vmem>> -> memref<1x128x16xf32, #tpu.memory_space<vmem>>
    %dma_start3A_551 = tpu.memref_squeeze %dma_start3A_550 : memref<1x128x16xf32, #tpu.memory_space<vmem>> -> memref<128x16xf32, #tpu.memory_space<vmem>>
    %dma_start3A_552 = arith.constant 0 : i32
    %dma_start3A_553 = tpu.memref_slice %arg13[%dma_start3A_546, %dma_start3A_552] : memref<14x128xi32, #tpu.memory_space<vmem>> -> memref<1x128xi32, #tpu.memory_space<vmem>>
    %dma_start3A_554 = tpu.memref_squeeze %dma_start3A_553 : memref<1x128xi32, #tpu.memory_space<vmem>> -> memref<128xi32, #tpu.memory_space<vmem>>
    %dma_start3A_555 = arith.constant 0 : i32
    %dma_start3A_556 = arith.constant 0 : i32
    %dma_start3A_557 = tpu.memref_slice %arg6[%dma_start3A_555, %dma_start3A_556] : memref<1400000x16xf32, #tpu.memory_space<hbm>> -> memref<1400000x16xf32, #tpu.memory_space<hbm>>
    tpu.enqueue_indirect_dma source(%dma_start3A_557 : memref<1400000x16xf32, #tpu.memory_space<hbm>>) target(%dma_start3A_551 : memref<128x16xf32, #tpu.memory_space<vmem>>) offsets(%dma_start3A_554 : memref<128xi32, #tpu.memory_space<vmem>>) semaphore(%arg18 : memref<!tpu.dma_semaphore, #tpu.memory_space<semaphore_mem>>)
    %dma_start3A_558 = arith.constant 13 : i32
    %dma_start3A_559 = arith.constant 13 : i32
    %dma_start3A_560 = arith.constant 0 : i32
    %dma_start3A_561 = arith.constant 0 : i32
    %dma_start3A_562 = tpu.memref_slice %arg15[%dma_start3A_559, %dma_start3A_560, %dma_start3A_561] : memref<14x128x16xf32, #tpu.memory_space<vmem>> -> memref<1x128x16xf32, #tpu.memory_space<vmem>>
    %dma_start3A_563 = tpu.memref_squeeze %dma_start3A_562 : memref<1x128x16xf32, #tpu.memory_space<vmem>> -> memref<128x16xf32, #tpu.memory_space<vmem>>
    %dma_start3A_564 = arith.constant 0 : i32
    %dma_start3A_565 = tpu.memref_slice %arg13[%dma_start3A_558, %dma_start3A_564] : memref<14x128xi32, #tpu.memory_space<vmem>> -> memref<1x128xi32, #tpu.memory_space<vmem>>
    %dma_start3A_566 = tpu.memref_squeeze %dma_start3A_565 : memref<1x128xi32, #tpu.memory_space<vmem>> -> memref<128xi32, #tpu.memory_space<vmem>>
    %dma_start3A_567 = arith.constant 0 : i32
    %dma_start3A_568 = arith.constant 0 : i32
    %dma_start3A_569 = tpu.memref_slice %arg6[%dma_start3A_567, %dma_start3A_568] : memref<1400000x16xf32, #tpu.memory_space<hbm>> -> memref<1400000x16xf32, #tpu.memory_space<hbm>>
    tpu.enqueue_indirect_dma source(%dma_start3A_569 : memref<1400000x16xf32, #tpu.memory_space<hbm>>) target(%dma_start3A_563 : memref<128x16xf32, #tpu.memory_space<vmem>>) offsets(%dma_start3A_566 : memref<128xi32, #tpu.memory_space<vmem>>) semaphore(%arg18 : memref<!tpu.dma_semaphore, #tpu.memory_space<semaphore_mem>>)
    %dma_wait3A_570 = arith.constant 0 : i32
    %dma_wait3A_571 = arith.constant 0 : i32
    %dma_wait3A_572 = tpu.memref_slice %arg5[%dma_wait3A_570, %dma_wait3A_571] : memref<100000x128xf32, #tpu.memory_space<hbm>> -> memref<100000x128xf32, #tpu.memory_space<hbm>>
    tpu.wait_indirect_dma semaphore(%arg17 : memref<!tpu.dma_semaphore, #tpu.memory_space<semaphore_mem>>) src(%dma_wait3A_572 : memref<100000x128xf32, #tpu.memory_space<hbm>>) dst(%arg14 : memref<128x128xf32, #tpu.memory_space<vmem>>)
    "tpu.region"() ({
      %run_scoped3A = tpu.sem_alloc : memref<!tpu.dma_semaphore, #tpu.memory_space<semaphore_mem>>
      %dma_start3A_1495 = arith.constant 0 : i32
      %dma_start3A_1496 = tpu.memref_slice %arg8[%add3A_370, %dma_start3A_1495] : memref<16384x128xf32, #tpu.memory_space<hbm>> -> memref<128x128xf32, #tpu.memory_space<hbm>>
      %dma_start3A_1497 = arith.constant 0 : i32
      %dma_start3A_1498 = tpu.memref_slice %arg8[%add3A_370, %dma_start3A_1497] : memref<16384x128xf32, #tpu.memory_space<hbm>> -> memref<128x128xf32, #tpu.memory_space<hbm>>
      tpu.enqueue_dma source(%arg14 : memref<128x128xf32, #tpu.memory_space<vmem>>) target(%dma_start3A_1498 : memref<128x128xf32, #tpu.memory_space<hbm>>) target_semaphore(%run_scoped3A : memref<!tpu.dma_semaphore, #tpu.memory_space<semaphore_mem>>)
      %dma_wait3A_1499 = arith.constant 0 : i32
      %dma_wait3A_1500 = tpu.memref_slice %arg8[%add3A_370, %dma_wait3A_1499] : memref<16384x128xf32, #tpu.memory_space<hbm>> -> memref<128x128xf32, #tpu.memory_space<hbm>>
      %dma_wait3A_1501 = arith.constant 0 : i32
      %dma_wait3A_1502 = tpu.memref_slice %arg8[%add3A_370, %dma_wait3A_1501] : memref<16384x128xf32, #tpu.memory_space<hbm>> -> memref<128x128xf32, #tpu.memory_space<hbm>>
      tpu.wait_dma2 semaphore(%run_scoped3A : memref<!tpu.dma_semaphore, #tpu.memory_space<semaphore_mem>>) src(%arg14 : memref<128x128xf32, #tpu.memory_space<vmem>>) dst(%dma_wait3A_1502 : memref<128x128xf32, #tpu.memory_space<hbm>>)
      tpu.yield
    }) : () -> ()
    %dma_wait3A_573 = arith.constant 0 : i32
    %dma_wait3A_574 = tpu.memref_slice %arg7[%dma_wait3A_573] : memref<100000xi32, #tpu.memory_space<hbm>> -> memref<100000xi32, #tpu.memory_space<hbm>>
    tpu.wait_indirect_dma semaphore(%arg19 : memref<!tpu.dma_semaphore, #tpu.memory_space<semaphore_mem>>) src(%dma_wait3A_574 : memref<100000xi32, #tpu.memory_space<hbm>>) dst(%arg16 : memref<128xi32, #tpu.memory_space<vmem>>)
    "tpu.region"() ({
      %run_scoped3A = tpu.sem_alloc : memref<!tpu.dma_semaphore, #tpu.memory_space<semaphore_mem>>
      %dma_start3A_1495 = tpu.memref_slice %arg10[%add3A_370] : memref<16384xi32, #tpu.memory_space<hbm>> -> memref<128xi32, #tpu.memory_space<hbm>>
      %dma_start3A_1496 = tpu.memref_slice %arg10[%add3A_370] : memref<16384xi32, #tpu.memory_space<hbm>> -> memref<128xi32, #tpu.memory_space<hbm>>
      tpu.enqueue_dma source(%arg16 : memref<128xi32, #tpu.memory_space<vmem>>) target(%dma_start3A_1496 : memref<128xi32, #tpu.memory_space<hbm>>) target_semaphore(%run_scoped3A : memref<!tpu.dma_semaphore, #tpu.memory_space<semaphore_mem>>)
      %dma_wait3A_1497 = tpu.memref_slice %arg10[%add3A_370] : memref<16384xi32, #tpu.memory_space<hbm>> -> memref<128xi32, #tpu.memory_space<hbm>>
      %dma_wait3A_1498 = tpu.memref_slice %arg10[%add3A_370] : memref<16384xi32, #tpu.memory_space<hbm>> -> memref<128xi32, #tpu.memory_space<hbm>>
      tpu.wait_dma2 semaphore(%run_scoped3A : memref<!tpu.dma_semaphore, #tpu.memory_space<semaphore_mem>>) src(%arg16 : memref<128xi32, #tpu.memory_space<vmem>>) dst(%dma_wait3A_1498 : memref<128xi32, #tpu.memory_space<hbm>>)
      tpu.yield
    }) : () -> ()
    %dma_wait3A_575 = arith.constant 0 : i32
    %dma_wait3A_576 = arith.constant 0 : i32
    %dma_wait3A_577 = arith.constant 0 : i32
    %dma_wait3A_578 = arith.constant 0 : i32
    %dma_wait3A_579 = tpu.memref_slice %arg15[%dma_wait3A_576, %dma_wait3A_577, %dma_wait3A_578] : memref<14x128x16xf32, #tpu.memory_space<vmem>> -> memref<1x128x16xf32, #tpu.memory_space<vmem>>
    %dma_wait3A_580 = tpu.memref_squeeze %dma_wait3A_579 : memref<1x128x16xf32, #tpu.memory_space<vmem>> -> memref<128x16xf32, #tpu.memory_space<vmem>>
    %dma_wait3A_581 = arith.constant 0 : i32
    %dma_wait3A_582 = tpu.memref_slice %arg13[%dma_wait3A_575, %dma_wait3A_581] : memref<14x128xi32, #tpu.memory_space<vmem>> -> memref<1x128xi32, #tpu.memory_space<vmem>>
    %dma_wait3A_583 = tpu.memref_squeeze %dma_wait3A_582 : memref<1x128xi32, #tpu.memory_space<vmem>> -> memref<128xi32, #tpu.memory_space<vmem>>
    %dma_wait3A_584 = arith.constant 0 : i32
    %dma_wait3A_585 = arith.constant 0 : i32
    %dma_wait3A_586 = tpu.memref_slice %arg6[%dma_wait3A_584, %dma_wait3A_585] : memref<1400000x16xf32, #tpu.memory_space<hbm>> -> memref<1400000x16xf32, #tpu.memory_space<hbm>>
    tpu.wait_indirect_dma semaphore(%arg18 : memref<!tpu.dma_semaphore, #tpu.memory_space<semaphore_mem>>) src(%dma_wait3A_586 : memref<1400000x16xf32, #tpu.memory_space<hbm>>) dst(%dma_wait3A_580 : memref<128x16xf32, #tpu.memory_space<vmem>>)
    %dma_wait3A_587 = arith.constant 1 : i32
    %dma_wait3A_588 = arith.constant 1 : i32
    %dma_wait3A_589 = arith.constant 0 : i32
    %dma_wait3A_590 = arith.constant 0 : i32
    %dma_wait3A_591 = tpu.memref_slice %arg15[%dma_wait3A_588, %dma_wait3A_589, %dma_wait3A_590] : memref<14x128x16xf32, #tpu.memory_space<vmem>> -> memref<1x128x16xf32, #tpu.memory_space<vmem>>
    %dma_wait3A_592 = tpu.memref_squeeze %dma_wait3A_591 : memref<1x128x16xf32, #tpu.memory_space<vmem>> -> memref<128x16xf32, #tpu.memory_space<vmem>>
    %dma_wait3A_593 = arith.constant 0 : i32
    %dma_wait3A_594 = tpu.memref_slice %arg13[%dma_wait3A_587, %dma_wait3A_593] : memref<14x128xi32, #tpu.memory_space<vmem>> -> memref<1x128xi32, #tpu.memory_space<vmem>>
    %dma_wait3A_595 = tpu.memref_squeeze %dma_wait3A_594 : memref<1x128xi32, #tpu.memory_space<vmem>> -> memref<128xi32, #tpu.memory_space<vmem>>
    %dma_wait3A_596 = arith.constant 0 : i32
    %dma_wait3A_597 = arith.constant 0 : i32
    %dma_wait3A_598 = tpu.memref_slice %arg6[%dma_wait3A_596, %dma_wait3A_597] : memref<1400000x16xf32, #tpu.memory_space<hbm>> -> memref<1400000x16xf32, #tpu.memory_space<hbm>>
    tpu.wait_indirect_dma semaphore(%arg18 : memref<!tpu.dma_semaphore, #tpu.memory_space<semaphore_mem>>) src(%dma_wait3A_598 : memref<1400000x16xf32, #tpu.memory_space<hbm>>) dst(%dma_wait3A_592 : memref<128x16xf32, #tpu.memory_space<vmem>>)
    %dma_wait3A_599 = arith.constant 2 : i32
    %dma_wait3A_600 = arith.constant 2 : i32
    %dma_wait3A_601 = arith.constant 0 : i32
    %dma_wait3A_602 = arith.constant 0 : i32
    %dma_wait3A_603 = tpu.memref_slice %arg15[%dma_wait3A_600, %dma_wait3A_601, %dma_wait3A_602] : memref<14x128x16xf32, #tpu.memory_space<vmem>> -> memref<1x128x16xf32, #tpu.memory_space<vmem>>
    %dma_wait3A_604 = tpu.memref_squeeze %dma_wait3A_603 : memref<1x128x16xf32, #tpu.memory_space<vmem>> -> memref<128x16xf32, #tpu.memory_space<vmem>>
    %dma_wait3A_605 = arith.constant 0 : i32
    %dma_wait3A_606 = tpu.memref_slice %arg13[%dma_wait3A_599, %dma_wait3A_605] : memref<14x128xi32, #tpu.memory_space<vmem>> -> memref<1x128xi32, #tpu.memory_space<vmem>>
    %dma_wait3A_607 = tpu.memref_squeeze %dma_wait3A_606 : memref<1x128xi32, #tpu.memory_space<vmem>> -> memref<128xi32, #tpu.memory_space<vmem>>
    %dma_wait3A_608 = arith.constant 0 : i32
    %dma_wait3A_609 = arith.constant 0 : i32
    %dma_wait3A_610 = tpu.memref_slice %arg6[%dma_wait3A_608, %dma_wait3A_609] : memref<1400000x16xf32, #tpu.memory_space<hbm>> -> memref<1400000x16xf32, #tpu.memory_space<hbm>>
    tpu.wait_indirect_dma semaphore(%arg18 : memref<!tpu.dma_semaphore, #tpu.memory_space<semaphore_mem>>) src(%dma_wait3A_610 : memref<1400000x16xf32, #tpu.memory_space<hbm>>) dst(%dma_wait3A_604 : memref<128x16xf32, #tpu.memory_space<vmem>>)
    %dma_wait3A_611 = arith.constant 3 : i32
    %dma_wait3A_612 = arith.constant 3 : i32
    %dma_wait3A_613 = arith.constant 0 : i32
    %dma_wait3A_614 = arith.constant 0 : i32
    %dma_wait3A_615 = tpu.memref_slice %arg15[%dma_wait3A_612, %dma_wait3A_613, %dma_wait3A_614] : memref<14x128x16xf32, #tpu.memory_space<vmem>> -> memref<1x128x16xf32, #tpu.memory_space<vmem>>
    %dma_wait3A_616 = tpu.memref_squeeze %dma_wait3A_615 : memref<1x128x16xf32, #tpu.memory_space<vmem>> -> memref<128x16xf32, #tpu.memory_space<vmem>>
    %dma_wait3A_617 = arith.constant 0 : i32
    %dma_wait3A_618 = tpu.memref_slice %arg13[%dma_wait3A_611, %dma_wait3A_617] : memref<14x128xi32, #tpu.memory_space<vmem>> -> memref<1x128xi32, #tpu.memory_space<vmem>>
    %dma_wait3A_619 = tpu.memref_squeeze %dma_wait3A_618 : memref<1x128xi32, #tpu.memory_space<vmem>> -> memref<128xi32, #tpu.memory_space<vmem>>
    %dma_wait3A_620 = arith.constant 0 : i32
    %dma_wait3A_621 = arith.constant 0 : i32
    %dma_wait3A_622 = tpu.memref_slice %arg6[%dma_wait3A_620, %dma_wait3A_621] : memref<1400000x16xf32, #tpu.memory_space<hbm>> -> memref<1400000x16xf32, #tpu.memory_space<hbm>>
    tpu.wait_indirect_dma semaphore(%arg18 : memref<!tpu.dma_semaphore, #tpu.memory_space<semaphore_mem>>) src(%dma_wait3A_622 : memref<1400000x16xf32, #tpu.memory_space<hbm>>) dst(%dma_wait3A_616 : memref<128x16xf32, #tpu.memory_space<vmem>>)
    %dma_wait3A_623 = arith.constant 4 : i32
    %dma_wait3A_624 = arith.constant 4 : i32
    %dma_wait3A_625 = arith.constant 0 : i32
    %dma_wait3A_626 = arith.constant 0 : i32
    %dma_wait3A_627 = tpu.memref_slice %arg15[%dma_wait3A_624, %dma_wait3A_625, %dma_wait3A_626] : memref<14x128x16xf32, #tpu.memory_space<vmem>> -> memref<1x128x16xf32, #tpu.memory_space<vmem>>
    %dma_wait3A_628 = tpu.memref_squeeze %dma_wait3A_627 : memref<1x128x16xf32, #tpu.memory_space<vmem>> -> memref<128x16xf32, #tpu.memory_space<vmem>>
    %dma_wait3A_629 = arith.constant 0 : i32
    %dma_wait3A_630 = tpu.memref_slice %arg13[%dma_wait3A_623, %dma_wait3A_629] : memref<14x128xi32, #tpu.memory_space<vmem>> -> memref<1x128xi32, #tpu.memory_space<vmem>>
    %dma_wait3A_631 = tpu.memref_squeeze %dma_wait3A_630 : memref<1x128xi32, #tpu.memory_space<vmem>> -> memref<128xi32, #tpu.memory_space<vmem>>
    %dma_wait3A_632 = arith.constant 0 : i32
    %dma_wait3A_633 = arith.constant 0 : i32
    %dma_wait3A_634 = tpu.memref_slice %arg6[%dma_wait3A_632, %dma_wait3A_633] : memref<1400000x16xf32, #tpu.memory_space<hbm>> -> memref<1400000x16xf32, #tpu.memory_space<hbm>>
    tpu.wait_indirect_dma semaphore(%arg18 : memref<!tpu.dma_semaphore, #tpu.memory_space<semaphore_mem>>) src(%dma_wait3A_634 : memref<1400000x16xf32, #tpu.memory_space<hbm>>) dst(%dma_wait3A_628 : memref<128x16xf32, #tpu.memory_space<vmem>>)
    %dma_wait3A_635 = arith.constant 5 : i32
    %dma_wait3A_636 = arith.constant 5 : i32
    %dma_wait3A_637 = arith.constant 0 : i32
    %dma_wait3A_638 = arith.constant 0 : i32
    %dma_wait3A_639 = tpu.memref_slice %arg15[%dma_wait3A_636, %dma_wait3A_637, %dma_wait3A_638] : memref<14x128x16xf32, #tpu.memory_space<vmem>> -> memref<1x128x16xf32, #tpu.memory_space<vmem>>
    %dma_wait3A_640 = tpu.memref_squeeze %dma_wait3A_639 : memref<1x128x16xf32, #tpu.memory_space<vmem>> -> memref<128x16xf32, #tpu.memory_space<vmem>>
    %dma_wait3A_641 = arith.constant 0 : i32
    %dma_wait3A_642 = tpu.memref_slice %arg13[%dma_wait3A_635, %dma_wait3A_641] : memref<14x128xi32, #tpu.memory_space<vmem>> -> memref<1x128xi32, #tpu.memory_space<vmem>>
    %dma_wait3A_643 = tpu.memref_squeeze %dma_wait3A_642 : memref<1x128xi32, #tpu.memory_space<vmem>> -> memref<128xi32, #tpu.memory_space<vmem>>
    %dma_wait3A_644 = arith.constant 0 : i32
    %dma_wait3A_645 = arith.constant 0 : i32
    %dma_wait3A_646 = tpu.memref_slice %arg6[%dma_wait3A_644, %dma_wait3A_645] : memref<1400000x16xf32, #tpu.memory_space<hbm>> -> memref<1400000x16xf32, #tpu.memory_space<hbm>>
    tpu.wait_indirect_dma semaphore(%arg18 : memref<!tpu.dma_semaphore, #tpu.memory_space<semaphore_mem>>) src(%dma_wait3A_646 : memref<1400000x16xf32, #tpu.memory_space<hbm>>) dst(%dma_wait3A_640 : memref<128x16xf32, #tpu.memory_space<vmem>>)
    %dma_wait3A_647 = arith.constant 6 : i32
    %dma_wait3A_648 = arith.constant 6 : i32
    %dma_wait3A_649 = arith.constant 0 : i32
    %dma_wait3A_650 = arith.constant 0 : i32
    %dma_wait3A_651 = tpu.memref_slice %arg15[%dma_wait3A_648, %dma_wait3A_649, %dma_wait3A_650] : memref<14x128x16xf32, #tpu.memory_space<vmem>> -> memref<1x128x16xf32, #tpu.memory_space<vmem>>
    %dma_wait3A_652 = tpu.memref_squeeze %dma_wait3A_651 : memref<1x128x16xf32, #tpu.memory_space<vmem>> -> memref<128x16xf32, #tpu.memory_space<vmem>>
    %dma_wait3A_653 = arith.constant 0 : i32
    %dma_wait3A_654 = tpu.memref_slice %arg13[%dma_wait3A_647, %dma_wait3A_653] : memref<14x128xi32, #tpu.memory_space<vmem>> -> memref<1x128xi32, #tpu.memory_space<vmem>>
    %dma_wait3A_655 = tpu.memref_squeeze %dma_wait3A_654 : memref<1x128xi32, #tpu.memory_space<vmem>> -> memref<128xi32, #tpu.memory_space<vmem>>
    %dma_wait3A_656 = arith.constant 0 : i32
    %dma_wait3A_657 = arith.constant 0 : i32
    %dma_wait3A_658 = tpu.memref_slice %arg6[%dma_wait3A_656, %dma_wait3A_657] : memref<1400000x16xf32, #tpu.memory_space<hbm>> -> memref<1400000x16xf32, #tpu.memory_space<hbm>>
    tpu.wait_indirect_dma semaphore(%arg18 : memref<!tpu.dma_semaphore, #tpu.memory_space<semaphore_mem>>) src(%dma_wait3A_658 : memref<1400000x16xf32, #tpu.memory_space<hbm>>) dst(%dma_wait3A_652 : memref<128x16xf32, #tpu.memory_space<vmem>>)
    %dma_wait3A_659 = arith.constant 7 : i32
    %dma_wait3A_660 = arith.constant 7 : i32
    %dma_wait3A_661 = arith.constant 0 : i32
    %dma_wait3A_662 = arith.constant 0 : i32
    %dma_wait3A_663 = tpu.memref_slice %arg15[%dma_wait3A_660, %dma_wait3A_661, %dma_wait3A_662] : memref<14x128x16xf32, #tpu.memory_space<vmem>> -> memref<1x128x16xf32, #tpu.memory_space<vmem>>
    %dma_wait3A_664 = tpu.memref_squeeze %dma_wait3A_663 : memref<1x128x16xf32, #tpu.memory_space<vmem>> -> memref<128x16xf32, #tpu.memory_space<vmem>>
    %dma_wait3A_665 = arith.constant 0 : i32
    %dma_wait3A_666 = tpu.memref_slice %arg13[%dma_wait3A_659, %dma_wait3A_665] : memref<14x128xi32, #tpu.memory_space<vmem>> -> memref<1x128xi32, #tpu.memory_space<vmem>>
    %dma_wait3A_667 = tpu.memref_squeeze %dma_wait3A_666 : memref<1x128xi32, #tpu.memory_space<vmem>> -> memref<128xi32, #tpu.memory_space<vmem>>
    %dma_wait3A_668 = arith.constant 0 : i32
    %dma_wait3A_669 = arith.constant 0 : i32
    %dma_wait3A_670 = tpu.memref_slice %arg6[%dma_wait3A_668, %dma_wait3A_669] : memref<1400000x16xf32, #tpu.memory_space<hbm>> -> memref<1400000x16xf32, #tpu.memory_space<hbm>>
    tpu.wait_indirect_dma semaphore(%arg18 : memref<!tpu.dma_semaphore, #tpu.memory_space<semaphore_mem>>) src(%dma_wait3A_670 : memref<1400000x16xf32, #tpu.memory_space<hbm>>) dst(%dma_wait3A_664 : memref<128x16xf32, #tpu.memory_space<vmem>>)
    %dma_wait3A_671 = arith.constant 8 : i32
    %dma_wait3A_672 = arith.constant 8 : i32
    %dma_wait3A_673 = arith.constant 0 : i32
    %dma_wait3A_674 = arith.constant 0 : i32
    %dma_wait3A_675 = tpu.memref_slice %arg15[%dma_wait3A_672, %dma_wait3A_673, %dma_wait3A_674] : memref<14x128x16xf32, #tpu.memory_space<vmem>> -> memref<1x128x16xf32, #tpu.memory_space<vmem>>
    %dma_wait3A_676 = tpu.memref_squeeze %dma_wait3A_675 : memref<1x128x16xf32, #tpu.memory_space<vmem>> -> memref<128x16xf32, #tpu.memory_space<vmem>>
    %dma_wait3A_677 = arith.constant 0 : i32
    %dma_wait3A_678 = tpu.memref_slice %arg13[%dma_wait3A_671, %dma_wait3A_677] : memref<14x128xi32, #tpu.memory_space<vmem>> -> memref<1x128xi32, #tpu.memory_space<vmem>>
    %dma_wait3A_679 = tpu.memref_squeeze %dma_wait3A_678 : memref<1x128xi32, #tpu.memory_space<vmem>> -> memref<128xi32, #tpu.memory_space<vmem>>
    %dma_wait3A_680 = arith.constant 0 : i32
    %dma_wait3A_681 = arith.constant 0 : i32
    %dma_wait3A_682 = tpu.memref_slice %arg6[%dma_wait3A_680, %dma_wait3A_681] : memref<1400000x16xf32, #tpu.memory_space<hbm>> -> memref<1400000x16xf32, #tpu.memory_space<hbm>>
    tpu.wait_indirect_dma semaphore(%arg18 : memref<!tpu.dma_semaphore, #tpu.memory_space<semaphore_mem>>) src(%dma_wait3A_682 : memref<1400000x16xf32, #tpu.memory_space<hbm>>) dst(%dma_wait3A_676 : memref<128x16xf32, #tpu.memory_space<vmem>>)
    %dma_wait3A_683 = arith.constant 9 : i32
    %dma_wait3A_684 = arith.constant 9 : i32
    %dma_wait3A_685 = arith.constant 0 : i32
    %dma_wait3A_686 = arith.constant 0 : i32
    %dma_wait3A_687 = tpu.memref_slice %arg15[%dma_wait3A_684, %dma_wait3A_685, %dma_wait3A_686] : memref<14x128x16xf32, #tpu.memory_space<vmem>> -> memref<1x128x16xf32, #tpu.memory_space<vmem>>
    %dma_wait3A_688 = tpu.memref_squeeze %dma_wait3A_687 : memref<1x128x16xf32, #tpu.memory_space<vmem>> -> memref<128x16xf32, #tpu.memory_space<vmem>>
    %dma_wait3A_689 = arith.constant 0 : i32
    %dma_wait3A_690 = tpu.memref_slice %arg13[%dma_wait3A_683, %dma_wait3A_689] : memref<14x128xi32, #tpu.memory_space<vmem>> -> memref<1x128xi32, #tpu.memory_space<vmem>>
    %dma_wait3A_691 = tpu.memref_squeeze %dma_wait3A_690 : memref<1x128xi32, #tpu.memory_space<vmem>> -> memref<128xi32, #tpu.memory_space<vmem>>
    %dma_wait3A_692 = arith.constant 0 : i32
    %dma_wait3A_693 = arith.constant 0 : i32
    %dma_wait3A_694 = tpu.memref_slice %arg6[%dma_wait3A_692, %dma_wait3A_693] : memref<1400000x16xf32, #tpu.memory_space<hbm>> -> memref<1400000x16xf32, #tpu.memory_space<hbm>>
    tpu.wait_indirect_dma semaphore(%arg18 : memref<!tpu.dma_semaphore, #tpu.memory_space<semaphore_mem>>) src(%dma_wait3A_694 : memref<1400000x16xf32, #tpu.memory_space<hbm>>) dst(%dma_wait3A_688 : memref<128x16xf32, #tpu.memory_space<vmem>>)
    %dma_wait3A_695 = arith.constant 10 : i32
    %dma_wait3A_696 = arith.constant 10 : i32
    %dma_wait3A_697 = arith.constant 0 : i32
    %dma_wait3A_698 = arith.constant 0 : i32
    %dma_wait3A_699 = tpu.memref_slice %arg15[%dma_wait3A_696, %dma_wait3A_697, %dma_wait3A_698] : memref<14x128x16xf32, #tpu.memory_space<vmem>> -> memref<1x128x16xf32, #tpu.memory_space<vmem>>
    %dma_wait3A_700 = tpu.memref_squeeze %dma_wait3A_699 : memref<1x128x16xf32, #tpu.memory_space<vmem>> -> memref<128x16xf32, #tpu.memory_space<vmem>>
    %dma_wait3A_701 = arith.constant 0 : i32
    %dma_wait3A_702 = tpu.memref_slice %arg13[%dma_wait3A_695, %dma_wait3A_701] : memref<14x128xi32, #tpu.memory_space<vmem>> -> memref<1x128xi32, #tpu.memory_space<vmem>>
    %dma_wait3A_703 = tpu.memref_squeeze %dma_wait3A_702 : memref<1x128xi32, #tpu.memory_space<vmem>> -> memref<128xi32, #tpu.memory_space<vmem>>
    %dma_wait3A_704 = arith.constant 0 : i32
    %dma_wait3A_705 = arith.constant 0 : i32
    %dma_wait3A_706 = tpu.memref_slice %arg6[%dma_wait3A_704, %dma_wait3A_705] : memref<1400000x16xf32, #tpu.memory_space<hbm>> -> memref<1400000x16xf32, #tpu.memory_space<hbm>>
    tpu.wait_indirect_dma semaphore(%arg18 : memref<!tpu.dma_semaphore, #tpu.memory_space<semaphore_mem>>) src(%dma_wait3A_706 : memref<1400000x16xf32, #tpu.memory_space<hbm>>) dst(%dma_wait3A_700 : memref<128x16xf32, #tpu.memory_space<vmem>>)
    %dma_wait3A_707 = arith.constant 11 : i32
    %dma_wait3A_708 = arith.constant 11 : i32
    %dma_wait3A_709 = arith.constant 0 : i32
    %dma_wait3A_710 = arith.constant 0 : i32
    %dma_wait3A_711 = tpu.memref_slice %arg15[%dma_wait3A_708, %dma_wait3A_709, %dma_wait3A_710] : memref<14x128x16xf32, #tpu.memory_space<vmem>> -> memref<1x128x16xf32, #tpu.memory_space<vmem>>
    %dma_wait3A_712 = tpu.memref_squeeze %dma_wait3A_711 : memref<1x128x16xf32, #tpu.memory_space<vmem>> -> memref<128x16xf32, #tpu.memory_space<vmem>>
    %dma_wait3A_713 = arith.constant 0 : i32
    %dma_wait3A_714 = tpu.memref_slice %arg13[%dma_wait3A_707, %dma_wait3A_713] : memref<14x128xi32, #tpu.memory_space<vmem>> -> memref<1x128xi32, #tpu.memory_space<vmem>>
    %dma_wait3A_715 = tpu.memref_squeeze %dma_wait3A_714 : memref<1x128xi32, #tpu.memory_space<vmem>> -> memref<128xi32, #tpu.memory_space<vmem>>
    %dma_wait3A_716 = arith.constant 0 : i32
    %dma_wait3A_717 = arith.constant 0 : i32
    %dma_wait3A_718 = tpu.memref_slice %arg6[%dma_wait3A_716, %dma_wait3A_717] : memref<1400000x16xf32, #tpu.memory_space<hbm>> -> memref<1400000x16xf32, #tpu.memory_space<hbm>>
    tpu.wait_indirect_dma semaphore(%arg18 : memref<!tpu.dma_semaphore, #tpu.memory_space<semaphore_mem>>) src(%dma_wait3A_718 : memref<1400000x16xf32, #tpu.memory_space<hbm>>) dst(%dma_wait3A_712 : memref<128x16xf32, #tpu.memory_space<vmem>>)
    %dma_wait3A_719 = arith.constant 12 : i32
    %dma_wait3A_720 = arith.constant 12 : i32
    %dma_wait3A_721 = arith.constant 0 : i32
    %dma_wait3A_722 = arith.constant 0 : i32
    %dma_wait3A_723 = tpu.memref_slice %arg15[%dma_wait3A_720, %dma_wait3A_721, %dma_wait3A_722] : memref<14x128x16xf32, #tpu.memory_space<vmem>> -> memref<1x128x16xf32, #tpu.memory_space<vmem>>
    %dma_wait3A_724 = tpu.memref_squeeze %dma_wait3A_723 : memref<1x128x16xf32, #tpu.memory_space<vmem>> -> memref<128x16xf32, #tpu.memory_space<vmem>>
    %dma_wait3A_725 = arith.constant 0 : i32
    %dma_wait3A_726 = tpu.memref_slice %arg13[%dma_wait3A_719, %dma_wait3A_725] : memref<14x128xi32, #tpu.memory_space<vmem>> -> memref<1x128xi32, #tpu.memory_space<vmem>>
    %dma_wait3A_727 = tpu.memref_squeeze %dma_wait3A_726 : memref<1x128xi32, #tpu.memory_space<vmem>> -> memref<128xi32, #tpu.memory_space<vmem>>
    %dma_wait3A_728 = arith.constant 0 : i32
    %dma_wait3A_729 = arith.constant 0 : i32
    %dma_wait3A_730 = tpu.memref_slice %arg6[%dma_wait3A_728, %dma_wait3A_729] : memref<1400000x16xf32, #tpu.memory_space<hbm>> -> memref<1400000x16xf32, #tpu.memory_space<hbm>>
    tpu.wait_indirect_dma semaphore(%arg18 : memref<!tpu.dma_semaphore, #tpu.memory_space<semaphore_mem>>) src(%dma_wait3A_730 : memref<1400000x16xf32, #tpu.memory_space<hbm>>) dst(%dma_wait3A_724 : memref<128x16xf32, #tpu.memory_space<vmem>>)
    %dma_wait3A_731 = arith.constant 13 : i32
    %dma_wait3A_732 = arith.constant 13 : i32
    %dma_wait3A_733 = arith.constant 0 : i32
    %dma_wait3A_734 = arith.constant 0 : i32
    %dma_wait3A_735 = tpu.memref_slice %arg15[%dma_wait3A_732, %dma_wait3A_733, %dma_wait3A_734] : memref<14x128x16xf32, #tpu.memory_space<vmem>> -> memref<1x128x16xf32, #tpu.memory_space<vmem>>
    %dma_wait3A_736 = tpu.memref_squeeze %dma_wait3A_735 : memref<1x128x16xf32, #tpu.memory_space<vmem>> -> memref<128x16xf32, #tpu.memory_space<vmem>>
    %dma_wait3A_737 = arith.constant 0 : i32
    %dma_wait3A_738 = tpu.memref_slice %arg13[%dma_wait3A_731, %dma_wait3A_737] : memref<14x128xi32, #tpu.memory_space<vmem>> -> memref<1x128xi32, #tpu.memory_space<vmem>>
    %dma_wait3A_739 = tpu.memref_squeeze %dma_wait3A_738 : memref<1x128xi32, #tpu.memory_space<vmem>> -> memref<128xi32, #tpu.memory_space<vmem>>
    %dma_wait3A_740 = arith.constant 0 : i32
    %dma_wait3A_741 = arith.constant 0 : i32
    %dma_wait3A_742 = tpu.memref_slice %arg6[%dma_wait3A_740, %dma_wait3A_741] : memref<1400000x16xf32, #tpu.memory_space<hbm>> -> memref<1400000x16xf32, #tpu.memory_space<hbm>>
    tpu.wait_indirect_dma semaphore(%arg18 : memref<!tpu.dma_semaphore, #tpu.memory_space<semaphore_mem>>) src(%dma_wait3A_742 : memref<1400000x16xf32, #tpu.memory_space<hbm>>) dst(%dma_wait3A_736 : memref<128x16xf32, #tpu.memory_space<vmem>>)
    "tpu.region"() ({
      %run_scoped3A = tpu.sem_alloc : memref<!tpu.dma_semaphore, #tpu.memory_space<semaphore_mem>>
      %dma_start3A_1495 = arith.constant 0 : i32
      %dma_start3A_1496 = arith.constant 0 : i32
      %dma_start3A_1497 = tpu.memref_slice %arg9[%select_n3A_396, %dma_start3A_1495, %dma_start3A_1496] : memref<1792x128x16xf32, #tpu.memory_space<hbm>> -> memref<14x128x16xf32, #tpu.memory_space<hbm>>
      %dma_start3A_1498 = arith.constant 0 : i32
      %dma_start3A_1499 = arith.constant 0 : i32
      %dma_start3A_1500 = tpu.memref_slice %arg9[%select_n3A_396, %dma_start3A_1498, %dma_start3A_1499] : memref<1792x128x16xf32, #tpu.memory_space<hbm>> -> memref<14x128x16xf32, #tpu.memory_space<hbm>>
      tpu.enqueue_dma source(%arg15 : memref<14x128x16xf32, #tpu.memory_space<vmem>>) target(%dma_start3A_1500 : memref<14x128x16xf32, #tpu.memory_space<hbm>>) target_semaphore(%run_scoped3A : memref<!tpu.dma_semaphore, #tpu.memory_space<semaphore_mem>>)
      %dma_wait3A_1501 = arith.constant 0 : i32
      %dma_wait3A_1502 = arith.constant 0 : i32
      %dma_wait3A_1503 = tpu.memref_slice %arg9[%select_n3A_396, %dma_wait3A_1501, %dma_wait3A_1502] : memref<1792x128x16xf32, #tpu.memory_space<hbm>> -> memref<14x128x16xf32, #tpu.memory_space<hbm>>
      %dma_wait3A_1504 = arith.constant 0 : i32
      %dma_wait3A_1505 = arith.constant 0 : i32
      %dma_wait3A_1506 = tpu.memref_slice %arg9[%select_n3A_396, %dma_wait3A_1504, %dma_wait3A_1505] : memref<1792x128x16xf32, #tpu.memory_space<hbm>> -> memref<14x128x16xf32, #tpu.memory_space<hbm>>
      tpu.wait_dma2 semaphore(%run_scoped3A : memref<!tpu.dma_semaphore, #tpu.memory_space<semaphore_mem>>) src(%arg15 : memref<14x128x16xf32, #tpu.memory_space<vmem>>) dst(%dma_wait3A_1506 : memref<14x128x16xf32, #tpu.memory_space<hbm>>)
      tpu.yield
    }) : () -> ()
    %mul3A_743 = arith.constant 512 : i32
    %mul3A_744 = arith.muli %add3A, %mul3A_743 : i32
    %add3A_745 = arith.constant 256 : i32
    %add3A_746 = arith.addi %mul3A_744, %add3A_745 : i32
    %mul3A_747 = arith.constant 14 : i32
    %mul3A_748 = arith.muli %add3A_746, %mul3A_747 : i32
    %jit3A_749 = arith.constant 128 : i32
    %div3A_750 = arith.divsi %mul3A_748, %jit3A_749 : i32
    %sign3A_751 = arith.constant 0 : i32
    %sign3A_752 = arith.cmpi sgt, %mul3A_748, %sign3A_751 : i32
    %sign3A_753 = arith.extui %sign3A_752 : i1 to i32
    %sign3A_754 = arith.constant 0 : i32
    %sign3A_755 = arith.cmpi slt, %mul3A_748, %sign3A_754 : i32
    %sign3A_756 = arith.extui %sign3A_755 : i1 to i32
    %sign3A_757 = arith.subi %sign3A_753, %sign3A_756 : i32
    %sign3A_758 = arith.constant 0 : i32
    %sign3A_759 = arith.cmpi sgt, %jit3A_749, %sign3A_758 : i32
    %sign3A_760 = arith.extui %sign3A_759 : i1 to i32
    %sign3A_761 = arith.constant 0 : i32
    %sign3A_762 = arith.cmpi slt, %jit3A_749, %sign3A_761 : i32
    %sign3A_763 = arith.extui %sign3A_762 : i1 to i32
    %sign3A_764 = arith.subi %sign3A_760, %sign3A_763 : i32
    %ne3A_765 = arith.cmpi ne, %sign3A_757, %sign3A_764 : i32
    %rem3A_766 = arith.remsi %mul3A_748, %jit3A_749 : i32
    %ne3A_767 = arith.constant 0 : i32
    %ne3A_768 = arith.cmpi ne, %rem3A_766, %ne3A_767 : i32
    %and3A_769 = arith.andi %ne3A_765, %ne3A_768 : i1
    %sub3A_770 = arith.constant 1 : i32
    %sub3A_771 = arith.subi %div3A_750, %sub3A_770 : i32
    %select_n3A_772 = arith.select %and3A_769, %sub3A_771, %div3A_750 : i32
    "tpu.region"() ({
      %run_scoped3A = tpu.sem_alloc : memref<!tpu.dma_semaphore, #tpu.memory_space<semaphore_mem>>
      %dma_start3A_1495 = tpu.memref_slice %arg2[%add3A_746] : memref<16384xi32, #tpu.memory_space<hbm>> -> memref<128xi32, #tpu.memory_space<hbm>>
      %dma_start3A_1496 = tpu.memref_slice %arg2[%add3A_746] : memref<16384xi32, #tpu.memory_space<hbm>> -> memref<128xi32, #tpu.memory_space<hbm>>
      tpu.enqueue_dma source(%dma_start3A_1496 : memref<128xi32, #tpu.memory_space<hbm>>) target(%arg11 : memref<128xi32, #tpu.memory_space<vmem>>) target_semaphore(%run_scoped3A : memref<!tpu.dma_semaphore, #tpu.memory_space<semaphore_mem>>)
      %dma_wait3A_1497 = tpu.memref_slice %arg2[%add3A_746] : memref<16384xi32, #tpu.memory_space<hbm>> -> memref<128xi32, #tpu.memory_space<hbm>>
      %dma_wait3A_1498 = tpu.memref_slice %arg2[%add3A_746] : memref<16384xi32, #tpu.memory_space<hbm>> -> memref<128xi32, #tpu.memory_space<hbm>>
      tpu.wait_dma2 semaphore(%run_scoped3A : memref<!tpu.dma_semaphore, #tpu.memory_space<semaphore_mem>>) src(%dma_wait3A_1498 : memref<128xi32, #tpu.memory_space<hbm>>) dst(%arg11 : memref<128xi32, #tpu.memory_space<vmem>>)
      tpu.yield
    }) : () -> ()
    %dma_start3A_773 = arith.constant 0 : i32
    %dma_start3A_774 = arith.constant 0 : i32
    %dma_start3A_775 = tpu.memref_slice %arg5[%dma_start3A_773, %dma_start3A_774] : memref<100000x128xf32, #tpu.memory_space<hbm>> -> memref<100000x128xf32, #tpu.memory_space<hbm>>
    tpu.enqueue_indirect_dma source(%dma_start3A_775 : memref<100000x128xf32, #tpu.memory_space<hbm>>) target(%arg14 : memref<128x128xf32, #tpu.memory_space<vmem>>) offsets(%arg11 : memref<128xi32, #tpu.memory_space<vmem>>) semaphore(%arg17 : memref<!tpu.dma_semaphore, #tpu.memory_space<semaphore_mem>>)
    "tpu.region"() ({
      %run_scoped3A = tpu.sem_alloc : memref<!tpu.dma_semaphore, #tpu.memory_space<semaphore_mem>>
      %dma_start3A_1495 = tpu.memref_slice %arg3[%add3A_746] : memref<16384xi32, #tpu.memory_space<hbm>> -> memref<128xi32, #tpu.memory_space<hbm>>
      %dma_start3A_1496 = tpu.memref_slice %arg3[%add3A_746] : memref<16384xi32, #tpu.memory_space<hbm>> -> memref<128xi32, #tpu.memory_space<hbm>>
      tpu.enqueue_dma source(%dma_start3A_1496 : memref<128xi32, #tpu.memory_space<hbm>>) target(%arg12 : memref<128xi32, #tpu.memory_space<vmem>>) target_semaphore(%run_scoped3A : memref<!tpu.dma_semaphore, #tpu.memory_space<semaphore_mem>>)
      %dma_wait3A_1497 = tpu.memref_slice %arg3[%add3A_746] : memref<16384xi32, #tpu.memory_space<hbm>> -> memref<128xi32, #tpu.memory_space<hbm>>
      %dma_wait3A_1498 = tpu.memref_slice %arg3[%add3A_746] : memref<16384xi32, #tpu.memory_space<hbm>> -> memref<128xi32, #tpu.memory_space<hbm>>
      tpu.wait_dma2 semaphore(%run_scoped3A : memref<!tpu.dma_semaphore, #tpu.memory_space<semaphore_mem>>) src(%dma_wait3A_1498 : memref<128xi32, #tpu.memory_space<hbm>>) dst(%arg12 : memref<128xi32, #tpu.memory_space<vmem>>)
      tpu.yield
    }) : () -> ()
    %dma_start3A_776 = arith.constant 0 : i32
    %dma_start3A_777 = tpu.memref_slice %arg7[%dma_start3A_776] : memref<100000xi32, #tpu.memory_space<hbm>> -> memref<100000xi32, #tpu.memory_space<hbm>>
    tpu.enqueue_indirect_dma source(%dma_start3A_777 : memref<100000xi32, #tpu.memory_space<hbm>>) target(%arg16 : memref<128xi32, #tpu.memory_space<vmem>>) offsets(%arg12 : memref<128xi32, #tpu.memory_space<vmem>>) semaphore(%arg19 : memref<!tpu.dma_semaphore, #tpu.memory_space<semaphore_mem>>)
    "tpu.region"() ({
      %run_scoped3A = tpu.sem_alloc : memref<!tpu.dma_semaphore, #tpu.memory_space<semaphore_mem>>
      %dma_start3A_1495 = arith.constant 0 : i32
      %dma_start3A_1496 = tpu.memref_slice %arg4[%select_n3A_772, %dma_start3A_1495] : memref<1792x128xi32, #tpu.memory_space<hbm>> -> memref<14x128xi32, #tpu.memory_space<hbm>>
      %dma_start3A_1497 = arith.constant 0 : i32
      %dma_start3A_1498 = tpu.memref_slice %arg4[%select_n3A_772, %dma_start3A_1497] : memref<1792x128xi32, #tpu.memory_space<hbm>> -> memref<14x128xi32, #tpu.memory_space<hbm>>
      tpu.enqueue_dma source(%dma_start3A_1498 : memref<14x128xi32, #tpu.memory_space<hbm>>) target(%arg13 : memref<14x128xi32, #tpu.memory_space<vmem>>) target_semaphore(%run_scoped3A : memref<!tpu.dma_semaphore, #tpu.memory_space<semaphore_mem>>)
      %dma_wait3A_1499 = arith.constant 0 : i32
      %dma_wait3A_1500 = tpu.memref_slice %arg4[%select_n3A_772, %dma_wait3A_1499] : memref<1792x128xi32, #tpu.memory_space<hbm>> -> memref<14x128xi32, #tpu.memory_space<hbm>>
      %dma_wait3A_1501 = arith.constant 0 : i32
      %dma_wait3A_1502 = tpu.memref_slice %arg4[%select_n3A_772, %dma_wait3A_1501] : memref<1792x128xi32, #tpu.memory_space<hbm>> -> memref<14x128xi32, #tpu.memory_space<hbm>>
      tpu.wait_dma2 semaphore(%run_scoped3A : memref<!tpu.dma_semaphore, #tpu.memory_space<semaphore_mem>>) src(%dma_wait3A_1502 : memref<14x128xi32, #tpu.memory_space<hbm>>) dst(%arg13 : memref<14x128xi32, #tpu.memory_space<vmem>>)
      tpu.yield
    }) : () -> ()
    %dma_start3A_778 = arith.constant 0 : i32
    %dma_start3A_779 = arith.constant 0 : i32
    %dma_start3A_780 = arith.constant 0 : i32
    %dma_start3A_781 = arith.constant 0 : i32
    %dma_start3A_782 = tpu.memref_slice %arg15[%dma_start3A_779, %dma_start3A_780, %dma_start3A_781] : memref<14x128x16xf32, #tpu.memory_space<vmem>> -> memref<1x128x16xf32, #tpu.memory_space<vmem>>
    %dma_start3A_783 = tpu.memref_squeeze %dma_start3A_782 : memref<1x128x16xf32, #tpu.memory_space<vmem>> -> memref<128x16xf32, #tpu.memory_space<vmem>>
    %dma_start3A_784 = arith.constant 0 : i32
    %dma_start3A_785 = tpu.memref_slice %arg13[%dma_start3A_778, %dma_start3A_784] : memref<14x128xi32, #tpu.memory_space<vmem>> -> memref<1x128xi32, #tpu.memory_space<vmem>>
    %dma_start3A_786 = tpu.memref_squeeze %dma_start3A_785 : memref<1x128xi32, #tpu.memory_space<vmem>> -> memref<128xi32, #tpu.memory_space<vmem>>
    %dma_start3A_787 = arith.constant 0 : i32
    %dma_start3A_788 = arith.constant 0 : i32
    %dma_start3A_789 = tpu.memref_slice %arg6[%dma_start3A_787, %dma_start3A_788] : memref<1400000x16xf32, #tpu.memory_space<hbm>> -> memref<1400000x16xf32, #tpu.memory_space<hbm>>
    tpu.enqueue_indirect_dma source(%dma_start3A_789 : memref<1400000x16xf32, #tpu.memory_space<hbm>>) target(%dma_start3A_783 : memref<128x16xf32, #tpu.memory_space<vmem>>) offsets(%dma_start3A_786 : memref<128xi32, #tpu.memory_space<vmem>>) semaphore(%arg18 : memref<!tpu.dma_semaphore, #tpu.memory_space<semaphore_mem>>)
    %dma_start3A_790 = arith.constant 1 : i32
    %dma_start3A_791 = arith.constant 1 : i32
    %dma_start3A_792 = arith.constant 0 : i32
    %dma_start3A_793 = arith.constant 0 : i32
    %dma_start3A_794 = tpu.memref_slice %arg15[%dma_start3A_791, %dma_start3A_792, %dma_start3A_793] : memref<14x128x16xf32, #tpu.memory_space<vmem>> -> memref<1x128x16xf32, #tpu.memory_space<vmem>>
    %dma_start3A_795 = tpu.memref_squeeze %dma_start3A_794 : memref<1x128x16xf32, #tpu.memory_space<vmem>> -> memref<128x16xf32, #tpu.memory_space<vmem>>
    %dma_start3A_796 = arith.constant 0 : i32
    %dma_start3A_797 = tpu.memref_slice %arg13[%dma_start3A_790, %dma_start3A_796] : memref<14x128xi32, #tpu.memory_space<vmem>> -> memref<1x128xi32, #tpu.memory_space<vmem>>
    %dma_start3A_798 = tpu.memref_squeeze %dma_start3A_797 : memref<1x128xi32, #tpu.memory_space<vmem>> -> memref<128xi32, #tpu.memory_space<vmem>>
    %dma_start3A_799 = arith.constant 0 : i32
    %dma_start3A_800 = arith.constant 0 : i32
    %dma_start3A_801 = tpu.memref_slice %arg6[%dma_start3A_799, %dma_start3A_800] : memref<1400000x16xf32, #tpu.memory_space<hbm>> -> memref<1400000x16xf32, #tpu.memory_space<hbm>>
    tpu.enqueue_indirect_dma source(%dma_start3A_801 : memref<1400000x16xf32, #tpu.memory_space<hbm>>) target(%dma_start3A_795 : memref<128x16xf32, #tpu.memory_space<vmem>>) offsets(%dma_start3A_798 : memref<128xi32, #tpu.memory_space<vmem>>) semaphore(%arg18 : memref<!tpu.dma_semaphore, #tpu.memory_space<semaphore_mem>>)
    %dma_start3A_802 = arith.constant 2 : i32
    %dma_start3A_803 = arith.constant 2 : i32
    %dma_start3A_804 = arith.constant 0 : i32
    %dma_start3A_805 = arith.constant 0 : i32
    %dma_start3A_806 = tpu.memref_slice %arg15[%dma_start3A_803, %dma_start3A_804, %dma_start3A_805] : memref<14x128x16xf32, #tpu.memory_space<vmem>> -> memref<1x128x16xf32, #tpu.memory_space<vmem>>
    %dma_start3A_807 = tpu.memref_squeeze %dma_start3A_806 : memref<1x128x16xf32, #tpu.memory_space<vmem>> -> memref<128x16xf32, #tpu.memory_space<vmem>>
    %dma_start3A_808 = arith.constant 0 : i32
    %dma_start3A_809 = tpu.memref_slice %arg13[%dma_start3A_802, %dma_start3A_808] : memref<14x128xi32, #tpu.memory_space<vmem>> -> memref<1x128xi32, #tpu.memory_space<vmem>>
    %dma_start3A_810 = tpu.memref_squeeze %dma_start3A_809 : memref<1x128xi32, #tpu.memory_space<vmem>> -> memref<128xi32, #tpu.memory_space<vmem>>
    %dma_start3A_811 = arith.constant 0 : i32
    %dma_start3A_812 = arith.constant 0 : i32
    %dma_start3A_813 = tpu.memref_slice %arg6[%dma_start3A_811, %dma_start3A_812] : memref<1400000x16xf32, #tpu.memory_space<hbm>> -> memref<1400000x16xf32, #tpu.memory_space<hbm>>
    tpu.enqueue_indirect_dma source(%dma_start3A_813 : memref<1400000x16xf32, #tpu.memory_space<hbm>>) target(%dma_start3A_807 : memref<128x16xf32, #tpu.memory_space<vmem>>) offsets(%dma_start3A_810 : memref<128xi32, #tpu.memory_space<vmem>>) semaphore(%arg18 : memref<!tpu.dma_semaphore, #tpu.memory_space<semaphore_mem>>)
    %dma_start3A_814 = arith.constant 3 : i32
    %dma_start3A_815 = arith.constant 3 : i32
    %dma_start3A_816 = arith.constant 0 : i32
    %dma_start3A_817 = arith.constant 0 : i32
    %dma_start3A_818 = tpu.memref_slice %arg15[%dma_start3A_815, %dma_start3A_816, %dma_start3A_817] : memref<14x128x16xf32, #tpu.memory_space<vmem>> -> memref<1x128x16xf32, #tpu.memory_space<vmem>>
    %dma_start3A_819 = tpu.memref_squeeze %dma_start3A_818 : memref<1x128x16xf32, #tpu.memory_space<vmem>> -> memref<128x16xf32, #tpu.memory_space<vmem>>
    %dma_start3A_820 = arith.constant 0 : i32
    %dma_start3A_821 = tpu.memref_slice %arg13[%dma_start3A_814, %dma_start3A_820] : memref<14x128xi32, #tpu.memory_space<vmem>> -> memref<1x128xi32, #tpu.memory_space<vmem>>
    %dma_start3A_822 = tpu.memref_squeeze %dma_start3A_821 : memref<1x128xi32, #tpu.memory_space<vmem>> -> memref<128xi32, #tpu.memory_space<vmem>>
    %dma_start3A_823 = arith.constant 0 : i32
    %dma_start3A_824 = arith.constant 0 : i32
    %dma_start3A_825 = tpu.memref_slice %arg6[%dma_start3A_823, %dma_start3A_824] : memref<1400000x16xf32, #tpu.memory_space<hbm>> -> memref<1400000x16xf32, #tpu.memory_space<hbm>>
    tpu.enqueue_indirect_dma source(%dma_start3A_825 : memref<1400000x16xf32, #tpu.memory_space<hbm>>) target(%dma_start3A_819 : memref<128x16xf32, #tpu.memory_space<vmem>>) offsets(%dma_start3A_822 : memref<128xi32, #tpu.memory_space<vmem>>) semaphore(%arg18 : memref<!tpu.dma_semaphore, #tpu.memory_space<semaphore_mem>>)
    %dma_start3A_826 = arith.constant 4 : i32
    %dma_start3A_827 = arith.constant 4 : i32
    %dma_start3A_828 = arith.constant 0 : i32
    %dma_start3A_829 = arith.constant 0 : i32
    %dma_start3A_830 = tpu.memref_slice %arg15[%dma_start3A_827, %dma_start3A_828, %dma_start3A_829] : memref<14x128x16xf32, #tpu.memory_space<vmem>> -> memref<1x128x16xf32, #tpu.memory_space<vmem>>
    %dma_start3A_831 = tpu.memref_squeeze %dma_start3A_830 : memref<1x128x16xf32, #tpu.memory_space<vmem>> -> memref<128x16xf32, #tpu.memory_space<vmem>>
    %dma_start3A_832 = arith.constant 0 : i32
    %dma_start3A_833 = tpu.memref_slice %arg13[%dma_start3A_826, %dma_start3A_832] : memref<14x128xi32, #tpu.memory_space<vmem>> -> memref<1x128xi32, #tpu.memory_space<vmem>>
    %dma_start3A_834 = tpu.memref_squeeze %dma_start3A_833 : memref<1x128xi32, #tpu.memory_space<vmem>> -> memref<128xi32, #tpu.memory_space<vmem>>
    %dma_start3A_835 = arith.constant 0 : i32
    %dma_start3A_836 = arith.constant 0 : i32
    %dma_start3A_837 = tpu.memref_slice %arg6[%dma_start3A_835, %dma_start3A_836] : memref<1400000x16xf32, #tpu.memory_space<hbm>> -> memref<1400000x16xf32, #tpu.memory_space<hbm>>
    tpu.enqueue_indirect_dma source(%dma_start3A_837 : memref<1400000x16xf32, #tpu.memory_space<hbm>>) target(%dma_start3A_831 : memref<128x16xf32, #tpu.memory_space<vmem>>) offsets(%dma_start3A_834 : memref<128xi32, #tpu.memory_space<vmem>>) semaphore(%arg18 : memref<!tpu.dma_semaphore, #tpu.memory_space<semaphore_mem>>)
    %dma_start3A_838 = arith.constant 5 : i32
    %dma_start3A_839 = arith.constant 5 : i32
    %dma_start3A_840 = arith.constant 0 : i32
    %dma_start3A_841 = arith.constant 0 : i32
    %dma_start3A_842 = tpu.memref_slice %arg15[%dma_start3A_839, %dma_start3A_840, %dma_start3A_841] : memref<14x128x16xf32, #tpu.memory_space<vmem>> -> memref<1x128x16xf32, #tpu.memory_space<vmem>>
    %dma_start3A_843 = tpu.memref_squeeze %dma_start3A_842 : memref<1x128x16xf32, #tpu.memory_space<vmem>> -> memref<128x16xf32, #tpu.memory_space<vmem>>
    %dma_start3A_844 = arith.constant 0 : i32
    %dma_start3A_845 = tpu.memref_slice %arg13[%dma_start3A_838, %dma_start3A_844] : memref<14x128xi32, #tpu.memory_space<vmem>> -> memref<1x128xi32, #tpu.memory_space<vmem>>
    %dma_start3A_846 = tpu.memref_squeeze %dma_start3A_845 : memref<1x128xi32, #tpu.memory_space<vmem>> -> memref<128xi32, #tpu.memory_space<vmem>>
    %dma_start3A_847 = arith.constant 0 : i32
    %dma_start3A_848 = arith.constant 0 : i32
    %dma_start3A_849 = tpu.memref_slice %arg6[%dma_start3A_847, %dma_start3A_848] : memref<1400000x16xf32, #tpu.memory_space<hbm>> -> memref<1400000x16xf32, #tpu.memory_space<hbm>>
    tpu.enqueue_indirect_dma source(%dma_start3A_849 : memref<1400000x16xf32, #tpu.memory_space<hbm>>) target(%dma_start3A_843 : memref<128x16xf32, #tpu.memory_space<vmem>>) offsets(%dma_start3A_846 : memref<128xi32, #tpu.memory_space<vmem>>) semaphore(%arg18 : memref<!tpu.dma_semaphore, #tpu.memory_space<semaphore_mem>>)
    %dma_start3A_850 = arith.constant 6 : i32
    %dma_start3A_851 = arith.constant 6 : i32
    %dma_start3A_852 = arith.constant 0 : i32
    %dma_start3A_853 = arith.constant 0 : i32
    %dma_start3A_854 = tpu.memref_slice %arg15[%dma_start3A_851, %dma_start3A_852, %dma_start3A_853] : memref<14x128x16xf32, #tpu.memory_space<vmem>> -> memref<1x128x16xf32, #tpu.memory_space<vmem>>
    %dma_start3A_855 = tpu.memref_squeeze %dma_start3A_854 : memref<1x128x16xf32, #tpu.memory_space<vmem>> -> memref<128x16xf32, #tpu.memory_space<vmem>>
    %dma_start3A_856 = arith.constant 0 : i32
    %dma_start3A_857 = tpu.memref_slice %arg13[%dma_start3A_850, %dma_start3A_856] : memref<14x128xi32, #tpu.memory_space<vmem>> -> memref<1x128xi32, #tpu.memory_space<vmem>>
    %dma_start3A_858 = tpu.memref_squeeze %dma_start3A_857 : memref<1x128xi32, #tpu.memory_space<vmem>> -> memref<128xi32, #tpu.memory_space<vmem>>
    %dma_start3A_859 = arith.constant 0 : i32
    %dma_start3A_860 = arith.constant 0 : i32
    %dma_start3A_861 = tpu.memref_slice %arg6[%dma_start3A_859, %dma_start3A_860] : memref<1400000x16xf32, #tpu.memory_space<hbm>> -> memref<1400000x16xf32, #tpu.memory_space<hbm>>
    tpu.enqueue_indirect_dma source(%dma_start3A_861 : memref<1400000x16xf32, #tpu.memory_space<hbm>>) target(%dma_start3A_855 : memref<128x16xf32, #tpu.memory_space<vmem>>) offsets(%dma_start3A_858 : memref<128xi32, #tpu.memory_space<vmem>>) semaphore(%arg18 : memref<!tpu.dma_semaphore, #tpu.memory_space<semaphore_mem>>)
    %dma_start3A_862 = arith.constant 7 : i32
    %dma_start3A_863 = arith.constant 7 : i32
    %dma_start3A_864 = arith.constant 0 : i32
    %dma_start3A_865 = arith.constant 0 : i32
    %dma_start3A_866 = tpu.memref_slice %arg15[%dma_start3A_863, %dma_start3A_864, %dma_start3A_865] : memref<14x128x16xf32, #tpu.memory_space<vmem>> -> memref<1x128x16xf32, #tpu.memory_space<vmem>>
    %dma_start3A_867 = tpu.memref_squeeze %dma_start3A_866 : memref<1x128x16xf32, #tpu.memory_space<vmem>> -> memref<128x16xf32, #tpu.memory_space<vmem>>
    %dma_start3A_868 = arith.constant 0 : i32
    %dma_start3A_869 = tpu.memref_slice %arg13[%dma_start3A_862, %dma_start3A_868] : memref<14x128xi32, #tpu.memory_space<vmem>> -> memref<1x128xi32, #tpu.memory_space<vmem>>
    %dma_start3A_870 = tpu.memref_squeeze %dma_start3A_869 : memref<1x128xi32, #tpu.memory_space<vmem>> -> memref<128xi32, #tpu.memory_space<vmem>>
    %dma_start3A_871 = arith.constant 0 : i32
    %dma_start3A_872 = arith.constant 0 : i32
    %dma_start3A_873 = tpu.memref_slice %arg6[%dma_start3A_871, %dma_start3A_872] : memref<1400000x16xf32, #tpu.memory_space<hbm>> -> memref<1400000x16xf32, #tpu.memory_space<hbm>>
    tpu.enqueue_indirect_dma source(%dma_start3A_873 : memref<1400000x16xf32, #tpu.memory_space<hbm>>) target(%dma_start3A_867 : memref<128x16xf32, #tpu.memory_space<vmem>>) offsets(%dma_start3A_870 : memref<128xi32, #tpu.memory_space<vmem>>) semaphore(%arg18 : memref<!tpu.dma_semaphore, #tpu.memory_space<semaphore_mem>>)
    %dma_start3A_874 = arith.constant 8 : i32
    %dma_start3A_875 = arith.constant 8 : i32
    %dma_start3A_876 = arith.constant 0 : i32
    %dma_start3A_877 = arith.constant 0 : i32
    %dma_start3A_878 = tpu.memref_slice %arg15[%dma_start3A_875, %dma_start3A_876, %dma_start3A_877] : memref<14x128x16xf32, #tpu.memory_space<vmem>> -> memref<1x128x16xf32, #tpu.memory_space<vmem>>
    %dma_start3A_879 = tpu.memref_squeeze %dma_start3A_878 : memref<1x128x16xf32, #tpu.memory_space<vmem>> -> memref<128x16xf32, #tpu.memory_space<vmem>>
    %dma_start3A_880 = arith.constant 0 : i32
    %dma_start3A_881 = tpu.memref_slice %arg13[%dma_start3A_874, %dma_start3A_880] : memref<14x128xi32, #tpu.memory_space<vmem>> -> memref<1x128xi32, #tpu.memory_space<vmem>>
    %dma_start3A_882 = tpu.memref_squeeze %dma_start3A_881 : memref<1x128xi32, #tpu.memory_space<vmem>> -> memref<128xi32, #tpu.memory_space<vmem>>
    %dma_start3A_883 = arith.constant 0 : i32
    %dma_start3A_884 = arith.constant 0 : i32
    %dma_start3A_885 = tpu.memref_slice %arg6[%dma_start3A_883, %dma_start3A_884] : memref<1400000x16xf32, #tpu.memory_space<hbm>> -> memref<1400000x16xf32, #tpu.memory_space<hbm>>
    tpu.enqueue_indirect_dma source(%dma_start3A_885 : memref<1400000x16xf32, #tpu.memory_space<hbm>>) target(%dma_start3A_879 : memref<128x16xf32, #tpu.memory_space<vmem>>) offsets(%dma_start3A_882 : memref<128xi32, #tpu.memory_space<vmem>>) semaphore(%arg18 : memref<!tpu.dma_semaphore, #tpu.memory_space<semaphore_mem>>)
    %dma_start3A_886 = arith.constant 9 : i32
    %dma_start3A_887 = arith.constant 9 : i32
    %dma_start3A_888 = arith.constant 0 : i32
    %dma_start3A_889 = arith.constant 0 : i32
    %dma_start3A_890 = tpu.memref_slice %arg15[%dma_start3A_887, %dma_start3A_888, %dma_start3A_889] : memref<14x128x16xf32, #tpu.memory_space<vmem>> -> memref<1x128x16xf32, #tpu.memory_space<vmem>>
    %dma_start3A_891 = tpu.memref_squeeze %dma_start3A_890 : memref<1x128x16xf32, #tpu.memory_space<vmem>> -> memref<128x16xf32, #tpu.memory_space<vmem>>
    %dma_start3A_892 = arith.constant 0 : i32
    %dma_start3A_893 = tpu.memref_slice %arg13[%dma_start3A_886, %dma_start3A_892] : memref<14x128xi32, #tpu.memory_space<vmem>> -> memref<1x128xi32, #tpu.memory_space<vmem>>
    %dma_start3A_894 = tpu.memref_squeeze %dma_start3A_893 : memref<1x128xi32, #tpu.memory_space<vmem>> -> memref<128xi32, #tpu.memory_space<vmem>>
    %dma_start3A_895 = arith.constant 0 : i32
    %dma_start3A_896 = arith.constant 0 : i32
    %dma_start3A_897 = tpu.memref_slice %arg6[%dma_start3A_895, %dma_start3A_896] : memref<1400000x16xf32, #tpu.memory_space<hbm>> -> memref<1400000x16xf32, #tpu.memory_space<hbm>>
    tpu.enqueue_indirect_dma source(%dma_start3A_897 : memref<1400000x16xf32, #tpu.memory_space<hbm>>) target(%dma_start3A_891 : memref<128x16xf32, #tpu.memory_space<vmem>>) offsets(%dma_start3A_894 : memref<128xi32, #tpu.memory_space<vmem>>) semaphore(%arg18 : memref<!tpu.dma_semaphore, #tpu.memory_space<semaphore_mem>>)
    %dma_start3A_898 = arith.constant 10 : i32
    %dma_start3A_899 = arith.constant 10 : i32
    %dma_start3A_900 = arith.constant 0 : i32
    %dma_start3A_901 = arith.constant 0 : i32
    %dma_start3A_902 = tpu.memref_slice %arg15[%dma_start3A_899, %dma_start3A_900, %dma_start3A_901] : memref<14x128x16xf32, #tpu.memory_space<vmem>> -> memref<1x128x16xf32, #tpu.memory_space<vmem>>
    %dma_start3A_903 = tpu.memref_squeeze %dma_start3A_902 : memref<1x128x16xf32, #tpu.memory_space<vmem>> -> memref<128x16xf32, #tpu.memory_space<vmem>>
    %dma_start3A_904 = arith.constant 0 : i32
    %dma_start3A_905 = tpu.memref_slice %arg13[%dma_start3A_898, %dma_start3A_904] : memref<14x128xi32, #tpu.memory_space<vmem>> -> memref<1x128xi32, #tpu.memory_space<vmem>>
    %dma_start3A_906 = tpu.memref_squeeze %dma_start3A_905 : memref<1x128xi32, #tpu.memory_space<vmem>> -> memref<128xi32, #tpu.memory_space<vmem>>
    %dma_start3A_907 = arith.constant 0 : i32
    %dma_start3A_908 = arith.constant 0 : i32
    %dma_start3A_909 = tpu.memref_slice %arg6[%dma_start3A_907, %dma_start3A_908] : memref<1400000x16xf32, #tpu.memory_space<hbm>> -> memref<1400000x16xf32, #tpu.memory_space<hbm>>
    tpu.enqueue_indirect_dma source(%dma_start3A_909 : memref<1400000x16xf32, #tpu.memory_space<hbm>>) target(%dma_start3A_903 : memref<128x16xf32, #tpu.memory_space<vmem>>) offsets(%dma_start3A_906 : memref<128xi32, #tpu.memory_space<vmem>>) semaphore(%arg18 : memref<!tpu.dma_semaphore, #tpu.memory_space<semaphore_mem>>)
    %dma_start3A_910 = arith.constant 11 : i32
    %dma_start3A_911 = arith.constant 11 : i32
    %dma_start3A_912 = arith.constant 0 : i32
    %dma_start3A_913 = arith.constant 0 : i32
    %dma_start3A_914 = tpu.memref_slice %arg15[%dma_start3A_911, %dma_start3A_912, %dma_start3A_913] : memref<14x128x16xf32, #tpu.memory_space<vmem>> -> memref<1x128x16xf32, #tpu.memory_space<vmem>>
    %dma_start3A_915 = tpu.memref_squeeze %dma_start3A_914 : memref<1x128x16xf32, #tpu.memory_space<vmem>> -> memref<128x16xf32, #tpu.memory_space<vmem>>
    %dma_start3A_916 = arith.constant 0 : i32
    %dma_start3A_917 = tpu.memref_slice %arg13[%dma_start3A_910, %dma_start3A_916] : memref<14x128xi32, #tpu.memory_space<vmem>> -> memref<1x128xi32, #tpu.memory_space<vmem>>
    %dma_start3A_918 = tpu.memref_squeeze %dma_start3A_917 : memref<1x128xi32, #tpu.memory_space<vmem>> -> memref<128xi32, #tpu.memory_space<vmem>>
    %dma_start3A_919 = arith.constant 0 : i32
    %dma_start3A_920 = arith.constant 0 : i32
    %dma_start3A_921 = tpu.memref_slice %arg6[%dma_start3A_919, %dma_start3A_920] : memref<1400000x16xf32, #tpu.memory_space<hbm>> -> memref<1400000x16xf32, #tpu.memory_space<hbm>>
    tpu.enqueue_indirect_dma source(%dma_start3A_921 : memref<1400000x16xf32, #tpu.memory_space<hbm>>) target(%dma_start3A_915 : memref<128x16xf32, #tpu.memory_space<vmem>>) offsets(%dma_start3A_918 : memref<128xi32, #tpu.memory_space<vmem>>) semaphore(%arg18 : memref<!tpu.dma_semaphore, #tpu.memory_space<semaphore_mem>>)
    %dma_start3A_922 = arith.constant 12 : i32
    %dma_start3A_923 = arith.constant 12 : i32
    %dma_start3A_924 = arith.constant 0 : i32
    %dma_start3A_925 = arith.constant 0 : i32
    %dma_start3A_926 = tpu.memref_slice %arg15[%dma_start3A_923, %dma_start3A_924, %dma_start3A_925] : memref<14x128x16xf32, #tpu.memory_space<vmem>> -> memref<1x128x16xf32, #tpu.memory_space<vmem>>
    %dma_start3A_927 = tpu.memref_squeeze %dma_start3A_926 : memref<1x128x16xf32, #tpu.memory_space<vmem>> -> memref<128x16xf32, #tpu.memory_space<vmem>>
    %dma_start3A_928 = arith.constant 0 : i32
    %dma_start3A_929 = tpu.memref_slice %arg13[%dma_start3A_922, %dma_start3A_928] : memref<14x128xi32, #tpu.memory_space<vmem>> -> memref<1x128xi32, #tpu.memory_space<vmem>>
    %dma_start3A_930 = tpu.memref_squeeze %dma_start3A_929 : memref<1x128xi32, #tpu.memory_space<vmem>> -> memref<128xi32, #tpu.memory_space<vmem>>
    %dma_start3A_931 = arith.constant 0 : i32
    %dma_start3A_932 = arith.constant 0 : i32
    %dma_start3A_933 = tpu.memref_slice %arg6[%dma_start3A_931, %dma_start3A_932] : memref<1400000x16xf32, #tpu.memory_space<hbm>> -> memref<1400000x16xf32, #tpu.memory_space<hbm>>
    tpu.enqueue_indirect_dma source(%dma_start3A_933 : memref<1400000x16xf32, #tpu.memory_space<hbm>>) target(%dma_start3A_927 : memref<128x16xf32, #tpu.memory_space<vmem>>) offsets(%dma_start3A_930 : memref<128xi32, #tpu.memory_space<vmem>>) semaphore(%arg18 : memref<!tpu.dma_semaphore, #tpu.memory_space<semaphore_mem>>)
    %dma_start3A_934 = arith.constant 13 : i32
    %dma_start3A_935 = arith.constant 13 : i32
    %dma_start3A_936 = arith.constant 0 : i32
    %dma_start3A_937 = arith.constant 0 : i32
    %dma_start3A_938 = tpu.memref_slice %arg15[%dma_start3A_935, %dma_start3A_936, %dma_start3A_937] : memref<14x128x16xf32, #tpu.memory_space<vmem>> -> memref<1x128x16xf32, #tpu.memory_space<vmem>>
    %dma_start3A_939 = tpu.memref_squeeze %dma_start3A_938 : memref<1x128x16xf32, #tpu.memory_space<vmem>> -> memref<128x16xf32, #tpu.memory_space<vmem>>
    %dma_start3A_940 = arith.constant 0 : i32
    %dma_start3A_941 = tpu.memref_slice %arg13[%dma_start3A_934, %dma_start3A_940] : memref<14x128xi32, #tpu.memory_space<vmem>> -> memref<1x128xi32, #tpu.memory_space<vmem>>
    %dma_start3A_942 = tpu.memref_squeeze %dma_start3A_941 : memref<1x128xi32, #tpu.memory_space<vmem>> -> memref<128xi32, #tpu.memory_space<vmem>>
    %dma_start3A_943 = arith.constant 0 : i32
    %dma_start3A_944 = arith.constant 0 : i32
    %dma_start3A_945 = tpu.memref_slice %arg6[%dma_start3A_943, %dma_start3A_944] : memref<1400000x16xf32, #tpu.memory_space<hbm>> -> memref<1400000x16xf32, #tpu.memory_space<hbm>>
    tpu.enqueue_indirect_dma source(%dma_start3A_945 : memref<1400000x16xf32, #tpu.memory_space<hbm>>) target(%dma_start3A_939 : memref<128x16xf32, #tpu.memory_space<vmem>>) offsets(%dma_start3A_942 : memref<128xi32, #tpu.memory_space<vmem>>) semaphore(%arg18 : memref<!tpu.dma_semaphore, #tpu.memory_space<semaphore_mem>>)
    %dma_wait3A_946 = arith.constant 0 : i32
    %dma_wait3A_947 = arith.constant 0 : i32
    %dma_wait3A_948 = tpu.memref_slice %arg5[%dma_wait3A_946, %dma_wait3A_947] : memref<100000x128xf32, #tpu.memory_space<hbm>> -> memref<100000x128xf32, #tpu.memory_space<hbm>>
    tpu.wait_indirect_dma semaphore(%arg17 : memref<!tpu.dma_semaphore, #tpu.memory_space<semaphore_mem>>) src(%dma_wait3A_948 : memref<100000x128xf32, #tpu.memory_space<hbm>>) dst(%arg14 : memref<128x128xf32, #tpu.memory_space<vmem>>)
    "tpu.region"() ({
      %run_scoped3A = tpu.sem_alloc : memref<!tpu.dma_semaphore, #tpu.memory_space<semaphore_mem>>
      %dma_start3A_1495 = arith.constant 0 : i32
      %dma_start3A_1496 = tpu.memref_slice %arg8[%add3A_746, %dma_start3A_1495] : memref<16384x128xf32, #tpu.memory_space<hbm>> -> memref<128x128xf32, #tpu.memory_space<hbm>>
      %dma_start3A_1497 = arith.constant 0 : i32
      %dma_start3A_1498 = tpu.memref_slice %arg8[%add3A_746, %dma_start3A_1497] : memref<16384x128xf32, #tpu.memory_space<hbm>> -> memref<128x128xf32, #tpu.memory_space<hbm>>
      tpu.enqueue_dma source(%arg14 : memref<128x128xf32, #tpu.memory_space<vmem>>) target(%dma_start3A_1498 : memref<128x128xf32, #tpu.memory_space<hbm>>) target_semaphore(%run_scoped3A : memref<!tpu.dma_semaphore, #tpu.memory_space<semaphore_mem>>)
      %dma_wait3A_1499 = arith.constant 0 : i32
      %dma_wait3A_1500 = tpu.memref_slice %arg8[%add3A_746, %dma_wait3A_1499] : memref<16384x128xf32, #tpu.memory_space<hbm>> -> memref<128x128xf32, #tpu.memory_space<hbm>>
      %dma_wait3A_1501 = arith.constant 0 : i32
      %dma_wait3A_1502 = tpu.memref_slice %arg8[%add3A_746, %dma_wait3A_1501] : memref<16384x128xf32, #tpu.memory_space<hbm>> -> memref<128x128xf32, #tpu.memory_space<hbm>>
      tpu.wait_dma2 semaphore(%run_scoped3A : memref<!tpu.dma_semaphore, #tpu.memory_space<semaphore_mem>>) src(%arg14 : memref<128x128xf32, #tpu.memory_space<vmem>>) dst(%dma_wait3A_1502 : memref<128x128xf32, #tpu.memory_space<hbm>>)
      tpu.yield
    }) : () -> ()
    %dma_wait3A_949 = arith.constant 0 : i32
    %dma_wait3A_950 = tpu.memref_slice %arg7[%dma_wait3A_949] : memref<100000xi32, #tpu.memory_space<hbm>> -> memref<100000xi32, #tpu.memory_space<hbm>>
    tpu.wait_indirect_dma semaphore(%arg19 : memref<!tpu.dma_semaphore, #tpu.memory_space<semaphore_mem>>) src(%dma_wait3A_950 : memref<100000xi32, #tpu.memory_space<hbm>>) dst(%arg16 : memref<128xi32, #tpu.memory_space<vmem>>)
    "tpu.region"() ({
      %run_scoped3A = tpu.sem_alloc : memref<!tpu.dma_semaphore, #tpu.memory_space<semaphore_mem>>
      %dma_start3A_1495 = tpu.memref_slice %arg10[%add3A_746] : memref<16384xi32, #tpu.memory_space<hbm>> -> memref<128xi32, #tpu.memory_space<hbm>>
      %dma_start3A_1496 = tpu.memref_slice %arg10[%add3A_746] : memref<16384xi32, #tpu.memory_space<hbm>> -> memref<128xi32, #tpu.memory_space<hbm>>
      tpu.enqueue_dma source(%arg16 : memref<128xi32, #tpu.memory_space<vmem>>) target(%dma_start3A_1496 : memref<128xi32, #tpu.memory_space<hbm>>) target_semaphore(%run_scoped3A : memref<!tpu.dma_semaphore, #tpu.memory_space<semaphore_mem>>)
      %dma_wait3A_1497 = tpu.memref_slice %arg10[%add3A_746] : memref<16384xi32, #tpu.memory_space<hbm>> -> memref<128xi32, #tpu.memory_space<hbm>>
      %dma_wait3A_1498 = tpu.memref_slice %arg10[%add3A_746] : memref<16384xi32, #tpu.memory_space<hbm>> -> memref<128xi32, #tpu.memory_space<hbm>>
      tpu.wait_dma2 semaphore(%run_scoped3A : memref<!tpu.dma_semaphore, #tpu.memory_space<semaphore_mem>>) src(%arg16 : memref<128xi32, #tpu.memory_space<vmem>>) dst(%dma_wait3A_1498 : memref<128xi32, #tpu.memory_space<hbm>>)
      tpu.yield
    }) : () -> ()
    %dma_wait3A_951 = arith.constant 0 : i32
    %dma_wait3A_952 = arith.constant 0 : i32
    %dma_wait3A_953 = arith.constant 0 : i32
    %dma_wait3A_954 = arith.constant 0 : i32
    %dma_wait3A_955 = tpu.memref_slice %arg15[%dma_wait3A_952, %dma_wait3A_953, %dma_wait3A_954] : memref<14x128x16xf32, #tpu.memory_space<vmem>> -> memref<1x128x16xf32, #tpu.memory_space<vmem>>
    %dma_wait3A_956 = tpu.memref_squeeze %dma_wait3A_955 : memref<1x128x16xf32, #tpu.memory_space<vmem>> -> memref<128x16xf32, #tpu.memory_space<vmem>>
    %dma_wait3A_957 = arith.constant 0 : i32
    %dma_wait3A_958 = tpu.memref_slice %arg13[%dma_wait3A_951, %dma_wait3A_957] : memref<14x128xi32, #tpu.memory_space<vmem>> -> memref<1x128xi32, #tpu.memory_space<vmem>>
    %dma_wait3A_959 = tpu.memref_squeeze %dma_wait3A_958 : memref<1x128xi32, #tpu.memory_space<vmem>> -> memref<128xi32, #tpu.memory_space<vmem>>
    %dma_wait3A_960 = arith.constant 0 : i32
    %dma_wait3A_961 = arith.constant 0 : i32
    %dma_wait3A_962 = tpu.memref_slice %arg6[%dma_wait3A_960, %dma_wait3A_961] : memref<1400000x16xf32, #tpu.memory_space<hbm>> -> memref<1400000x16xf32, #tpu.memory_space<hbm>>
    tpu.wait_indirect_dma semaphore(%arg18 : memref<!tpu.dma_semaphore, #tpu.memory_space<semaphore_mem>>) src(%dma_wait3A_962 : memref<1400000x16xf32, #tpu.memory_space<hbm>>) dst(%dma_wait3A_956 : memref<128x16xf32, #tpu.memory_space<vmem>>)
    %dma_wait3A_963 = arith.constant 1 : i32
    %dma_wait3A_964 = arith.constant 1 : i32
    %dma_wait3A_965 = arith.constant 0 : i32
    %dma_wait3A_966 = arith.constant 0 : i32
    %dma_wait3A_967 = tpu.memref_slice %arg15[%dma_wait3A_964, %dma_wait3A_965, %dma_wait3A_966] : memref<14x128x16xf32, #tpu.memory_space<vmem>> -> memref<1x128x16xf32, #tpu.memory_space<vmem>>
    %dma_wait3A_968 = tpu.memref_squeeze %dma_wait3A_967 : memref<1x128x16xf32, #tpu.memory_space<vmem>> -> memref<128x16xf32, #tpu.memory_space<vmem>>
    %dma_wait3A_969 = arith.constant 0 : i32
    %dma_wait3A_970 = tpu.memref_slice %arg13[%dma_wait3A_963, %dma_wait3A_969] : memref<14x128xi32, #tpu.memory_space<vmem>> -> memref<1x128xi32, #tpu.memory_space<vmem>>
    %dma_wait3A_971 = tpu.memref_squeeze %dma_wait3A_970 : memref<1x128xi32, #tpu.memory_space<vmem>> -> memref<128xi32, #tpu.memory_space<vmem>>
    %dma_wait3A_972 = arith.constant 0 : i32
    %dma_wait3A_973 = arith.constant 0 : i32
    %dma_wait3A_974 = tpu.memref_slice %arg6[%dma_wait3A_972, %dma_wait3A_973] : memref<1400000x16xf32, #tpu.memory_space<hbm>> -> memref<1400000x16xf32, #tpu.memory_space<hbm>>
    tpu.wait_indirect_dma semaphore(%arg18 : memref<!tpu.dma_semaphore, #tpu.memory_space<semaphore_mem>>) src(%dma_wait3A_974 : memref<1400000x16xf32, #tpu.memory_space<hbm>>) dst(%dma_wait3A_968 : memref<128x16xf32, #tpu.memory_space<vmem>>)
    %dma_wait3A_975 = arith.constant 2 : i32
    %dma_wait3A_976 = arith.constant 2 : i32
    %dma_wait3A_977 = arith.constant 0 : i32
    %dma_wait3A_978 = arith.constant 0 : i32
    %dma_wait3A_979 = tpu.memref_slice %arg15[%dma_wait3A_976, %dma_wait3A_977, %dma_wait3A_978] : memref<14x128x16xf32, #tpu.memory_space<vmem>> -> memref<1x128x16xf32, #tpu.memory_space<vmem>>
    %dma_wait3A_980 = tpu.memref_squeeze %dma_wait3A_979 : memref<1x128x16xf32, #tpu.memory_space<vmem>> -> memref<128x16xf32, #tpu.memory_space<vmem>>
    %dma_wait3A_981 = arith.constant 0 : i32
    %dma_wait3A_982 = tpu.memref_slice %arg13[%dma_wait3A_975, %dma_wait3A_981] : memref<14x128xi32, #tpu.memory_space<vmem>> -> memref<1x128xi32, #tpu.memory_space<vmem>>
    %dma_wait3A_983 = tpu.memref_squeeze %dma_wait3A_982 : memref<1x128xi32, #tpu.memory_space<vmem>> -> memref<128xi32, #tpu.memory_space<vmem>>
    %dma_wait3A_984 = arith.constant 0 : i32
    %dma_wait3A_985 = arith.constant 0 : i32
    %dma_wait3A_986 = tpu.memref_slice %arg6[%dma_wait3A_984, %dma_wait3A_985] : memref<1400000x16xf32, #tpu.memory_space<hbm>> -> memref<1400000x16xf32, #tpu.memory_space<hbm>>
    tpu.wait_indirect_dma semaphore(%arg18 : memref<!tpu.dma_semaphore, #tpu.memory_space<semaphore_mem>>) src(%dma_wait3A_986 : memref<1400000x16xf32, #tpu.memory_space<hbm>>) dst(%dma_wait3A_980 : memref<128x16xf32, #tpu.memory_space<vmem>>)
    %dma_wait3A_987 = arith.constant 3 : i32
    %dma_wait3A_988 = arith.constant 3 : i32
    %dma_wait3A_989 = arith.constant 0 : i32
    %dma_wait3A_990 = arith.constant 0 : i32
    %dma_wait3A_991 = tpu.memref_slice %arg15[%dma_wait3A_988, %dma_wait3A_989, %dma_wait3A_990] : memref<14x128x16xf32, #tpu.memory_space<vmem>> -> memref<1x128x16xf32, #tpu.memory_space<vmem>>
    %dma_wait3A_992 = tpu.memref_squeeze %dma_wait3A_991 : memref<1x128x16xf32, #tpu.memory_space<vmem>> -> memref<128x16xf32, #tpu.memory_space<vmem>>
    %dma_wait3A_993 = arith.constant 0 : i32
    %dma_wait3A_994 = tpu.memref_slice %arg13[%dma_wait3A_987, %dma_wait3A_993] : memref<14x128xi32, #tpu.memory_space<vmem>> -> memref<1x128xi32, #tpu.memory_space<vmem>>
    %dma_wait3A_995 = tpu.memref_squeeze %dma_wait3A_994 : memref<1x128xi32, #tpu.memory_space<vmem>> -> memref<128xi32, #tpu.memory_space<vmem>>
    %dma_wait3A_996 = arith.constant 0 : i32
    %dma_wait3A_997 = arith.constant 0 : i32
    %dma_wait3A_998 = tpu.memref_slice %arg6[%dma_wait3A_996, %dma_wait3A_997] : memref<1400000x16xf32, #tpu.memory_space<hbm>> -> memref<1400000x16xf32, #tpu.memory_space<hbm>>
    tpu.wait_indirect_dma semaphore(%arg18 : memref<!tpu.dma_semaphore, #tpu.memory_space<semaphore_mem>>) src(%dma_wait3A_998 : memref<1400000x16xf32, #tpu.memory_space<hbm>>) dst(%dma_wait3A_992 : memref<128x16xf32, #tpu.memory_space<vmem>>)
    %dma_wait3A_999 = arith.constant 4 : i32
    %dma_wait3A_1000 = arith.constant 4 : i32
    %dma_wait3A_1001 = arith.constant 0 : i32
    %dma_wait3A_1002 = arith.constant 0 : i32
    %dma_wait3A_1003 = tpu.memref_slice %arg15[%dma_wait3A_1000, %dma_wait3A_1001, %dma_wait3A_1002] : memref<14x128x16xf32, #tpu.memory_space<vmem>> -> memref<1x128x16xf32, #tpu.memory_space<vmem>>
    %dma_wait3A_1004 = tpu.memref_squeeze %dma_wait3A_1003 : memref<1x128x16xf32, #tpu.memory_space<vmem>> -> memref<128x16xf32, #tpu.memory_space<vmem>>
    %dma_wait3A_1005 = arith.constant 0 : i32
    %dma_wait3A_1006 = tpu.memref_slice %arg13[%dma_wait3A_999, %dma_wait3A_1005] : memref<14x128xi32, #tpu.memory_space<vmem>> -> memref<1x128xi32, #tpu.memory_space<vmem>>
    %dma_wait3A_1007 = tpu.memref_squeeze %dma_wait3A_1006 : memref<1x128xi32, #tpu.memory_space<vmem>> -> memref<128xi32, #tpu.memory_space<vmem>>
    %dma_wait3A_1008 = arith.constant 0 : i32
    %dma_wait3A_1009 = arith.constant 0 : i32
    %dma_wait3A_1010 = tpu.memref_slice %arg6[%dma_wait3A_1008, %dma_wait3A_1009] : memref<1400000x16xf32, #tpu.memory_space<hbm>> -> memref<1400000x16xf32, #tpu.memory_space<hbm>>
    tpu.wait_indirect_dma semaphore(%arg18 : memref<!tpu.dma_semaphore, #tpu.memory_space<semaphore_mem>>) src(%dma_wait3A_1010 : memref<1400000x16xf32, #tpu.memory_space<hbm>>) dst(%dma_wait3A_1004 : memref<128x16xf32, #tpu.memory_space<vmem>>)
    %dma_wait3A_1011 = arith.constant 5 : i32
    %dma_wait3A_1012 = arith.constant 5 : i32
    %dma_wait3A_1013 = arith.constant 0 : i32
    %dma_wait3A_1014 = arith.constant 0 : i32
    %dma_wait3A_1015 = tpu.memref_slice %arg15[%dma_wait3A_1012, %dma_wait3A_1013, %dma_wait3A_1014] : memref<14x128x16xf32, #tpu.memory_space<vmem>> -> memref<1x128x16xf32, #tpu.memory_space<vmem>>
    %dma_wait3A_1016 = tpu.memref_squeeze %dma_wait3A_1015 : memref<1x128x16xf32, #tpu.memory_space<vmem>> -> memref<128x16xf32, #tpu.memory_space<vmem>>
    %dma_wait3A_1017 = arith.constant 0 : i32
    %dma_wait3A_1018 = tpu.memref_slice %arg13[%dma_wait3A_1011, %dma_wait3A_1017] : memref<14x128xi32, #tpu.memory_space<vmem>> -> memref<1x128xi32, #tpu.memory_space<vmem>>
    %dma_wait3A_1019 = tpu.memref_squeeze %dma_wait3A_1018 : memref<1x128xi32, #tpu.memory_space<vmem>> -> memref<128xi32, #tpu.memory_space<vmem>>
    %dma_wait3A_1020 = arith.constant 0 : i32
    %dma_wait3A_1021 = arith.constant 0 : i32
    %dma_wait3A_1022 = tpu.memref_slice %arg6[%dma_wait3A_1020, %dma_wait3A_1021] : memref<1400000x16xf32, #tpu.memory_space<hbm>> -> memref<1400000x16xf32, #tpu.memory_space<hbm>>
    tpu.wait_indirect_dma semaphore(%arg18 : memref<!tpu.dma_semaphore, #tpu.memory_space<semaphore_mem>>) src(%dma_wait3A_1022 : memref<1400000x16xf32, #tpu.memory_space<hbm>>) dst(%dma_wait3A_1016 : memref<128x16xf32, #tpu.memory_space<vmem>>)
    %dma_wait3A_1023 = arith.constant 6 : i32
    %dma_wait3A_1024 = arith.constant 6 : i32
    %dma_wait3A_1025 = arith.constant 0 : i32
    %dma_wait3A_1026 = arith.constant 0 : i32
    %dma_wait3A_1027 = tpu.memref_slice %arg15[%dma_wait3A_1024, %dma_wait3A_1025, %dma_wait3A_1026] : memref<14x128x16xf32, #tpu.memory_space<vmem>> -> memref<1x128x16xf32, #tpu.memory_space<vmem>>
    %dma_wait3A_1028 = tpu.memref_squeeze %dma_wait3A_1027 : memref<1x128x16xf32, #tpu.memory_space<vmem>> -> memref<128x16xf32, #tpu.memory_space<vmem>>
    %dma_wait3A_1029 = arith.constant 0 : i32
    %dma_wait3A_1030 = tpu.memref_slice %arg13[%dma_wait3A_1023, %dma_wait3A_1029] : memref<14x128xi32, #tpu.memory_space<vmem>> -> memref<1x128xi32, #tpu.memory_space<vmem>>
    %dma_wait3A_1031 = tpu.memref_squeeze %dma_wait3A_1030 : memref<1x128xi32, #tpu.memory_space<vmem>> -> memref<128xi32, #tpu.memory_space<vmem>>
    %dma_wait3A_1032 = arith.constant 0 : i32
    %dma_wait3A_1033 = arith.constant 0 : i32
    %dma_wait3A_1034 = tpu.memref_slice %arg6[%dma_wait3A_1032, %dma_wait3A_1033] : memref<1400000x16xf32, #tpu.memory_space<hbm>> -> memref<1400000x16xf32, #tpu.memory_space<hbm>>
    tpu.wait_indirect_dma semaphore(%arg18 : memref<!tpu.dma_semaphore, #tpu.memory_space<semaphore_mem>>) src(%dma_wait3A_1034 : memref<1400000x16xf32, #tpu.memory_space<hbm>>) dst(%dma_wait3A_1028 : memref<128x16xf32, #tpu.memory_space<vmem>>)
    %dma_wait3A_1035 = arith.constant 7 : i32
    %dma_wait3A_1036 = arith.constant 7 : i32
    %dma_wait3A_1037 = arith.constant 0 : i32
    %dma_wait3A_1038 = arith.constant 0 : i32
    %dma_wait3A_1039 = tpu.memref_slice %arg15[%dma_wait3A_1036, %dma_wait3A_1037, %dma_wait3A_1038] : memref<14x128x16xf32, #tpu.memory_space<vmem>> -> memref<1x128x16xf32, #tpu.memory_space<vmem>>
    %dma_wait3A_1040 = tpu.memref_squeeze %dma_wait3A_1039 : memref<1x128x16xf32, #tpu.memory_space<vmem>> -> memref<128x16xf32, #tpu.memory_space<vmem>>
    %dma_wait3A_1041 = arith.constant 0 : i32
    %dma_wait3A_1042 = tpu.memref_slice %arg13[%dma_wait3A_1035, %dma_wait3A_1041] : memref<14x128xi32, #tpu.memory_space<vmem>> -> memref<1x128xi32, #tpu.memory_space<vmem>>
    %dma_wait3A_1043 = tpu.memref_squeeze %dma_wait3A_1042 : memref<1x128xi32, #tpu.memory_space<vmem>> -> memref<128xi32, #tpu.memory_space<vmem>>
    %dma_wait3A_1044 = arith.constant 0 : i32
    %dma_wait3A_1045 = arith.constant 0 : i32
    %dma_wait3A_1046 = tpu.memref_slice %arg6[%dma_wait3A_1044, %dma_wait3A_1045] : memref<1400000x16xf32, #tpu.memory_space<hbm>> -> memref<1400000x16xf32, #tpu.memory_space<hbm>>
    tpu.wait_indirect_dma semaphore(%arg18 : memref<!tpu.dma_semaphore, #tpu.memory_space<semaphore_mem>>) src(%dma_wait3A_1046 : memref<1400000x16xf32, #tpu.memory_space<hbm>>) dst(%dma_wait3A_1040 : memref<128x16xf32, #tpu.memory_space<vmem>>)
    %dma_wait3A_1047 = arith.constant 8 : i32
    %dma_wait3A_1048 = arith.constant 8 : i32
    %dma_wait3A_1049 = arith.constant 0 : i32
    %dma_wait3A_1050 = arith.constant 0 : i32
    %dma_wait3A_1051 = tpu.memref_slice %arg15[%dma_wait3A_1048, %dma_wait3A_1049, %dma_wait3A_1050] : memref<14x128x16xf32, #tpu.memory_space<vmem>> -> memref<1x128x16xf32, #tpu.memory_space<vmem>>
    %dma_wait3A_1052 = tpu.memref_squeeze %dma_wait3A_1051 : memref<1x128x16xf32, #tpu.memory_space<vmem>> -> memref<128x16xf32, #tpu.memory_space<vmem>>
    %dma_wait3A_1053 = arith.constant 0 : i32
    %dma_wait3A_1054 = tpu.memref_slice %arg13[%dma_wait3A_1047, %dma_wait3A_1053] : memref<14x128xi32, #tpu.memory_space<vmem>> -> memref<1x128xi32, #tpu.memory_space<vmem>>
    %dma_wait3A_1055 = tpu.memref_squeeze %dma_wait3A_1054 : memref<1x128xi32, #tpu.memory_space<vmem>> -> memref<128xi32, #tpu.memory_space<vmem>>
    %dma_wait3A_1056 = arith.constant 0 : i32
    %dma_wait3A_1057 = arith.constant 0 : i32
    %dma_wait3A_1058 = tpu.memref_slice %arg6[%dma_wait3A_1056, %dma_wait3A_1057] : memref<1400000x16xf32, #tpu.memory_space<hbm>> -> memref<1400000x16xf32, #tpu.memory_space<hbm>>
    tpu.wait_indirect_dma semaphore(%arg18 : memref<!tpu.dma_semaphore, #tpu.memory_space<semaphore_mem>>) src(%dma_wait3A_1058 : memref<1400000x16xf32, #tpu.memory_space<hbm>>) dst(%dma_wait3A_1052 : memref<128x16xf32, #tpu.memory_space<vmem>>)
    %dma_wait3A_1059 = arith.constant 9 : i32
    %dma_wait3A_1060 = arith.constant 9 : i32
    %dma_wait3A_1061 = arith.constant 0 : i32
    %dma_wait3A_1062 = arith.constant 0 : i32
    %dma_wait3A_1063 = tpu.memref_slice %arg15[%dma_wait3A_1060, %dma_wait3A_1061, %dma_wait3A_1062] : memref<14x128x16xf32, #tpu.memory_space<vmem>> -> memref<1x128x16xf32, #tpu.memory_space<vmem>>
    %dma_wait3A_1064 = tpu.memref_squeeze %dma_wait3A_1063 : memref<1x128x16xf32, #tpu.memory_space<vmem>> -> memref<128x16xf32, #tpu.memory_space<vmem>>
    %dma_wait3A_1065 = arith.constant 0 : i32
    %dma_wait3A_1066 = tpu.memref_slice %arg13[%dma_wait3A_1059, %dma_wait3A_1065] : memref<14x128xi32, #tpu.memory_space<vmem>> -> memref<1x128xi32, #tpu.memory_space<vmem>>
    %dma_wait3A_1067 = tpu.memref_squeeze %dma_wait3A_1066 : memref<1x128xi32, #tpu.memory_space<vmem>> -> memref<128xi32, #tpu.memory_space<vmem>>
    %dma_wait3A_1068 = arith.constant 0 : i32
    %dma_wait3A_1069 = arith.constant 0 : i32
    %dma_wait3A_1070 = tpu.memref_slice %arg6[%dma_wait3A_1068, %dma_wait3A_1069] : memref<1400000x16xf32, #tpu.memory_space<hbm>> -> memref<1400000x16xf32, #tpu.memory_space<hbm>>
    tpu.wait_indirect_dma semaphore(%arg18 : memref<!tpu.dma_semaphore, #tpu.memory_space<semaphore_mem>>) src(%dma_wait3A_1070 : memref<1400000x16xf32, #tpu.memory_space<hbm>>) dst(%dma_wait3A_1064 : memref<128x16xf32, #tpu.memory_space<vmem>>)
    %dma_wait3A_1071 = arith.constant 10 : i32
    %dma_wait3A_1072 = arith.constant 10 : i32
    %dma_wait3A_1073 = arith.constant 0 : i32
    %dma_wait3A_1074 = arith.constant 0 : i32
    %dma_wait3A_1075 = tpu.memref_slice %arg15[%dma_wait3A_1072, %dma_wait3A_1073, %dma_wait3A_1074] : memref<14x128x16xf32, #tpu.memory_space<vmem>> -> memref<1x128x16xf32, #tpu.memory_space<vmem>>
    %dma_wait3A_1076 = tpu.memref_squeeze %dma_wait3A_1075 : memref<1x128x16xf32, #tpu.memory_space<vmem>> -> memref<128x16xf32, #tpu.memory_space<vmem>>
    %dma_wait3A_1077 = arith.constant 0 : i32
    %dma_wait3A_1078 = tpu.memref_slice %arg13[%dma_wait3A_1071, %dma_wait3A_1077] : memref<14x128xi32, #tpu.memory_space<vmem>> -> memref<1x128xi32, #tpu.memory_space<vmem>>
    %dma_wait3A_1079 = tpu.memref_squeeze %dma_wait3A_1078 : memref<1x128xi32, #tpu.memory_space<vmem>> -> memref<128xi32, #tpu.memory_space<vmem>>
    %dma_wait3A_1080 = arith.constant 0 : i32
    %dma_wait3A_1081 = arith.constant 0 : i32
    %dma_wait3A_1082 = tpu.memref_slice %arg6[%dma_wait3A_1080, %dma_wait3A_1081] : memref<1400000x16xf32, #tpu.memory_space<hbm>> -> memref<1400000x16xf32, #tpu.memory_space<hbm>>
    tpu.wait_indirect_dma semaphore(%arg18 : memref<!tpu.dma_semaphore, #tpu.memory_space<semaphore_mem>>) src(%dma_wait3A_1082 : memref<1400000x16xf32, #tpu.memory_space<hbm>>) dst(%dma_wait3A_1076 : memref<128x16xf32, #tpu.memory_space<vmem>>)
    %dma_wait3A_1083 = arith.constant 11 : i32
    %dma_wait3A_1084 = arith.constant 11 : i32
    %dma_wait3A_1085 = arith.constant 0 : i32
    %dma_wait3A_1086 = arith.constant 0 : i32
    %dma_wait3A_1087 = tpu.memref_slice %arg15[%dma_wait3A_1084, %dma_wait3A_1085, %dma_wait3A_1086] : memref<14x128x16xf32, #tpu.memory_space<vmem>> -> memref<1x128x16xf32, #tpu.memory_space<vmem>>
    %dma_wait3A_1088 = tpu.memref_squeeze %dma_wait3A_1087 : memref<1x128x16xf32, #tpu.memory_space<vmem>> -> memref<128x16xf32, #tpu.memory_space<vmem>>
    %dma_wait3A_1089 = arith.constant 0 : i32
    %dma_wait3A_1090 = tpu.memref_slice %arg13[%dma_wait3A_1083, %dma_wait3A_1089] : memref<14x128xi32, #tpu.memory_space<vmem>> -> memref<1x128xi32, #tpu.memory_space<vmem>>
    %dma_wait3A_1091 = tpu.memref_squeeze %dma_wait3A_1090 : memref<1x128xi32, #tpu.memory_space<vmem>> -> memref<128xi32, #tpu.memory_space<vmem>>
    %dma_wait3A_1092 = arith.constant 0 : i32
    %dma_wait3A_1093 = arith.constant 0 : i32
    %dma_wait3A_1094 = tpu.memref_slice %arg6[%dma_wait3A_1092, %dma_wait3A_1093] : memref<1400000x16xf32, #tpu.memory_space<hbm>> -> memref<1400000x16xf32, #tpu.memory_space<hbm>>
    tpu.wait_indirect_dma semaphore(%arg18 : memref<!tpu.dma_semaphore, #tpu.memory_space<semaphore_mem>>) src(%dma_wait3A_1094 : memref<1400000x16xf32, #tpu.memory_space<hbm>>) dst(%dma_wait3A_1088 : memref<128x16xf32, #tpu.memory_space<vmem>>)
    %dma_wait3A_1095 = arith.constant 12 : i32
    %dma_wait3A_1096 = arith.constant 12 : i32
    %dma_wait3A_1097 = arith.constant 0 : i32
    %dma_wait3A_1098 = arith.constant 0 : i32
    %dma_wait3A_1099 = tpu.memref_slice %arg15[%dma_wait3A_1096, %dma_wait3A_1097, %dma_wait3A_1098] : memref<14x128x16xf32, #tpu.memory_space<vmem>> -> memref<1x128x16xf32, #tpu.memory_space<vmem>>
    %dma_wait3A_1100 = tpu.memref_squeeze %dma_wait3A_1099 : memref<1x128x16xf32, #tpu.memory_space<vmem>> -> memref<128x16xf32, #tpu.memory_space<vmem>>
    %dma_wait3A_1101 = arith.constant 0 : i32
    %dma_wait3A_1102 = tpu.memref_slice %arg13[%dma_wait3A_1095, %dma_wait3A_1101] : memref<14x128xi32, #tpu.memory_space<vmem>> -> memref<1x128xi32, #tpu.memory_space<vmem>>
    %dma_wait3A_1103 = tpu.memref_squeeze %dma_wait3A_1102 : memref<1x128xi32, #tpu.memory_space<vmem>> -> memref<128xi32, #tpu.memory_space<vmem>>
    %dma_wait3A_1104 = arith.constant 0 : i32
    %dma_wait3A_1105 = arith.constant 0 : i32
    %dma_wait3A_1106 = tpu.memref_slice %arg6[%dma_wait3A_1104, %dma_wait3A_1105] : memref<1400000x16xf32, #tpu.memory_space<hbm>> -> memref<1400000x16xf32, #tpu.memory_space<hbm>>
    tpu.wait_indirect_dma semaphore(%arg18 : memref<!tpu.dma_semaphore, #tpu.memory_space<semaphore_mem>>) src(%dma_wait3A_1106 : memref<1400000x16xf32, #tpu.memory_space<hbm>>) dst(%dma_wait3A_1100 : memref<128x16xf32, #tpu.memory_space<vmem>>)
    %dma_wait3A_1107 = arith.constant 13 : i32
    %dma_wait3A_1108 = arith.constant 13 : i32
    %dma_wait3A_1109 = arith.constant 0 : i32
    %dma_wait3A_1110 = arith.constant 0 : i32
    %dma_wait3A_1111 = tpu.memref_slice %arg15[%dma_wait3A_1108, %dma_wait3A_1109, %dma_wait3A_1110] : memref<14x128x16xf32, #tpu.memory_space<vmem>> -> memref<1x128x16xf32, #tpu.memory_space<vmem>>
    %dma_wait3A_1112 = tpu.memref_squeeze %dma_wait3A_1111 : memref<1x128x16xf32, #tpu.memory_space<vmem>> -> memref<128x16xf32, #tpu.memory_space<vmem>>
    %dma_wait3A_1113 = arith.constant 0 : i32
    %dma_wait3A_1114 = tpu.memref_slice %arg13[%dma_wait3A_1107, %dma_wait3A_1113] : memref<14x128xi32, #tpu.memory_space<vmem>> -> memref<1x128xi32, #tpu.memory_space<vmem>>
    %dma_wait3A_1115 = tpu.memref_squeeze %dma_wait3A_1114 : memref<1x128xi32, #tpu.memory_space<vmem>> -> memref<128xi32, #tpu.memory_space<vmem>>
    %dma_wait3A_1116 = arith.constant 0 : i32
    %dma_wait3A_1117 = arith.constant 0 : i32
    %dma_wait3A_1118 = tpu.memref_slice %arg6[%dma_wait3A_1116, %dma_wait3A_1117] : memref<1400000x16xf32, #tpu.memory_space<hbm>> -> memref<1400000x16xf32, #tpu.memory_space<hbm>>
    tpu.wait_indirect_dma semaphore(%arg18 : memref<!tpu.dma_semaphore, #tpu.memory_space<semaphore_mem>>) src(%dma_wait3A_1118 : memref<1400000x16xf32, #tpu.memory_space<hbm>>) dst(%dma_wait3A_1112 : memref<128x16xf32, #tpu.memory_space<vmem>>)
    "tpu.region"() ({
      %run_scoped3A = tpu.sem_alloc : memref<!tpu.dma_semaphore, #tpu.memory_space<semaphore_mem>>
      %dma_start3A_1495 = arith.constant 0 : i32
      %dma_start3A_1496 = arith.constant 0 : i32
      %dma_start3A_1497 = tpu.memref_slice %arg9[%select_n3A_772, %dma_start3A_1495, %dma_start3A_1496] : memref<1792x128x16xf32, #tpu.memory_space<hbm>> -> memref<14x128x16xf32, #tpu.memory_space<hbm>>
      %dma_start3A_1498 = arith.constant 0 : i32
      %dma_start3A_1499 = arith.constant 0 : i32
      %dma_start3A_1500 = tpu.memref_slice %arg9[%select_n3A_772, %dma_start3A_1498, %dma_start3A_1499] : memref<1792x128x16xf32, #tpu.memory_space<hbm>> -> memref<14x128x16xf32, #tpu.memory_space<hbm>>
      tpu.enqueue_dma source(%arg15 : memref<14x128x16xf32, #tpu.memory_space<vmem>>) target(%dma_start3A_1500 : memref<14x128x16xf32, #tpu.memory_space<hbm>>) target_semaphore(%run_scoped3A : memref<!tpu.dma_semaphore, #tpu.memory_space<semaphore_mem>>)
      %dma_wait3A_1501 = arith.constant 0 : i32
      %dma_wait3A_1502 = arith.constant 0 : i32
      %dma_wait3A_1503 = tpu.memref_slice %arg9[%select_n3A_772, %dma_wait3A_1501, %dma_wait3A_1502] : memref<1792x128x16xf32, #tpu.memory_space<hbm>> -> memref<14x128x16xf32, #tpu.memory_space<hbm>>
      %dma_wait3A_1504 = arith.constant 0 : i32
      %dma_wait3A_1505 = arith.constant 0 : i32
      %dma_wait3A_1506 = tpu.memref_slice %arg9[%select_n3A_772, %dma_wait3A_1504, %dma_wait3A_1505] : memref<1792x128x16xf32, #tpu.memory_space<hbm>> -> memref<14x128x16xf32, #tpu.memory_space<hbm>>
      tpu.wait_dma2 semaphore(%run_scoped3A : memref<!tpu.dma_semaphore, #tpu.memory_space<semaphore_mem>>) src(%arg15 : memref<14x128x16xf32, #tpu.memory_space<vmem>>) dst(%dma_wait3A_1506 : memref<14x128x16xf32, #tpu.memory_space<hbm>>)
      tpu.yield
    }) : () -> ()
    %mul3A_1119 = arith.constant 512 : i32
    %mul3A_1120 = arith.muli %add3A, %mul3A_1119 : i32
    %add3A_1121 = arith.constant 384 : i32
    %add3A_1122 = arith.addi %mul3A_1120, %add3A_1121 : i32
    %mul3A_1123 = arith.constant 14 : i32
    %mul3A_1124 = arith.muli %add3A_1122, %mul3A_1123 : i32
    %jit3A_1125 = arith.constant 128 : i32
    %div3A_1126 = arith.divsi %mul3A_1124, %jit3A_1125 : i32
    %sign3A_1127 = arith.constant 0 : i32
    %sign3A_1128 = arith.cmpi sgt, %mul3A_1124, %sign3A_1127 : i32
    %sign3A_1129 = arith.extui %sign3A_1128 : i1 to i32
    %sign3A_1130 = arith.constant 0 : i32
    %sign3A_1131 = arith.cmpi slt, %mul3A_1124, %sign3A_1130 : i32
    %sign3A_1132 = arith.extui %sign3A_1131 : i1 to i32
    %sign3A_1133 = arith.subi %sign3A_1129, %sign3A_1132 : i32
    %sign3A_1134 = arith.constant 0 : i32
    %sign3A_1135 = arith.cmpi sgt, %jit3A_1125, %sign3A_1134 : i32
    %sign3A_1136 = arith.extui %sign3A_1135 : i1 to i32
    %sign3A_1137 = arith.constant 0 : i32
    %sign3A_1138 = arith.cmpi slt, %jit3A_1125, %sign3A_1137 : i32
    %sign3A_1139 = arith.extui %sign3A_1138 : i1 to i32
    %sign3A_1140 = arith.subi %sign3A_1136, %sign3A_1139 : i32
    %ne3A_1141 = arith.cmpi ne, %sign3A_1133, %sign3A_1140 : i32
    %rem3A_1142 = arith.remsi %mul3A_1124, %jit3A_1125 : i32
    %ne3A_1143 = arith.constant 0 : i32
    %ne3A_1144 = arith.cmpi ne, %rem3A_1142, %ne3A_1143 : i32
    %and3A_1145 = arith.andi %ne3A_1141, %ne3A_1144 : i1
    %sub3A_1146 = arith.constant 1 : i32
    %sub3A_1147 = arith.subi %div3A_1126, %sub3A_1146 : i32
    %select_n3A_1148 = arith.select %and3A_1145, %sub3A_1147, %div3A_1126 : i32
    "tpu.region"() ({
      %run_scoped3A = tpu.sem_alloc : memref<!tpu.dma_semaphore, #tpu.memory_space<semaphore_mem>>
      %dma_start3A_1495 = tpu.memref_slice %arg2[%add3A_1122] : memref<16384xi32, #tpu.memory_space<hbm>> -> memref<128xi32, #tpu.memory_space<hbm>>
      %dma_start3A_1496 = tpu.memref_slice %arg2[%add3A_1122] : memref<16384xi32, #tpu.memory_space<hbm>> -> memref<128xi32, #tpu.memory_space<hbm>>
      tpu.enqueue_dma source(%dma_start3A_1496 : memref<128xi32, #tpu.memory_space<hbm>>) target(%arg11 : memref<128xi32, #tpu.memory_space<vmem>>) target_semaphore(%run_scoped3A : memref<!tpu.dma_semaphore, #tpu.memory_space<semaphore_mem>>)
      %dma_wait3A_1497 = tpu.memref_slice %arg2[%add3A_1122] : memref<16384xi32, #tpu.memory_space<hbm>> -> memref<128xi32, #tpu.memory_space<hbm>>
      %dma_wait3A_1498 = tpu.memref_slice %arg2[%add3A_1122] : memref<16384xi32, #tpu.memory_space<hbm>> -> memref<128xi32, #tpu.memory_space<hbm>>
      tpu.wait_dma2 semaphore(%run_scoped3A : memref<!tpu.dma_semaphore, #tpu.memory_space<semaphore_mem>>) src(%dma_wait3A_1498 : memref<128xi32, #tpu.memory_space<hbm>>) dst(%arg11 : memref<128xi32, #tpu.memory_space<vmem>>)
      tpu.yield
    }) : () -> ()
    %dma_start3A_1149 = arith.constant 0 : i32
    %dma_start3A_1150 = arith.constant 0 : i32
    %dma_start3A_1151 = tpu.memref_slice %arg5[%dma_start3A_1149, %dma_start3A_1150] : memref<100000x128xf32, #tpu.memory_space<hbm>> -> memref<100000x128xf32, #tpu.memory_space<hbm>>
    tpu.enqueue_indirect_dma source(%dma_start3A_1151 : memref<100000x128xf32, #tpu.memory_space<hbm>>) target(%arg14 : memref<128x128xf32, #tpu.memory_space<vmem>>) offsets(%arg11 : memref<128xi32, #tpu.memory_space<vmem>>) semaphore(%arg17 : memref<!tpu.dma_semaphore, #tpu.memory_space<semaphore_mem>>)
    "tpu.region"() ({
      %run_scoped3A = tpu.sem_alloc : memref<!tpu.dma_semaphore, #tpu.memory_space<semaphore_mem>>
      %dma_start3A_1495 = tpu.memref_slice %arg3[%add3A_1122] : memref<16384xi32, #tpu.memory_space<hbm>> -> memref<128xi32, #tpu.memory_space<hbm>>
      %dma_start3A_1496 = tpu.memref_slice %arg3[%add3A_1122] : memref<16384xi32, #tpu.memory_space<hbm>> -> memref<128xi32, #tpu.memory_space<hbm>>
      tpu.enqueue_dma source(%dma_start3A_1496 : memref<128xi32, #tpu.memory_space<hbm>>) target(%arg12 : memref<128xi32, #tpu.memory_space<vmem>>) target_semaphore(%run_scoped3A : memref<!tpu.dma_semaphore, #tpu.memory_space<semaphore_mem>>)
      %dma_wait3A_1497 = tpu.memref_slice %arg3[%add3A_1122] : memref<16384xi32, #tpu.memory_space<hbm>> -> memref<128xi32, #tpu.memory_space<hbm>>
      %dma_wait3A_1498 = tpu.memref_slice %arg3[%add3A_1122] : memref<16384xi32, #tpu.memory_space<hbm>> -> memref<128xi32, #tpu.memory_space<hbm>>
      tpu.wait_dma2 semaphore(%run_scoped3A : memref<!tpu.dma_semaphore, #tpu.memory_space<semaphore_mem>>) src(%dma_wait3A_1498 : memref<128xi32, #tpu.memory_space<hbm>>) dst(%arg12 : memref<128xi32, #tpu.memory_space<vmem>>)
      tpu.yield
    }) : () -> ()
    %dma_start3A_1152 = arith.constant 0 : i32
    %dma_start3A_1153 = tpu.memref_slice %arg7[%dma_start3A_1152] : memref<100000xi32, #tpu.memory_space<hbm>> -> memref<100000xi32, #tpu.memory_space<hbm>>
    tpu.enqueue_indirect_dma source(%dma_start3A_1153 : memref<100000xi32, #tpu.memory_space<hbm>>) target(%arg16 : memref<128xi32, #tpu.memory_space<vmem>>) offsets(%arg12 : memref<128xi32, #tpu.memory_space<vmem>>) semaphore(%arg19 : memref<!tpu.dma_semaphore, #tpu.memory_space<semaphore_mem>>)
    "tpu.region"() ({
      %run_scoped3A = tpu.sem_alloc : memref<!tpu.dma_semaphore, #tpu.memory_space<semaphore_mem>>
      %dma_start3A_1495 = arith.constant 0 : i32
      %dma_start3A_1496 = tpu.memref_slice %arg4[%select_n3A_1148, %dma_start3A_1495] : memref<1792x128xi32, #tpu.memory_space<hbm>> -> memref<14x128xi32, #tpu.memory_space<hbm>>
      %dma_start3A_1497 = arith.constant 0 : i32
      %dma_start3A_1498 = tpu.memref_slice %arg4[%select_n3A_1148, %dma_start3A_1497] : memref<1792x128xi32, #tpu.memory_space<hbm>> -> memref<14x128xi32, #tpu.memory_space<hbm>>
      tpu.enqueue_dma source(%dma_start3A_1498 : memref<14x128xi32, #tpu.memory_space<hbm>>) target(%arg13 : memref<14x128xi32, #tpu.memory_space<vmem>>) target_semaphore(%run_scoped3A : memref<!tpu.dma_semaphore, #tpu.memory_space<semaphore_mem>>)
      %dma_wait3A_1499 = arith.constant 0 : i32
      %dma_wait3A_1500 = tpu.memref_slice %arg4[%select_n3A_1148, %dma_wait3A_1499] : memref<1792x128xi32, #tpu.memory_space<hbm>> -> memref<14x128xi32, #tpu.memory_space<hbm>>
      %dma_wait3A_1501 = arith.constant 0 : i32
      %dma_wait3A_1502 = tpu.memref_slice %arg4[%select_n3A_1148, %dma_wait3A_1501] : memref<1792x128xi32, #tpu.memory_space<hbm>> -> memref<14x128xi32, #tpu.memory_space<hbm>>
      tpu.wait_dma2 semaphore(%run_scoped3A : memref<!tpu.dma_semaphore, #tpu.memory_space<semaphore_mem>>) src(%dma_wait3A_1502 : memref<14x128xi32, #tpu.memory_space<hbm>>) dst(%arg13 : memref<14x128xi32, #tpu.memory_space<vmem>>)
      tpu.yield
    }) : () -> ()
    %dma_start3A_1154 = arith.constant 0 : i32
    %dma_start3A_1155 = arith.constant 0 : i32
    %dma_start3A_1156 = arith.constant 0 : i32
    %dma_start3A_1157 = arith.constant 0 : i32
    %dma_start3A_1158 = tpu.memref_slice %arg15[%dma_start3A_1155, %dma_start3A_1156, %dma_start3A_1157] : memref<14x128x16xf32, #tpu.memory_space<vmem>> -> memref<1x128x16xf32, #tpu.memory_space<vmem>>
    %dma_start3A_1159 = tpu.memref_squeeze %dma_start3A_1158 : memref<1x128x16xf32, #tpu.memory_space<vmem>> -> memref<128x16xf32, #tpu.memory_space<vmem>>
    %dma_start3A_1160 = arith.constant 0 : i32
    %dma_start3A_1161 = tpu.memref_slice %arg13[%dma_start3A_1154, %dma_start3A_1160] : memref<14x128xi32, #tpu.memory_space<vmem>> -> memref<1x128xi32, #tpu.memory_space<vmem>>
    %dma_start3A_1162 = tpu.memref_squeeze %dma_start3A_1161 : memref<1x128xi32, #tpu.memory_space<vmem>> -> memref<128xi32, #tpu.memory_space<vmem>>
    %dma_start3A_1163 = arith.constant 0 : i32
    %dma_start3A_1164 = arith.constant 0 : i32
    %dma_start3A_1165 = tpu.memref_slice %arg6[%dma_start3A_1163, %dma_start3A_1164] : memref<1400000x16xf32, #tpu.memory_space<hbm>> -> memref<1400000x16xf32, #tpu.memory_space<hbm>>
    tpu.enqueue_indirect_dma source(%dma_start3A_1165 : memref<1400000x16xf32, #tpu.memory_space<hbm>>) target(%dma_start3A_1159 : memref<128x16xf32, #tpu.memory_space<vmem>>) offsets(%dma_start3A_1162 : memref<128xi32, #tpu.memory_space<vmem>>) semaphore(%arg18 : memref<!tpu.dma_semaphore, #tpu.memory_space<semaphore_mem>>)
    %dma_start3A_1166 = arith.constant 1 : i32
    %dma_start3A_1167 = arith.constant 1 : i32
    %dma_start3A_1168 = arith.constant 0 : i32
    %dma_start3A_1169 = arith.constant 0 : i32
    %dma_start3A_1170 = tpu.memref_slice %arg15[%dma_start3A_1167, %dma_start3A_1168, %dma_start3A_1169] : memref<14x128x16xf32, #tpu.memory_space<vmem>> -> memref<1x128x16xf32, #tpu.memory_space<vmem>>
    %dma_start3A_1171 = tpu.memref_squeeze %dma_start3A_1170 : memref<1x128x16xf32, #tpu.memory_space<vmem>> -> memref<128x16xf32, #tpu.memory_space<vmem>>
    %dma_start3A_1172 = arith.constant 0 : i32
    %dma_start3A_1173 = tpu.memref_slice %arg13[%dma_start3A_1166, %dma_start3A_1172] : memref<14x128xi32, #tpu.memory_space<vmem>> -> memref<1x128xi32, #tpu.memory_space<vmem>>
    %dma_start3A_1174 = tpu.memref_squeeze %dma_start3A_1173 : memref<1x128xi32, #tpu.memory_space<vmem>> -> memref<128xi32, #tpu.memory_space<vmem>>
    %dma_start3A_1175 = arith.constant 0 : i32
    %dma_start3A_1176 = arith.constant 0 : i32
    %dma_start3A_1177 = tpu.memref_slice %arg6[%dma_start3A_1175, %dma_start3A_1176] : memref<1400000x16xf32, #tpu.memory_space<hbm>> -> memref<1400000x16xf32, #tpu.memory_space<hbm>>
    tpu.enqueue_indirect_dma source(%dma_start3A_1177 : memref<1400000x16xf32, #tpu.memory_space<hbm>>) target(%dma_start3A_1171 : memref<128x16xf32, #tpu.memory_space<vmem>>) offsets(%dma_start3A_1174 : memref<128xi32, #tpu.memory_space<vmem>>) semaphore(%arg18 : memref<!tpu.dma_semaphore, #tpu.memory_space<semaphore_mem>>)
    %dma_start3A_1178 = arith.constant 2 : i32
    %dma_start3A_1179 = arith.constant 2 : i32
    %dma_start3A_1180 = arith.constant 0 : i32
    %dma_start3A_1181 = arith.constant 0 : i32
    %dma_start3A_1182 = tpu.memref_slice %arg15[%dma_start3A_1179, %dma_start3A_1180, %dma_start3A_1181] : memref<14x128x16xf32, #tpu.memory_space<vmem>> -> memref<1x128x16xf32, #tpu.memory_space<vmem>>
    %dma_start3A_1183 = tpu.memref_squeeze %dma_start3A_1182 : memref<1x128x16xf32, #tpu.memory_space<vmem>> -> memref<128x16xf32, #tpu.memory_space<vmem>>
    %dma_start3A_1184 = arith.constant 0 : i32
    %dma_start3A_1185 = tpu.memref_slice %arg13[%dma_start3A_1178, %dma_start3A_1184] : memref<14x128xi32, #tpu.memory_space<vmem>> -> memref<1x128xi32, #tpu.memory_space<vmem>>
    %dma_start3A_1186 = tpu.memref_squeeze %dma_start3A_1185 : memref<1x128xi32, #tpu.memory_space<vmem>> -> memref<128xi32, #tpu.memory_space<vmem>>
    %dma_start3A_1187 = arith.constant 0 : i32
    %dma_start3A_1188 = arith.constant 0 : i32
    %dma_start3A_1189 = tpu.memref_slice %arg6[%dma_start3A_1187, %dma_start3A_1188] : memref<1400000x16xf32, #tpu.memory_space<hbm>> -> memref<1400000x16xf32, #tpu.memory_space<hbm>>
    tpu.enqueue_indirect_dma source(%dma_start3A_1189 : memref<1400000x16xf32, #tpu.memory_space<hbm>>) target(%dma_start3A_1183 : memref<128x16xf32, #tpu.memory_space<vmem>>) offsets(%dma_start3A_1186 : memref<128xi32, #tpu.memory_space<vmem>>) semaphore(%arg18 : memref<!tpu.dma_semaphore, #tpu.memory_space<semaphore_mem>>)
    %dma_start3A_1190 = arith.constant 3 : i32
    %dma_start3A_1191 = arith.constant 3 : i32
    %dma_start3A_1192 = arith.constant 0 : i32
    %dma_start3A_1193 = arith.constant 0 : i32
    %dma_start3A_1194 = tpu.memref_slice %arg15[%dma_start3A_1191, %dma_start3A_1192, %dma_start3A_1193] : memref<14x128x16xf32, #tpu.memory_space<vmem>> -> memref<1x128x16xf32, #tpu.memory_space<vmem>>
    %dma_start3A_1195 = tpu.memref_squeeze %dma_start3A_1194 : memref<1x128x16xf32, #tpu.memory_space<vmem>> -> memref<128x16xf32, #tpu.memory_space<vmem>>
    %dma_start3A_1196 = arith.constant 0 : i32
    %dma_start3A_1197 = tpu.memref_slice %arg13[%dma_start3A_1190, %dma_start3A_1196] : memref<14x128xi32, #tpu.memory_space<vmem>> -> memref<1x128xi32, #tpu.memory_space<vmem>>
    %dma_start3A_1198 = tpu.memref_squeeze %dma_start3A_1197 : memref<1x128xi32, #tpu.memory_space<vmem>> -> memref<128xi32, #tpu.memory_space<vmem>>
    %dma_start3A_1199 = arith.constant 0 : i32
    %dma_start3A_1200 = arith.constant 0 : i32
    %dma_start3A_1201 = tpu.memref_slice %arg6[%dma_start3A_1199, %dma_start3A_1200] : memref<1400000x16xf32, #tpu.memory_space<hbm>> -> memref<1400000x16xf32, #tpu.memory_space<hbm>>
    tpu.enqueue_indirect_dma source(%dma_start3A_1201 : memref<1400000x16xf32, #tpu.memory_space<hbm>>) target(%dma_start3A_1195 : memref<128x16xf32, #tpu.memory_space<vmem>>) offsets(%dma_start3A_1198 : memref<128xi32, #tpu.memory_space<vmem>>) semaphore(%arg18 : memref<!tpu.dma_semaphore, #tpu.memory_space<semaphore_mem>>)
    %dma_start3A_1202 = arith.constant 4 : i32
    %dma_start3A_1203 = arith.constant 4 : i32
    %dma_start3A_1204 = arith.constant 0 : i32
    %dma_start3A_1205 = arith.constant 0 : i32
    %dma_start3A_1206 = tpu.memref_slice %arg15[%dma_start3A_1203, %dma_start3A_1204, %dma_start3A_1205] : memref<14x128x16xf32, #tpu.memory_space<vmem>> -> memref<1x128x16xf32, #tpu.memory_space<vmem>>
    %dma_start3A_1207 = tpu.memref_squeeze %dma_start3A_1206 : memref<1x128x16xf32, #tpu.memory_space<vmem>> -> memref<128x16xf32, #tpu.memory_space<vmem>>
    %dma_start3A_1208 = arith.constant 0 : i32
    %dma_start3A_1209 = tpu.memref_slice %arg13[%dma_start3A_1202, %dma_start3A_1208] : memref<14x128xi32, #tpu.memory_space<vmem>> -> memref<1x128xi32, #tpu.memory_space<vmem>>
    %dma_start3A_1210 = tpu.memref_squeeze %dma_start3A_1209 : memref<1x128xi32, #tpu.memory_space<vmem>> -> memref<128xi32, #tpu.memory_space<vmem>>
    %dma_start3A_1211 = arith.constant 0 : i32
    %dma_start3A_1212 = arith.constant 0 : i32
    %dma_start3A_1213 = tpu.memref_slice %arg6[%dma_start3A_1211, %dma_start3A_1212] : memref<1400000x16xf32, #tpu.memory_space<hbm>> -> memref<1400000x16xf32, #tpu.memory_space<hbm>>
    tpu.enqueue_indirect_dma source(%dma_start3A_1213 : memref<1400000x16xf32, #tpu.memory_space<hbm>>) target(%dma_start3A_1207 : memref<128x16xf32, #tpu.memory_space<vmem>>) offsets(%dma_start3A_1210 : memref<128xi32, #tpu.memory_space<vmem>>) semaphore(%arg18 : memref<!tpu.dma_semaphore, #tpu.memory_space<semaphore_mem>>)
    %dma_start3A_1214 = arith.constant 5 : i32
    %dma_start3A_1215 = arith.constant 5 : i32
    %dma_start3A_1216 = arith.constant 0 : i32
    %dma_start3A_1217 = arith.constant 0 : i32
    %dma_start3A_1218 = tpu.memref_slice %arg15[%dma_start3A_1215, %dma_start3A_1216, %dma_start3A_1217] : memref<14x128x16xf32, #tpu.memory_space<vmem>> -> memref<1x128x16xf32, #tpu.memory_space<vmem>>
    %dma_start3A_1219 = tpu.memref_squeeze %dma_start3A_1218 : memref<1x128x16xf32, #tpu.memory_space<vmem>> -> memref<128x16xf32, #tpu.memory_space<vmem>>
    %dma_start3A_1220 = arith.constant 0 : i32
    %dma_start3A_1221 = tpu.memref_slice %arg13[%dma_start3A_1214, %dma_start3A_1220] : memref<14x128xi32, #tpu.memory_space<vmem>> -> memref<1x128xi32, #tpu.memory_space<vmem>>
    %dma_start3A_1222 = tpu.memref_squeeze %dma_start3A_1221 : memref<1x128xi32, #tpu.memory_space<vmem>> -> memref<128xi32, #tpu.memory_space<vmem>>
    %dma_start3A_1223 = arith.constant 0 : i32
    %dma_start3A_1224 = arith.constant 0 : i32
    %dma_start3A_1225 = tpu.memref_slice %arg6[%dma_start3A_1223, %dma_start3A_1224] : memref<1400000x16xf32, #tpu.memory_space<hbm>> -> memref<1400000x16xf32, #tpu.memory_space<hbm>>
    tpu.enqueue_indirect_dma source(%dma_start3A_1225 : memref<1400000x16xf32, #tpu.memory_space<hbm>>) target(%dma_start3A_1219 : memref<128x16xf32, #tpu.memory_space<vmem>>) offsets(%dma_start3A_1222 : memref<128xi32, #tpu.memory_space<vmem>>) semaphore(%arg18 : memref<!tpu.dma_semaphore, #tpu.memory_space<semaphore_mem>>)
    %dma_start3A_1226 = arith.constant 6 : i32
    %dma_start3A_1227 = arith.constant 6 : i32
    %dma_start3A_1228 = arith.constant 0 : i32
    %dma_start3A_1229 = arith.constant 0 : i32
    %dma_start3A_1230 = tpu.memref_slice %arg15[%dma_start3A_1227, %dma_start3A_1228, %dma_start3A_1229] : memref<14x128x16xf32, #tpu.memory_space<vmem>> -> memref<1x128x16xf32, #tpu.memory_space<vmem>>
    %dma_start3A_1231 = tpu.memref_squeeze %dma_start3A_1230 : memref<1x128x16xf32, #tpu.memory_space<vmem>> -> memref<128x16xf32, #tpu.memory_space<vmem>>
    %dma_start3A_1232 = arith.constant 0 : i32
    %dma_start3A_1233 = tpu.memref_slice %arg13[%dma_start3A_1226, %dma_start3A_1232] : memref<14x128xi32, #tpu.memory_space<vmem>> -> memref<1x128xi32, #tpu.memory_space<vmem>>
    %dma_start3A_1234 = tpu.memref_squeeze %dma_start3A_1233 : memref<1x128xi32, #tpu.memory_space<vmem>> -> memref<128xi32, #tpu.memory_space<vmem>>
    %dma_start3A_1235 = arith.constant 0 : i32
    %dma_start3A_1236 = arith.constant 0 : i32
    %dma_start3A_1237 = tpu.memref_slice %arg6[%dma_start3A_1235, %dma_start3A_1236] : memref<1400000x16xf32, #tpu.memory_space<hbm>> -> memref<1400000x16xf32, #tpu.memory_space<hbm>>
    tpu.enqueue_indirect_dma source(%dma_start3A_1237 : memref<1400000x16xf32, #tpu.memory_space<hbm>>) target(%dma_start3A_1231 : memref<128x16xf32, #tpu.memory_space<vmem>>) offsets(%dma_start3A_1234 : memref<128xi32, #tpu.memory_space<vmem>>) semaphore(%arg18 : memref<!tpu.dma_semaphore, #tpu.memory_space<semaphore_mem>>)
    %dma_start3A_1238 = arith.constant 7 : i32
    %dma_start3A_1239 = arith.constant 7 : i32
    %dma_start3A_1240 = arith.constant 0 : i32
    %dma_start3A_1241 = arith.constant 0 : i32
    %dma_start3A_1242 = tpu.memref_slice %arg15[%dma_start3A_1239, %dma_start3A_1240, %dma_start3A_1241] : memref<14x128x16xf32, #tpu.memory_space<vmem>> -> memref<1x128x16xf32, #tpu.memory_space<vmem>>
    %dma_start3A_1243 = tpu.memref_squeeze %dma_start3A_1242 : memref<1x128x16xf32, #tpu.memory_space<vmem>> -> memref<128x16xf32, #tpu.memory_space<vmem>>
    %dma_start3A_1244 = arith.constant 0 : i32
    %dma_start3A_1245 = tpu.memref_slice %arg13[%dma_start3A_1238, %dma_start3A_1244] : memref<14x128xi32, #tpu.memory_space<vmem>> -> memref<1x128xi32, #tpu.memory_space<vmem>>
    %dma_start3A_1246 = tpu.memref_squeeze %dma_start3A_1245 : memref<1x128xi32, #tpu.memory_space<vmem>> -> memref<128xi32, #tpu.memory_space<vmem>>
    %dma_start3A_1247 = arith.constant 0 : i32
    %dma_start3A_1248 = arith.constant 0 : i32
    %dma_start3A_1249 = tpu.memref_slice %arg6[%dma_start3A_1247, %dma_start3A_1248] : memref<1400000x16xf32, #tpu.memory_space<hbm>> -> memref<1400000x16xf32, #tpu.memory_space<hbm>>
    tpu.enqueue_indirect_dma source(%dma_start3A_1249 : memref<1400000x16xf32, #tpu.memory_space<hbm>>) target(%dma_start3A_1243 : memref<128x16xf32, #tpu.memory_space<vmem>>) offsets(%dma_start3A_1246 : memref<128xi32, #tpu.memory_space<vmem>>) semaphore(%arg18 : memref<!tpu.dma_semaphore, #tpu.memory_space<semaphore_mem>>)
    %dma_start3A_1250 = arith.constant 8 : i32
    %dma_start3A_1251 = arith.constant 8 : i32
    %dma_start3A_1252 = arith.constant 0 : i32
    %dma_start3A_1253 = arith.constant 0 : i32
    %dma_start3A_1254 = tpu.memref_slice %arg15[%dma_start3A_1251, %dma_start3A_1252, %dma_start3A_1253] : memref<14x128x16xf32, #tpu.memory_space<vmem>> -> memref<1x128x16xf32, #tpu.memory_space<vmem>>
    %dma_start3A_1255 = tpu.memref_squeeze %dma_start3A_1254 : memref<1x128x16xf32, #tpu.memory_space<vmem>> -> memref<128x16xf32, #tpu.memory_space<vmem>>
    %dma_start3A_1256 = arith.constant 0 : i32
    %dma_start3A_1257 = tpu.memref_slice %arg13[%dma_start3A_1250, %dma_start3A_1256] : memref<14x128xi32, #tpu.memory_space<vmem>> -> memref<1x128xi32, #tpu.memory_space<vmem>>
    %dma_start3A_1258 = tpu.memref_squeeze %dma_start3A_1257 : memref<1x128xi32, #tpu.memory_space<vmem>> -> memref<128xi32, #tpu.memory_space<vmem>>
    %dma_start3A_1259 = arith.constant 0 : i32
    %dma_start3A_1260 = arith.constant 0 : i32
    %dma_start3A_1261 = tpu.memref_slice %arg6[%dma_start3A_1259, %dma_start3A_1260] : memref<1400000x16xf32, #tpu.memory_space<hbm>> -> memref<1400000x16xf32, #tpu.memory_space<hbm>>
    tpu.enqueue_indirect_dma source(%dma_start3A_1261 : memref<1400000x16xf32, #tpu.memory_space<hbm>>) target(%dma_start3A_1255 : memref<128x16xf32, #tpu.memory_space<vmem>>) offsets(%dma_start3A_1258 : memref<128xi32, #tpu.memory_space<vmem>>) semaphore(%arg18 : memref<!tpu.dma_semaphore, #tpu.memory_space<semaphore_mem>>)
    %dma_start3A_1262 = arith.constant 9 : i32
    %dma_start3A_1263 = arith.constant 9 : i32
    %dma_start3A_1264 = arith.constant 0 : i32
    %dma_start3A_1265 = arith.constant 0 : i32
    %dma_start3A_1266 = tpu.memref_slice %arg15[%dma_start3A_1263, %dma_start3A_1264, %dma_start3A_1265] : memref<14x128x16xf32, #tpu.memory_space<vmem>> -> memref<1x128x16xf32, #tpu.memory_space<vmem>>
    %dma_start3A_1267 = tpu.memref_squeeze %dma_start3A_1266 : memref<1x128x16xf32, #tpu.memory_space<vmem>> -> memref<128x16xf32, #tpu.memory_space<vmem>>
    %dma_start3A_1268 = arith.constant 0 : i32
    %dma_start3A_1269 = tpu.memref_slice %arg13[%dma_start3A_1262, %dma_start3A_1268] : memref<14x128xi32, #tpu.memory_space<vmem>> -> memref<1x128xi32, #tpu.memory_space<vmem>>
    %dma_start3A_1270 = tpu.memref_squeeze %dma_start3A_1269 : memref<1x128xi32, #tpu.memory_space<vmem>> -> memref<128xi32, #tpu.memory_space<vmem>>
    %dma_start3A_1271 = arith.constant 0 : i32
    %dma_start3A_1272 = arith.constant 0 : i32
    %dma_start3A_1273 = tpu.memref_slice %arg6[%dma_start3A_1271, %dma_start3A_1272] : memref<1400000x16xf32, #tpu.memory_space<hbm>> -> memref<1400000x16xf32, #tpu.memory_space<hbm>>
    tpu.enqueue_indirect_dma source(%dma_start3A_1273 : memref<1400000x16xf32, #tpu.memory_space<hbm>>) target(%dma_start3A_1267 : memref<128x16xf32, #tpu.memory_space<vmem>>) offsets(%dma_start3A_1270 : memref<128xi32, #tpu.memory_space<vmem>>) semaphore(%arg18 : memref<!tpu.dma_semaphore, #tpu.memory_space<semaphore_mem>>)
    %dma_start3A_1274 = arith.constant 10 : i32
    %dma_start3A_1275 = arith.constant 10 : i32
    %dma_start3A_1276 = arith.constant 0 : i32
    %dma_start3A_1277 = arith.constant 0 : i32
    %dma_start3A_1278 = tpu.memref_slice %arg15[%dma_start3A_1275, %dma_start3A_1276, %dma_start3A_1277] : memref<14x128x16xf32, #tpu.memory_space<vmem>> -> memref<1x128x16xf32, #tpu.memory_space<vmem>>
    %dma_start3A_1279 = tpu.memref_squeeze %dma_start3A_1278 : memref<1x128x16xf32, #tpu.memory_space<vmem>> -> memref<128x16xf32, #tpu.memory_space<vmem>>
    %dma_start3A_1280 = arith.constant 0 : i32
    %dma_start3A_1281 = tpu.memref_slice %arg13[%dma_start3A_1274, %dma_start3A_1280] : memref<14x128xi32, #tpu.memory_space<vmem>> -> memref<1x128xi32, #tpu.memory_space<vmem>>
    %dma_start3A_1282 = tpu.memref_squeeze %dma_start3A_1281 : memref<1x128xi32, #tpu.memory_space<vmem>> -> memref<128xi32, #tpu.memory_space<vmem>>
    %dma_start3A_1283 = arith.constant 0 : i32
    %dma_start3A_1284 = arith.constant 0 : i32
    %dma_start3A_1285 = tpu.memref_slice %arg6[%dma_start3A_1283, %dma_start3A_1284] : memref<1400000x16xf32, #tpu.memory_space<hbm>> -> memref<1400000x16xf32, #tpu.memory_space<hbm>>
    tpu.enqueue_indirect_dma source(%dma_start3A_1285 : memref<1400000x16xf32, #tpu.memory_space<hbm>>) target(%dma_start3A_1279 : memref<128x16xf32, #tpu.memory_space<vmem>>) offsets(%dma_start3A_1282 : memref<128xi32, #tpu.memory_space<vmem>>) semaphore(%arg18 : memref<!tpu.dma_semaphore, #tpu.memory_space<semaphore_mem>>)
    %dma_start3A_1286 = arith.constant 11 : i32
    %dma_start3A_1287 = arith.constant 11 : i32
    %dma_start3A_1288 = arith.constant 0 : i32
    %dma_start3A_1289 = arith.constant 0 : i32
    %dma_start3A_1290 = tpu.memref_slice %arg15[%dma_start3A_1287, %dma_start3A_1288, %dma_start3A_1289] : memref<14x128x16xf32, #tpu.memory_space<vmem>> -> memref<1x128x16xf32, #tpu.memory_space<vmem>>
    %dma_start3A_1291 = tpu.memref_squeeze %dma_start3A_1290 : memref<1x128x16xf32, #tpu.memory_space<vmem>> -> memref<128x16xf32, #tpu.memory_space<vmem>>
    %dma_start3A_1292 = arith.constant 0 : i32
    %dma_start3A_1293 = tpu.memref_slice %arg13[%dma_start3A_1286, %dma_start3A_1292] : memref<14x128xi32, #tpu.memory_space<vmem>> -> memref<1x128xi32, #tpu.memory_space<vmem>>
    %dma_start3A_1294 = tpu.memref_squeeze %dma_start3A_1293 : memref<1x128xi32, #tpu.memory_space<vmem>> -> memref<128xi32, #tpu.memory_space<vmem>>
    %dma_start3A_1295 = arith.constant 0 : i32
    %dma_start3A_1296 = arith.constant 0 : i32
    %dma_start3A_1297 = tpu.memref_slice %arg6[%dma_start3A_1295, %dma_start3A_1296] : memref<1400000x16xf32, #tpu.memory_space<hbm>> -> memref<1400000x16xf32, #tpu.memory_space<hbm>>
    tpu.enqueue_indirect_dma source(%dma_start3A_1297 : memref<1400000x16xf32, #tpu.memory_space<hbm>>) target(%dma_start3A_1291 : memref<128x16xf32, #tpu.memory_space<vmem>>) offsets(%dma_start3A_1294 : memref<128xi32, #tpu.memory_space<vmem>>) semaphore(%arg18 : memref<!tpu.dma_semaphore, #tpu.memory_space<semaphore_mem>>)
    %dma_start3A_1298 = arith.constant 12 : i32
    %dma_start3A_1299 = arith.constant 12 : i32
    %dma_start3A_1300 = arith.constant 0 : i32
    %dma_start3A_1301 = arith.constant 0 : i32
    %dma_start3A_1302 = tpu.memref_slice %arg15[%dma_start3A_1299, %dma_start3A_1300, %dma_start3A_1301] : memref<14x128x16xf32, #tpu.memory_space<vmem>> -> memref<1x128x16xf32, #tpu.memory_space<vmem>>
    %dma_start3A_1303 = tpu.memref_squeeze %dma_start3A_1302 : memref<1x128x16xf32, #tpu.memory_space<vmem>> -> memref<128x16xf32, #tpu.memory_space<vmem>>
    %dma_start3A_1304 = arith.constant 0 : i32
    %dma_start3A_1305 = tpu.memref_slice %arg13[%dma_start3A_1298, %dma_start3A_1304] : memref<14x128xi32, #tpu.memory_space<vmem>> -> memref<1x128xi32, #tpu.memory_space<vmem>>
    %dma_start3A_1306 = tpu.memref_squeeze %dma_start3A_1305 : memref<1x128xi32, #tpu.memory_space<vmem>> -> memref<128xi32, #tpu.memory_space<vmem>>
    %dma_start3A_1307 = arith.constant 0 : i32
    %dma_start3A_1308 = arith.constant 0 : i32
    %dma_start3A_1309 = tpu.memref_slice %arg6[%dma_start3A_1307, %dma_start3A_1308] : memref<1400000x16xf32, #tpu.memory_space<hbm>> -> memref<1400000x16xf32, #tpu.memory_space<hbm>>
    tpu.enqueue_indirect_dma source(%dma_start3A_1309 : memref<1400000x16xf32, #tpu.memory_space<hbm>>) target(%dma_start3A_1303 : memref<128x16xf32, #tpu.memory_space<vmem>>) offsets(%dma_start3A_1306 : memref<128xi32, #tpu.memory_space<vmem>>) semaphore(%arg18 : memref<!tpu.dma_semaphore, #tpu.memory_space<semaphore_mem>>)
    %dma_start3A_1310 = arith.constant 13 : i32
    %dma_start3A_1311 = arith.constant 13 : i32
    %dma_start3A_1312 = arith.constant 0 : i32
    %dma_start3A_1313 = arith.constant 0 : i32
    %dma_start3A_1314 = tpu.memref_slice %arg15[%dma_start3A_1311, %dma_start3A_1312, %dma_start3A_1313] : memref<14x128x16xf32, #tpu.memory_space<vmem>> -> memref<1x128x16xf32, #tpu.memory_space<vmem>>
    %dma_start3A_1315 = tpu.memref_squeeze %dma_start3A_1314 : memref<1x128x16xf32, #tpu.memory_space<vmem>> -> memref<128x16xf32, #tpu.memory_space<vmem>>
    %dma_start3A_1316 = arith.constant 0 : i32
    %dma_start3A_1317 = tpu.memref_slice %arg13[%dma_start3A_1310, %dma_start3A_1316] : memref<14x128xi32, #tpu.memory_space<vmem>> -> memref<1x128xi32, #tpu.memory_space<vmem>>
    %dma_start3A_1318 = tpu.memref_squeeze %dma_start3A_1317 : memref<1x128xi32, #tpu.memory_space<vmem>> -> memref<128xi32, #tpu.memory_space<vmem>>
    %dma_start3A_1319 = arith.constant 0 : i32
    %dma_start3A_1320 = arith.constant 0 : i32
    %dma_start3A_1321 = tpu.memref_slice %arg6[%dma_start3A_1319, %dma_start3A_1320] : memref<1400000x16xf32, #tpu.memory_space<hbm>> -> memref<1400000x16xf32, #tpu.memory_space<hbm>>
    tpu.enqueue_indirect_dma source(%dma_start3A_1321 : memref<1400000x16xf32, #tpu.memory_space<hbm>>) target(%dma_start3A_1315 : memref<128x16xf32, #tpu.memory_space<vmem>>) offsets(%dma_start3A_1318 : memref<128xi32, #tpu.memory_space<vmem>>) semaphore(%arg18 : memref<!tpu.dma_semaphore, #tpu.memory_space<semaphore_mem>>)
    %dma_wait3A_1322 = arith.constant 0 : i32
    %dma_wait3A_1323 = arith.constant 0 : i32
    %dma_wait3A_1324 = tpu.memref_slice %arg5[%dma_wait3A_1322, %dma_wait3A_1323] : memref<100000x128xf32, #tpu.memory_space<hbm>> -> memref<100000x128xf32, #tpu.memory_space<hbm>>
    tpu.wait_indirect_dma semaphore(%arg17 : memref<!tpu.dma_semaphore, #tpu.memory_space<semaphore_mem>>) src(%dma_wait3A_1324 : memref<100000x128xf32, #tpu.memory_space<hbm>>) dst(%arg14 : memref<128x128xf32, #tpu.memory_space<vmem>>)
    "tpu.region"() ({
      %run_scoped3A = tpu.sem_alloc : memref<!tpu.dma_semaphore, #tpu.memory_space<semaphore_mem>>
      %dma_start3A_1495 = arith.constant 0 : i32
      %dma_start3A_1496 = tpu.memref_slice %arg8[%add3A_1122, %dma_start3A_1495] : memref<16384x128xf32, #tpu.memory_space<hbm>> -> memref<128x128xf32, #tpu.memory_space<hbm>>
      %dma_start3A_1497 = arith.constant 0 : i32
      %dma_start3A_1498 = tpu.memref_slice %arg8[%add3A_1122, %dma_start3A_1497] : memref<16384x128xf32, #tpu.memory_space<hbm>> -> memref<128x128xf32, #tpu.memory_space<hbm>>
      tpu.enqueue_dma source(%arg14 : memref<128x128xf32, #tpu.memory_space<vmem>>) target(%dma_start3A_1498 : memref<128x128xf32, #tpu.memory_space<hbm>>) target_semaphore(%run_scoped3A : memref<!tpu.dma_semaphore, #tpu.memory_space<semaphore_mem>>)
      %dma_wait3A_1499 = arith.constant 0 : i32
      %dma_wait3A_1500 = tpu.memref_slice %arg8[%add3A_1122, %dma_wait3A_1499] : memref<16384x128xf32, #tpu.memory_space<hbm>> -> memref<128x128xf32, #tpu.memory_space<hbm>>
      %dma_wait3A_1501 = arith.constant 0 : i32
      %dma_wait3A_1502 = tpu.memref_slice %arg8[%add3A_1122, %dma_wait3A_1501] : memref<16384x128xf32, #tpu.memory_space<hbm>> -> memref<128x128xf32, #tpu.memory_space<hbm>>
      tpu.wait_dma2 semaphore(%run_scoped3A : memref<!tpu.dma_semaphore, #tpu.memory_space<semaphore_mem>>) src(%arg14 : memref<128x128xf32, #tpu.memory_space<vmem>>) dst(%dma_wait3A_1502 : memref<128x128xf32, #tpu.memory_space<hbm>>)
      tpu.yield
    }) : () -> ()
    %dma_wait3A_1325 = arith.constant 0 : i32
    %dma_wait3A_1326 = tpu.memref_slice %arg7[%dma_wait3A_1325] : memref<100000xi32, #tpu.memory_space<hbm>> -> memref<100000xi32, #tpu.memory_space<hbm>>
    tpu.wait_indirect_dma semaphore(%arg19 : memref<!tpu.dma_semaphore, #tpu.memory_space<semaphore_mem>>) src(%dma_wait3A_1326 : memref<100000xi32, #tpu.memory_space<hbm>>) dst(%arg16 : memref<128xi32, #tpu.memory_space<vmem>>)
    "tpu.region"() ({
      %run_scoped3A = tpu.sem_alloc : memref<!tpu.dma_semaphore, #tpu.memory_space<semaphore_mem>>
      %dma_start3A_1495 = tpu.memref_slice %arg10[%add3A_1122] : memref<16384xi32, #tpu.memory_space<hbm>> -> memref<128xi32, #tpu.memory_space<hbm>>
      %dma_start3A_1496 = tpu.memref_slice %arg10[%add3A_1122] : memref<16384xi32, #tpu.memory_space<hbm>> -> memref<128xi32, #tpu.memory_space<hbm>>
      tpu.enqueue_dma source(%arg16 : memref<128xi32, #tpu.memory_space<vmem>>) target(%dma_start3A_1496 : memref<128xi32, #tpu.memory_space<hbm>>) target_semaphore(%run_scoped3A : memref<!tpu.dma_semaphore, #tpu.memory_space<semaphore_mem>>)
      %dma_wait3A_1497 = tpu.memref_slice %arg10[%add3A_1122] : memref<16384xi32, #tpu.memory_space<hbm>> -> memref<128xi32, #tpu.memory_space<hbm>>
      %dma_wait3A_1498 = tpu.memref_slice %arg10[%add3A_1122] : memref<16384xi32, #tpu.memory_space<hbm>> -> memref<128xi32, #tpu.memory_space<hbm>>
      tpu.wait_dma2 semaphore(%run_scoped3A : memref<!tpu.dma_semaphore, #tpu.memory_space<semaphore_mem>>) src(%arg16 : memref<128xi32, #tpu.memory_space<vmem>>) dst(%dma_wait3A_1498 : memref<128xi32, #tpu.memory_space<hbm>>)
      tpu.yield
    }) : () -> ()
    %dma_wait3A_1327 = arith.constant 0 : i32
    %dma_wait3A_1328 = arith.constant 0 : i32
    %dma_wait3A_1329 = arith.constant 0 : i32
    %dma_wait3A_1330 = arith.constant 0 : i32
    %dma_wait3A_1331 = tpu.memref_slice %arg15[%dma_wait3A_1328, %dma_wait3A_1329, %dma_wait3A_1330] : memref<14x128x16xf32, #tpu.memory_space<vmem>> -> memref<1x128x16xf32, #tpu.memory_space<vmem>>
    %dma_wait3A_1332 = tpu.memref_squeeze %dma_wait3A_1331 : memref<1x128x16xf32, #tpu.memory_space<vmem>> -> memref<128x16xf32, #tpu.memory_space<vmem>>
    %dma_wait3A_1333 = arith.constant 0 : i32
    %dma_wait3A_1334 = tpu.memref_slice %arg13[%dma_wait3A_1327, %dma_wait3A_1333] : memref<14x128xi32, #tpu.memory_space<vmem>> -> memref<1x128xi32, #tpu.memory_space<vmem>>
    %dma_wait3A_1335 = tpu.memref_squeeze %dma_wait3A_1334 : memref<1x128xi32, #tpu.memory_space<vmem>> -> memref<128xi32, #tpu.memory_space<vmem>>
    %dma_wait3A_1336 = arith.constant 0 : i32
    %dma_wait3A_1337 = arith.constant 0 : i32
    %dma_wait3A_1338 = tpu.memref_slice %arg6[%dma_wait3A_1336, %dma_wait3A_1337] : memref<1400000x16xf32, #tpu.memory_space<hbm>> -> memref<1400000x16xf32, #tpu.memory_space<hbm>>
    tpu.wait_indirect_dma semaphore(%arg18 : memref<!tpu.dma_semaphore, #tpu.memory_space<semaphore_mem>>) src(%dma_wait3A_1338 : memref<1400000x16xf32, #tpu.memory_space<hbm>>) dst(%dma_wait3A_1332 : memref<128x16xf32, #tpu.memory_space<vmem>>)
    %dma_wait3A_1339 = arith.constant 1 : i32
    %dma_wait3A_1340 = arith.constant 1 : i32
    %dma_wait3A_1341 = arith.constant 0 : i32
    %dma_wait3A_1342 = arith.constant 0 : i32
    %dma_wait3A_1343 = tpu.memref_slice %arg15[%dma_wait3A_1340, %dma_wait3A_1341, %dma_wait3A_1342] : memref<14x128x16xf32, #tpu.memory_space<vmem>> -> memref<1x128x16xf32, #tpu.memory_space<vmem>>
    %dma_wait3A_1344 = tpu.memref_squeeze %dma_wait3A_1343 : memref<1x128x16xf32, #tpu.memory_space<vmem>> -> memref<128x16xf32, #tpu.memory_space<vmem>>
    %dma_wait3A_1345 = arith.constant 0 : i32
    %dma_wait3A_1346 = tpu.memref_slice %arg13[%dma_wait3A_1339, %dma_wait3A_1345] : memref<14x128xi32, #tpu.memory_space<vmem>> -> memref<1x128xi32, #tpu.memory_space<vmem>>
    %dma_wait3A_1347 = tpu.memref_squeeze %dma_wait3A_1346 : memref<1x128xi32, #tpu.memory_space<vmem>> -> memref<128xi32, #tpu.memory_space<vmem>>
    %dma_wait3A_1348 = arith.constant 0 : i32
    %dma_wait3A_1349 = arith.constant 0 : i32
    %dma_wait3A_1350 = tpu.memref_slice %arg6[%dma_wait3A_1348, %dma_wait3A_1349] : memref<1400000x16xf32, #tpu.memory_space<hbm>> -> memref<1400000x16xf32, #tpu.memory_space<hbm>>
    tpu.wait_indirect_dma semaphore(%arg18 : memref<!tpu.dma_semaphore, #tpu.memory_space<semaphore_mem>>) src(%dma_wait3A_1350 : memref<1400000x16xf32, #tpu.memory_space<hbm>>) dst(%dma_wait3A_1344 : memref<128x16xf32, #tpu.memory_space<vmem>>)
    %dma_wait3A_1351 = arith.constant 2 : i32
    %dma_wait3A_1352 = arith.constant 2 : i32
    %dma_wait3A_1353 = arith.constant 0 : i32
    %dma_wait3A_1354 = arith.constant 0 : i32
    %dma_wait3A_1355 = tpu.memref_slice %arg15[%dma_wait3A_1352, %dma_wait3A_1353, %dma_wait3A_1354] : memref<14x128x16xf32, #tpu.memory_space<vmem>> -> memref<1x128x16xf32, #tpu.memory_space<vmem>>
    %dma_wait3A_1356 = tpu.memref_squeeze %dma_wait3A_1355 : memref<1x128x16xf32, #tpu.memory_space<vmem>> -> memref<128x16xf32, #tpu.memory_space<vmem>>
    %dma_wait3A_1357 = arith.constant 0 : i32
    %dma_wait3A_1358 = tpu.memref_slice %arg13[%dma_wait3A_1351, %dma_wait3A_1357] : memref<14x128xi32, #tpu.memory_space<vmem>> -> memref<1x128xi32, #tpu.memory_space<vmem>>
    %dma_wait3A_1359 = tpu.memref_squeeze %dma_wait3A_1358 : memref<1x128xi32, #tpu.memory_space<vmem>> -> memref<128xi32, #tpu.memory_space<vmem>>
    %dma_wait3A_1360 = arith.constant 0 : i32
    %dma_wait3A_1361 = arith.constant 0 : i32
    %dma_wait3A_1362 = tpu.memref_slice %arg6[%dma_wait3A_1360, %dma_wait3A_1361] : memref<1400000x16xf32, #tpu.memory_space<hbm>> -> memref<1400000x16xf32, #tpu.memory_space<hbm>>
    tpu.wait_indirect_dma semaphore(%arg18 : memref<!tpu.dma_semaphore, #tpu.memory_space<semaphore_mem>>) src(%dma_wait3A_1362 : memref<1400000x16xf32, #tpu.memory_space<hbm>>) dst(%dma_wait3A_1356 : memref<128x16xf32, #tpu.memory_space<vmem>>)
    %dma_wait3A_1363 = arith.constant 3 : i32
    %dma_wait3A_1364 = arith.constant 3 : i32
    %dma_wait3A_1365 = arith.constant 0 : i32
    %dma_wait3A_1366 = arith.constant 0 : i32
    %dma_wait3A_1367 = tpu.memref_slice %arg15[%dma_wait3A_1364, %dma_wait3A_1365, %dma_wait3A_1366] : memref<14x128x16xf32, #tpu.memory_space<vmem>> -> memref<1x128x16xf32, #tpu.memory_space<vmem>>
    %dma_wait3A_1368 = tpu.memref_squeeze %dma_wait3A_1367 : memref<1x128x16xf32, #tpu.memory_space<vmem>> -> memref<128x16xf32, #tpu.memory_space<vmem>>
    %dma_wait3A_1369 = arith.constant 0 : i32
    %dma_wait3A_1370 = tpu.memref_slice %arg13[%dma_wait3A_1363, %dma_wait3A_1369] : memref<14x128xi32, #tpu.memory_space<vmem>> -> memref<1x128xi32, #tpu.memory_space<vmem>>
    %dma_wait3A_1371 = tpu.memref_squeeze %dma_wait3A_1370 : memref<1x128xi32, #tpu.memory_space<vmem>> -> memref<128xi32, #tpu.memory_space<vmem>>
    %dma_wait3A_1372 = arith.constant 0 : i32
    %dma_wait3A_1373 = arith.constant 0 : i32
    %dma_wait3A_1374 = tpu.memref_slice %arg6[%dma_wait3A_1372, %dma_wait3A_1373] : memref<1400000x16xf32, #tpu.memory_space<hbm>> -> memref<1400000x16xf32, #tpu.memory_space<hbm>>
    tpu.wait_indirect_dma semaphore(%arg18 : memref<!tpu.dma_semaphore, #tpu.memory_space<semaphore_mem>>) src(%dma_wait3A_1374 : memref<1400000x16xf32, #tpu.memory_space<hbm>>) dst(%dma_wait3A_1368 : memref<128x16xf32, #tpu.memory_space<vmem>>)
    %dma_wait3A_1375 = arith.constant 4 : i32
    %dma_wait3A_1376 = arith.constant 4 : i32
    %dma_wait3A_1377 = arith.constant 0 : i32
    %dma_wait3A_1378 = arith.constant 0 : i32
    %dma_wait3A_1379 = tpu.memref_slice %arg15[%dma_wait3A_1376, %dma_wait3A_1377, %dma_wait3A_1378] : memref<14x128x16xf32, #tpu.memory_space<vmem>> -> memref<1x128x16xf32, #tpu.memory_space<vmem>>
    %dma_wait3A_1380 = tpu.memref_squeeze %dma_wait3A_1379 : memref<1x128x16xf32, #tpu.memory_space<vmem>> -> memref<128x16xf32, #tpu.memory_space<vmem>>
    %dma_wait3A_1381 = arith.constant 0 : i32
    %dma_wait3A_1382 = tpu.memref_slice %arg13[%dma_wait3A_1375, %dma_wait3A_1381] : memref<14x128xi32, #tpu.memory_space<vmem>> -> memref<1x128xi32, #tpu.memory_space<vmem>>
    %dma_wait3A_1383 = tpu.memref_squeeze %dma_wait3A_1382 : memref<1x128xi32, #tpu.memory_space<vmem>> -> memref<128xi32, #tpu.memory_space<vmem>>
    %dma_wait3A_1384 = arith.constant 0 : i32
    %dma_wait3A_1385 = arith.constant 0 : i32
    %dma_wait3A_1386 = tpu.memref_slice %arg6[%dma_wait3A_1384, %dma_wait3A_1385] : memref<1400000x16xf32, #tpu.memory_space<hbm>> -> memref<1400000x16xf32, #tpu.memory_space<hbm>>
    tpu.wait_indirect_dma semaphore(%arg18 : memref<!tpu.dma_semaphore, #tpu.memory_space<semaphore_mem>>) src(%dma_wait3A_1386 : memref<1400000x16xf32, #tpu.memory_space<hbm>>) dst(%dma_wait3A_1380 : memref<128x16xf32, #tpu.memory_space<vmem>>)
    %dma_wait3A_1387 = arith.constant 5 : i32
    %dma_wait3A_1388 = arith.constant 5 : i32
    %dma_wait3A_1389 = arith.constant 0 : i32
    %dma_wait3A_1390 = arith.constant 0 : i32
    %dma_wait3A_1391 = tpu.memref_slice %arg15[%dma_wait3A_1388, %dma_wait3A_1389, %dma_wait3A_1390] : memref<14x128x16xf32, #tpu.memory_space<vmem>> -> memref<1x128x16xf32, #tpu.memory_space<vmem>>
    %dma_wait3A_1392 = tpu.memref_squeeze %dma_wait3A_1391 : memref<1x128x16xf32, #tpu.memory_space<vmem>> -> memref<128x16xf32, #tpu.memory_space<vmem>>
    %dma_wait3A_1393 = arith.constant 0 : i32
    %dma_wait3A_1394 = tpu.memref_slice %arg13[%dma_wait3A_1387, %dma_wait3A_1393] : memref<14x128xi32, #tpu.memory_space<vmem>> -> memref<1x128xi32, #tpu.memory_space<vmem>>
    %dma_wait3A_1395 = tpu.memref_squeeze %dma_wait3A_1394 : memref<1x128xi32, #tpu.memory_space<vmem>> -> memref<128xi32, #tpu.memory_space<vmem>>
    %dma_wait3A_1396 = arith.constant 0 : i32
    %dma_wait3A_1397 = arith.constant 0 : i32
    %dma_wait3A_1398 = tpu.memref_slice %arg6[%dma_wait3A_1396, %dma_wait3A_1397] : memref<1400000x16xf32, #tpu.memory_space<hbm>> -> memref<1400000x16xf32, #tpu.memory_space<hbm>>
    tpu.wait_indirect_dma semaphore(%arg18 : memref<!tpu.dma_semaphore, #tpu.memory_space<semaphore_mem>>) src(%dma_wait3A_1398 : memref<1400000x16xf32, #tpu.memory_space<hbm>>) dst(%dma_wait3A_1392 : memref<128x16xf32, #tpu.memory_space<vmem>>)
    %dma_wait3A_1399 = arith.constant 6 : i32
    %dma_wait3A_1400 = arith.constant 6 : i32
    %dma_wait3A_1401 = arith.constant 0 : i32
    %dma_wait3A_1402 = arith.constant 0 : i32
    %dma_wait3A_1403 = tpu.memref_slice %arg15[%dma_wait3A_1400, %dma_wait3A_1401, %dma_wait3A_1402] : memref<14x128x16xf32, #tpu.memory_space<vmem>> -> memref<1x128x16xf32, #tpu.memory_space<vmem>>
    %dma_wait3A_1404 = tpu.memref_squeeze %dma_wait3A_1403 : memref<1x128x16xf32, #tpu.memory_space<vmem>> -> memref<128x16xf32, #tpu.memory_space<vmem>>
    %dma_wait3A_1405 = arith.constant 0 : i32
    %dma_wait3A_1406 = tpu.memref_slice %arg13[%dma_wait3A_1399, %dma_wait3A_1405] : memref<14x128xi32, #tpu.memory_space<vmem>> -> memref<1x128xi32, #tpu.memory_space<vmem>>
    %dma_wait3A_1407 = tpu.memref_squeeze %dma_wait3A_1406 : memref<1x128xi32, #tpu.memory_space<vmem>> -> memref<128xi32, #tpu.memory_space<vmem>>
    %dma_wait3A_1408 = arith.constant 0 : i32
    %dma_wait3A_1409 = arith.constant 0 : i32
    %dma_wait3A_1410 = tpu.memref_slice %arg6[%dma_wait3A_1408, %dma_wait3A_1409] : memref<1400000x16xf32, #tpu.memory_space<hbm>> -> memref<1400000x16xf32, #tpu.memory_space<hbm>>
    tpu.wait_indirect_dma semaphore(%arg18 : memref<!tpu.dma_semaphore, #tpu.memory_space<semaphore_mem>>) src(%dma_wait3A_1410 : memref<1400000x16xf32, #tpu.memory_space<hbm>>) dst(%dma_wait3A_1404 : memref<128x16xf32, #tpu.memory_space<vmem>>)
    %dma_wait3A_1411 = arith.constant 7 : i32
    %dma_wait3A_1412 = arith.constant 7 : i32
    %dma_wait3A_1413 = arith.constant 0 : i32
    %dma_wait3A_1414 = arith.constant 0 : i32
    %dma_wait3A_1415 = tpu.memref_slice %arg15[%dma_wait3A_1412, %dma_wait3A_1413, %dma_wait3A_1414] : memref<14x128x16xf32, #tpu.memory_space<vmem>> -> memref<1x128x16xf32, #tpu.memory_space<vmem>>
    %dma_wait3A_1416 = tpu.memref_squeeze %dma_wait3A_1415 : memref<1x128x16xf32, #tpu.memory_space<vmem>> -> memref<128x16xf32, #tpu.memory_space<vmem>>
    %dma_wait3A_1417 = arith.constant 0 : i32
    %dma_wait3A_1418 = tpu.memref_slice %arg13[%dma_wait3A_1411, %dma_wait3A_1417] : memref<14x128xi32, #tpu.memory_space<vmem>> -> memref<1x128xi32, #tpu.memory_space<vmem>>
    %dma_wait3A_1419 = tpu.memref_squeeze %dma_wait3A_1418 : memref<1x128xi32, #tpu.memory_space<vmem>> -> memref<128xi32, #tpu.memory_space<vmem>>
    %dma_wait3A_1420 = arith.constant 0 : i32
    %dma_wait3A_1421 = arith.constant 0 : i32
    %dma_wait3A_1422 = tpu.memref_slice %arg6[%dma_wait3A_1420, %dma_wait3A_1421] : memref<1400000x16xf32, #tpu.memory_space<hbm>> -> memref<1400000x16xf32, #tpu.memory_space<hbm>>
    tpu.wait_indirect_dma semaphore(%arg18 : memref<!tpu.dma_semaphore, #tpu.memory_space<semaphore_mem>>) src(%dma_wait3A_1422 : memref<1400000x16xf32, #tpu.memory_space<hbm>>) dst(%dma_wait3A_1416 : memref<128x16xf32, #tpu.memory_space<vmem>>)
    %dma_wait3A_1423 = arith.constant 8 : i32
    %dma_wait3A_1424 = arith.constant 8 : i32
    %dma_wait3A_1425 = arith.constant 0 : i32
    %dma_wait3A_1426 = arith.constant 0 : i32
    %dma_wait3A_1427 = tpu.memref_slice %arg15[%dma_wait3A_1424, %dma_wait3A_1425, %dma_wait3A_1426] : memref<14x128x16xf32, #tpu.memory_space<vmem>> -> memref<1x128x16xf32, #tpu.memory_space<vmem>>
    %dma_wait3A_1428 = tpu.memref_squeeze %dma_wait3A_1427 : memref<1x128x16xf32, #tpu.memory_space<vmem>> -> memref<128x16xf32, #tpu.memory_space<vmem>>
    %dma_wait3A_1429 = arith.constant 0 : i32
    %dma_wait3A_1430 = tpu.memref_slice %arg13[%dma_wait3A_1423, %dma_wait3A_1429] : memref<14x128xi32, #tpu.memory_space<vmem>> -> memref<1x128xi32, #tpu.memory_space<vmem>>
    %dma_wait3A_1431 = tpu.memref_squeeze %dma_wait3A_1430 : memref<1x128xi32, #tpu.memory_space<vmem>> -> memref<128xi32, #tpu.memory_space<vmem>>
    %dma_wait3A_1432 = arith.constant 0 : i32
    %dma_wait3A_1433 = arith.constant 0 : i32
    %dma_wait3A_1434 = tpu.memref_slice %arg6[%dma_wait3A_1432, %dma_wait3A_1433] : memref<1400000x16xf32, #tpu.memory_space<hbm>> -> memref<1400000x16xf32, #tpu.memory_space<hbm>>
    tpu.wait_indirect_dma semaphore(%arg18 : memref<!tpu.dma_semaphore, #tpu.memory_space<semaphore_mem>>) src(%dma_wait3A_1434 : memref<1400000x16xf32, #tpu.memory_space<hbm>>) dst(%dma_wait3A_1428 : memref<128x16xf32, #tpu.memory_space<vmem>>)
    %dma_wait3A_1435 = arith.constant 9 : i32
    %dma_wait3A_1436 = arith.constant 9 : i32
    %dma_wait3A_1437 = arith.constant 0 : i32
    %dma_wait3A_1438 = arith.constant 0 : i32
    %dma_wait3A_1439 = tpu.memref_slice %arg15[%dma_wait3A_1436, %dma_wait3A_1437, %dma_wait3A_1438] : memref<14x128x16xf32, #tpu.memory_space<vmem>> -> memref<1x128x16xf32, #tpu.memory_space<vmem>>
    %dma_wait3A_1440 = tpu.memref_squeeze %dma_wait3A_1439 : memref<1x128x16xf32, #tpu.memory_space<vmem>> -> memref<128x16xf32, #tpu.memory_space<vmem>>
    %dma_wait3A_1441 = arith.constant 0 : i32
    %dma_wait3A_1442 = tpu.memref_slice %arg13[%dma_wait3A_1435, %dma_wait3A_1441] : memref<14x128xi32, #tpu.memory_space<vmem>> -> memref<1x128xi32, #tpu.memory_space<vmem>>
    %dma_wait3A_1443 = tpu.memref_squeeze %dma_wait3A_1442 : memref<1x128xi32, #tpu.memory_space<vmem>> -> memref<128xi32, #tpu.memory_space<vmem>>
    %dma_wait3A_1444 = arith.constant 0 : i32
    %dma_wait3A_1445 = arith.constant 0 : i32
    %dma_wait3A_1446 = tpu.memref_slice %arg6[%dma_wait3A_1444, %dma_wait3A_1445] : memref<1400000x16xf32, #tpu.memory_space<hbm>> -> memref<1400000x16xf32, #tpu.memory_space<hbm>>
    tpu.wait_indirect_dma semaphore(%arg18 : memref<!tpu.dma_semaphore, #tpu.memory_space<semaphore_mem>>) src(%dma_wait3A_1446 : memref<1400000x16xf32, #tpu.memory_space<hbm>>) dst(%dma_wait3A_1440 : memref<128x16xf32, #tpu.memory_space<vmem>>)
    %dma_wait3A_1447 = arith.constant 10 : i32
    %dma_wait3A_1448 = arith.constant 10 : i32
    %dma_wait3A_1449 = arith.constant 0 : i32
    %dma_wait3A_1450 = arith.constant 0 : i32
    %dma_wait3A_1451 = tpu.memref_slice %arg15[%dma_wait3A_1448, %dma_wait3A_1449, %dma_wait3A_1450] : memref<14x128x16xf32, #tpu.memory_space<vmem>> -> memref<1x128x16xf32, #tpu.memory_space<vmem>>
    %dma_wait3A_1452 = tpu.memref_squeeze %dma_wait3A_1451 : memref<1x128x16xf32, #tpu.memory_space<vmem>> -> memref<128x16xf32, #tpu.memory_space<vmem>>
    %dma_wait3A_1453 = arith.constant 0 : i32
    %dma_wait3A_1454 = tpu.memref_slice %arg13[%dma_wait3A_1447, %dma_wait3A_1453] : memref<14x128xi32, #tpu.memory_space<vmem>> -> memref<1x128xi32, #tpu.memory_space<vmem>>
    %dma_wait3A_1455 = tpu.memref_squeeze %dma_wait3A_1454 : memref<1x128xi32, #tpu.memory_space<vmem>> -> memref<128xi32, #tpu.memory_space<vmem>>
    %dma_wait3A_1456 = arith.constant 0 : i32
    %dma_wait3A_1457 = arith.constant 0 : i32
    %dma_wait3A_1458 = tpu.memref_slice %arg6[%dma_wait3A_1456, %dma_wait3A_1457] : memref<1400000x16xf32, #tpu.memory_space<hbm>> -> memref<1400000x16xf32, #tpu.memory_space<hbm>>
    tpu.wait_indirect_dma semaphore(%arg18 : memref<!tpu.dma_semaphore, #tpu.memory_space<semaphore_mem>>) src(%dma_wait3A_1458 : memref<1400000x16xf32, #tpu.memory_space<hbm>>) dst(%dma_wait3A_1452 : memref<128x16xf32, #tpu.memory_space<vmem>>)
    %dma_wait3A_1459 = arith.constant 11 : i32
    %dma_wait3A_1460 = arith.constant 11 : i32
    %dma_wait3A_1461 = arith.constant 0 : i32
    %dma_wait3A_1462 = arith.constant 0 : i32
    %dma_wait3A_1463 = tpu.memref_slice %arg15[%dma_wait3A_1460, %dma_wait3A_1461, %dma_wait3A_1462] : memref<14x128x16xf32, #tpu.memory_space<vmem>> -> memref<1x128x16xf32, #tpu.memory_space<vmem>>
    %dma_wait3A_1464 = tpu.memref_squeeze %dma_wait3A_1463 : memref<1x128x16xf32, #tpu.memory_space<vmem>> -> memref<128x16xf32, #tpu.memory_space<vmem>>
    %dma_wait3A_1465 = arith.constant 0 : i32
    %dma_wait3A_1466 = tpu.memref_slice %arg13[%dma_wait3A_1459, %dma_wait3A_1465] : memref<14x128xi32, #tpu.memory_space<vmem>> -> memref<1x128xi32, #tpu.memory_space<vmem>>
    %dma_wait3A_1467 = tpu.memref_squeeze %dma_wait3A_1466 : memref<1x128xi32, #tpu.memory_space<vmem>> -> memref<128xi32, #tpu.memory_space<vmem>>
    %dma_wait3A_1468 = arith.constant 0 : i32
    %dma_wait3A_1469 = arith.constant 0 : i32
    %dma_wait3A_1470 = tpu.memref_slice %arg6[%dma_wait3A_1468, %dma_wait3A_1469] : memref<1400000x16xf32, #tpu.memory_space<hbm>> -> memref<1400000x16xf32, #tpu.memory_space<hbm>>
    tpu.wait_indirect_dma semaphore(%arg18 : memref<!tpu.dma_semaphore, #tpu.memory_space<semaphore_mem>>) src(%dma_wait3A_1470 : memref<1400000x16xf32, #tpu.memory_space<hbm>>) dst(%dma_wait3A_1464 : memref<128x16xf32, #tpu.memory_space<vmem>>)
    %dma_wait3A_1471 = arith.constant 12 : i32
    %dma_wait3A_1472 = arith.constant 12 : i32
    %dma_wait3A_1473 = arith.constant 0 : i32
    %dma_wait3A_1474 = arith.constant 0 : i32
    %dma_wait3A_1475 = tpu.memref_slice %arg15[%dma_wait3A_1472, %dma_wait3A_1473, %dma_wait3A_1474] : memref<14x128x16xf32, #tpu.memory_space<vmem>> -> memref<1x128x16xf32, #tpu.memory_space<vmem>>
    %dma_wait3A_1476 = tpu.memref_squeeze %dma_wait3A_1475 : memref<1x128x16xf32, #tpu.memory_space<vmem>> -> memref<128x16xf32, #tpu.memory_space<vmem>>
    %dma_wait3A_1477 = arith.constant 0 : i32
    %dma_wait3A_1478 = tpu.memref_slice %arg13[%dma_wait3A_1471, %dma_wait3A_1477] : memref<14x128xi32, #tpu.memory_space<vmem>> -> memref<1x128xi32, #tpu.memory_space<vmem>>
    %dma_wait3A_1479 = tpu.memref_squeeze %dma_wait3A_1478 : memref<1x128xi32, #tpu.memory_space<vmem>> -> memref<128xi32, #tpu.memory_space<vmem>>
    %dma_wait3A_1480 = arith.constant 0 : i32
    %dma_wait3A_1481 = arith.constant 0 : i32
    %dma_wait3A_1482 = tpu.memref_slice %arg6[%dma_wait3A_1480, %dma_wait3A_1481] : memref<1400000x16xf32, #tpu.memory_space<hbm>> -> memref<1400000x16xf32, #tpu.memory_space<hbm>>
    tpu.wait_indirect_dma semaphore(%arg18 : memref<!tpu.dma_semaphore, #tpu.memory_space<semaphore_mem>>) src(%dma_wait3A_1482 : memref<1400000x16xf32, #tpu.memory_space<hbm>>) dst(%dma_wait3A_1476 : memref<128x16xf32, #tpu.memory_space<vmem>>)
    %dma_wait3A_1483 = arith.constant 13 : i32
    %dma_wait3A_1484 = arith.constant 13 : i32
    %dma_wait3A_1485 = arith.constant 0 : i32
    %dma_wait3A_1486 = arith.constant 0 : i32
    %dma_wait3A_1487 = tpu.memref_slice %arg15[%dma_wait3A_1484, %dma_wait3A_1485, %dma_wait3A_1486] : memref<14x128x16xf32, #tpu.memory_space<vmem>> -> memref<1x128x16xf32, #tpu.memory_space<vmem>>
    %dma_wait3A_1488 = tpu.memref_squeeze %dma_wait3A_1487 : memref<1x128x16xf32, #tpu.memory_space<vmem>> -> memref<128x16xf32, #tpu.memory_space<vmem>>
    %dma_wait3A_1489 = arith.constant 0 : i32
    %dma_wait3A_1490 = tpu.memref_slice %arg13[%dma_wait3A_1483, %dma_wait3A_1489] : memref<14x128xi32, #tpu.memory_space<vmem>> -> memref<1x128xi32, #tpu.memory_space<vmem>>
    %dma_wait3A_1491 = tpu.memref_squeeze %dma_wait3A_1490 : memref<1x128xi32, #tpu.memory_space<vmem>> -> memref<128xi32, #tpu.memory_space<vmem>>
    %dma_wait3A_1492 = arith.constant 0 : i32
    %dma_wait3A_1493 = arith.constant 0 : i32
    %dma_wait3A_1494 = tpu.memref_slice %arg6[%dma_wait3A_1492, %dma_wait3A_1493] : memref<1400000x16xf32, #tpu.memory_space<hbm>> -> memref<1400000x16xf32, #tpu.memory_space<hbm>>
    tpu.wait_indirect_dma semaphore(%arg18 : memref<!tpu.dma_semaphore, #tpu.memory_space<semaphore_mem>>) src(%dma_wait3A_1494 : memref<1400000x16xf32, #tpu.memory_space<hbm>>) dst(%dma_wait3A_1488 : memref<128x16xf32, #tpu.memory_space<vmem>>)
    "tpu.region"() ({
      %run_scoped3A = tpu.sem_alloc : memref<!tpu.dma_semaphore, #tpu.memory_space<semaphore_mem>>
      %dma_start3A_1495 = arith.constant 0 : i32
      %dma_start3A_1496 = arith.constant 0 : i32
      %dma_start3A_1497 = tpu.memref_slice %arg9[%select_n3A_1148, %dma_start3A_1495, %dma_start3A_1496] : memref<1792x128x16xf32, #tpu.memory_space<hbm>> -> memref<14x128x16xf32, #tpu.memory_space<hbm>>
      %dma_start3A_1498 = arith.constant 0 : i32
      %dma_start3A_1499 = arith.constant 0 : i32
      %dma_start3A_1500 = tpu.memref_slice %arg9[%select_n3A_1148, %dma_start3A_1498, %dma_start3A_1499] : memref<1792x128x16xf32, #tpu.memory_space<hbm>> -> memref<14x128x16xf32, #tpu.memory_space<hbm>>
      tpu.enqueue_dma source(%arg15 : memref<14x128x16xf32, #tpu.memory_space<vmem>>) target(%dma_start3A_1500 : memref<14x128x16xf32, #tpu.memory_space<hbm>>) target_semaphore(%run_scoped3A : memref<!tpu.dma_semaphore, #tpu.memory_space<semaphore_mem>>)
      %dma_wait3A_1501 = arith.constant 0 : i32
      %dma_wait3A_1502 = arith.constant 0 : i32
      %dma_wait3A_1503 = tpu.memref_slice %arg9[%select_n3A_1148, %dma_wait3A_1501, %dma_wait3A_1502] : memref<1792x128x16xf32, #tpu.memory_space<hbm>> -> memref<14x128x16xf32, #tpu.memory_space<hbm>>
      %dma_wait3A_1504 = arith.constant 0 : i32
      %dma_wait3A_1505 = arith.constant 0 : i32
      %dma_wait3A_1506 = tpu.memref_slice %arg9[%select_n3A_1148, %dma_wait3A_1504, %dma_wait3A_1505] : memref<1792x128x16xf32, #tpu.memory_space<hbm>> -> memref<14x128x16xf32, #tpu.memory_space<hbm>>
      tpu.wait_dma2 semaphore(%run_scoped3A : memref<!tpu.dma_semaphore, #tpu.memory_space<semaphore_mem>>) src(%arg15 : memref<14x128x16xf32, #tpu.memory_space<vmem>>) dst(%dma_wait3A_1506 : memref<14x128x16xf32, #tpu.memory_space<hbm>>)
      tpu.yield
    }) : () -> ()
    return
  }
}

module attributes {stable_mosaic.version = 14 : i64} {
  func.func @_tc_body(%arg0: i32, %arg1: memref<256x1xi32, #tpu.memory_space<vmem>>, %arg2: memref<256x1xi32, #tpu.memory_space<vmem>>, %arg3: memref<256x128xf32, #tpu.memory_space<vmem>>, %arg4: memref<256x224xf32, #tpu.memory_space<vmem>>, %arg5: memref<128x2048xf32, #tpu.memory_space<vmem>>, %arg6: memref<256x1xf32, #tpu.memory_space<vmem>>) attributes {dimension_semantics = [#tpu.dimension_semantics<arbitrary>], iteration_bounds = array<i64: 64>, scalar_prefetch = 0 : i64, scratch_operands = 0 : i64, tpu.core_type = #tpu.core_type<tc>, window_params = [{transform_indices = @transform_0, window_bounds = array<i64: 256, 1>}, {transform_indices = @transform_1, window_bounds = array<i64: 256, 1>}, {transform_indices = @transform_2, window_bounds = array<i64: 256, 128>}, {transform_indices = @transform_3, window_bounds = array<i64: 256, 224>}, {pipeline_mode = #tpu.pipeline_mode<synchronous>, transform_indices = @transform_4, window_bounds = array<i64: 128, 2048>}, {transform_indices = @transform_5, window_bounds = array<i64: 256, 1>}]} {
    %get3A = arith.constant 0 : index
    %get3A_0 = arith.constant 0 : index
    %get3A_1 = vector.load %arg1[%get3A, %get3A_0] : memref<256x1xi32, #tpu.memory_space<vmem>>, vector<256x1xi32>
    %get3A_2 = arith.constant 0 : index
    %get3A_3 = arith.constant 0 : index
    %get3A_4 = vector.load %arg2[%get3A_2, %get3A_3] : memref<256x1xi32, #tpu.memory_space<vmem>>, vector<256x1xi32>
    %get3A_5 = arith.constant 0 : index
    %get3A_6 = arith.constant 0 : index
    %get3A_7 = vector.load %arg3[%get3A_5, %get3A_6] : memref<256x128xf32, #tpu.memory_space<vmem>>, vector<256x128xf32>
    %get3A_8 = arith.constant 0 : index
    %get3A_9 = arith.constant 0 : index
    %get3A_10 = vector.load %arg4[%get3A_8, %get3A_9] : memref<256x224xf32, #tpu.memory_space<vmem>>, vector<256x224xf32>
    %get3A_11 = arith.constant 0 : index
    %get3A_12 = arith.constant 0 : index
    %get3A_13 = vector.load %arg5[%get3A_11, %get3A_12] : memref<128x2048xf32, #tpu.memory_space<vmem>>, vector<128x2048xf32>
    %iota3A = tpu.iota {dimensions = array<i32: 1>} : vector<256x128xi32>
    %eq3A = vector.broadcast %get3A_1 : vector<256x1xi32> to vector<256x128xi32>
    %eq3A_14 = arith.cmpi eq, %iota3A, %eq3A : vector<256x128xi32>
    %convert_element_type3A = arith.extui %eq3A_14 : vector<256x128xi1> to vector<256x128xi32>
    %convert_element_type3A_15 = arith.sitofp %convert_element_type3A : vector<256x128xi32> to vector<256x128xf32>
    %dot_general3A = arith.constant dense<0.000000e+00> : vector<256x2048xf32>
    %dot_general3A_16 = tpu.matmul %convert_element_type3A_15, %get3A_13, %dot_general3A {dimension_numbers = #tpu.dot_dimension_numbers<[1], [0], [0], [1], [0, 0, 1, 1], [], []>, transpose_lhs_hint = false} : vector<256x128xf32>, vector<128x2048xf32>, vector<256x2048xf32> -> vector<256x2048xf32>
    %convert_element_type3A_17 = arith.truncf %get3A_10 : vector<256x224xf32> to vector<256x224xbf16>
    %convert_element_type3A_18 = arith.extf %convert_element_type3A_17 : vector<256x224xbf16> to vector<256x224xf32>
    %broadcast_in_dim3A = arith.constant 0x7F800000 : f32
    %broadcast_in_dim3A_19 = vector.broadcast %broadcast_in_dim3A : f32 to vector<256x1xf32>
    %broadcast_in_dim3A_20 = arith.constant 0 : i32
    %broadcast_in_dim3A_21 = vector.broadcast %broadcast_in_dim3A_20 : i32 to vector<256x1xi32>
    %broadcast_in_dim3A_22 = arith.constant 0.000000e+00 : f32
    %broadcast_in_dim3A_23 = vector.broadcast %broadcast_in_dim3A_22 : f32 to vector<256x128xf32>
    %slice3A = vector.extract_strided_slice %convert_element_type3A_18 {offsets = [0, 16], sizes = [256, 1], strides = [1, 1]} : vector<256x224xf32> to vector<256x1xf32>
    %slice3A_24 = vector.extract_strided_slice %dot_general3A_16 {offsets = [0, 0], sizes = [256, 128], strides = [1, 1]} : vector<256x2048xf32> to vector<256x128xf32>
    %mul3A = vector.broadcast %slice3A : vector<256x1xf32> to vector<256x128xf32>
    %mul3A_25 = arith.mulf %mul3A, %slice3A_24 : vector<256x128xf32>
    %add3A = arith.addf %broadcast_in_dim3A_23, %mul3A_25 : vector<256x128xf32>
    %slice3A_26 = vector.extract_strided_slice %convert_element_type3A_18 {offsets = [0, 17], sizes = [256, 1], strides = [1, 1]} : vector<256x224xf32> to vector<256x1xf32>
    %slice3A_27 = vector.extract_strided_slice %dot_general3A_16 {offsets = [0, 128], sizes = [256, 128], strides = [1, 1]} : vector<256x2048xf32> to vector<256x128xf32>
    %mul3A_28 = vector.broadcast %slice3A_26 : vector<256x1xf32> to vector<256x128xf32>
    %mul3A_29 = arith.mulf %mul3A_28, %slice3A_27 : vector<256x128xf32>
    %add3A_30 = arith.addf %add3A, %mul3A_29 : vector<256x128xf32>
    %slice3A_31 = vector.extract_strided_slice %convert_element_type3A_18 {offsets = [0, 18], sizes = [256, 1], strides = [1, 1]} : vector<256x224xf32> to vector<256x1xf32>
    %slice3A_32 = vector.extract_strided_slice %dot_general3A_16 {offsets = [0, 256], sizes = [256, 128], strides = [1, 1]} : vector<256x2048xf32> to vector<256x128xf32>
    %mul3A_33 = vector.broadcast %slice3A_31 : vector<256x1xf32> to vector<256x128xf32>
    %mul3A_34 = arith.mulf %mul3A_33, %slice3A_32 : vector<256x128xf32>
    %add3A_35 = arith.addf %add3A_30, %mul3A_34 : vector<256x128xf32>
    %slice3A_36 = vector.extract_strided_slice %convert_element_type3A_18 {offsets = [0, 19], sizes = [256, 1], strides = [1, 1]} : vector<256x224xf32> to vector<256x1xf32>
    %slice3A_37 = vector.extract_strided_slice %dot_general3A_16 {offsets = [0, 384], sizes = [256, 128], strides = [1, 1]} : vector<256x2048xf32> to vector<256x128xf32>
    %mul3A_38 = vector.broadcast %slice3A_36 : vector<256x1xf32> to vector<256x128xf32>
    %mul3A_39 = arith.mulf %mul3A_38, %slice3A_37 : vector<256x128xf32>
    %add3A_40 = arith.addf %add3A_35, %mul3A_39 : vector<256x128xf32>
    %slice3A_41 = vector.extract_strided_slice %convert_element_type3A_18 {offsets = [0, 20], sizes = [256, 1], strides = [1, 1]} : vector<256x224xf32> to vector<256x1xf32>
    %slice3A_42 = vector.extract_strided_slice %dot_general3A_16 {offsets = [0, 512], sizes = [256, 128], strides = [1, 1]} : vector<256x2048xf32> to vector<256x128xf32>
    %mul3A_43 = vector.broadcast %slice3A_41 : vector<256x1xf32> to vector<256x128xf32>
    %mul3A_44 = arith.mulf %mul3A_43, %slice3A_42 : vector<256x128xf32>
    %add3A_45 = arith.addf %add3A_40, %mul3A_44 : vector<256x128xf32>
    %slice3A_46 = vector.extract_strided_slice %convert_element_type3A_18 {offsets = [0, 21], sizes = [256, 1], strides = [1, 1]} : vector<256x224xf32> to vector<256x1xf32>
    %slice3A_47 = vector.extract_strided_slice %dot_general3A_16 {offsets = [0, 640], sizes = [256, 128], strides = [1, 1]} : vector<256x2048xf32> to vector<256x128xf32>
    %mul3A_48 = vector.broadcast %slice3A_46 : vector<256x1xf32> to vector<256x128xf32>
    %mul3A_49 = arith.mulf %mul3A_48, %slice3A_47 : vector<256x128xf32>
    %add3A_50 = arith.addf %add3A_45, %mul3A_49 : vector<256x128xf32>
    %slice3A_51 = vector.extract_strided_slice %convert_element_type3A_18 {offsets = [0, 22], sizes = [256, 1], strides = [1, 1]} : vector<256x224xf32> to vector<256x1xf32>
    %slice3A_52 = vector.extract_strided_slice %dot_general3A_16 {offsets = [0, 768], sizes = [256, 128], strides = [1, 1]} : vector<256x2048xf32> to vector<256x128xf32>
    %mul3A_53 = vector.broadcast %slice3A_51 : vector<256x1xf32> to vector<256x128xf32>
    %mul3A_54 = arith.mulf %mul3A_53, %slice3A_52 : vector<256x128xf32>
    %add3A_55 = arith.addf %add3A_50, %mul3A_54 : vector<256x128xf32>
    %slice3A_56 = vector.extract_strided_slice %convert_element_type3A_18 {offsets = [0, 23], sizes = [256, 1], strides = [1, 1]} : vector<256x224xf32> to vector<256x1xf32>
    %slice3A_57 = vector.extract_strided_slice %dot_general3A_16 {offsets = [0, 896], sizes = [256, 128], strides = [1, 1]} : vector<256x2048xf32> to vector<256x128xf32>
    %mul3A_58 = vector.broadcast %slice3A_56 : vector<256x1xf32> to vector<256x128xf32>
    %mul3A_59 = arith.mulf %mul3A_58, %slice3A_57 : vector<256x128xf32>
    %add3A_60 = arith.addf %add3A_55, %mul3A_59 : vector<256x128xf32>
    %slice3A_61 = vector.extract_strided_slice %convert_element_type3A_18 {offsets = [0, 24], sizes = [256, 1], strides = [1, 1]} : vector<256x224xf32> to vector<256x1xf32>
    %slice3A_62 = vector.extract_strided_slice %dot_general3A_16 {offsets = [0, 1024], sizes = [256, 128], strides = [1, 1]} : vector<256x2048xf32> to vector<256x128xf32>
    %mul3A_63 = vector.broadcast %slice3A_61 : vector<256x1xf32> to vector<256x128xf32>
    %mul3A_64 = arith.mulf %mul3A_63, %slice3A_62 : vector<256x128xf32>
    %add3A_65 = arith.addf %add3A_60, %mul3A_64 : vector<256x128xf32>
    %slice3A_66 = vector.extract_strided_slice %convert_element_type3A_18 {offsets = [0, 25], sizes = [256, 1], strides = [1, 1]} : vector<256x224xf32> to vector<256x1xf32>
    %slice3A_67 = vector.extract_strided_slice %dot_general3A_16 {offsets = [0, 1152], sizes = [256, 128], strides = [1, 1]} : vector<256x2048xf32> to vector<256x128xf32>
    %mul3A_68 = vector.broadcast %slice3A_66 : vector<256x1xf32> to vector<256x128xf32>
    %mul3A_69 = arith.mulf %mul3A_68, %slice3A_67 : vector<256x128xf32>
    %add3A_70 = arith.addf %add3A_65, %mul3A_69 : vector<256x128xf32>
    %slice3A_71 = vector.extract_strided_slice %convert_element_type3A_18 {offsets = [0, 26], sizes = [256, 1], strides = [1, 1]} : vector<256x224xf32> to vector<256x1xf32>
    %slice3A_72 = vector.extract_strided_slice %dot_general3A_16 {offsets = [0, 1280], sizes = [256, 128], strides = [1, 1]} : vector<256x2048xf32> to vector<256x128xf32>
    %mul3A_73 = vector.broadcast %slice3A_71 : vector<256x1xf32> to vector<256x128xf32>
    %mul3A_74 = arith.mulf %mul3A_73, %slice3A_72 : vector<256x128xf32>
    %add3A_75 = arith.addf %add3A_70, %mul3A_74 : vector<256x128xf32>
    %slice3A_76 = vector.extract_strided_slice %convert_element_type3A_18 {offsets = [0, 27], sizes = [256, 1], strides = [1, 1]} : vector<256x224xf32> to vector<256x1xf32>
    %slice3A_77 = vector.extract_strided_slice %dot_general3A_16 {offsets = [0, 1408], sizes = [256, 128], strides = [1, 1]} : vector<256x2048xf32> to vector<256x128xf32>
    %mul3A_78 = vector.broadcast %slice3A_76 : vector<256x1xf32> to vector<256x128xf32>
    %mul3A_79 = arith.mulf %mul3A_78, %slice3A_77 : vector<256x128xf32>
    %add3A_80 = arith.addf %add3A_75, %mul3A_79 : vector<256x128xf32>
    %slice3A_81 = vector.extract_strided_slice %convert_element_type3A_18 {offsets = [0, 28], sizes = [256, 1], strides = [1, 1]} : vector<256x224xf32> to vector<256x1xf32>
    %slice3A_82 = vector.extract_strided_slice %dot_general3A_16 {offsets = [0, 1536], sizes = [256, 128], strides = [1, 1]} : vector<256x2048xf32> to vector<256x128xf32>
    %mul3A_83 = vector.broadcast %slice3A_81 : vector<256x1xf32> to vector<256x128xf32>
    %mul3A_84 = arith.mulf %mul3A_83, %slice3A_82 : vector<256x128xf32>
    %add3A_85 = arith.addf %add3A_80, %mul3A_84 : vector<256x128xf32>
    %slice3A_86 = vector.extract_strided_slice %convert_element_type3A_18 {offsets = [0, 29], sizes = [256, 1], strides = [1, 1]} : vector<256x224xf32> to vector<256x1xf32>
    %slice3A_87 = vector.extract_strided_slice %dot_general3A_16 {offsets = [0, 1664], sizes = [256, 128], strides = [1, 1]} : vector<256x2048xf32> to vector<256x128xf32>
    %mul3A_88 = vector.broadcast %slice3A_86 : vector<256x1xf32> to vector<256x128xf32>
    %mul3A_89 = arith.mulf %mul3A_88, %slice3A_87 : vector<256x128xf32>
    %add3A_90 = arith.addf %add3A_85, %mul3A_89 : vector<256x128xf32>
    %slice3A_91 = vector.extract_strided_slice %convert_element_type3A_18 {offsets = [0, 30], sizes = [256, 1], strides = [1, 1]} : vector<256x224xf32> to vector<256x1xf32>
    %slice3A_92 = vector.extract_strided_slice %dot_general3A_16 {offsets = [0, 1792], sizes = [256, 128], strides = [1, 1]} : vector<256x2048xf32> to vector<256x128xf32>
    %mul3A_93 = vector.broadcast %slice3A_91 : vector<256x1xf32> to vector<256x128xf32>
    %mul3A_94 = arith.mulf %mul3A_93, %slice3A_92 : vector<256x128xf32>
    %add3A_95 = arith.addf %add3A_90, %mul3A_94 : vector<256x128xf32>
    %slice3A_96 = vector.extract_strided_slice %convert_element_type3A_18 {offsets = [0, 31], sizes = [256, 1], strides = [1, 1]} : vector<256x224xf32> to vector<256x1xf32>
    %slice3A_97 = vector.extract_strided_slice %dot_general3A_16 {offsets = [0, 1920], sizes = [256, 128], strides = [1, 1]} : vector<256x2048xf32> to vector<256x128xf32>
    %mul3A_98 = vector.broadcast %slice3A_96 : vector<256x1xf32> to vector<256x128xf32>
    %mul3A_99 = arith.mulf %mul3A_98, %slice3A_97 : vector<256x128xf32>
    %add3A_100 = arith.addf %add3A_95, %mul3A_99 : vector<256x128xf32>
    %sub3A = arith.subf %get3A_7, %add3A_100 : vector<256x128xf32>
    %mul3A_101 = arith.mulf %sub3A, %sub3A : vector<256x128xf32>
    %reduce_sum3A = arith.constant dense<0.000000e+00> : vector<256xf32>
    %reduce_sum3A_102 = vector.multi_reduction <add>, %mul3A_101, %reduce_sum3A [1] : vector<256x128xf32> to vector<256xf32>
    %broadcast_in_dim3A_103 = vector.shape_cast %reduce_sum3A_102 : vector<256xf32> to vector<256x1xf32>
    %ge3A = arith.constant 1 : i32
    %ge3A_104 = vector.broadcast %ge3A : i32 to vector<256x1xi32>
    %ge3A_105 = arith.cmpi sge, %get3A_4, %ge3A_104 : vector<256x1xi32>
    %jit3A = arith.constant 0x7F800000 : f32
    %broadcast_in_dim3A_106 = vector.broadcast %jit3A : f32 to vector<256x1xf32>
    %select_n3A = arith.select %ge3A_105, %broadcast_in_dim3A_103, %broadcast_in_dim3A_106 : vector<256x1xi1>, vector<256x1xf32>
    %lt3A = arith.cmpf olt, %select_n3A, %broadcast_in_dim3A_19 : vector<256x1xf32>
    %select_n3A_107 = arith.select %lt3A, %select_n3A, %broadcast_in_dim3A_19 : vector<256x1xi1>, vector<256x1xf32>
    %jit3A_108 = arith.constant 1 : i32
    %broadcast_in_dim3A_109 = vector.broadcast %jit3A_108 : i32 to vector<256x1xi32>
    %select_n3A_110 = arith.select %lt3A, %broadcast_in_dim3A_109, %broadcast_in_dim3A_21 : vector<256x1xi1>, vector<256x1xi32>
    %broadcast_in_dim3A_111 = arith.constant 0.000000e+00 : f32
    %broadcast_in_dim3A_112 = vector.broadcast %broadcast_in_dim3A_111 : f32 to vector<256x128xf32>
    %slice3A_113 = vector.extract_strided_slice %convert_element_type3A_18 {offsets = [0, 32], sizes = [256, 1], strides = [1, 1]} : vector<256x224xf32> to vector<256x1xf32>
    %slice3A_114 = vector.extract_strided_slice %dot_general3A_16 {offsets = [0, 0], sizes = [256, 128], strides = [1, 1]} : vector<256x2048xf32> to vector<256x128xf32>
    %mul3A_115 = vector.broadcast %slice3A_113 : vector<256x1xf32> to vector<256x128xf32>
    %mul3A_116 = arith.mulf %mul3A_115, %slice3A_114 : vector<256x128xf32>
    %add3A_117 = arith.addf %broadcast_in_dim3A_112, %mul3A_116 : vector<256x128xf32>
    %slice3A_118 = vector.extract_strided_slice %convert_element_type3A_18 {offsets = [0, 33], sizes = [256, 1], strides = [1, 1]} : vector<256x224xf32> to vector<256x1xf32>
    %slice3A_119 = vector.extract_strided_slice %dot_general3A_16 {offsets = [0, 128], sizes = [256, 128], strides = [1, 1]} : vector<256x2048xf32> to vector<256x128xf32>
    %mul3A_120 = vector.broadcast %slice3A_118 : vector<256x1xf32> to vector<256x128xf32>
    %mul3A_121 = arith.mulf %mul3A_120, %slice3A_119 : vector<256x128xf32>
    %add3A_122 = arith.addf %add3A_117, %mul3A_121 : vector<256x128xf32>
    %slice3A_123 = vector.extract_strided_slice %convert_element_type3A_18 {offsets = [0, 34], sizes = [256, 1], strides = [1, 1]} : vector<256x224xf32> to vector<256x1xf32>
    %slice3A_124 = vector.extract_strided_slice %dot_general3A_16 {offsets = [0, 256], sizes = [256, 128], strides = [1, 1]} : vector<256x2048xf32> to vector<256x128xf32>
    %mul3A_125 = vector.broadcast %slice3A_123 : vector<256x1xf32> to vector<256x128xf32>
    %mul3A_126 = arith.mulf %mul3A_125, %slice3A_124 : vector<256x128xf32>
    %add3A_127 = arith.addf %add3A_122, %mul3A_126 : vector<256x128xf32>
    %slice3A_128 = vector.extract_strided_slice %convert_element_type3A_18 {offsets = [0, 35], sizes = [256, 1], strides = [1, 1]} : vector<256x224xf32> to vector<256x1xf32>
    %slice3A_129 = vector.extract_strided_slice %dot_general3A_16 {offsets = [0, 384], sizes = [256, 128], strides = [1, 1]} : vector<256x2048xf32> to vector<256x128xf32>
    %mul3A_130 = vector.broadcast %slice3A_128 : vector<256x1xf32> to vector<256x128xf32>
    %mul3A_131 = arith.mulf %mul3A_130, %slice3A_129 : vector<256x128xf32>
    %add3A_132 = arith.addf %add3A_127, %mul3A_131 : vector<256x128xf32>
    %slice3A_133 = vector.extract_strided_slice %convert_element_type3A_18 {offsets = [0, 36], sizes = [256, 1], strides = [1, 1]} : vector<256x224xf32> to vector<256x1xf32>
    %slice3A_134 = vector.extract_strided_slice %dot_general3A_16 {offsets = [0, 512], sizes = [256, 128], strides = [1, 1]} : vector<256x2048xf32> to vector<256x128xf32>
    %mul3A_135 = vector.broadcast %slice3A_133 : vector<256x1xf32> to vector<256x128xf32>
    %mul3A_136 = arith.mulf %mul3A_135, %slice3A_134 : vector<256x128xf32>
    %add3A_137 = arith.addf %add3A_132, %mul3A_136 : vector<256x128xf32>
    %slice3A_138 = vector.extract_strided_slice %convert_element_type3A_18 {offsets = [0, 37], sizes = [256, 1], strides = [1, 1]} : vector<256x224xf32> to vector<256x1xf32>
    %slice3A_139 = vector.extract_strided_slice %dot_general3A_16 {offsets = [0, 640], sizes = [256, 128], strides = [1, 1]} : vector<256x2048xf32> to vector<256x128xf32>
    %mul3A_140 = vector.broadcast %slice3A_138 : vector<256x1xf32> to vector<256x128xf32>
    %mul3A_141 = arith.mulf %mul3A_140, %slice3A_139 : vector<256x128xf32>
    %add3A_142 = arith.addf %add3A_137, %mul3A_141 : vector<256x128xf32>
    %slice3A_143 = vector.extract_strided_slice %convert_element_type3A_18 {offsets = [0, 38], sizes = [256, 1], strides = [1, 1]} : vector<256x224xf32> to vector<256x1xf32>
    %slice3A_144 = vector.extract_strided_slice %dot_general3A_16 {offsets = [0, 768], sizes = [256, 128], strides = [1, 1]} : vector<256x2048xf32> to vector<256x128xf32>
    %mul3A_145 = vector.broadcast %slice3A_143 : vector<256x1xf32> to vector<256x128xf32>
    %mul3A_146 = arith.mulf %mul3A_145, %slice3A_144 : vector<256x128xf32>
    %add3A_147 = arith.addf %add3A_142, %mul3A_146 : vector<256x128xf32>
    %slice3A_148 = vector.extract_strided_slice %convert_element_type3A_18 {offsets = [0, 39], sizes = [256, 1], strides = [1, 1]} : vector<256x224xf32> to vector<256x1xf32>
    %slice3A_149 = vector.extract_strided_slice %dot_general3A_16 {offsets = [0, 896], sizes = [256, 128], strides = [1, 1]} : vector<256x2048xf32> to vector<256x128xf32>
    %mul3A_150 = vector.broadcast %slice3A_148 : vector<256x1xf32> to vector<256x128xf32>
    %mul3A_151 = arith.mulf %mul3A_150, %slice3A_149 : vector<256x128xf32>
    %add3A_152 = arith.addf %add3A_147, %mul3A_151 : vector<256x128xf32>
    %slice3A_153 = vector.extract_strided_slice %convert_element_type3A_18 {offsets = [0, 40], sizes = [256, 1], strides = [1, 1]} : vector<256x224xf32> to vector<256x1xf32>
    %slice3A_154 = vector.extract_strided_slice %dot_general3A_16 {offsets = [0, 1024], sizes = [256, 128], strides = [1, 1]} : vector<256x2048xf32> to vector<256x128xf32>
    %mul3A_155 = vector.broadcast %slice3A_153 : vector<256x1xf32> to vector<256x128xf32>
    %mul3A_156 = arith.mulf %mul3A_155, %slice3A_154 : vector<256x128xf32>
    %add3A_157 = arith.addf %add3A_152, %mul3A_156 : vector<256x128xf32>
    %slice3A_158 = vector.extract_strided_slice %convert_element_type3A_18 {offsets = [0, 41], sizes = [256, 1], strides = [1, 1]} : vector<256x224xf32> to vector<256x1xf32>
    %slice3A_159 = vector.extract_strided_slice %dot_general3A_16 {offsets = [0, 1152], sizes = [256, 128], strides = [1, 1]} : vector<256x2048xf32> to vector<256x128xf32>
    %mul3A_160 = vector.broadcast %slice3A_158 : vector<256x1xf32> to vector<256x128xf32>
    %mul3A_161 = arith.mulf %mul3A_160, %slice3A_159 : vector<256x128xf32>
    %add3A_162 = arith.addf %add3A_157, %mul3A_161 : vector<256x128xf32>
    %slice3A_163 = vector.extract_strided_slice %convert_element_type3A_18 {offsets = [0, 42], sizes = [256, 1], strides = [1, 1]} : vector<256x224xf32> to vector<256x1xf32>
    %slice3A_164 = vector.extract_strided_slice %dot_general3A_16 {offsets = [0, 1280], sizes = [256, 128], strides = [1, 1]} : vector<256x2048xf32> to vector<256x128xf32>
    %mul3A_165 = vector.broadcast %slice3A_163 : vector<256x1xf32> to vector<256x128xf32>
    %mul3A_166 = arith.mulf %mul3A_165, %slice3A_164 : vector<256x128xf32>
    %add3A_167 = arith.addf %add3A_162, %mul3A_166 : vector<256x128xf32>
    %slice3A_168 = vector.extract_strided_slice %convert_element_type3A_18 {offsets = [0, 43], sizes = [256, 1], strides = [1, 1]} : vector<256x224xf32> to vector<256x1xf32>
    %slice3A_169 = vector.extract_strided_slice %dot_general3A_16 {offsets = [0, 1408], sizes = [256, 128], strides = [1, 1]} : vector<256x2048xf32> to vector<256x128xf32>
    %mul3A_170 = vector.broadcast %slice3A_168 : vector<256x1xf32> to vector<256x128xf32>
    %mul3A_171 = arith.mulf %mul3A_170, %slice3A_169 : vector<256x128xf32>
    %add3A_172 = arith.addf %add3A_167, %mul3A_171 : vector<256x128xf32>
    %slice3A_173 = vector.extract_strided_slice %convert_element_type3A_18 {offsets = [0, 44], sizes = [256, 1], strides = [1, 1]} : vector<256x224xf32> to vector<256x1xf32>
    %slice3A_174 = vector.extract_strided_slice %dot_general3A_16 {offsets = [0, 1536], sizes = [256, 128], strides = [1, 1]} : vector<256x2048xf32> to vector<256x128xf32>
    %mul3A_175 = vector.broadcast %slice3A_173 : vector<256x1xf32> to vector<256x128xf32>
    %mul3A_176 = arith.mulf %mul3A_175, %slice3A_174 : vector<256x128xf32>
    %add3A_177 = arith.addf %add3A_172, %mul3A_176 : vector<256x128xf32>
    %slice3A_178 = vector.extract_strided_slice %convert_element_type3A_18 {offsets = [0, 45], sizes = [256, 1], strides = [1, 1]} : vector<256x224xf32> to vector<256x1xf32>
    %slice3A_179 = vector.extract_strided_slice %dot_general3A_16 {offsets = [0, 1664], sizes = [256, 128], strides = [1, 1]} : vector<256x2048xf32> to vector<256x128xf32>
    %mul3A_180 = vector.broadcast %slice3A_178 : vector<256x1xf32> to vector<256x128xf32>
    %mul3A_181 = arith.mulf %mul3A_180, %slice3A_179 : vector<256x128xf32>
    %add3A_182 = arith.addf %add3A_177, %mul3A_181 : vector<256x128xf32>
    %slice3A_183 = vector.extract_strided_slice %convert_element_type3A_18 {offsets = [0, 46], sizes = [256, 1], strides = [1, 1]} : vector<256x224xf32> to vector<256x1xf32>
    %slice3A_184 = vector.extract_strided_slice %dot_general3A_16 {offsets = [0, 1792], sizes = [256, 128], strides = [1, 1]} : vector<256x2048xf32> to vector<256x128xf32>
    %mul3A_185 = vector.broadcast %slice3A_183 : vector<256x1xf32> to vector<256x128xf32>
    %mul3A_186 = arith.mulf %mul3A_185, %slice3A_184 : vector<256x128xf32>
    %add3A_187 = arith.addf %add3A_182, %mul3A_186 : vector<256x128xf32>
    %slice3A_188 = vector.extract_strided_slice %convert_element_type3A_18 {offsets = [0, 47], sizes = [256, 1], strides = [1, 1]} : vector<256x224xf32> to vector<256x1xf32>
    %slice3A_189 = vector.extract_strided_slice %dot_general3A_16 {offsets = [0, 1920], sizes = [256, 128], strides = [1, 1]} : vector<256x2048xf32> to vector<256x128xf32>
    %mul3A_190 = vector.broadcast %slice3A_188 : vector<256x1xf32> to vector<256x128xf32>
    %mul3A_191 = arith.mulf %mul3A_190, %slice3A_189 : vector<256x128xf32>
    %add3A_192 = arith.addf %add3A_187, %mul3A_191 : vector<256x128xf32>
    %sub3A_193 = arith.subf %get3A_7, %add3A_192 : vector<256x128xf32>
    %mul3A_194 = arith.mulf %sub3A_193, %sub3A_193 : vector<256x128xf32>
    %reduce_sum3A_195 = arith.constant dense<0.000000e+00> : vector<256xf32>
    %reduce_sum3A_196 = vector.multi_reduction <add>, %mul3A_194, %reduce_sum3A_195 [1] : vector<256x128xf32> to vector<256xf32>
    %broadcast_in_dim3A_197 = vector.shape_cast %reduce_sum3A_196 : vector<256xf32> to vector<256x1xf32>
    %ge3A_198 = arith.constant 2 : i32
    %ge3A_199 = vector.broadcast %ge3A_198 : i32 to vector<256x1xi32>
    %ge3A_200 = arith.cmpi sge, %get3A_4, %ge3A_199 : vector<256x1xi32>
    %jit3A_201 = arith.constant 0x7F800000 : f32
    %broadcast_in_dim3A_202 = vector.broadcast %jit3A_201 : f32 to vector<256x1xf32>
    %select_n3A_203 = arith.select %ge3A_200, %broadcast_in_dim3A_197, %broadcast_in_dim3A_202 : vector<256x1xi1>, vector<256x1xf32>
    %lt3A_204 = arith.cmpf olt, %select_n3A_203, %select_n3A_107 : vector<256x1xf32>
    %select_n3A_205 = arith.select %lt3A_204, %select_n3A_203, %select_n3A_107 : vector<256x1xi1>, vector<256x1xf32>
    %jit3A_206 = arith.constant 2 : i32
    %broadcast_in_dim3A_207 = vector.broadcast %jit3A_206 : i32 to vector<256x1xi32>
    %select_n3A_208 = arith.select %lt3A_204, %broadcast_in_dim3A_207, %select_n3A_110 : vector<256x1xi1>, vector<256x1xi32>
    %broadcast_in_dim3A_209 = arith.constant 0.000000e+00 : f32
    %broadcast_in_dim3A_210 = vector.broadcast %broadcast_in_dim3A_209 : f32 to vector<256x128xf32>
    %slice3A_211 = vector.extract_strided_slice %convert_element_type3A_18 {offsets = [0, 48], sizes = [256, 1], strides = [1, 1]} : vector<256x224xf32> to vector<256x1xf32>
    %slice3A_212 = vector.extract_strided_slice %dot_general3A_16 {offsets = [0, 0], sizes = [256, 128], strides = [1, 1]} : vector<256x2048xf32> to vector<256x128xf32>
    %mul3A_213 = vector.broadcast %slice3A_211 : vector<256x1xf32> to vector<256x128xf32>
    %mul3A_214 = arith.mulf %mul3A_213, %slice3A_212 : vector<256x128xf32>
    %add3A_215 = arith.addf %broadcast_in_dim3A_210, %mul3A_214 : vector<256x128xf32>
    %slice3A_216 = vector.extract_strided_slice %convert_element_type3A_18 {offsets = [0, 49], sizes = [256, 1], strides = [1, 1]} : vector<256x224xf32> to vector<256x1xf32>
    %slice3A_217 = vector.extract_strided_slice %dot_general3A_16 {offsets = [0, 128], sizes = [256, 128], strides = [1, 1]} : vector<256x2048xf32> to vector<256x128xf32>
    %mul3A_218 = vector.broadcast %slice3A_216 : vector<256x1xf32> to vector<256x128xf32>
    %mul3A_219 = arith.mulf %mul3A_218, %slice3A_217 : vector<256x128xf32>
    %add3A_220 = arith.addf %add3A_215, %mul3A_219 : vector<256x128xf32>
    %slice3A_221 = vector.extract_strided_slice %convert_element_type3A_18 {offsets = [0, 50], sizes = [256, 1], strides = [1, 1]} : vector<256x224xf32> to vector<256x1xf32>
    %slice3A_222 = vector.extract_strided_slice %dot_general3A_16 {offsets = [0, 256], sizes = [256, 128], strides = [1, 1]} : vector<256x2048xf32> to vector<256x128xf32>
    %mul3A_223 = vector.broadcast %slice3A_221 : vector<256x1xf32> to vector<256x128xf32>
    %mul3A_224 = arith.mulf %mul3A_223, %slice3A_222 : vector<256x128xf32>
    %add3A_225 = arith.addf %add3A_220, %mul3A_224 : vector<256x128xf32>
    %slice3A_226 = vector.extract_strided_slice %convert_element_type3A_18 {offsets = [0, 51], sizes = [256, 1], strides = [1, 1]} : vector<256x224xf32> to vector<256x1xf32>
    %slice3A_227 = vector.extract_strided_slice %dot_general3A_16 {offsets = [0, 384], sizes = [256, 128], strides = [1, 1]} : vector<256x2048xf32> to vector<256x128xf32>
    %mul3A_228 = vector.broadcast %slice3A_226 : vector<256x1xf32> to vector<256x128xf32>
    %mul3A_229 = arith.mulf %mul3A_228, %slice3A_227 : vector<256x128xf32>
    %add3A_230 = arith.addf %add3A_225, %mul3A_229 : vector<256x128xf32>
    %slice3A_231 = vector.extract_strided_slice %convert_element_type3A_18 {offsets = [0, 52], sizes = [256, 1], strides = [1, 1]} : vector<256x224xf32> to vector<256x1xf32>
    %slice3A_232 = vector.extract_strided_slice %dot_general3A_16 {offsets = [0, 512], sizes = [256, 128], strides = [1, 1]} : vector<256x2048xf32> to vector<256x128xf32>
    %mul3A_233 = vector.broadcast %slice3A_231 : vector<256x1xf32> to vector<256x128xf32>
    %mul3A_234 = arith.mulf %mul3A_233, %slice3A_232 : vector<256x128xf32>
    %add3A_235 = arith.addf %add3A_230, %mul3A_234 : vector<256x128xf32>
    %slice3A_236 = vector.extract_strided_slice %convert_element_type3A_18 {offsets = [0, 53], sizes = [256, 1], strides = [1, 1]} : vector<256x224xf32> to vector<256x1xf32>
    %slice3A_237 = vector.extract_strided_slice %dot_general3A_16 {offsets = [0, 640], sizes = [256, 128], strides = [1, 1]} : vector<256x2048xf32> to vector<256x128xf32>
    %mul3A_238 = vector.broadcast %slice3A_236 : vector<256x1xf32> to vector<256x128xf32>
    %mul3A_239 = arith.mulf %mul3A_238, %slice3A_237 : vector<256x128xf32>
    %add3A_240 = arith.addf %add3A_235, %mul3A_239 : vector<256x128xf32>
    %slice3A_241 = vector.extract_strided_slice %convert_element_type3A_18 {offsets = [0, 54], sizes = [256, 1], strides = [1, 1]} : vector<256x224xf32> to vector<256x1xf32>
    %slice3A_242 = vector.extract_strided_slice %dot_general3A_16 {offsets = [0, 768], sizes = [256, 128], strides = [1, 1]} : vector<256x2048xf32> to vector<256x128xf32>
    %mul3A_243 = vector.broadcast %slice3A_241 : vector<256x1xf32> to vector<256x128xf32>
    %mul3A_244 = arith.mulf %mul3A_243, %slice3A_242 : vector<256x128xf32>
    %add3A_245 = arith.addf %add3A_240, %mul3A_244 : vector<256x128xf32>
    %slice3A_246 = vector.extract_strided_slice %convert_element_type3A_18 {offsets = [0, 55], sizes = [256, 1], strides = [1, 1]} : vector<256x224xf32> to vector<256x1xf32>
    %slice3A_247 = vector.extract_strided_slice %dot_general3A_16 {offsets = [0, 896], sizes = [256, 128], strides = [1, 1]} : vector<256x2048xf32> to vector<256x128xf32>
    %mul3A_248 = vector.broadcast %slice3A_246 : vector<256x1xf32> to vector<256x128xf32>
    %mul3A_249 = arith.mulf %mul3A_248, %slice3A_247 : vector<256x128xf32>
    %add3A_250 = arith.addf %add3A_245, %mul3A_249 : vector<256x128xf32>
    %slice3A_251 = vector.extract_strided_slice %convert_element_type3A_18 {offsets = [0, 56], sizes = [256, 1], strides = [1, 1]} : vector<256x224xf32> to vector<256x1xf32>
    %slice3A_252 = vector.extract_strided_slice %dot_general3A_16 {offsets = [0, 1024], sizes = [256, 128], strides = [1, 1]} : vector<256x2048xf32> to vector<256x128xf32>
    %mul3A_253 = vector.broadcast %slice3A_251 : vector<256x1xf32> to vector<256x128xf32>
    %mul3A_254 = arith.mulf %mul3A_253, %slice3A_252 : vector<256x128xf32>
    %add3A_255 = arith.addf %add3A_250, %mul3A_254 : vector<256x128xf32>
    %slice3A_256 = vector.extract_strided_slice %convert_element_type3A_18 {offsets = [0, 57], sizes = [256, 1], strides = [1, 1]} : vector<256x224xf32> to vector<256x1xf32>
    %slice3A_257 = vector.extract_strided_slice %dot_general3A_16 {offsets = [0, 1152], sizes = [256, 128], strides = [1, 1]} : vector<256x2048xf32> to vector<256x128xf32>
    %mul3A_258 = vector.broadcast %slice3A_256 : vector<256x1xf32> to vector<256x128xf32>
    %mul3A_259 = arith.mulf %mul3A_258, %slice3A_257 : vector<256x128xf32>
    %add3A_260 = arith.addf %add3A_255, %mul3A_259 : vector<256x128xf32>
    %slice3A_261 = vector.extract_strided_slice %convert_element_type3A_18 {offsets = [0, 58], sizes = [256, 1], strides = [1, 1]} : vector<256x224xf32> to vector<256x1xf32>
    %slice3A_262 = vector.extract_strided_slice %dot_general3A_16 {offsets = [0, 1280], sizes = [256, 128], strides = [1, 1]} : vector<256x2048xf32> to vector<256x128xf32>
    %mul3A_263 = vector.broadcast %slice3A_261 : vector<256x1xf32> to vector<256x128xf32>
    %mul3A_264 = arith.mulf %mul3A_263, %slice3A_262 : vector<256x128xf32>
    %add3A_265 = arith.addf %add3A_260, %mul3A_264 : vector<256x128xf32>
    %slice3A_266 = vector.extract_strided_slice %convert_element_type3A_18 {offsets = [0, 59], sizes = [256, 1], strides = [1, 1]} : vector<256x224xf32> to vector<256x1xf32>
    %slice3A_267 = vector.extract_strided_slice %dot_general3A_16 {offsets = [0, 1408], sizes = [256, 128], strides = [1, 1]} : vector<256x2048xf32> to vector<256x128xf32>
    %mul3A_268 = vector.broadcast %slice3A_266 : vector<256x1xf32> to vector<256x128xf32>
    %mul3A_269 = arith.mulf %mul3A_268, %slice3A_267 : vector<256x128xf32>
    %add3A_270 = arith.addf %add3A_265, %mul3A_269 : vector<256x128xf32>
    %slice3A_271 = vector.extract_strided_slice %convert_element_type3A_18 {offsets = [0, 60], sizes = [256, 1], strides = [1, 1]} : vector<256x224xf32> to vector<256x1xf32>
    %slice3A_272 = vector.extract_strided_slice %dot_general3A_16 {offsets = [0, 1536], sizes = [256, 128], strides = [1, 1]} : vector<256x2048xf32> to vector<256x128xf32>
    %mul3A_273 = vector.broadcast %slice3A_271 : vector<256x1xf32> to vector<256x128xf32>
    %mul3A_274 = arith.mulf %mul3A_273, %slice3A_272 : vector<256x128xf32>
    %add3A_275 = arith.addf %add3A_270, %mul3A_274 : vector<256x128xf32>
    %slice3A_276 = vector.extract_strided_slice %convert_element_type3A_18 {offsets = [0, 61], sizes = [256, 1], strides = [1, 1]} : vector<256x224xf32> to vector<256x1xf32>
    %slice3A_277 = vector.extract_strided_slice %dot_general3A_16 {offsets = [0, 1664], sizes = [256, 128], strides = [1, 1]} : vector<256x2048xf32> to vector<256x128xf32>
    %mul3A_278 = vector.broadcast %slice3A_276 : vector<256x1xf32> to vector<256x128xf32>
    %mul3A_279 = arith.mulf %mul3A_278, %slice3A_277 : vector<256x128xf32>
    %add3A_280 = arith.addf %add3A_275, %mul3A_279 : vector<256x128xf32>
    %slice3A_281 = vector.extract_strided_slice %convert_element_type3A_18 {offsets = [0, 62], sizes = [256, 1], strides = [1, 1]} : vector<256x224xf32> to vector<256x1xf32>
    %slice3A_282 = vector.extract_strided_slice %dot_general3A_16 {offsets = [0, 1792], sizes = [256, 128], strides = [1, 1]} : vector<256x2048xf32> to vector<256x128xf32>
    %mul3A_283 = vector.broadcast %slice3A_281 : vector<256x1xf32> to vector<256x128xf32>
    %mul3A_284 = arith.mulf %mul3A_283, %slice3A_282 : vector<256x128xf32>
    %add3A_285 = arith.addf %add3A_280, %mul3A_284 : vector<256x128xf32>
    %slice3A_286 = vector.extract_strided_slice %convert_element_type3A_18 {offsets = [0, 63], sizes = [256, 1], strides = [1, 1]} : vector<256x224xf32> to vector<256x1xf32>
    %slice3A_287 = vector.extract_strided_slice %dot_general3A_16 {offsets = [0, 1920], sizes = [256, 128], strides = [1, 1]} : vector<256x2048xf32> to vector<256x128xf32>
    %mul3A_288 = vector.broadcast %slice3A_286 : vector<256x1xf32> to vector<256x128xf32>
    %mul3A_289 = arith.mulf %mul3A_288, %slice3A_287 : vector<256x128xf32>
    %add3A_290 = arith.addf %add3A_285, %mul3A_289 : vector<256x128xf32>
    %sub3A_291 = arith.subf %get3A_7, %add3A_290 : vector<256x128xf32>
    %mul3A_292 = arith.mulf %sub3A_291, %sub3A_291 : vector<256x128xf32>
    %reduce_sum3A_293 = arith.constant dense<0.000000e+00> : vector<256xf32>
    %reduce_sum3A_294 = vector.multi_reduction <add>, %mul3A_292, %reduce_sum3A_293 [1] : vector<256x128xf32> to vector<256xf32>
    %broadcast_in_dim3A_295 = vector.shape_cast %reduce_sum3A_294 : vector<256xf32> to vector<256x1xf32>
    %ge3A_296 = arith.constant 3 : i32
    %ge3A_297 = vector.broadcast %ge3A_296 : i32 to vector<256x1xi32>
    %ge3A_298 = arith.cmpi sge, %get3A_4, %ge3A_297 : vector<256x1xi32>
    %jit3A_299 = arith.constant 0x7F800000 : f32
    %broadcast_in_dim3A_300 = vector.broadcast %jit3A_299 : f32 to vector<256x1xf32>
    %select_n3A_301 = arith.select %ge3A_298, %broadcast_in_dim3A_295, %broadcast_in_dim3A_300 : vector<256x1xi1>, vector<256x1xf32>
    %lt3A_302 = arith.cmpf olt, %select_n3A_301, %select_n3A_205 : vector<256x1xf32>
    %select_n3A_303 = arith.select %lt3A_302, %select_n3A_301, %select_n3A_205 : vector<256x1xi1>, vector<256x1xf32>
    %jit3A_304 = arith.constant 3 : i32
    %broadcast_in_dim3A_305 = vector.broadcast %jit3A_304 : i32 to vector<256x1xi32>
    %select_n3A_306 = arith.select %lt3A_302, %broadcast_in_dim3A_305, %select_n3A_208 : vector<256x1xi1>, vector<256x1xi32>
    %broadcast_in_dim3A_307 = arith.constant 0.000000e+00 : f32
    %broadcast_in_dim3A_308 = vector.broadcast %broadcast_in_dim3A_307 : f32 to vector<256x128xf32>
    %slice3A_309 = vector.extract_strided_slice %convert_element_type3A_18 {offsets = [0, 64], sizes = [256, 1], strides = [1, 1]} : vector<256x224xf32> to vector<256x1xf32>
    %slice3A_310 = vector.extract_strided_slice %dot_general3A_16 {offsets = [0, 0], sizes = [256, 128], strides = [1, 1]} : vector<256x2048xf32> to vector<256x128xf32>
    %mul3A_311 = vector.broadcast %slice3A_309 : vector<256x1xf32> to vector<256x128xf32>
    %mul3A_312 = arith.mulf %mul3A_311, %slice3A_310 : vector<256x128xf32>
    %add3A_313 = arith.addf %broadcast_in_dim3A_308, %mul3A_312 : vector<256x128xf32>
    %slice3A_314 = vector.extract_strided_slice %convert_element_type3A_18 {offsets = [0, 65], sizes = [256, 1], strides = [1, 1]} : vector<256x224xf32> to vector<256x1xf32>
    %slice3A_315 = vector.extract_strided_slice %dot_general3A_16 {offsets = [0, 128], sizes = [256, 128], strides = [1, 1]} : vector<256x2048xf32> to vector<256x128xf32>
    %mul3A_316 = vector.broadcast %slice3A_314 : vector<256x1xf32> to vector<256x128xf32>
    %mul3A_317 = arith.mulf %mul3A_316, %slice3A_315 : vector<256x128xf32>
    %add3A_318 = arith.addf %add3A_313, %mul3A_317 : vector<256x128xf32>
    %slice3A_319 = vector.extract_strided_slice %convert_element_type3A_18 {offsets = [0, 66], sizes = [256, 1], strides = [1, 1]} : vector<256x224xf32> to vector<256x1xf32>
    %slice3A_320 = vector.extract_strided_slice %dot_general3A_16 {offsets = [0, 256], sizes = [256, 128], strides = [1, 1]} : vector<256x2048xf32> to vector<256x128xf32>
    %mul3A_321 = vector.broadcast %slice3A_319 : vector<256x1xf32> to vector<256x128xf32>
    %mul3A_322 = arith.mulf %mul3A_321, %slice3A_320 : vector<256x128xf32>
    %add3A_323 = arith.addf %add3A_318, %mul3A_322 : vector<256x128xf32>
    %slice3A_324 = vector.extract_strided_slice %convert_element_type3A_18 {offsets = [0, 67], sizes = [256, 1], strides = [1, 1]} : vector<256x224xf32> to vector<256x1xf32>
    %slice3A_325 = vector.extract_strided_slice %dot_general3A_16 {offsets = [0, 384], sizes = [256, 128], strides = [1, 1]} : vector<256x2048xf32> to vector<256x128xf32>
    %mul3A_326 = vector.broadcast %slice3A_324 : vector<256x1xf32> to vector<256x128xf32>
    %mul3A_327 = arith.mulf %mul3A_326, %slice3A_325 : vector<256x128xf32>
    %add3A_328 = arith.addf %add3A_323, %mul3A_327 : vector<256x128xf32>
    %slice3A_329 = vector.extract_strided_slice %convert_element_type3A_18 {offsets = [0, 68], sizes = [256, 1], strides = [1, 1]} : vector<256x224xf32> to vector<256x1xf32>
    %slice3A_330 = vector.extract_strided_slice %dot_general3A_16 {offsets = [0, 512], sizes = [256, 128], strides = [1, 1]} : vector<256x2048xf32> to vector<256x128xf32>
    %mul3A_331 = vector.broadcast %slice3A_329 : vector<256x1xf32> to vector<256x128xf32>
    %mul3A_332 = arith.mulf %mul3A_331, %slice3A_330 : vector<256x128xf32>
    %add3A_333 = arith.addf %add3A_328, %mul3A_332 : vector<256x128xf32>
    %slice3A_334 = vector.extract_strided_slice %convert_element_type3A_18 {offsets = [0, 69], sizes = [256, 1], strides = [1, 1]} : vector<256x224xf32> to vector<256x1xf32>
    %slice3A_335 = vector.extract_strided_slice %dot_general3A_16 {offsets = [0, 640], sizes = [256, 128], strides = [1, 1]} : vector<256x2048xf32> to vector<256x128xf32>
    %mul3A_336 = vector.broadcast %slice3A_334 : vector<256x1xf32> to vector<256x128xf32>
    %mul3A_337 = arith.mulf %mul3A_336, %slice3A_335 : vector<256x128xf32>
    %add3A_338 = arith.addf %add3A_333, %mul3A_337 : vector<256x128xf32>
    %slice3A_339 = vector.extract_strided_slice %convert_element_type3A_18 {offsets = [0, 70], sizes = [256, 1], strides = [1, 1]} : vector<256x224xf32> to vector<256x1xf32>
    %slice3A_340 = vector.extract_strided_slice %dot_general3A_16 {offsets = [0, 768], sizes = [256, 128], strides = [1, 1]} : vector<256x2048xf32> to vector<256x128xf32>
    %mul3A_341 = vector.broadcast %slice3A_339 : vector<256x1xf32> to vector<256x128xf32>
    %mul3A_342 = arith.mulf %mul3A_341, %slice3A_340 : vector<256x128xf32>
    %add3A_343 = arith.addf %add3A_338, %mul3A_342 : vector<256x128xf32>
    %slice3A_344 = vector.extract_strided_slice %convert_element_type3A_18 {offsets = [0, 71], sizes = [256, 1], strides = [1, 1]} : vector<256x224xf32> to vector<256x1xf32>
    %slice3A_345 = vector.extract_strided_slice %dot_general3A_16 {offsets = [0, 896], sizes = [256, 128], strides = [1, 1]} : vector<256x2048xf32> to vector<256x128xf32>
    %mul3A_346 = vector.broadcast %slice3A_344 : vector<256x1xf32> to vector<256x128xf32>
    %mul3A_347 = arith.mulf %mul3A_346, %slice3A_345 : vector<256x128xf32>
    %add3A_348 = arith.addf %add3A_343, %mul3A_347 : vector<256x128xf32>
    %slice3A_349 = vector.extract_strided_slice %convert_element_type3A_18 {offsets = [0, 72], sizes = [256, 1], strides = [1, 1]} : vector<256x224xf32> to vector<256x1xf32>
    %slice3A_350 = vector.extract_strided_slice %dot_general3A_16 {offsets = [0, 1024], sizes = [256, 128], strides = [1, 1]} : vector<256x2048xf32> to vector<256x128xf32>
    %mul3A_351 = vector.broadcast %slice3A_349 : vector<256x1xf32> to vector<256x128xf32>
    %mul3A_352 = arith.mulf %mul3A_351, %slice3A_350 : vector<256x128xf32>
    %add3A_353 = arith.addf %add3A_348, %mul3A_352 : vector<256x128xf32>
    %slice3A_354 = vector.extract_strided_slice %convert_element_type3A_18 {offsets = [0, 73], sizes = [256, 1], strides = [1, 1]} : vector<256x224xf32> to vector<256x1xf32>
    %slice3A_355 = vector.extract_strided_slice %dot_general3A_16 {offsets = [0, 1152], sizes = [256, 128], strides = [1, 1]} : vector<256x2048xf32> to vector<256x128xf32>
    %mul3A_356 = vector.broadcast %slice3A_354 : vector<256x1xf32> to vector<256x128xf32>
    %mul3A_357 = arith.mulf %mul3A_356, %slice3A_355 : vector<256x128xf32>
    %add3A_358 = arith.addf %add3A_353, %mul3A_357 : vector<256x128xf32>
    %slice3A_359 = vector.extract_strided_slice %convert_element_type3A_18 {offsets = [0, 74], sizes = [256, 1], strides = [1, 1]} : vector<256x224xf32> to vector<256x1xf32>
    %slice3A_360 = vector.extract_strided_slice %dot_general3A_16 {offsets = [0, 1280], sizes = [256, 128], strides = [1, 1]} : vector<256x2048xf32> to vector<256x128xf32>
    %mul3A_361 = vector.broadcast %slice3A_359 : vector<256x1xf32> to vector<256x128xf32>
    %mul3A_362 = arith.mulf %mul3A_361, %slice3A_360 : vector<256x128xf32>
    %add3A_363 = arith.addf %add3A_358, %mul3A_362 : vector<256x128xf32>
    %slice3A_364 = vector.extract_strided_slice %convert_element_type3A_18 {offsets = [0, 75], sizes = [256, 1], strides = [1, 1]} : vector<256x224xf32> to vector<256x1xf32>
    %slice3A_365 = vector.extract_strided_slice %dot_general3A_16 {offsets = [0, 1408], sizes = [256, 128], strides = [1, 1]} : vector<256x2048xf32> to vector<256x128xf32>
    %mul3A_366 = vector.broadcast %slice3A_364 : vector<256x1xf32> to vector<256x128xf32>
    %mul3A_367 = arith.mulf %mul3A_366, %slice3A_365 : vector<256x128xf32>
    %add3A_368 = arith.addf %add3A_363, %mul3A_367 : vector<256x128xf32>
    %slice3A_369 = vector.extract_strided_slice %convert_element_type3A_18 {offsets = [0, 76], sizes = [256, 1], strides = [1, 1]} : vector<256x224xf32> to vector<256x1xf32>
    %slice3A_370 = vector.extract_strided_slice %dot_general3A_16 {offsets = [0, 1536], sizes = [256, 128], strides = [1, 1]} : vector<256x2048xf32> to vector<256x128xf32>
    %mul3A_371 = vector.broadcast %slice3A_369 : vector<256x1xf32> to vector<256x128xf32>
    %mul3A_372 = arith.mulf %mul3A_371, %slice3A_370 : vector<256x128xf32>
    %add3A_373 = arith.addf %add3A_368, %mul3A_372 : vector<256x128xf32>
    %slice3A_374 = vector.extract_strided_slice %convert_element_type3A_18 {offsets = [0, 77], sizes = [256, 1], strides = [1, 1]} : vector<256x224xf32> to vector<256x1xf32>
    %slice3A_375 = vector.extract_strided_slice %dot_general3A_16 {offsets = [0, 1664], sizes = [256, 128], strides = [1, 1]} : vector<256x2048xf32> to vector<256x128xf32>
    %mul3A_376 = vector.broadcast %slice3A_374 : vector<256x1xf32> to vector<256x128xf32>
    %mul3A_377 = arith.mulf %mul3A_376, %slice3A_375 : vector<256x128xf32>
    %add3A_378 = arith.addf %add3A_373, %mul3A_377 : vector<256x128xf32>
    %slice3A_379 = vector.extract_strided_slice %convert_element_type3A_18 {offsets = [0, 78], sizes = [256, 1], strides = [1, 1]} : vector<256x224xf32> to vector<256x1xf32>
    %slice3A_380 = vector.extract_strided_slice %dot_general3A_16 {offsets = [0, 1792], sizes = [256, 128], strides = [1, 1]} : vector<256x2048xf32> to vector<256x128xf32>
    %mul3A_381 = vector.broadcast %slice3A_379 : vector<256x1xf32> to vector<256x128xf32>
    %mul3A_382 = arith.mulf %mul3A_381, %slice3A_380 : vector<256x128xf32>
    %add3A_383 = arith.addf %add3A_378, %mul3A_382 : vector<256x128xf32>
    %slice3A_384 = vector.extract_strided_slice %convert_element_type3A_18 {offsets = [0, 79], sizes = [256, 1], strides = [1, 1]} : vector<256x224xf32> to vector<256x1xf32>
    %slice3A_385 = vector.extract_strided_slice %dot_general3A_16 {offsets = [0, 1920], sizes = [256, 128], strides = [1, 1]} : vector<256x2048xf32> to vector<256x128xf32>
    %mul3A_386 = vector.broadcast %slice3A_384 : vector<256x1xf32> to vector<256x128xf32>
    %mul3A_387 = arith.mulf %mul3A_386, %slice3A_385 : vector<256x128xf32>
    %add3A_388 = arith.addf %add3A_383, %mul3A_387 : vector<256x128xf32>
    %sub3A_389 = arith.subf %get3A_7, %add3A_388 : vector<256x128xf32>
    %mul3A_390 = arith.mulf %sub3A_389, %sub3A_389 : vector<256x128xf32>
    %reduce_sum3A_391 = arith.constant dense<0.000000e+00> : vector<256xf32>
    %reduce_sum3A_392 = vector.multi_reduction <add>, %mul3A_390, %reduce_sum3A_391 [1] : vector<256x128xf32> to vector<256xf32>
    %broadcast_in_dim3A_393 = vector.shape_cast %reduce_sum3A_392 : vector<256xf32> to vector<256x1xf32>
    %ge3A_394 = arith.constant 4 : i32
    %ge3A_395 = vector.broadcast %ge3A_394 : i32 to vector<256x1xi32>
    %ge3A_396 = arith.cmpi sge, %get3A_4, %ge3A_395 : vector<256x1xi32>
    %jit3A_397 = arith.constant 0x7F800000 : f32
    %broadcast_in_dim3A_398 = vector.broadcast %jit3A_397 : f32 to vector<256x1xf32>
    %select_n3A_399 = arith.select %ge3A_396, %broadcast_in_dim3A_393, %broadcast_in_dim3A_398 : vector<256x1xi1>, vector<256x1xf32>
    %lt3A_400 = arith.cmpf olt, %select_n3A_399, %select_n3A_303 : vector<256x1xf32>
    %select_n3A_401 = arith.select %lt3A_400, %select_n3A_399, %select_n3A_303 : vector<256x1xi1>, vector<256x1xf32>
    %jit3A_402 = arith.constant 4 : i32
    %broadcast_in_dim3A_403 = vector.broadcast %jit3A_402 : i32 to vector<256x1xi32>
    %select_n3A_404 = arith.select %lt3A_400, %broadcast_in_dim3A_403, %select_n3A_306 : vector<256x1xi1>, vector<256x1xi32>
    %broadcast_in_dim3A_405 = arith.constant 0.000000e+00 : f32
    %broadcast_in_dim3A_406 = vector.broadcast %broadcast_in_dim3A_405 : f32 to vector<256x128xf32>
    %slice3A_407 = vector.extract_strided_slice %convert_element_type3A_18 {offsets = [0, 80], sizes = [256, 1], strides = [1, 1]} : vector<256x224xf32> to vector<256x1xf32>
    %slice3A_408 = vector.extract_strided_slice %dot_general3A_16 {offsets = [0, 0], sizes = [256, 128], strides = [1, 1]} : vector<256x2048xf32> to vector<256x128xf32>
    %mul3A_409 = vector.broadcast %slice3A_407 : vector<256x1xf32> to vector<256x128xf32>
    %mul3A_410 = arith.mulf %mul3A_409, %slice3A_408 : vector<256x128xf32>
    %add3A_411 = arith.addf %broadcast_in_dim3A_406, %mul3A_410 : vector<256x128xf32>
    %slice3A_412 = vector.extract_strided_slice %convert_element_type3A_18 {offsets = [0, 81], sizes = [256, 1], strides = [1, 1]} : vector<256x224xf32> to vector<256x1xf32>
    %slice3A_413 = vector.extract_strided_slice %dot_general3A_16 {offsets = [0, 128], sizes = [256, 128], strides = [1, 1]} : vector<256x2048xf32> to vector<256x128xf32>
    %mul3A_414 = vector.broadcast %slice3A_412 : vector<256x1xf32> to vector<256x128xf32>
    %mul3A_415 = arith.mulf %mul3A_414, %slice3A_413 : vector<256x128xf32>
    %add3A_416 = arith.addf %add3A_411, %mul3A_415 : vector<256x128xf32>
    %slice3A_417 = vector.extract_strided_slice %convert_element_type3A_18 {offsets = [0, 82], sizes = [256, 1], strides = [1, 1]} : vector<256x224xf32> to vector<256x1xf32>
    %slice3A_418 = vector.extract_strided_slice %dot_general3A_16 {offsets = [0, 256], sizes = [256, 128], strides = [1, 1]} : vector<256x2048xf32> to vector<256x128xf32>
    %mul3A_419 = vector.broadcast %slice3A_417 : vector<256x1xf32> to vector<256x128xf32>
    %mul3A_420 = arith.mulf %mul3A_419, %slice3A_418 : vector<256x128xf32>
    %add3A_421 = arith.addf %add3A_416, %mul3A_420 : vector<256x128xf32>
    %slice3A_422 = vector.extract_strided_slice %convert_element_type3A_18 {offsets = [0, 83], sizes = [256, 1], strides = [1, 1]} : vector<256x224xf32> to vector<256x1xf32>
    %slice3A_423 = vector.extract_strided_slice %dot_general3A_16 {offsets = [0, 384], sizes = [256, 128], strides = [1, 1]} : vector<256x2048xf32> to vector<256x128xf32>
    %mul3A_424 = vector.broadcast %slice3A_422 : vector<256x1xf32> to vector<256x128xf32>
    %mul3A_425 = arith.mulf %mul3A_424, %slice3A_423 : vector<256x128xf32>
    %add3A_426 = arith.addf %add3A_421, %mul3A_425 : vector<256x128xf32>
    %slice3A_427 = vector.extract_strided_slice %convert_element_type3A_18 {offsets = [0, 84], sizes = [256, 1], strides = [1, 1]} : vector<256x224xf32> to vector<256x1xf32>
    %slice3A_428 = vector.extract_strided_slice %dot_general3A_16 {offsets = [0, 512], sizes = [256, 128], strides = [1, 1]} : vector<256x2048xf32> to vector<256x128xf32>
    %mul3A_429 = vector.broadcast %slice3A_427 : vector<256x1xf32> to vector<256x128xf32>
    %mul3A_430 = arith.mulf %mul3A_429, %slice3A_428 : vector<256x128xf32>
    %add3A_431 = arith.addf %add3A_426, %mul3A_430 : vector<256x128xf32>
    %slice3A_432 = vector.extract_strided_slice %convert_element_type3A_18 {offsets = [0, 85], sizes = [256, 1], strides = [1, 1]} : vector<256x224xf32> to vector<256x1xf32>
    %slice3A_433 = vector.extract_strided_slice %dot_general3A_16 {offsets = [0, 640], sizes = [256, 128], strides = [1, 1]} : vector<256x2048xf32> to vector<256x128xf32>
    %mul3A_434 = vector.broadcast %slice3A_432 : vector<256x1xf32> to vector<256x128xf32>
    %mul3A_435 = arith.mulf %mul3A_434, %slice3A_433 : vector<256x128xf32>
    %add3A_436 = arith.addf %add3A_431, %mul3A_435 : vector<256x128xf32>
    %slice3A_437 = vector.extract_strided_slice %convert_element_type3A_18 {offsets = [0, 86], sizes = [256, 1], strides = [1, 1]} : vector<256x224xf32> to vector<256x1xf32>
    %slice3A_438 = vector.extract_strided_slice %dot_general3A_16 {offsets = [0, 768], sizes = [256, 128], strides = [1, 1]} : vector<256x2048xf32> to vector<256x128xf32>
    %mul3A_439 = vector.broadcast %slice3A_437 : vector<256x1xf32> to vector<256x128xf32>
    %mul3A_440 = arith.mulf %mul3A_439, %slice3A_438 : vector<256x128xf32>
    %add3A_441 = arith.addf %add3A_436, %mul3A_440 : vector<256x128xf32>
    %slice3A_442 = vector.extract_strided_slice %convert_element_type3A_18 {offsets = [0, 87], sizes = [256, 1], strides = [1, 1]} : vector<256x224xf32> to vector<256x1xf32>
    %slice3A_443 = vector.extract_strided_slice %dot_general3A_16 {offsets = [0, 896], sizes = [256, 128], strides = [1, 1]} : vector<256x2048xf32> to vector<256x128xf32>
    %mul3A_444 = vector.broadcast %slice3A_442 : vector<256x1xf32> to vector<256x128xf32>
    %mul3A_445 = arith.mulf %mul3A_444, %slice3A_443 : vector<256x128xf32>
    %add3A_446 = arith.addf %add3A_441, %mul3A_445 : vector<256x128xf32>
    %slice3A_447 = vector.extract_strided_slice %convert_element_type3A_18 {offsets = [0, 88], sizes = [256, 1], strides = [1, 1]} : vector<256x224xf32> to vector<256x1xf32>
    %slice3A_448 = vector.extract_strided_slice %dot_general3A_16 {offsets = [0, 1024], sizes = [256, 128], strides = [1, 1]} : vector<256x2048xf32> to vector<256x128xf32>
    %mul3A_449 = vector.broadcast %slice3A_447 : vector<256x1xf32> to vector<256x128xf32>
    %mul3A_450 = arith.mulf %mul3A_449, %slice3A_448 : vector<256x128xf32>
    %add3A_451 = arith.addf %add3A_446, %mul3A_450 : vector<256x128xf32>
    %slice3A_452 = vector.extract_strided_slice %convert_element_type3A_18 {offsets = [0, 89], sizes = [256, 1], strides = [1, 1]} : vector<256x224xf32> to vector<256x1xf32>
    %slice3A_453 = vector.extract_strided_slice %dot_general3A_16 {offsets = [0, 1152], sizes = [256, 128], strides = [1, 1]} : vector<256x2048xf32> to vector<256x128xf32>
    %mul3A_454 = vector.broadcast %slice3A_452 : vector<256x1xf32> to vector<256x128xf32>
    %mul3A_455 = arith.mulf %mul3A_454, %slice3A_453 : vector<256x128xf32>
    %add3A_456 = arith.addf %add3A_451, %mul3A_455 : vector<256x128xf32>
    %slice3A_457 = vector.extract_strided_slice %convert_element_type3A_18 {offsets = [0, 90], sizes = [256, 1], strides = [1, 1]} : vector<256x224xf32> to vector<256x1xf32>
    %slice3A_458 = vector.extract_strided_slice %dot_general3A_16 {offsets = [0, 1280], sizes = [256, 128], strides = [1, 1]} : vector<256x2048xf32> to vector<256x128xf32>
    %mul3A_459 = vector.broadcast %slice3A_457 : vector<256x1xf32> to vector<256x128xf32>
    %mul3A_460 = arith.mulf %mul3A_459, %slice3A_458 : vector<256x128xf32>
    %add3A_461 = arith.addf %add3A_456, %mul3A_460 : vector<256x128xf32>
    %slice3A_462 = vector.extract_strided_slice %convert_element_type3A_18 {offsets = [0, 91], sizes = [256, 1], strides = [1, 1]} : vector<256x224xf32> to vector<256x1xf32>
    %slice3A_463 = vector.extract_strided_slice %dot_general3A_16 {offsets = [0, 1408], sizes = [256, 128], strides = [1, 1]} : vector<256x2048xf32> to vector<256x128xf32>
    %mul3A_464 = vector.broadcast %slice3A_462 : vector<256x1xf32> to vector<256x128xf32>
    %mul3A_465 = arith.mulf %mul3A_464, %slice3A_463 : vector<256x128xf32>
    %add3A_466 = arith.addf %add3A_461, %mul3A_465 : vector<256x128xf32>
    %slice3A_467 = vector.extract_strided_slice %convert_element_type3A_18 {offsets = [0, 92], sizes = [256, 1], strides = [1, 1]} : vector<256x224xf32> to vector<256x1xf32>
    %slice3A_468 = vector.extract_strided_slice %dot_general3A_16 {offsets = [0, 1536], sizes = [256, 128], strides = [1, 1]} : vector<256x2048xf32> to vector<256x128xf32>
    %mul3A_469 = vector.broadcast %slice3A_467 : vector<256x1xf32> to vector<256x128xf32>
    %mul3A_470 = arith.mulf %mul3A_469, %slice3A_468 : vector<256x128xf32>
    %add3A_471 = arith.addf %add3A_466, %mul3A_470 : vector<256x128xf32>
    %slice3A_472 = vector.extract_strided_slice %convert_element_type3A_18 {offsets = [0, 93], sizes = [256, 1], strides = [1, 1]} : vector<256x224xf32> to vector<256x1xf32>
    %slice3A_473 = vector.extract_strided_slice %dot_general3A_16 {offsets = [0, 1664], sizes = [256, 128], strides = [1, 1]} : vector<256x2048xf32> to vector<256x128xf32>
    %mul3A_474 = vector.broadcast %slice3A_472 : vector<256x1xf32> to vector<256x128xf32>
    %mul3A_475 = arith.mulf %mul3A_474, %slice3A_473 : vector<256x128xf32>
    %add3A_476 = arith.addf %add3A_471, %mul3A_475 : vector<256x128xf32>
    %slice3A_477 = vector.extract_strided_slice %convert_element_type3A_18 {offsets = [0, 94], sizes = [256, 1], strides = [1, 1]} : vector<256x224xf32> to vector<256x1xf32>
    %slice3A_478 = vector.extract_strided_slice %dot_general3A_16 {offsets = [0, 1792], sizes = [256, 128], strides = [1, 1]} : vector<256x2048xf32> to vector<256x128xf32>
    %mul3A_479 = vector.broadcast %slice3A_477 : vector<256x1xf32> to vector<256x128xf32>
    %mul3A_480 = arith.mulf %mul3A_479, %slice3A_478 : vector<256x128xf32>
    %add3A_481 = arith.addf %add3A_476, %mul3A_480 : vector<256x128xf32>
    %slice3A_482 = vector.extract_strided_slice %convert_element_type3A_18 {offsets = [0, 95], sizes = [256, 1], strides = [1, 1]} : vector<256x224xf32> to vector<256x1xf32>
    %slice3A_483 = vector.extract_strided_slice %dot_general3A_16 {offsets = [0, 1920], sizes = [256, 128], strides = [1, 1]} : vector<256x2048xf32> to vector<256x128xf32>
    %mul3A_484 = vector.broadcast %slice3A_482 : vector<256x1xf32> to vector<256x128xf32>
    %mul3A_485 = arith.mulf %mul3A_484, %slice3A_483 : vector<256x128xf32>
    %add3A_486 = arith.addf %add3A_481, %mul3A_485 : vector<256x128xf32>
    %sub3A_487 = arith.subf %get3A_7, %add3A_486 : vector<256x128xf32>
    %mul3A_488 = arith.mulf %sub3A_487, %sub3A_487 : vector<256x128xf32>
    %reduce_sum3A_489 = arith.constant dense<0.000000e+00> : vector<256xf32>
    %reduce_sum3A_490 = vector.multi_reduction <add>, %mul3A_488, %reduce_sum3A_489 [1] : vector<256x128xf32> to vector<256xf32>
    %broadcast_in_dim3A_491 = vector.shape_cast %reduce_sum3A_490 : vector<256xf32> to vector<256x1xf32>
    %ge3A_492 = arith.constant 5 : i32
    %ge3A_493 = vector.broadcast %ge3A_492 : i32 to vector<256x1xi32>
    %ge3A_494 = arith.cmpi sge, %get3A_4, %ge3A_493 : vector<256x1xi32>
    %jit3A_495 = arith.constant 0x7F800000 : f32
    %broadcast_in_dim3A_496 = vector.broadcast %jit3A_495 : f32 to vector<256x1xf32>
    %select_n3A_497 = arith.select %ge3A_494, %broadcast_in_dim3A_491, %broadcast_in_dim3A_496 : vector<256x1xi1>, vector<256x1xf32>
    %lt3A_498 = arith.cmpf olt, %select_n3A_497, %select_n3A_401 : vector<256x1xf32>
    %select_n3A_499 = arith.select %lt3A_498, %select_n3A_497, %select_n3A_401 : vector<256x1xi1>, vector<256x1xf32>
    %jit3A_500 = arith.constant 5 : i32
    %broadcast_in_dim3A_501 = vector.broadcast %jit3A_500 : i32 to vector<256x1xi32>
    %select_n3A_502 = arith.select %lt3A_498, %broadcast_in_dim3A_501, %select_n3A_404 : vector<256x1xi1>, vector<256x1xi32>
    %broadcast_in_dim3A_503 = arith.constant 0.000000e+00 : f32
    %broadcast_in_dim3A_504 = vector.broadcast %broadcast_in_dim3A_503 : f32 to vector<256x128xf32>
    %slice3A_505 = vector.extract_strided_slice %convert_element_type3A_18 {offsets = [0, 96], sizes = [256, 1], strides = [1, 1]} : vector<256x224xf32> to vector<256x1xf32>
    %slice3A_506 = vector.extract_strided_slice %dot_general3A_16 {offsets = [0, 0], sizes = [256, 128], strides = [1, 1]} : vector<256x2048xf32> to vector<256x128xf32>
    %mul3A_507 = vector.broadcast %slice3A_505 : vector<256x1xf32> to vector<256x128xf32>
    %mul3A_508 = arith.mulf %mul3A_507, %slice3A_506 : vector<256x128xf32>
    %add3A_509 = arith.addf %broadcast_in_dim3A_504, %mul3A_508 : vector<256x128xf32>
    %slice3A_510 = vector.extract_strided_slice %convert_element_type3A_18 {offsets = [0, 97], sizes = [256, 1], strides = [1, 1]} : vector<256x224xf32> to vector<256x1xf32>
    %slice3A_511 = vector.extract_strided_slice %dot_general3A_16 {offsets = [0, 128], sizes = [256, 128], strides = [1, 1]} : vector<256x2048xf32> to vector<256x128xf32>
    %mul3A_512 = vector.broadcast %slice3A_510 : vector<256x1xf32> to vector<256x128xf32>
    %mul3A_513 = arith.mulf %mul3A_512, %slice3A_511 : vector<256x128xf32>
    %add3A_514 = arith.addf %add3A_509, %mul3A_513 : vector<256x128xf32>
    %slice3A_515 = vector.extract_strided_slice %convert_element_type3A_18 {offsets = [0, 98], sizes = [256, 1], strides = [1, 1]} : vector<256x224xf32> to vector<256x1xf32>
    %slice3A_516 = vector.extract_strided_slice %dot_general3A_16 {offsets = [0, 256], sizes = [256, 128], strides = [1, 1]} : vector<256x2048xf32> to vector<256x128xf32>
    %mul3A_517 = vector.broadcast %slice3A_515 : vector<256x1xf32> to vector<256x128xf32>
    %mul3A_518 = arith.mulf %mul3A_517, %slice3A_516 : vector<256x128xf32>
    %add3A_519 = arith.addf %add3A_514, %mul3A_518 : vector<256x128xf32>
    %slice3A_520 = vector.extract_strided_slice %convert_element_type3A_18 {offsets = [0, 99], sizes = [256, 1], strides = [1, 1]} : vector<256x224xf32> to vector<256x1xf32>
    %slice3A_521 = vector.extract_strided_slice %dot_general3A_16 {offsets = [0, 384], sizes = [256, 128], strides = [1, 1]} : vector<256x2048xf32> to vector<256x128xf32>
    %mul3A_522 = vector.broadcast %slice3A_520 : vector<256x1xf32> to vector<256x128xf32>
    %mul3A_523 = arith.mulf %mul3A_522, %slice3A_521 : vector<256x128xf32>
    %add3A_524 = arith.addf %add3A_519, %mul3A_523 : vector<256x128xf32>
    %slice3A_525 = vector.extract_strided_slice %convert_element_type3A_18 {offsets = [0, 100], sizes = [256, 1], strides = [1, 1]} : vector<256x224xf32> to vector<256x1xf32>
    %slice3A_526 = vector.extract_strided_slice %dot_general3A_16 {offsets = [0, 512], sizes = [256, 128], strides = [1, 1]} : vector<256x2048xf32> to vector<256x128xf32>
    %mul3A_527 = vector.broadcast %slice3A_525 : vector<256x1xf32> to vector<256x128xf32>
    %mul3A_528 = arith.mulf %mul3A_527, %slice3A_526 : vector<256x128xf32>
    %add3A_529 = arith.addf %add3A_524, %mul3A_528 : vector<256x128xf32>
    %slice3A_530 = vector.extract_strided_slice %convert_element_type3A_18 {offsets = [0, 101], sizes = [256, 1], strides = [1, 1]} : vector<256x224xf32> to vector<256x1xf32>
    %slice3A_531 = vector.extract_strided_slice %dot_general3A_16 {offsets = [0, 640], sizes = [256, 128], strides = [1, 1]} : vector<256x2048xf32> to vector<256x128xf32>
    %mul3A_532 = vector.broadcast %slice3A_530 : vector<256x1xf32> to vector<256x128xf32>
    %mul3A_533 = arith.mulf %mul3A_532, %slice3A_531 : vector<256x128xf32>
    %add3A_534 = arith.addf %add3A_529, %mul3A_533 : vector<256x128xf32>
    %slice3A_535 = vector.extract_strided_slice %convert_element_type3A_18 {offsets = [0, 102], sizes = [256, 1], strides = [1, 1]} : vector<256x224xf32> to vector<256x1xf32>
    %slice3A_536 = vector.extract_strided_slice %dot_general3A_16 {offsets = [0, 768], sizes = [256, 128], strides = [1, 1]} : vector<256x2048xf32> to vector<256x128xf32>
    %mul3A_537 = vector.broadcast %slice3A_535 : vector<256x1xf32> to vector<256x128xf32>
    %mul3A_538 = arith.mulf %mul3A_537, %slice3A_536 : vector<256x128xf32>
    %add3A_539 = arith.addf %add3A_534, %mul3A_538 : vector<256x128xf32>
    %slice3A_540 = vector.extract_strided_slice %convert_element_type3A_18 {offsets = [0, 103], sizes = [256, 1], strides = [1, 1]} : vector<256x224xf32> to vector<256x1xf32>
    %slice3A_541 = vector.extract_strided_slice %dot_general3A_16 {offsets = [0, 896], sizes = [256, 128], strides = [1, 1]} : vector<256x2048xf32> to vector<256x128xf32>
    %mul3A_542 = vector.broadcast %slice3A_540 : vector<256x1xf32> to vector<256x128xf32>
    %mul3A_543 = arith.mulf %mul3A_542, %slice3A_541 : vector<256x128xf32>
    %add3A_544 = arith.addf %add3A_539, %mul3A_543 : vector<256x128xf32>
    %slice3A_545 = vector.extract_strided_slice %convert_element_type3A_18 {offsets = [0, 104], sizes = [256, 1], strides = [1, 1]} : vector<256x224xf32> to vector<256x1xf32>
    %slice3A_546 = vector.extract_strided_slice %dot_general3A_16 {offsets = [0, 1024], sizes = [256, 128], strides = [1, 1]} : vector<256x2048xf32> to vector<256x128xf32>
    %mul3A_547 = vector.broadcast %slice3A_545 : vector<256x1xf32> to vector<256x128xf32>
    %mul3A_548 = arith.mulf %mul3A_547, %slice3A_546 : vector<256x128xf32>
    %add3A_549 = arith.addf %add3A_544, %mul3A_548 : vector<256x128xf32>
    %slice3A_550 = vector.extract_strided_slice %convert_element_type3A_18 {offsets = [0, 105], sizes = [256, 1], strides = [1, 1]} : vector<256x224xf32> to vector<256x1xf32>
    %slice3A_551 = vector.extract_strided_slice %dot_general3A_16 {offsets = [0, 1152], sizes = [256, 128], strides = [1, 1]} : vector<256x2048xf32> to vector<256x128xf32>
    %mul3A_552 = vector.broadcast %slice3A_550 : vector<256x1xf32> to vector<256x128xf32>
    %mul3A_553 = arith.mulf %mul3A_552, %slice3A_551 : vector<256x128xf32>
    %add3A_554 = arith.addf %add3A_549, %mul3A_553 : vector<256x128xf32>
    %slice3A_555 = vector.extract_strided_slice %convert_element_type3A_18 {offsets = [0, 106], sizes = [256, 1], strides = [1, 1]} : vector<256x224xf32> to vector<256x1xf32>
    %slice3A_556 = vector.extract_strided_slice %dot_general3A_16 {offsets = [0, 1280], sizes = [256, 128], strides = [1, 1]} : vector<256x2048xf32> to vector<256x128xf32>
    %mul3A_557 = vector.broadcast %slice3A_555 : vector<256x1xf32> to vector<256x128xf32>
    %mul3A_558 = arith.mulf %mul3A_557, %slice3A_556 : vector<256x128xf32>
    %add3A_559 = arith.addf %add3A_554, %mul3A_558 : vector<256x128xf32>
    %slice3A_560 = vector.extract_strided_slice %convert_element_type3A_18 {offsets = [0, 107], sizes = [256, 1], strides = [1, 1]} : vector<256x224xf32> to vector<256x1xf32>
    %slice3A_561 = vector.extract_strided_slice %dot_general3A_16 {offsets = [0, 1408], sizes = [256, 128], strides = [1, 1]} : vector<256x2048xf32> to vector<256x128xf32>
    %mul3A_562 = vector.broadcast %slice3A_560 : vector<256x1xf32> to vector<256x128xf32>
    %mul3A_563 = arith.mulf %mul3A_562, %slice3A_561 : vector<256x128xf32>
    %add3A_564 = arith.addf %add3A_559, %mul3A_563 : vector<256x128xf32>
    %slice3A_565 = vector.extract_strided_slice %convert_element_type3A_18 {offsets = [0, 108], sizes = [256, 1], strides = [1, 1]} : vector<256x224xf32> to vector<256x1xf32>
    %slice3A_566 = vector.extract_strided_slice %dot_general3A_16 {offsets = [0, 1536], sizes = [256, 128], strides = [1, 1]} : vector<256x2048xf32> to vector<256x128xf32>
    %mul3A_567 = vector.broadcast %slice3A_565 : vector<256x1xf32> to vector<256x128xf32>
    %mul3A_568 = arith.mulf %mul3A_567, %slice3A_566 : vector<256x128xf32>
    %add3A_569 = arith.addf %add3A_564, %mul3A_568 : vector<256x128xf32>
    %slice3A_570 = vector.extract_strided_slice %convert_element_type3A_18 {offsets = [0, 109], sizes = [256, 1], strides = [1, 1]} : vector<256x224xf32> to vector<256x1xf32>
    %slice3A_571 = vector.extract_strided_slice %dot_general3A_16 {offsets = [0, 1664], sizes = [256, 128], strides = [1, 1]} : vector<256x2048xf32> to vector<256x128xf32>
    %mul3A_572 = vector.broadcast %slice3A_570 : vector<256x1xf32> to vector<256x128xf32>
    %mul3A_573 = arith.mulf %mul3A_572, %slice3A_571 : vector<256x128xf32>
    %add3A_574 = arith.addf %add3A_569, %mul3A_573 : vector<256x128xf32>
    %slice3A_575 = vector.extract_strided_slice %convert_element_type3A_18 {offsets = [0, 110], sizes = [256, 1], strides = [1, 1]} : vector<256x224xf32> to vector<256x1xf32>
    %slice3A_576 = vector.extract_strided_slice %dot_general3A_16 {offsets = [0, 1792], sizes = [256, 128], strides = [1, 1]} : vector<256x2048xf32> to vector<256x128xf32>
    %mul3A_577 = vector.broadcast %slice3A_575 : vector<256x1xf32> to vector<256x128xf32>
    %mul3A_578 = arith.mulf %mul3A_577, %slice3A_576 : vector<256x128xf32>
    %add3A_579 = arith.addf %add3A_574, %mul3A_578 : vector<256x128xf32>
    %slice3A_580 = vector.extract_strided_slice %convert_element_type3A_18 {offsets = [0, 111], sizes = [256, 1], strides = [1, 1]} : vector<256x224xf32> to vector<256x1xf32>
    %slice3A_581 = vector.extract_strided_slice %dot_general3A_16 {offsets = [0, 1920], sizes = [256, 128], strides = [1, 1]} : vector<256x2048xf32> to vector<256x128xf32>
    %mul3A_582 = vector.broadcast %slice3A_580 : vector<256x1xf32> to vector<256x128xf32>
    %mul3A_583 = arith.mulf %mul3A_582, %slice3A_581 : vector<256x128xf32>
    %add3A_584 = arith.addf %add3A_579, %mul3A_583 : vector<256x128xf32>
    %sub3A_585 = arith.subf %get3A_7, %add3A_584 : vector<256x128xf32>
    %mul3A_586 = arith.mulf %sub3A_585, %sub3A_585 : vector<256x128xf32>
    %reduce_sum3A_587 = arith.constant dense<0.000000e+00> : vector<256xf32>
    %reduce_sum3A_588 = vector.multi_reduction <add>, %mul3A_586, %reduce_sum3A_587 [1] : vector<256x128xf32> to vector<256xf32>
    %broadcast_in_dim3A_589 = vector.shape_cast %reduce_sum3A_588 : vector<256xf32> to vector<256x1xf32>
    %ge3A_590 = arith.constant 6 : i32
    %ge3A_591 = vector.broadcast %ge3A_590 : i32 to vector<256x1xi32>
    %ge3A_592 = arith.cmpi sge, %get3A_4, %ge3A_591 : vector<256x1xi32>
    %jit3A_593 = arith.constant 0x7F800000 : f32
    %broadcast_in_dim3A_594 = vector.broadcast %jit3A_593 : f32 to vector<256x1xf32>
    %select_n3A_595 = arith.select %ge3A_592, %broadcast_in_dim3A_589, %broadcast_in_dim3A_594 : vector<256x1xi1>, vector<256x1xf32>
    %lt3A_596 = arith.cmpf olt, %select_n3A_595, %select_n3A_499 : vector<256x1xf32>
    %select_n3A_597 = arith.select %lt3A_596, %select_n3A_595, %select_n3A_499 : vector<256x1xi1>, vector<256x1xf32>
    %jit3A_598 = arith.constant 6 : i32
    %broadcast_in_dim3A_599 = vector.broadcast %jit3A_598 : i32 to vector<256x1xi32>
    %select_n3A_600 = arith.select %lt3A_596, %broadcast_in_dim3A_599, %select_n3A_502 : vector<256x1xi1>, vector<256x1xi32>
    %broadcast_in_dim3A_601 = arith.constant 0.000000e+00 : f32
    %broadcast_in_dim3A_602 = vector.broadcast %broadcast_in_dim3A_601 : f32 to vector<256x128xf32>
    %slice3A_603 = vector.extract_strided_slice %convert_element_type3A_18 {offsets = [0, 112], sizes = [256, 1], strides = [1, 1]} : vector<256x224xf32> to vector<256x1xf32>
    %slice3A_604 = vector.extract_strided_slice %dot_general3A_16 {offsets = [0, 0], sizes = [256, 128], strides = [1, 1]} : vector<256x2048xf32> to vector<256x128xf32>
    %mul3A_605 = vector.broadcast %slice3A_603 : vector<256x1xf32> to vector<256x128xf32>
    %mul3A_606 = arith.mulf %mul3A_605, %slice3A_604 : vector<256x128xf32>
    %add3A_607 = arith.addf %broadcast_in_dim3A_602, %mul3A_606 : vector<256x128xf32>
    %slice3A_608 = vector.extract_strided_slice %convert_element_type3A_18 {offsets = [0, 113], sizes = [256, 1], strides = [1, 1]} : vector<256x224xf32> to vector<256x1xf32>
    %slice3A_609 = vector.extract_strided_slice %dot_general3A_16 {offsets = [0, 128], sizes = [256, 128], strides = [1, 1]} : vector<256x2048xf32> to vector<256x128xf32>
    %mul3A_610 = vector.broadcast %slice3A_608 : vector<256x1xf32> to vector<256x128xf32>
    %mul3A_611 = arith.mulf %mul3A_610, %slice3A_609 : vector<256x128xf32>
    %add3A_612 = arith.addf %add3A_607, %mul3A_611 : vector<256x128xf32>
    %slice3A_613 = vector.extract_strided_slice %convert_element_type3A_18 {offsets = [0, 114], sizes = [256, 1], strides = [1, 1]} : vector<256x224xf32> to vector<256x1xf32>
    %slice3A_614 = vector.extract_strided_slice %dot_general3A_16 {offsets = [0, 256], sizes = [256, 128], strides = [1, 1]} : vector<256x2048xf32> to vector<256x128xf32>
    %mul3A_615 = vector.broadcast %slice3A_613 : vector<256x1xf32> to vector<256x128xf32>
    %mul3A_616 = arith.mulf %mul3A_615, %slice3A_614 : vector<256x128xf32>
    %add3A_617 = arith.addf %add3A_612, %mul3A_616 : vector<256x128xf32>
    %slice3A_618 = vector.extract_strided_slice %convert_element_type3A_18 {offsets = [0, 115], sizes = [256, 1], strides = [1, 1]} : vector<256x224xf32> to vector<256x1xf32>
    %slice3A_619 = vector.extract_strided_slice %dot_general3A_16 {offsets = [0, 384], sizes = [256, 128], strides = [1, 1]} : vector<256x2048xf32> to vector<256x128xf32>
    %mul3A_620 = vector.broadcast %slice3A_618 : vector<256x1xf32> to vector<256x128xf32>
    %mul3A_621 = arith.mulf %mul3A_620, %slice3A_619 : vector<256x128xf32>
    %add3A_622 = arith.addf %add3A_617, %mul3A_621 : vector<256x128xf32>
    %slice3A_623 = vector.extract_strided_slice %convert_element_type3A_18 {offsets = [0, 116], sizes = [256, 1], strides = [1, 1]} : vector<256x224xf32> to vector<256x1xf32>
    %slice3A_624 = vector.extract_strided_slice %dot_general3A_16 {offsets = [0, 512], sizes = [256, 128], strides = [1, 1]} : vector<256x2048xf32> to vector<256x128xf32>
    %mul3A_625 = vector.broadcast %slice3A_623 : vector<256x1xf32> to vector<256x128xf32>
    %mul3A_626 = arith.mulf %mul3A_625, %slice3A_624 : vector<256x128xf32>
    %add3A_627 = arith.addf %add3A_622, %mul3A_626 : vector<256x128xf32>
    %slice3A_628 = vector.extract_strided_slice %convert_element_type3A_18 {offsets = [0, 117], sizes = [256, 1], strides = [1, 1]} : vector<256x224xf32> to vector<256x1xf32>
    %slice3A_629 = vector.extract_strided_slice %dot_general3A_16 {offsets = [0, 640], sizes = [256, 128], strides = [1, 1]} : vector<256x2048xf32> to vector<256x128xf32>
    %mul3A_630 = vector.broadcast %slice3A_628 : vector<256x1xf32> to vector<256x128xf32>
    %mul3A_631 = arith.mulf %mul3A_630, %slice3A_629 : vector<256x128xf32>
    %add3A_632 = arith.addf %add3A_627, %mul3A_631 : vector<256x128xf32>
    %slice3A_633 = vector.extract_strided_slice %convert_element_type3A_18 {offsets = [0, 118], sizes = [256, 1], strides = [1, 1]} : vector<256x224xf32> to vector<256x1xf32>
    %slice3A_634 = vector.extract_strided_slice %dot_general3A_16 {offsets = [0, 768], sizes = [256, 128], strides = [1, 1]} : vector<256x2048xf32> to vector<256x128xf32>
    %mul3A_635 = vector.broadcast %slice3A_633 : vector<256x1xf32> to vector<256x128xf32>
    %mul3A_636 = arith.mulf %mul3A_635, %slice3A_634 : vector<256x128xf32>
    %add3A_637 = arith.addf %add3A_632, %mul3A_636 : vector<256x128xf32>
    %slice3A_638 = vector.extract_strided_slice %convert_element_type3A_18 {offsets = [0, 119], sizes = [256, 1], strides = [1, 1]} : vector<256x224xf32> to vector<256x1xf32>
    %slice3A_639 = vector.extract_strided_slice %dot_general3A_16 {offsets = [0, 896], sizes = [256, 128], strides = [1, 1]} : vector<256x2048xf32> to vector<256x128xf32>
    %mul3A_640 = vector.broadcast %slice3A_638 : vector<256x1xf32> to vector<256x128xf32>
    %mul3A_641 = arith.mulf %mul3A_640, %slice3A_639 : vector<256x128xf32>
    %add3A_642 = arith.addf %add3A_637, %mul3A_641 : vector<256x128xf32>
    %slice3A_643 = vector.extract_strided_slice %convert_element_type3A_18 {offsets = [0, 120], sizes = [256, 1], strides = [1, 1]} : vector<256x224xf32> to vector<256x1xf32>
    %slice3A_644 = vector.extract_strided_slice %dot_general3A_16 {offsets = [0, 1024], sizes = [256, 128], strides = [1, 1]} : vector<256x2048xf32> to vector<256x128xf32>
    %mul3A_645 = vector.broadcast %slice3A_643 : vector<256x1xf32> to vector<256x128xf32>
    %mul3A_646 = arith.mulf %mul3A_645, %slice3A_644 : vector<256x128xf32>
    %add3A_647 = arith.addf %add3A_642, %mul3A_646 : vector<256x128xf32>
    %slice3A_648 = vector.extract_strided_slice %convert_element_type3A_18 {offsets = [0, 121], sizes = [256, 1], strides = [1, 1]} : vector<256x224xf32> to vector<256x1xf32>
    %slice3A_649 = vector.extract_strided_slice %dot_general3A_16 {offsets = [0, 1152], sizes = [256, 128], strides = [1, 1]} : vector<256x2048xf32> to vector<256x128xf32>
    %mul3A_650 = vector.broadcast %slice3A_648 : vector<256x1xf32> to vector<256x128xf32>
    %mul3A_651 = arith.mulf %mul3A_650, %slice3A_649 : vector<256x128xf32>
    %add3A_652 = arith.addf %add3A_647, %mul3A_651 : vector<256x128xf32>
    %slice3A_653 = vector.extract_strided_slice %convert_element_type3A_18 {offsets = [0, 122], sizes = [256, 1], strides = [1, 1]} : vector<256x224xf32> to vector<256x1xf32>
    %slice3A_654 = vector.extract_strided_slice %dot_general3A_16 {offsets = [0, 1280], sizes = [256, 128], strides = [1, 1]} : vector<256x2048xf32> to vector<256x128xf32>
    %mul3A_655 = vector.broadcast %slice3A_653 : vector<256x1xf32> to vector<256x128xf32>
    %mul3A_656 = arith.mulf %mul3A_655, %slice3A_654 : vector<256x128xf32>
    %add3A_657 = arith.addf %add3A_652, %mul3A_656 : vector<256x128xf32>
    %slice3A_658 = vector.extract_strided_slice %convert_element_type3A_18 {offsets = [0, 123], sizes = [256, 1], strides = [1, 1]} : vector<256x224xf32> to vector<256x1xf32>
    %slice3A_659 = vector.extract_strided_slice %dot_general3A_16 {offsets = [0, 1408], sizes = [256, 128], strides = [1, 1]} : vector<256x2048xf32> to vector<256x128xf32>
    %mul3A_660 = vector.broadcast %slice3A_658 : vector<256x1xf32> to vector<256x128xf32>
    %mul3A_661 = arith.mulf %mul3A_660, %slice3A_659 : vector<256x128xf32>
    %add3A_662 = arith.addf %add3A_657, %mul3A_661 : vector<256x128xf32>
    %slice3A_663 = vector.extract_strided_slice %convert_element_type3A_18 {offsets = [0, 124], sizes = [256, 1], strides = [1, 1]} : vector<256x224xf32> to vector<256x1xf32>
    %slice3A_664 = vector.extract_strided_slice %dot_general3A_16 {offsets = [0, 1536], sizes = [256, 128], strides = [1, 1]} : vector<256x2048xf32> to vector<256x128xf32>
    %mul3A_665 = vector.broadcast %slice3A_663 : vector<256x1xf32> to vector<256x128xf32>
    %mul3A_666 = arith.mulf %mul3A_665, %slice3A_664 : vector<256x128xf32>
    %add3A_667 = arith.addf %add3A_662, %mul3A_666 : vector<256x128xf32>
    %slice3A_668 = vector.extract_strided_slice %convert_element_type3A_18 {offsets = [0, 125], sizes = [256, 1], strides = [1, 1]} : vector<256x224xf32> to vector<256x1xf32>
    %slice3A_669 = vector.extract_strided_slice %dot_general3A_16 {offsets = [0, 1664], sizes = [256, 128], strides = [1, 1]} : vector<256x2048xf32> to vector<256x128xf32>
    %mul3A_670 = vector.broadcast %slice3A_668 : vector<256x1xf32> to vector<256x128xf32>
    %mul3A_671 = arith.mulf %mul3A_670, %slice3A_669 : vector<256x128xf32>
    %add3A_672 = arith.addf %add3A_667, %mul3A_671 : vector<256x128xf32>
    %slice3A_673 = vector.extract_strided_slice %convert_element_type3A_18 {offsets = [0, 126], sizes = [256, 1], strides = [1, 1]} : vector<256x224xf32> to vector<256x1xf32>
    %slice3A_674 = vector.extract_strided_slice %dot_general3A_16 {offsets = [0, 1792], sizes = [256, 128], strides = [1, 1]} : vector<256x2048xf32> to vector<256x128xf32>
    %mul3A_675 = vector.broadcast %slice3A_673 : vector<256x1xf32> to vector<256x128xf32>
    %mul3A_676 = arith.mulf %mul3A_675, %slice3A_674 : vector<256x128xf32>
    %add3A_677 = arith.addf %add3A_672, %mul3A_676 : vector<256x128xf32>
    %slice3A_678 = vector.extract_strided_slice %convert_element_type3A_18 {offsets = [0, 127], sizes = [256, 1], strides = [1, 1]} : vector<256x224xf32> to vector<256x1xf32>
    %slice3A_679 = vector.extract_strided_slice %dot_general3A_16 {offsets = [0, 1920], sizes = [256, 128], strides = [1, 1]} : vector<256x2048xf32> to vector<256x128xf32>
    %mul3A_680 = vector.broadcast %slice3A_678 : vector<256x1xf32> to vector<256x128xf32>
    %mul3A_681 = arith.mulf %mul3A_680, %slice3A_679 : vector<256x128xf32>
    %add3A_682 = arith.addf %add3A_677, %mul3A_681 : vector<256x128xf32>
    %sub3A_683 = arith.subf %get3A_7, %add3A_682 : vector<256x128xf32>
    %mul3A_684 = arith.mulf %sub3A_683, %sub3A_683 : vector<256x128xf32>
    %reduce_sum3A_685 = arith.constant dense<0.000000e+00> : vector<256xf32>
    %reduce_sum3A_686 = vector.multi_reduction <add>, %mul3A_684, %reduce_sum3A_685 [1] : vector<256x128xf32> to vector<256xf32>
    %broadcast_in_dim3A_687 = vector.shape_cast %reduce_sum3A_686 : vector<256xf32> to vector<256x1xf32>
    %ge3A_688 = arith.constant 7 : i32
    %ge3A_689 = vector.broadcast %ge3A_688 : i32 to vector<256x1xi32>
    %ge3A_690 = arith.cmpi sge, %get3A_4, %ge3A_689 : vector<256x1xi32>
    %jit3A_691 = arith.constant 0x7F800000 : f32
    %broadcast_in_dim3A_692 = vector.broadcast %jit3A_691 : f32 to vector<256x1xf32>
    %select_n3A_693 = arith.select %ge3A_690, %broadcast_in_dim3A_687, %broadcast_in_dim3A_692 : vector<256x1xi1>, vector<256x1xf32>
    %lt3A_694 = arith.cmpf olt, %select_n3A_693, %select_n3A_597 : vector<256x1xf32>
    %select_n3A_695 = arith.select %lt3A_694, %select_n3A_693, %select_n3A_597 : vector<256x1xi1>, vector<256x1xf32>
    %jit3A_696 = arith.constant 7 : i32
    %broadcast_in_dim3A_697 = vector.broadcast %jit3A_696 : i32 to vector<256x1xi32>
    %select_n3A_698 = arith.select %lt3A_694, %broadcast_in_dim3A_697, %select_n3A_600 : vector<256x1xi1>, vector<256x1xi32>
    %broadcast_in_dim3A_699 = arith.constant 0.000000e+00 : f32
    %broadcast_in_dim3A_700 = vector.broadcast %broadcast_in_dim3A_699 : f32 to vector<256x128xf32>
    %slice3A_701 = vector.extract_strided_slice %convert_element_type3A_18 {offsets = [0, 128], sizes = [256, 1], strides = [1, 1]} : vector<256x224xf32> to vector<256x1xf32>
    %slice3A_702 = vector.extract_strided_slice %dot_general3A_16 {offsets = [0, 0], sizes = [256, 128], strides = [1, 1]} : vector<256x2048xf32> to vector<256x128xf32>
    %mul3A_703 = vector.broadcast %slice3A_701 : vector<256x1xf32> to vector<256x128xf32>
    %mul3A_704 = arith.mulf %mul3A_703, %slice3A_702 : vector<256x128xf32>
    %add3A_705 = arith.addf %broadcast_in_dim3A_700, %mul3A_704 : vector<256x128xf32>
    %slice3A_706 = vector.extract_strided_slice %convert_element_type3A_18 {offsets = [0, 129], sizes = [256, 1], strides = [1, 1]} : vector<256x224xf32> to vector<256x1xf32>
    %slice3A_707 = vector.extract_strided_slice %dot_general3A_16 {offsets = [0, 128], sizes = [256, 128], strides = [1, 1]} : vector<256x2048xf32> to vector<256x128xf32>
    %mul3A_708 = vector.broadcast %slice3A_706 : vector<256x1xf32> to vector<256x128xf32>
    %mul3A_709 = arith.mulf %mul3A_708, %slice3A_707 : vector<256x128xf32>
    %add3A_710 = arith.addf %add3A_705, %mul3A_709 : vector<256x128xf32>
    %slice3A_711 = vector.extract_strided_slice %convert_element_type3A_18 {offsets = [0, 130], sizes = [256, 1], strides = [1, 1]} : vector<256x224xf32> to vector<256x1xf32>
    %slice3A_712 = vector.extract_strided_slice %dot_general3A_16 {offsets = [0, 256], sizes = [256, 128], strides = [1, 1]} : vector<256x2048xf32> to vector<256x128xf32>
    %mul3A_713 = vector.broadcast %slice3A_711 : vector<256x1xf32> to vector<256x128xf32>
    %mul3A_714 = arith.mulf %mul3A_713, %slice3A_712 : vector<256x128xf32>
    %add3A_715 = arith.addf %add3A_710, %mul3A_714 : vector<256x128xf32>
    %slice3A_716 = vector.extract_strided_slice %convert_element_type3A_18 {offsets = [0, 131], sizes = [256, 1], strides = [1, 1]} : vector<256x224xf32> to vector<256x1xf32>
    %slice3A_717 = vector.extract_strided_slice %dot_general3A_16 {offsets = [0, 384], sizes = [256, 128], strides = [1, 1]} : vector<256x2048xf32> to vector<256x128xf32>
    %mul3A_718 = vector.broadcast %slice3A_716 : vector<256x1xf32> to vector<256x128xf32>
    %mul3A_719 = arith.mulf %mul3A_718, %slice3A_717 : vector<256x128xf32>
    %add3A_720 = arith.addf %add3A_715, %mul3A_719 : vector<256x128xf32>
    %slice3A_721 = vector.extract_strided_slice %convert_element_type3A_18 {offsets = [0, 132], sizes = [256, 1], strides = [1, 1]} : vector<256x224xf32> to vector<256x1xf32>
    %slice3A_722 = vector.extract_strided_slice %dot_general3A_16 {offsets = [0, 512], sizes = [256, 128], strides = [1, 1]} : vector<256x2048xf32> to vector<256x128xf32>
    %mul3A_723 = vector.broadcast %slice3A_721 : vector<256x1xf32> to vector<256x128xf32>
    %mul3A_724 = arith.mulf %mul3A_723, %slice3A_722 : vector<256x128xf32>
    %add3A_725 = arith.addf %add3A_720, %mul3A_724 : vector<256x128xf32>
    %slice3A_726 = vector.extract_strided_slice %convert_element_type3A_18 {offsets = [0, 133], sizes = [256, 1], strides = [1, 1]} : vector<256x224xf32> to vector<256x1xf32>
    %slice3A_727 = vector.extract_strided_slice %dot_general3A_16 {offsets = [0, 640], sizes = [256, 128], strides = [1, 1]} : vector<256x2048xf32> to vector<256x128xf32>
    %mul3A_728 = vector.broadcast %slice3A_726 : vector<256x1xf32> to vector<256x128xf32>
    %mul3A_729 = arith.mulf %mul3A_728, %slice3A_727 : vector<256x128xf32>
    %add3A_730 = arith.addf %add3A_725, %mul3A_729 : vector<256x128xf32>
    %slice3A_731 = vector.extract_strided_slice %convert_element_type3A_18 {offsets = [0, 134], sizes = [256, 1], strides = [1, 1]} : vector<256x224xf32> to vector<256x1xf32>
    %slice3A_732 = vector.extract_strided_slice %dot_general3A_16 {offsets = [0, 768], sizes = [256, 128], strides = [1, 1]} : vector<256x2048xf32> to vector<256x128xf32>
    %mul3A_733 = vector.broadcast %slice3A_731 : vector<256x1xf32> to vector<256x128xf32>
    %mul3A_734 = arith.mulf %mul3A_733, %slice3A_732 : vector<256x128xf32>
    %add3A_735 = arith.addf %add3A_730, %mul3A_734 : vector<256x128xf32>
    %slice3A_736 = vector.extract_strided_slice %convert_element_type3A_18 {offsets = [0, 135], sizes = [256, 1], strides = [1, 1]} : vector<256x224xf32> to vector<256x1xf32>
    %slice3A_737 = vector.extract_strided_slice %dot_general3A_16 {offsets = [0, 896], sizes = [256, 128], strides = [1, 1]} : vector<256x2048xf32> to vector<256x128xf32>
    %mul3A_738 = vector.broadcast %slice3A_736 : vector<256x1xf32> to vector<256x128xf32>
    %mul3A_739 = arith.mulf %mul3A_738, %slice3A_737 : vector<256x128xf32>
    %add3A_740 = arith.addf %add3A_735, %mul3A_739 : vector<256x128xf32>
    %slice3A_741 = vector.extract_strided_slice %convert_element_type3A_18 {offsets = [0, 136], sizes = [256, 1], strides = [1, 1]} : vector<256x224xf32> to vector<256x1xf32>
    %slice3A_742 = vector.extract_strided_slice %dot_general3A_16 {offsets = [0, 1024], sizes = [256, 128], strides = [1, 1]} : vector<256x2048xf32> to vector<256x128xf32>
    %mul3A_743 = vector.broadcast %slice3A_741 : vector<256x1xf32> to vector<256x128xf32>
    %mul3A_744 = arith.mulf %mul3A_743, %slice3A_742 : vector<256x128xf32>
    %add3A_745 = arith.addf %add3A_740, %mul3A_744 : vector<256x128xf32>
    %slice3A_746 = vector.extract_strided_slice %convert_element_type3A_18 {offsets = [0, 137], sizes = [256, 1], strides = [1, 1]} : vector<256x224xf32> to vector<256x1xf32>
    %slice3A_747 = vector.extract_strided_slice %dot_general3A_16 {offsets = [0, 1152], sizes = [256, 128], strides = [1, 1]} : vector<256x2048xf32> to vector<256x128xf32>
    %mul3A_748 = vector.broadcast %slice3A_746 : vector<256x1xf32> to vector<256x128xf32>
    %mul3A_749 = arith.mulf %mul3A_748, %slice3A_747 : vector<256x128xf32>
    %add3A_750 = arith.addf %add3A_745, %mul3A_749 : vector<256x128xf32>
    %slice3A_751 = vector.extract_strided_slice %convert_element_type3A_18 {offsets = [0, 138], sizes = [256, 1], strides = [1, 1]} : vector<256x224xf32> to vector<256x1xf32>
    %slice3A_752 = vector.extract_strided_slice %dot_general3A_16 {offsets = [0, 1280], sizes = [256, 128], strides = [1, 1]} : vector<256x2048xf32> to vector<256x128xf32>
    %mul3A_753 = vector.broadcast %slice3A_751 : vector<256x1xf32> to vector<256x128xf32>
    %mul3A_754 = arith.mulf %mul3A_753, %slice3A_752 : vector<256x128xf32>
    %add3A_755 = arith.addf %add3A_750, %mul3A_754 : vector<256x128xf32>
    %slice3A_756 = vector.extract_strided_slice %convert_element_type3A_18 {offsets = [0, 139], sizes = [256, 1], strides = [1, 1]} : vector<256x224xf32> to vector<256x1xf32>
    %slice3A_757 = vector.extract_strided_slice %dot_general3A_16 {offsets = [0, 1408], sizes = [256, 128], strides = [1, 1]} : vector<256x2048xf32> to vector<256x128xf32>
    %mul3A_758 = vector.broadcast %slice3A_756 : vector<256x1xf32> to vector<256x128xf32>
    %mul3A_759 = arith.mulf %mul3A_758, %slice3A_757 : vector<256x128xf32>
    %add3A_760 = arith.addf %add3A_755, %mul3A_759 : vector<256x128xf32>
    %slice3A_761 = vector.extract_strided_slice %convert_element_type3A_18 {offsets = [0, 140], sizes = [256, 1], strides = [1, 1]} : vector<256x224xf32> to vector<256x1xf32>
    %slice3A_762 = vector.extract_strided_slice %dot_general3A_16 {offsets = [0, 1536], sizes = [256, 128], strides = [1, 1]} : vector<256x2048xf32> to vector<256x128xf32>
    %mul3A_763 = vector.broadcast %slice3A_761 : vector<256x1xf32> to vector<256x128xf32>
    %mul3A_764 = arith.mulf %mul3A_763, %slice3A_762 : vector<256x128xf32>
    %add3A_765 = arith.addf %add3A_760, %mul3A_764 : vector<256x128xf32>
    %slice3A_766 = vector.extract_strided_slice %convert_element_type3A_18 {offsets = [0, 141], sizes = [256, 1], strides = [1, 1]} : vector<256x224xf32> to vector<256x1xf32>
    %slice3A_767 = vector.extract_strided_slice %dot_general3A_16 {offsets = [0, 1664], sizes = [256, 128], strides = [1, 1]} : vector<256x2048xf32> to vector<256x128xf32>
    %mul3A_768 = vector.broadcast %slice3A_766 : vector<256x1xf32> to vector<256x128xf32>
    %mul3A_769 = arith.mulf %mul3A_768, %slice3A_767 : vector<256x128xf32>
    %add3A_770 = arith.addf %add3A_765, %mul3A_769 : vector<256x128xf32>
    %slice3A_771 = vector.extract_strided_slice %convert_element_type3A_18 {offsets = [0, 142], sizes = [256, 1], strides = [1, 1]} : vector<256x224xf32> to vector<256x1xf32>
    %slice3A_772 = vector.extract_strided_slice %dot_general3A_16 {offsets = [0, 1792], sizes = [256, 128], strides = [1, 1]} : vector<256x2048xf32> to vector<256x128xf32>
    %mul3A_773 = vector.broadcast %slice3A_771 : vector<256x1xf32> to vector<256x128xf32>
    %mul3A_774 = arith.mulf %mul3A_773, %slice3A_772 : vector<256x128xf32>
    %add3A_775 = arith.addf %add3A_770, %mul3A_774 : vector<256x128xf32>
    %slice3A_776 = vector.extract_strided_slice %convert_element_type3A_18 {offsets = [0, 143], sizes = [256, 1], strides = [1, 1]} : vector<256x224xf32> to vector<256x1xf32>
    %slice3A_777 = vector.extract_strided_slice %dot_general3A_16 {offsets = [0, 1920], sizes = [256, 128], strides = [1, 1]} : vector<256x2048xf32> to vector<256x128xf32>
    %mul3A_778 = vector.broadcast %slice3A_776 : vector<256x1xf32> to vector<256x128xf32>
    %mul3A_779 = arith.mulf %mul3A_778, %slice3A_777 : vector<256x128xf32>
    %add3A_780 = arith.addf %add3A_775, %mul3A_779 : vector<256x128xf32>
    %sub3A_781 = arith.subf %get3A_7, %add3A_780 : vector<256x128xf32>
    %mul3A_782 = arith.mulf %sub3A_781, %sub3A_781 : vector<256x128xf32>
    %reduce_sum3A_783 = arith.constant dense<0.000000e+00> : vector<256xf32>
    %reduce_sum3A_784 = vector.multi_reduction <add>, %mul3A_782, %reduce_sum3A_783 [1] : vector<256x128xf32> to vector<256xf32>
    %broadcast_in_dim3A_785 = vector.shape_cast %reduce_sum3A_784 : vector<256xf32> to vector<256x1xf32>
    %ge3A_786 = arith.constant 8 : i32
    %ge3A_787 = vector.broadcast %ge3A_786 : i32 to vector<256x1xi32>
    %ge3A_788 = arith.cmpi sge, %get3A_4, %ge3A_787 : vector<256x1xi32>
    %jit3A_789 = arith.constant 0x7F800000 : f32
    %broadcast_in_dim3A_790 = vector.broadcast %jit3A_789 : f32 to vector<256x1xf32>
    %select_n3A_791 = arith.select %ge3A_788, %broadcast_in_dim3A_785, %broadcast_in_dim3A_790 : vector<256x1xi1>, vector<256x1xf32>
    %lt3A_792 = arith.cmpf olt, %select_n3A_791, %select_n3A_695 : vector<256x1xf32>
    %select_n3A_793 = arith.select %lt3A_792, %select_n3A_791, %select_n3A_695 : vector<256x1xi1>, vector<256x1xf32>
    %jit3A_794 = arith.constant 8 : i32
    %broadcast_in_dim3A_795 = vector.broadcast %jit3A_794 : i32 to vector<256x1xi32>
    %select_n3A_796 = arith.select %lt3A_792, %broadcast_in_dim3A_795, %select_n3A_698 : vector<256x1xi1>, vector<256x1xi32>
    %broadcast_in_dim3A_797 = arith.constant 0.000000e+00 : f32
    %broadcast_in_dim3A_798 = vector.broadcast %broadcast_in_dim3A_797 : f32 to vector<256x128xf32>
    %slice3A_799 = vector.extract_strided_slice %convert_element_type3A_18 {offsets = [0, 144], sizes = [256, 1], strides = [1, 1]} : vector<256x224xf32> to vector<256x1xf32>
    %slice3A_800 = vector.extract_strided_slice %dot_general3A_16 {offsets = [0, 0], sizes = [256, 128], strides = [1, 1]} : vector<256x2048xf32> to vector<256x128xf32>
    %mul3A_801 = vector.broadcast %slice3A_799 : vector<256x1xf32> to vector<256x128xf32>
    %mul3A_802 = arith.mulf %mul3A_801, %slice3A_800 : vector<256x128xf32>
    %add3A_803 = arith.addf %broadcast_in_dim3A_798, %mul3A_802 : vector<256x128xf32>
    %slice3A_804 = vector.extract_strided_slice %convert_element_type3A_18 {offsets = [0, 145], sizes = [256, 1], strides = [1, 1]} : vector<256x224xf32> to vector<256x1xf32>
    %slice3A_805 = vector.extract_strided_slice %dot_general3A_16 {offsets = [0, 128], sizes = [256, 128], strides = [1, 1]} : vector<256x2048xf32> to vector<256x128xf32>
    %mul3A_806 = vector.broadcast %slice3A_804 : vector<256x1xf32> to vector<256x128xf32>
    %mul3A_807 = arith.mulf %mul3A_806, %slice3A_805 : vector<256x128xf32>
    %add3A_808 = arith.addf %add3A_803, %mul3A_807 : vector<256x128xf32>
    %slice3A_809 = vector.extract_strided_slice %convert_element_type3A_18 {offsets = [0, 146], sizes = [256, 1], strides = [1, 1]} : vector<256x224xf32> to vector<256x1xf32>
    %slice3A_810 = vector.extract_strided_slice %dot_general3A_16 {offsets = [0, 256], sizes = [256, 128], strides = [1, 1]} : vector<256x2048xf32> to vector<256x128xf32>
    %mul3A_811 = vector.broadcast %slice3A_809 : vector<256x1xf32> to vector<256x128xf32>
    %mul3A_812 = arith.mulf %mul3A_811, %slice3A_810 : vector<256x128xf32>
    %add3A_813 = arith.addf %add3A_808, %mul3A_812 : vector<256x128xf32>
    %slice3A_814 = vector.extract_strided_slice %convert_element_type3A_18 {offsets = [0, 147], sizes = [256, 1], strides = [1, 1]} : vector<256x224xf32> to vector<256x1xf32>
    %slice3A_815 = vector.extract_strided_slice %dot_general3A_16 {offsets = [0, 384], sizes = [256, 128], strides = [1, 1]} : vector<256x2048xf32> to vector<256x128xf32>
    %mul3A_816 = vector.broadcast %slice3A_814 : vector<256x1xf32> to vector<256x128xf32>
    %mul3A_817 = arith.mulf %mul3A_816, %slice3A_815 : vector<256x128xf32>
    %add3A_818 = arith.addf %add3A_813, %mul3A_817 : vector<256x128xf32>
    %slice3A_819 = vector.extract_strided_slice %convert_element_type3A_18 {offsets = [0, 148], sizes = [256, 1], strides = [1, 1]} : vector<256x224xf32> to vector<256x1xf32>
    %slice3A_820 = vector.extract_strided_slice %dot_general3A_16 {offsets = [0, 512], sizes = [256, 128], strides = [1, 1]} : vector<256x2048xf32> to vector<256x128xf32>
    %mul3A_821 = vector.broadcast %slice3A_819 : vector<256x1xf32> to vector<256x128xf32>
    %mul3A_822 = arith.mulf %mul3A_821, %slice3A_820 : vector<256x128xf32>
    %add3A_823 = arith.addf %add3A_818, %mul3A_822 : vector<256x128xf32>
    %slice3A_824 = vector.extract_strided_slice %convert_element_type3A_18 {offsets = [0, 149], sizes = [256, 1], strides = [1, 1]} : vector<256x224xf32> to vector<256x1xf32>
    %slice3A_825 = vector.extract_strided_slice %dot_general3A_16 {offsets = [0, 640], sizes = [256, 128], strides = [1, 1]} : vector<256x2048xf32> to vector<256x128xf32>
    %mul3A_826 = vector.broadcast %slice3A_824 : vector<256x1xf32> to vector<256x128xf32>
    %mul3A_827 = arith.mulf %mul3A_826, %slice3A_825 : vector<256x128xf32>
    %add3A_828 = arith.addf %add3A_823, %mul3A_827 : vector<256x128xf32>
    %slice3A_829 = vector.extract_strided_slice %convert_element_type3A_18 {offsets = [0, 150], sizes = [256, 1], strides = [1, 1]} : vector<256x224xf32> to vector<256x1xf32>
    %slice3A_830 = vector.extract_strided_slice %dot_general3A_16 {offsets = [0, 768], sizes = [256, 128], strides = [1, 1]} : vector<256x2048xf32> to vector<256x128xf32>
    %mul3A_831 = vector.broadcast %slice3A_829 : vector<256x1xf32> to vector<256x128xf32>
    %mul3A_832 = arith.mulf %mul3A_831, %slice3A_830 : vector<256x128xf32>
    %add3A_833 = arith.addf %add3A_828, %mul3A_832 : vector<256x128xf32>
    %slice3A_834 = vector.extract_strided_slice %convert_element_type3A_18 {offsets = [0, 151], sizes = [256, 1], strides = [1, 1]} : vector<256x224xf32> to vector<256x1xf32>
    %slice3A_835 = vector.extract_strided_slice %dot_general3A_16 {offsets = [0, 896], sizes = [256, 128], strides = [1, 1]} : vector<256x2048xf32> to vector<256x128xf32>
    %mul3A_836 = vector.broadcast %slice3A_834 : vector<256x1xf32> to vector<256x128xf32>
    %mul3A_837 = arith.mulf %mul3A_836, %slice3A_835 : vector<256x128xf32>
    %add3A_838 = arith.addf %add3A_833, %mul3A_837 : vector<256x128xf32>
    %slice3A_839 = vector.extract_strided_slice %convert_element_type3A_18 {offsets = [0, 152], sizes = [256, 1], strides = [1, 1]} : vector<256x224xf32> to vector<256x1xf32>
    %slice3A_840 = vector.extract_strided_slice %dot_general3A_16 {offsets = [0, 1024], sizes = [256, 128], strides = [1, 1]} : vector<256x2048xf32> to vector<256x128xf32>
    %mul3A_841 = vector.broadcast %slice3A_839 : vector<256x1xf32> to vector<256x128xf32>
    %mul3A_842 = arith.mulf %mul3A_841, %slice3A_840 : vector<256x128xf32>
    %add3A_843 = arith.addf %add3A_838, %mul3A_842 : vector<256x128xf32>
    %slice3A_844 = vector.extract_strided_slice %convert_element_type3A_18 {offsets = [0, 153], sizes = [256, 1], strides = [1, 1]} : vector<256x224xf32> to vector<256x1xf32>
    %slice3A_845 = vector.extract_strided_slice %dot_general3A_16 {offsets = [0, 1152], sizes = [256, 128], strides = [1, 1]} : vector<256x2048xf32> to vector<256x128xf32>
    %mul3A_846 = vector.broadcast %slice3A_844 : vector<256x1xf32> to vector<256x128xf32>
    %mul3A_847 = arith.mulf %mul3A_846, %slice3A_845 : vector<256x128xf32>
    %add3A_848 = arith.addf %add3A_843, %mul3A_847 : vector<256x128xf32>
    %slice3A_849 = vector.extract_strided_slice %convert_element_type3A_18 {offsets = [0, 154], sizes = [256, 1], strides = [1, 1]} : vector<256x224xf32> to vector<256x1xf32>
    %slice3A_850 = vector.extract_strided_slice %dot_general3A_16 {offsets = [0, 1280], sizes = [256, 128], strides = [1, 1]} : vector<256x2048xf32> to vector<256x128xf32>
    %mul3A_851 = vector.broadcast %slice3A_849 : vector<256x1xf32> to vector<256x128xf32>
    %mul3A_852 = arith.mulf %mul3A_851, %slice3A_850 : vector<256x128xf32>
    %add3A_853 = arith.addf %add3A_848, %mul3A_852 : vector<256x128xf32>
    %slice3A_854 = vector.extract_strided_slice %convert_element_type3A_18 {offsets = [0, 155], sizes = [256, 1], strides = [1, 1]} : vector<256x224xf32> to vector<256x1xf32>
    %slice3A_855 = vector.extract_strided_slice %dot_general3A_16 {offsets = [0, 1408], sizes = [256, 128], strides = [1, 1]} : vector<256x2048xf32> to vector<256x128xf32>
    %mul3A_856 = vector.broadcast %slice3A_854 : vector<256x1xf32> to vector<256x128xf32>
    %mul3A_857 = arith.mulf %mul3A_856, %slice3A_855 : vector<256x128xf32>
    %add3A_858 = arith.addf %add3A_853, %mul3A_857 : vector<256x128xf32>
    %slice3A_859 = vector.extract_strided_slice %convert_element_type3A_18 {offsets = [0, 156], sizes = [256, 1], strides = [1, 1]} : vector<256x224xf32> to vector<256x1xf32>
    %slice3A_860 = vector.extract_strided_slice %dot_general3A_16 {offsets = [0, 1536], sizes = [256, 128], strides = [1, 1]} : vector<256x2048xf32> to vector<256x128xf32>
    %mul3A_861 = vector.broadcast %slice3A_859 : vector<256x1xf32> to vector<256x128xf32>
    %mul3A_862 = arith.mulf %mul3A_861, %slice3A_860 : vector<256x128xf32>
    %add3A_863 = arith.addf %add3A_858, %mul3A_862 : vector<256x128xf32>
    %slice3A_864 = vector.extract_strided_slice %convert_element_type3A_18 {offsets = [0, 157], sizes = [256, 1], strides = [1, 1]} : vector<256x224xf32> to vector<256x1xf32>
    %slice3A_865 = vector.extract_strided_slice %dot_general3A_16 {offsets = [0, 1664], sizes = [256, 128], strides = [1, 1]} : vector<256x2048xf32> to vector<256x128xf32>
    %mul3A_866 = vector.broadcast %slice3A_864 : vector<256x1xf32> to vector<256x128xf32>
    %mul3A_867 = arith.mulf %mul3A_866, %slice3A_865 : vector<256x128xf32>
    %add3A_868 = arith.addf %add3A_863, %mul3A_867 : vector<256x128xf32>
    %slice3A_869 = vector.extract_strided_slice %convert_element_type3A_18 {offsets = [0, 158], sizes = [256, 1], strides = [1, 1]} : vector<256x224xf32> to vector<256x1xf32>
    %slice3A_870 = vector.extract_strided_slice %dot_general3A_16 {offsets = [0, 1792], sizes = [256, 128], strides = [1, 1]} : vector<256x2048xf32> to vector<256x128xf32>
    %mul3A_871 = vector.broadcast %slice3A_869 : vector<256x1xf32> to vector<256x128xf32>
    %mul3A_872 = arith.mulf %mul3A_871, %slice3A_870 : vector<256x128xf32>
    %add3A_873 = arith.addf %add3A_868, %mul3A_872 : vector<256x128xf32>
    %slice3A_874 = vector.extract_strided_slice %convert_element_type3A_18 {offsets = [0, 159], sizes = [256, 1], strides = [1, 1]} : vector<256x224xf32> to vector<256x1xf32>
    %slice3A_875 = vector.extract_strided_slice %dot_general3A_16 {offsets = [0, 1920], sizes = [256, 128], strides = [1, 1]} : vector<256x2048xf32> to vector<256x128xf32>
    %mul3A_876 = vector.broadcast %slice3A_874 : vector<256x1xf32> to vector<256x128xf32>
    %mul3A_877 = arith.mulf %mul3A_876, %slice3A_875 : vector<256x128xf32>
    %add3A_878 = arith.addf %add3A_873, %mul3A_877 : vector<256x128xf32>
    %sub3A_879 = arith.subf %get3A_7, %add3A_878 : vector<256x128xf32>
    %mul3A_880 = arith.mulf %sub3A_879, %sub3A_879 : vector<256x128xf32>
    %reduce_sum3A_881 = arith.constant dense<0.000000e+00> : vector<256xf32>
    %reduce_sum3A_882 = vector.multi_reduction <add>, %mul3A_880, %reduce_sum3A_881 [1] : vector<256x128xf32> to vector<256xf32>
    %broadcast_in_dim3A_883 = vector.shape_cast %reduce_sum3A_882 : vector<256xf32> to vector<256x1xf32>
    %ge3A_884 = arith.constant 9 : i32
    %ge3A_885 = vector.broadcast %ge3A_884 : i32 to vector<256x1xi32>
    %ge3A_886 = arith.cmpi sge, %get3A_4, %ge3A_885 : vector<256x1xi32>
    %jit3A_887 = arith.constant 0x7F800000 : f32
    %broadcast_in_dim3A_888 = vector.broadcast %jit3A_887 : f32 to vector<256x1xf32>
    %select_n3A_889 = arith.select %ge3A_886, %broadcast_in_dim3A_883, %broadcast_in_dim3A_888 : vector<256x1xi1>, vector<256x1xf32>
    %lt3A_890 = arith.cmpf olt, %select_n3A_889, %select_n3A_793 : vector<256x1xf32>
    %select_n3A_891 = arith.select %lt3A_890, %select_n3A_889, %select_n3A_793 : vector<256x1xi1>, vector<256x1xf32>
    %jit3A_892 = arith.constant 9 : i32
    %broadcast_in_dim3A_893 = vector.broadcast %jit3A_892 : i32 to vector<256x1xi32>
    %select_n3A_894 = arith.select %lt3A_890, %broadcast_in_dim3A_893, %select_n3A_796 : vector<256x1xi1>, vector<256x1xi32>
    %broadcast_in_dim3A_895 = arith.constant 0.000000e+00 : f32
    %broadcast_in_dim3A_896 = vector.broadcast %broadcast_in_dim3A_895 : f32 to vector<256x128xf32>
    %slice3A_897 = vector.extract_strided_slice %convert_element_type3A_18 {offsets = [0, 160], sizes = [256, 1], strides = [1, 1]} : vector<256x224xf32> to vector<256x1xf32>
    %slice3A_898 = vector.extract_strided_slice %dot_general3A_16 {offsets = [0, 0], sizes = [256, 128], strides = [1, 1]} : vector<256x2048xf32> to vector<256x128xf32>
    %mul3A_899 = vector.broadcast %slice3A_897 : vector<256x1xf32> to vector<256x128xf32>
    %mul3A_900 = arith.mulf %mul3A_899, %slice3A_898 : vector<256x128xf32>
    %add3A_901 = arith.addf %broadcast_in_dim3A_896, %mul3A_900 : vector<256x128xf32>
    %slice3A_902 = vector.extract_strided_slice %convert_element_type3A_18 {offsets = [0, 161], sizes = [256, 1], strides = [1, 1]} : vector<256x224xf32> to vector<256x1xf32>
    %slice3A_903 = vector.extract_strided_slice %dot_general3A_16 {offsets = [0, 128], sizes = [256, 128], strides = [1, 1]} : vector<256x2048xf32> to vector<256x128xf32>
    %mul3A_904 = vector.broadcast %slice3A_902 : vector<256x1xf32> to vector<256x128xf32>
    %mul3A_905 = arith.mulf %mul3A_904, %slice3A_903 : vector<256x128xf32>
    %add3A_906 = arith.addf %add3A_901, %mul3A_905 : vector<256x128xf32>
    %slice3A_907 = vector.extract_strided_slice %convert_element_type3A_18 {offsets = [0, 162], sizes = [256, 1], strides = [1, 1]} : vector<256x224xf32> to vector<256x1xf32>
    %slice3A_908 = vector.extract_strided_slice %dot_general3A_16 {offsets = [0, 256], sizes = [256, 128], strides = [1, 1]} : vector<256x2048xf32> to vector<256x128xf32>
    %mul3A_909 = vector.broadcast %slice3A_907 : vector<256x1xf32> to vector<256x128xf32>
    %mul3A_910 = arith.mulf %mul3A_909, %slice3A_908 : vector<256x128xf32>
    %add3A_911 = arith.addf %add3A_906, %mul3A_910 : vector<256x128xf32>
    %slice3A_912 = vector.extract_strided_slice %convert_element_type3A_18 {offsets = [0, 163], sizes = [256, 1], strides = [1, 1]} : vector<256x224xf32> to vector<256x1xf32>
    %slice3A_913 = vector.extract_strided_slice %dot_general3A_16 {offsets = [0, 384], sizes = [256, 128], strides = [1, 1]} : vector<256x2048xf32> to vector<256x128xf32>
    %mul3A_914 = vector.broadcast %slice3A_912 : vector<256x1xf32> to vector<256x128xf32>
    %mul3A_915 = arith.mulf %mul3A_914, %slice3A_913 : vector<256x128xf32>
    %add3A_916 = arith.addf %add3A_911, %mul3A_915 : vector<256x128xf32>
    %slice3A_917 = vector.extract_strided_slice %convert_element_type3A_18 {offsets = [0, 164], sizes = [256, 1], strides = [1, 1]} : vector<256x224xf32> to vector<256x1xf32>
    %slice3A_918 = vector.extract_strided_slice %dot_general3A_16 {offsets = [0, 512], sizes = [256, 128], strides = [1, 1]} : vector<256x2048xf32> to vector<256x128xf32>
    %mul3A_919 = vector.broadcast %slice3A_917 : vector<256x1xf32> to vector<256x128xf32>
    %mul3A_920 = arith.mulf %mul3A_919, %slice3A_918 : vector<256x128xf32>
    %add3A_921 = arith.addf %add3A_916, %mul3A_920 : vector<256x128xf32>
    %slice3A_922 = vector.extract_strided_slice %convert_element_type3A_18 {offsets = [0, 165], sizes = [256, 1], strides = [1, 1]} : vector<256x224xf32> to vector<256x1xf32>
    %slice3A_923 = vector.extract_strided_slice %dot_general3A_16 {offsets = [0, 640], sizes = [256, 128], strides = [1, 1]} : vector<256x2048xf32> to vector<256x128xf32>
    %mul3A_924 = vector.broadcast %slice3A_922 : vector<256x1xf32> to vector<256x128xf32>
    %mul3A_925 = arith.mulf %mul3A_924, %slice3A_923 : vector<256x128xf32>
    %add3A_926 = arith.addf %add3A_921, %mul3A_925 : vector<256x128xf32>
    %slice3A_927 = vector.extract_strided_slice %convert_element_type3A_18 {offsets = [0, 166], sizes = [256, 1], strides = [1, 1]} : vector<256x224xf32> to vector<256x1xf32>
    %slice3A_928 = vector.extract_strided_slice %dot_general3A_16 {offsets = [0, 768], sizes = [256, 128], strides = [1, 1]} : vector<256x2048xf32> to vector<256x128xf32>
    %mul3A_929 = vector.broadcast %slice3A_927 : vector<256x1xf32> to vector<256x128xf32>
    %mul3A_930 = arith.mulf %mul3A_929, %slice3A_928 : vector<256x128xf32>
    %add3A_931 = arith.addf %add3A_926, %mul3A_930 : vector<256x128xf32>
    %slice3A_932 = vector.extract_strided_slice %convert_element_type3A_18 {offsets = [0, 167], sizes = [256, 1], strides = [1, 1]} : vector<256x224xf32> to vector<256x1xf32>
    %slice3A_933 = vector.extract_strided_slice %dot_general3A_16 {offsets = [0, 896], sizes = [256, 128], strides = [1, 1]} : vector<256x2048xf32> to vector<256x128xf32>
    %mul3A_934 = vector.broadcast %slice3A_932 : vector<256x1xf32> to vector<256x128xf32>
    %mul3A_935 = arith.mulf %mul3A_934, %slice3A_933 : vector<256x128xf32>
    %add3A_936 = arith.addf %add3A_931, %mul3A_935 : vector<256x128xf32>
    %slice3A_937 = vector.extract_strided_slice %convert_element_type3A_18 {offsets = [0, 168], sizes = [256, 1], strides = [1, 1]} : vector<256x224xf32> to vector<256x1xf32>
    %slice3A_938 = vector.extract_strided_slice %dot_general3A_16 {offsets = [0, 1024], sizes = [256, 128], strides = [1, 1]} : vector<256x2048xf32> to vector<256x128xf32>
    %mul3A_939 = vector.broadcast %slice3A_937 : vector<256x1xf32> to vector<256x128xf32>
    %mul3A_940 = arith.mulf %mul3A_939, %slice3A_938 : vector<256x128xf32>
    %add3A_941 = arith.addf %add3A_936, %mul3A_940 : vector<256x128xf32>
    %slice3A_942 = vector.extract_strided_slice %convert_element_type3A_18 {offsets = [0, 169], sizes = [256, 1], strides = [1, 1]} : vector<256x224xf32> to vector<256x1xf32>
    %slice3A_943 = vector.extract_strided_slice %dot_general3A_16 {offsets = [0, 1152], sizes = [256, 128], strides = [1, 1]} : vector<256x2048xf32> to vector<256x128xf32>
    %mul3A_944 = vector.broadcast %slice3A_942 : vector<256x1xf32> to vector<256x128xf32>
    %mul3A_945 = arith.mulf %mul3A_944, %slice3A_943 : vector<256x128xf32>
    %add3A_946 = arith.addf %add3A_941, %mul3A_945 : vector<256x128xf32>
    %slice3A_947 = vector.extract_strided_slice %convert_element_type3A_18 {offsets = [0, 170], sizes = [256, 1], strides = [1, 1]} : vector<256x224xf32> to vector<256x1xf32>
    %slice3A_948 = vector.extract_strided_slice %dot_general3A_16 {offsets = [0, 1280], sizes = [256, 128], strides = [1, 1]} : vector<256x2048xf32> to vector<256x128xf32>
    %mul3A_949 = vector.broadcast %slice3A_947 : vector<256x1xf32> to vector<256x128xf32>
    %mul3A_950 = arith.mulf %mul3A_949, %slice3A_948 : vector<256x128xf32>
    %add3A_951 = arith.addf %add3A_946, %mul3A_950 : vector<256x128xf32>
    %slice3A_952 = vector.extract_strided_slice %convert_element_type3A_18 {offsets = [0, 171], sizes = [256, 1], strides = [1, 1]} : vector<256x224xf32> to vector<256x1xf32>
    %slice3A_953 = vector.extract_strided_slice %dot_general3A_16 {offsets = [0, 1408], sizes = [256, 128], strides = [1, 1]} : vector<256x2048xf32> to vector<256x128xf32>
    %mul3A_954 = vector.broadcast %slice3A_952 : vector<256x1xf32> to vector<256x128xf32>
    %mul3A_955 = arith.mulf %mul3A_954, %slice3A_953 : vector<256x128xf32>
    %add3A_956 = arith.addf %add3A_951, %mul3A_955 : vector<256x128xf32>
    %slice3A_957 = vector.extract_strided_slice %convert_element_type3A_18 {offsets = [0, 172], sizes = [256, 1], strides = [1, 1]} : vector<256x224xf32> to vector<256x1xf32>
    %slice3A_958 = vector.extract_strided_slice %dot_general3A_16 {offsets = [0, 1536], sizes = [256, 128], strides = [1, 1]} : vector<256x2048xf32> to vector<256x128xf32>
    %mul3A_959 = vector.broadcast %slice3A_957 : vector<256x1xf32> to vector<256x128xf32>
    %mul3A_960 = arith.mulf %mul3A_959, %slice3A_958 : vector<256x128xf32>
    %add3A_961 = arith.addf %add3A_956, %mul3A_960 : vector<256x128xf32>
    %slice3A_962 = vector.extract_strided_slice %convert_element_type3A_18 {offsets = [0, 173], sizes = [256, 1], strides = [1, 1]} : vector<256x224xf32> to vector<256x1xf32>
    %slice3A_963 = vector.extract_strided_slice %dot_general3A_16 {offsets = [0, 1664], sizes = [256, 128], strides = [1, 1]} : vector<256x2048xf32> to vector<256x128xf32>
    %mul3A_964 = vector.broadcast %slice3A_962 : vector<256x1xf32> to vector<256x128xf32>
    %mul3A_965 = arith.mulf %mul3A_964, %slice3A_963 : vector<256x128xf32>
    %add3A_966 = arith.addf %add3A_961, %mul3A_965 : vector<256x128xf32>
    %slice3A_967 = vector.extract_strided_slice %convert_element_type3A_18 {offsets = [0, 174], sizes = [256, 1], strides = [1, 1]} : vector<256x224xf32> to vector<256x1xf32>
    %slice3A_968 = vector.extract_strided_slice %dot_general3A_16 {offsets = [0, 1792], sizes = [256, 128], strides = [1, 1]} : vector<256x2048xf32> to vector<256x128xf32>
    %mul3A_969 = vector.broadcast %slice3A_967 : vector<256x1xf32> to vector<256x128xf32>
    %mul3A_970 = arith.mulf %mul3A_969, %slice3A_968 : vector<256x128xf32>
    %add3A_971 = arith.addf %add3A_966, %mul3A_970 : vector<256x128xf32>
    %slice3A_972 = vector.extract_strided_slice %convert_element_type3A_18 {offsets = [0, 175], sizes = [256, 1], strides = [1, 1]} : vector<256x224xf32> to vector<256x1xf32>
    %slice3A_973 = vector.extract_strided_slice %dot_general3A_16 {offsets = [0, 1920], sizes = [256, 128], strides = [1, 1]} : vector<256x2048xf32> to vector<256x128xf32>
    %mul3A_974 = vector.broadcast %slice3A_972 : vector<256x1xf32> to vector<256x128xf32>
    %mul3A_975 = arith.mulf %mul3A_974, %slice3A_973 : vector<256x128xf32>
    %add3A_976 = arith.addf %add3A_971, %mul3A_975 : vector<256x128xf32>
    %sub3A_977 = arith.subf %get3A_7, %add3A_976 : vector<256x128xf32>
    %mul3A_978 = arith.mulf %sub3A_977, %sub3A_977 : vector<256x128xf32>
    %reduce_sum3A_979 = arith.constant dense<0.000000e+00> : vector<256xf32>
    %reduce_sum3A_980 = vector.multi_reduction <add>, %mul3A_978, %reduce_sum3A_979 [1] : vector<256x128xf32> to vector<256xf32>
    %broadcast_in_dim3A_981 = vector.shape_cast %reduce_sum3A_980 : vector<256xf32> to vector<256x1xf32>
    %ge3A_982 = arith.constant 10 : i32
    %ge3A_983 = vector.broadcast %ge3A_982 : i32 to vector<256x1xi32>
    %ge3A_984 = arith.cmpi sge, %get3A_4, %ge3A_983 : vector<256x1xi32>
    %jit3A_985 = arith.constant 0x7F800000 : f32
    %broadcast_in_dim3A_986 = vector.broadcast %jit3A_985 : f32 to vector<256x1xf32>
    %select_n3A_987 = arith.select %ge3A_984, %broadcast_in_dim3A_981, %broadcast_in_dim3A_986 : vector<256x1xi1>, vector<256x1xf32>
    %lt3A_988 = arith.cmpf olt, %select_n3A_987, %select_n3A_891 : vector<256x1xf32>
    %select_n3A_989 = arith.select %lt3A_988, %select_n3A_987, %select_n3A_891 : vector<256x1xi1>, vector<256x1xf32>
    %jit3A_990 = arith.constant 10 : i32
    %broadcast_in_dim3A_991 = vector.broadcast %jit3A_990 : i32 to vector<256x1xi32>
    %select_n3A_992 = arith.select %lt3A_988, %broadcast_in_dim3A_991, %select_n3A_894 : vector<256x1xi1>, vector<256x1xi32>
    %broadcast_in_dim3A_993 = arith.constant 0.000000e+00 : f32
    %broadcast_in_dim3A_994 = vector.broadcast %broadcast_in_dim3A_993 : f32 to vector<256x128xf32>
    %slice3A_995 = vector.extract_strided_slice %convert_element_type3A_18 {offsets = [0, 176], sizes = [256, 1], strides = [1, 1]} : vector<256x224xf32> to vector<256x1xf32>
    %slice3A_996 = vector.extract_strided_slice %dot_general3A_16 {offsets = [0, 0], sizes = [256, 128], strides = [1, 1]} : vector<256x2048xf32> to vector<256x128xf32>
    %mul3A_997 = vector.broadcast %slice3A_995 : vector<256x1xf32> to vector<256x128xf32>
    %mul3A_998 = arith.mulf %mul3A_997, %slice3A_996 : vector<256x128xf32>
    %add3A_999 = arith.addf %broadcast_in_dim3A_994, %mul3A_998 : vector<256x128xf32>
    %slice3A_1000 = vector.extract_strided_slice %convert_element_type3A_18 {offsets = [0, 177], sizes = [256, 1], strides = [1, 1]} : vector<256x224xf32> to vector<256x1xf32>
    %slice3A_1001 = vector.extract_strided_slice %dot_general3A_16 {offsets = [0, 128], sizes = [256, 128], strides = [1, 1]} : vector<256x2048xf32> to vector<256x128xf32>
    %mul3A_1002 = vector.broadcast %slice3A_1000 : vector<256x1xf32> to vector<256x128xf32>
    %mul3A_1003 = arith.mulf %mul3A_1002, %slice3A_1001 : vector<256x128xf32>
    %add3A_1004 = arith.addf %add3A_999, %mul3A_1003 : vector<256x128xf32>
    %slice3A_1005 = vector.extract_strided_slice %convert_element_type3A_18 {offsets = [0, 178], sizes = [256, 1], strides = [1, 1]} : vector<256x224xf32> to vector<256x1xf32>
    %slice3A_1006 = vector.extract_strided_slice %dot_general3A_16 {offsets = [0, 256], sizes = [256, 128], strides = [1, 1]} : vector<256x2048xf32> to vector<256x128xf32>
    %mul3A_1007 = vector.broadcast %slice3A_1005 : vector<256x1xf32> to vector<256x128xf32>
    %mul3A_1008 = arith.mulf %mul3A_1007, %slice3A_1006 : vector<256x128xf32>
    %add3A_1009 = arith.addf %add3A_1004, %mul3A_1008 : vector<256x128xf32>
    %slice3A_1010 = vector.extract_strided_slice %convert_element_type3A_18 {offsets = [0, 179], sizes = [256, 1], strides = [1, 1]} : vector<256x224xf32> to vector<256x1xf32>
    %slice3A_1011 = vector.extract_strided_slice %dot_general3A_16 {offsets = [0, 384], sizes = [256, 128], strides = [1, 1]} : vector<256x2048xf32> to vector<256x128xf32>
    %mul3A_1012 = vector.broadcast %slice3A_1010 : vector<256x1xf32> to vector<256x128xf32>
    %mul3A_1013 = arith.mulf %mul3A_1012, %slice3A_1011 : vector<256x128xf32>
    %add3A_1014 = arith.addf %add3A_1009, %mul3A_1013 : vector<256x128xf32>
    %slice3A_1015 = vector.extract_strided_slice %convert_element_type3A_18 {offsets = [0, 180], sizes = [256, 1], strides = [1, 1]} : vector<256x224xf32> to vector<256x1xf32>
    %slice3A_1016 = vector.extract_strided_slice %dot_general3A_16 {offsets = [0, 512], sizes = [256, 128], strides = [1, 1]} : vector<256x2048xf32> to vector<256x128xf32>
    %mul3A_1017 = vector.broadcast %slice3A_1015 : vector<256x1xf32> to vector<256x128xf32>
    %mul3A_1018 = arith.mulf %mul3A_1017, %slice3A_1016 : vector<256x128xf32>
    %add3A_1019 = arith.addf %add3A_1014, %mul3A_1018 : vector<256x128xf32>
    %slice3A_1020 = vector.extract_strided_slice %convert_element_type3A_18 {offsets = [0, 181], sizes = [256, 1], strides = [1, 1]} : vector<256x224xf32> to vector<256x1xf32>
    %slice3A_1021 = vector.extract_strided_slice %dot_general3A_16 {offsets = [0, 640], sizes = [256, 128], strides = [1, 1]} : vector<256x2048xf32> to vector<256x128xf32>
    %mul3A_1022 = vector.broadcast %slice3A_1020 : vector<256x1xf32> to vector<256x128xf32>
    %mul3A_1023 = arith.mulf %mul3A_1022, %slice3A_1021 : vector<256x128xf32>
    %add3A_1024 = arith.addf %add3A_1019, %mul3A_1023 : vector<256x128xf32>
    %slice3A_1025 = vector.extract_strided_slice %convert_element_type3A_18 {offsets = [0, 182], sizes = [256, 1], strides = [1, 1]} : vector<256x224xf32> to vector<256x1xf32>
    %slice3A_1026 = vector.extract_strided_slice %dot_general3A_16 {offsets = [0, 768], sizes = [256, 128], strides = [1, 1]} : vector<256x2048xf32> to vector<256x128xf32>
    %mul3A_1027 = vector.broadcast %slice3A_1025 : vector<256x1xf32> to vector<256x128xf32>
    %mul3A_1028 = arith.mulf %mul3A_1027, %slice3A_1026 : vector<256x128xf32>
    %add3A_1029 = arith.addf %add3A_1024, %mul3A_1028 : vector<256x128xf32>
    %slice3A_1030 = vector.extract_strided_slice %convert_element_type3A_18 {offsets = [0, 183], sizes = [256, 1], strides = [1, 1]} : vector<256x224xf32> to vector<256x1xf32>
    %slice3A_1031 = vector.extract_strided_slice %dot_general3A_16 {offsets = [0, 896], sizes = [256, 128], strides = [1, 1]} : vector<256x2048xf32> to vector<256x128xf32>
    %mul3A_1032 = vector.broadcast %slice3A_1030 : vector<256x1xf32> to vector<256x128xf32>
    %mul3A_1033 = arith.mulf %mul3A_1032, %slice3A_1031 : vector<256x128xf32>
    %add3A_1034 = arith.addf %add3A_1029, %mul3A_1033 : vector<256x128xf32>
    %slice3A_1035 = vector.extract_strided_slice %convert_element_type3A_18 {offsets = [0, 184], sizes = [256, 1], strides = [1, 1]} : vector<256x224xf32> to vector<256x1xf32>
    %slice3A_1036 = vector.extract_strided_slice %dot_general3A_16 {offsets = [0, 1024], sizes = [256, 128], strides = [1, 1]} : vector<256x2048xf32> to vector<256x128xf32>
    %mul3A_1037 = vector.broadcast %slice3A_1035 : vector<256x1xf32> to vector<256x128xf32>
    %mul3A_1038 = arith.mulf %mul3A_1037, %slice3A_1036 : vector<256x128xf32>
    %add3A_1039 = arith.addf %add3A_1034, %mul3A_1038 : vector<256x128xf32>
    %slice3A_1040 = vector.extract_strided_slice %convert_element_type3A_18 {offsets = [0, 185], sizes = [256, 1], strides = [1, 1]} : vector<256x224xf32> to vector<256x1xf32>
    %slice3A_1041 = vector.extract_strided_slice %dot_general3A_16 {offsets = [0, 1152], sizes = [256, 128], strides = [1, 1]} : vector<256x2048xf32> to vector<256x128xf32>
    %mul3A_1042 = vector.broadcast %slice3A_1040 : vector<256x1xf32> to vector<256x128xf32>
    %mul3A_1043 = arith.mulf %mul3A_1042, %slice3A_1041 : vector<256x128xf32>
    %add3A_1044 = arith.addf %add3A_1039, %mul3A_1043 : vector<256x128xf32>
    %slice3A_1045 = vector.extract_strided_slice %convert_element_type3A_18 {offsets = [0, 186], sizes = [256, 1], strides = [1, 1]} : vector<256x224xf32> to vector<256x1xf32>
    %slice3A_1046 = vector.extract_strided_slice %dot_general3A_16 {offsets = [0, 1280], sizes = [256, 128], strides = [1, 1]} : vector<256x2048xf32> to vector<256x128xf32>
    %mul3A_1047 = vector.broadcast %slice3A_1045 : vector<256x1xf32> to vector<256x128xf32>
    %mul3A_1048 = arith.mulf %mul3A_1047, %slice3A_1046 : vector<256x128xf32>
    %add3A_1049 = arith.addf %add3A_1044, %mul3A_1048 : vector<256x128xf32>
    %slice3A_1050 = vector.extract_strided_slice %convert_element_type3A_18 {offsets = [0, 187], sizes = [256, 1], strides = [1, 1]} : vector<256x224xf32> to vector<256x1xf32>
    %slice3A_1051 = vector.extract_strided_slice %dot_general3A_16 {offsets = [0, 1408], sizes = [256, 128], strides = [1, 1]} : vector<256x2048xf32> to vector<256x128xf32>
    %mul3A_1052 = vector.broadcast %slice3A_1050 : vector<256x1xf32> to vector<256x128xf32>
    %mul3A_1053 = arith.mulf %mul3A_1052, %slice3A_1051 : vector<256x128xf32>
    %add3A_1054 = arith.addf %add3A_1049, %mul3A_1053 : vector<256x128xf32>
    %slice3A_1055 = vector.extract_strided_slice %convert_element_type3A_18 {offsets = [0, 188], sizes = [256, 1], strides = [1, 1]} : vector<256x224xf32> to vector<256x1xf32>
    %slice3A_1056 = vector.extract_strided_slice %dot_general3A_16 {offsets = [0, 1536], sizes = [256, 128], strides = [1, 1]} : vector<256x2048xf32> to vector<256x128xf32>
    %mul3A_1057 = vector.broadcast %slice3A_1055 : vector<256x1xf32> to vector<256x128xf32>
    %mul3A_1058 = arith.mulf %mul3A_1057, %slice3A_1056 : vector<256x128xf32>
    %add3A_1059 = arith.addf %add3A_1054, %mul3A_1058 : vector<256x128xf32>
    %slice3A_1060 = vector.extract_strided_slice %convert_element_type3A_18 {offsets = [0, 189], sizes = [256, 1], strides = [1, 1]} : vector<256x224xf32> to vector<256x1xf32>
    %slice3A_1061 = vector.extract_strided_slice %dot_general3A_16 {offsets = [0, 1664], sizes = [256, 128], strides = [1, 1]} : vector<256x2048xf32> to vector<256x128xf32>
    %mul3A_1062 = vector.broadcast %slice3A_1060 : vector<256x1xf32> to vector<256x128xf32>
    %mul3A_1063 = arith.mulf %mul3A_1062, %slice3A_1061 : vector<256x128xf32>
    %add3A_1064 = arith.addf %add3A_1059, %mul3A_1063 : vector<256x128xf32>
    %slice3A_1065 = vector.extract_strided_slice %convert_element_type3A_18 {offsets = [0, 190], sizes = [256, 1], strides = [1, 1]} : vector<256x224xf32> to vector<256x1xf32>
    %slice3A_1066 = vector.extract_strided_slice %dot_general3A_16 {offsets = [0, 1792], sizes = [256, 128], strides = [1, 1]} : vector<256x2048xf32> to vector<256x128xf32>
    %mul3A_1067 = vector.broadcast %slice3A_1065 : vector<256x1xf32> to vector<256x128xf32>
    %mul3A_1068 = arith.mulf %mul3A_1067, %slice3A_1066 : vector<256x128xf32>
    %add3A_1069 = arith.addf %add3A_1064, %mul3A_1068 : vector<256x128xf32>
    %slice3A_1070 = vector.extract_strided_slice %convert_element_type3A_18 {offsets = [0, 191], sizes = [256, 1], strides = [1, 1]} : vector<256x224xf32> to vector<256x1xf32>
    %slice3A_1071 = vector.extract_strided_slice %dot_general3A_16 {offsets = [0, 1920], sizes = [256, 128], strides = [1, 1]} : vector<256x2048xf32> to vector<256x128xf32>
    %mul3A_1072 = vector.broadcast %slice3A_1070 : vector<256x1xf32> to vector<256x128xf32>
    %mul3A_1073 = arith.mulf %mul3A_1072, %slice3A_1071 : vector<256x128xf32>
    %add3A_1074 = arith.addf %add3A_1069, %mul3A_1073 : vector<256x128xf32>
    %sub3A_1075 = arith.subf %get3A_7, %add3A_1074 : vector<256x128xf32>
    %mul3A_1076 = arith.mulf %sub3A_1075, %sub3A_1075 : vector<256x128xf32>
    %reduce_sum3A_1077 = arith.constant dense<0.000000e+00> : vector<256xf32>
    %reduce_sum3A_1078 = vector.multi_reduction <add>, %mul3A_1076, %reduce_sum3A_1077 [1] : vector<256x128xf32> to vector<256xf32>
    %broadcast_in_dim3A_1079 = vector.shape_cast %reduce_sum3A_1078 : vector<256xf32> to vector<256x1xf32>
    %ge3A_1080 = arith.constant 11 : i32
    %ge3A_1081 = vector.broadcast %ge3A_1080 : i32 to vector<256x1xi32>
    %ge3A_1082 = arith.cmpi sge, %get3A_4, %ge3A_1081 : vector<256x1xi32>
    %jit3A_1083 = arith.constant 0x7F800000 : f32
    %broadcast_in_dim3A_1084 = vector.broadcast %jit3A_1083 : f32 to vector<256x1xf32>
    %select_n3A_1085 = arith.select %ge3A_1082, %broadcast_in_dim3A_1079, %broadcast_in_dim3A_1084 : vector<256x1xi1>, vector<256x1xf32>
    %lt3A_1086 = arith.cmpf olt, %select_n3A_1085, %select_n3A_989 : vector<256x1xf32>
    %select_n3A_1087 = arith.select %lt3A_1086, %select_n3A_1085, %select_n3A_989 : vector<256x1xi1>, vector<256x1xf32>
    %jit3A_1088 = arith.constant 11 : i32
    %broadcast_in_dim3A_1089 = vector.broadcast %jit3A_1088 : i32 to vector<256x1xi32>
    %select_n3A_1090 = arith.select %lt3A_1086, %broadcast_in_dim3A_1089, %select_n3A_992 : vector<256x1xi1>, vector<256x1xi32>
    %broadcast_in_dim3A_1091 = arith.constant 0.000000e+00 : f32
    %broadcast_in_dim3A_1092 = vector.broadcast %broadcast_in_dim3A_1091 : f32 to vector<256x128xf32>
    %slice3A_1093 = vector.extract_strided_slice %convert_element_type3A_18 {offsets = [0, 192], sizes = [256, 1], strides = [1, 1]} : vector<256x224xf32> to vector<256x1xf32>
    %slice3A_1094 = vector.extract_strided_slice %dot_general3A_16 {offsets = [0, 0], sizes = [256, 128], strides = [1, 1]} : vector<256x2048xf32> to vector<256x128xf32>
    %mul3A_1095 = vector.broadcast %slice3A_1093 : vector<256x1xf32> to vector<256x128xf32>
    %mul3A_1096 = arith.mulf %mul3A_1095, %slice3A_1094 : vector<256x128xf32>
    %add3A_1097 = arith.addf %broadcast_in_dim3A_1092, %mul3A_1096 : vector<256x128xf32>
    %slice3A_1098 = vector.extract_strided_slice %convert_element_type3A_18 {offsets = [0, 193], sizes = [256, 1], strides = [1, 1]} : vector<256x224xf32> to vector<256x1xf32>
    %slice3A_1099 = vector.extract_strided_slice %dot_general3A_16 {offsets = [0, 128], sizes = [256, 128], strides = [1, 1]} : vector<256x2048xf32> to vector<256x128xf32>
    %mul3A_1100 = vector.broadcast %slice3A_1098 : vector<256x1xf32> to vector<256x128xf32>
    %mul3A_1101 = arith.mulf %mul3A_1100, %slice3A_1099 : vector<256x128xf32>
    %add3A_1102 = arith.addf %add3A_1097, %mul3A_1101 : vector<256x128xf32>
    %slice3A_1103 = vector.extract_strided_slice %convert_element_type3A_18 {offsets = [0, 194], sizes = [256, 1], strides = [1, 1]} : vector<256x224xf32> to vector<256x1xf32>
    %slice3A_1104 = vector.extract_strided_slice %dot_general3A_16 {offsets = [0, 256], sizes = [256, 128], strides = [1, 1]} : vector<256x2048xf32> to vector<256x128xf32>
    %mul3A_1105 = vector.broadcast %slice3A_1103 : vector<256x1xf32> to vector<256x128xf32>
    %mul3A_1106 = arith.mulf %mul3A_1105, %slice3A_1104 : vector<256x128xf32>
    %add3A_1107 = arith.addf %add3A_1102, %mul3A_1106 : vector<256x128xf32>
    %slice3A_1108 = vector.extract_strided_slice %convert_element_type3A_18 {offsets = [0, 195], sizes = [256, 1], strides = [1, 1]} : vector<256x224xf32> to vector<256x1xf32>
    %slice3A_1109 = vector.extract_strided_slice %dot_general3A_16 {offsets = [0, 384], sizes = [256, 128], strides = [1, 1]} : vector<256x2048xf32> to vector<256x128xf32>
    %mul3A_1110 = vector.broadcast %slice3A_1108 : vector<256x1xf32> to vector<256x128xf32>
    %mul3A_1111 = arith.mulf %mul3A_1110, %slice3A_1109 : vector<256x128xf32>
    %add3A_1112 = arith.addf %add3A_1107, %mul3A_1111 : vector<256x128xf32>
    %slice3A_1113 = vector.extract_strided_slice %convert_element_type3A_18 {offsets = [0, 196], sizes = [256, 1], strides = [1, 1]} : vector<256x224xf32> to vector<256x1xf32>
    %slice3A_1114 = vector.extract_strided_slice %dot_general3A_16 {offsets = [0, 512], sizes = [256, 128], strides = [1, 1]} : vector<256x2048xf32> to vector<256x128xf32>
    %mul3A_1115 = vector.broadcast %slice3A_1113 : vector<256x1xf32> to vector<256x128xf32>
    %mul3A_1116 = arith.mulf %mul3A_1115, %slice3A_1114 : vector<256x128xf32>
    %add3A_1117 = arith.addf %add3A_1112, %mul3A_1116 : vector<256x128xf32>
    %slice3A_1118 = vector.extract_strided_slice %convert_element_type3A_18 {offsets = [0, 197], sizes = [256, 1], strides = [1, 1]} : vector<256x224xf32> to vector<256x1xf32>
    %slice3A_1119 = vector.extract_strided_slice %dot_general3A_16 {offsets = [0, 640], sizes = [256, 128], strides = [1, 1]} : vector<256x2048xf32> to vector<256x128xf32>
    %mul3A_1120 = vector.broadcast %slice3A_1118 : vector<256x1xf32> to vector<256x128xf32>
    %mul3A_1121 = arith.mulf %mul3A_1120, %slice3A_1119 : vector<256x128xf32>
    %add3A_1122 = arith.addf %add3A_1117, %mul3A_1121 : vector<256x128xf32>
    %slice3A_1123 = vector.extract_strided_slice %convert_element_type3A_18 {offsets = [0, 198], sizes = [256, 1], strides = [1, 1]} : vector<256x224xf32> to vector<256x1xf32>
    %slice3A_1124 = vector.extract_strided_slice %dot_general3A_16 {offsets = [0, 768], sizes = [256, 128], strides = [1, 1]} : vector<256x2048xf32> to vector<256x128xf32>
    %mul3A_1125 = vector.broadcast %slice3A_1123 : vector<256x1xf32> to vector<256x128xf32>
    %mul3A_1126 = arith.mulf %mul3A_1125, %slice3A_1124 : vector<256x128xf32>
    %add3A_1127 = arith.addf %add3A_1122, %mul3A_1126 : vector<256x128xf32>
    %slice3A_1128 = vector.extract_strided_slice %convert_element_type3A_18 {offsets = [0, 199], sizes = [256, 1], strides = [1, 1]} : vector<256x224xf32> to vector<256x1xf32>
    %slice3A_1129 = vector.extract_strided_slice %dot_general3A_16 {offsets = [0, 896], sizes = [256, 128], strides = [1, 1]} : vector<256x2048xf32> to vector<256x128xf32>
    %mul3A_1130 = vector.broadcast %slice3A_1128 : vector<256x1xf32> to vector<256x128xf32>
    %mul3A_1131 = arith.mulf %mul3A_1130, %slice3A_1129 : vector<256x128xf32>
    %add3A_1132 = arith.addf %add3A_1127, %mul3A_1131 : vector<256x128xf32>
    %slice3A_1133 = vector.extract_strided_slice %convert_element_type3A_18 {offsets = [0, 200], sizes = [256, 1], strides = [1, 1]} : vector<256x224xf32> to vector<256x1xf32>
    %slice3A_1134 = vector.extract_strided_slice %dot_general3A_16 {offsets = [0, 1024], sizes = [256, 128], strides = [1, 1]} : vector<256x2048xf32> to vector<256x128xf32>
    %mul3A_1135 = vector.broadcast %slice3A_1133 : vector<256x1xf32> to vector<256x128xf32>
    %mul3A_1136 = arith.mulf %mul3A_1135, %slice3A_1134 : vector<256x128xf32>
    %add3A_1137 = arith.addf %add3A_1132, %mul3A_1136 : vector<256x128xf32>
    %slice3A_1138 = vector.extract_strided_slice %convert_element_type3A_18 {offsets = [0, 201], sizes = [256, 1], strides = [1, 1]} : vector<256x224xf32> to vector<256x1xf32>
    %slice3A_1139 = vector.extract_strided_slice %dot_general3A_16 {offsets = [0, 1152], sizes = [256, 128], strides = [1, 1]} : vector<256x2048xf32> to vector<256x128xf32>
    %mul3A_1140 = vector.broadcast %slice3A_1138 : vector<256x1xf32> to vector<256x128xf32>
    %mul3A_1141 = arith.mulf %mul3A_1140, %slice3A_1139 : vector<256x128xf32>
    %add3A_1142 = arith.addf %add3A_1137, %mul3A_1141 : vector<256x128xf32>
    %slice3A_1143 = vector.extract_strided_slice %convert_element_type3A_18 {offsets = [0, 202], sizes = [256, 1], strides = [1, 1]} : vector<256x224xf32> to vector<256x1xf32>
    %slice3A_1144 = vector.extract_strided_slice %dot_general3A_16 {offsets = [0, 1280], sizes = [256, 128], strides = [1, 1]} : vector<256x2048xf32> to vector<256x128xf32>
    %mul3A_1145 = vector.broadcast %slice3A_1143 : vector<256x1xf32> to vector<256x128xf32>
    %mul3A_1146 = arith.mulf %mul3A_1145, %slice3A_1144 : vector<256x128xf32>
    %add3A_1147 = arith.addf %add3A_1142, %mul3A_1146 : vector<256x128xf32>
    %slice3A_1148 = vector.extract_strided_slice %convert_element_type3A_18 {offsets = [0, 203], sizes = [256, 1], strides = [1, 1]} : vector<256x224xf32> to vector<256x1xf32>
    %slice3A_1149 = vector.extract_strided_slice %dot_general3A_16 {offsets = [0, 1408], sizes = [256, 128], strides = [1, 1]} : vector<256x2048xf32> to vector<256x128xf32>
    %mul3A_1150 = vector.broadcast %slice3A_1148 : vector<256x1xf32> to vector<256x128xf32>
    %mul3A_1151 = arith.mulf %mul3A_1150, %slice3A_1149 : vector<256x128xf32>
    %add3A_1152 = arith.addf %add3A_1147, %mul3A_1151 : vector<256x128xf32>
    %slice3A_1153 = vector.extract_strided_slice %convert_element_type3A_18 {offsets = [0, 204], sizes = [256, 1], strides = [1, 1]} : vector<256x224xf32> to vector<256x1xf32>
    %slice3A_1154 = vector.extract_strided_slice %dot_general3A_16 {offsets = [0, 1536], sizes = [256, 128], strides = [1, 1]} : vector<256x2048xf32> to vector<256x128xf32>
    %mul3A_1155 = vector.broadcast %slice3A_1153 : vector<256x1xf32> to vector<256x128xf32>
    %mul3A_1156 = arith.mulf %mul3A_1155, %slice3A_1154 : vector<256x128xf32>
    %add3A_1157 = arith.addf %add3A_1152, %mul3A_1156 : vector<256x128xf32>
    %slice3A_1158 = vector.extract_strided_slice %convert_element_type3A_18 {offsets = [0, 205], sizes = [256, 1], strides = [1, 1]} : vector<256x224xf32> to vector<256x1xf32>
    %slice3A_1159 = vector.extract_strided_slice %dot_general3A_16 {offsets = [0, 1664], sizes = [256, 128], strides = [1, 1]} : vector<256x2048xf32> to vector<256x128xf32>
    %mul3A_1160 = vector.broadcast %slice3A_1158 : vector<256x1xf32> to vector<256x128xf32>
    %mul3A_1161 = arith.mulf %mul3A_1160, %slice3A_1159 : vector<256x128xf32>
    %add3A_1162 = arith.addf %add3A_1157, %mul3A_1161 : vector<256x128xf32>
    %slice3A_1163 = vector.extract_strided_slice %convert_element_type3A_18 {offsets = [0, 206], sizes = [256, 1], strides = [1, 1]} : vector<256x224xf32> to vector<256x1xf32>
    %slice3A_1164 = vector.extract_strided_slice %dot_general3A_16 {offsets = [0, 1792], sizes = [256, 128], strides = [1, 1]} : vector<256x2048xf32> to vector<256x128xf32>
    %mul3A_1165 = vector.broadcast %slice3A_1163 : vector<256x1xf32> to vector<256x128xf32>
    %mul3A_1166 = arith.mulf %mul3A_1165, %slice3A_1164 : vector<256x128xf32>
    %add3A_1167 = arith.addf %add3A_1162, %mul3A_1166 : vector<256x128xf32>
    %slice3A_1168 = vector.extract_strided_slice %convert_element_type3A_18 {offsets = [0, 207], sizes = [256, 1], strides = [1, 1]} : vector<256x224xf32> to vector<256x1xf32>
    %slice3A_1169 = vector.extract_strided_slice %dot_general3A_16 {offsets = [0, 1920], sizes = [256, 128], strides = [1, 1]} : vector<256x2048xf32> to vector<256x128xf32>
    %mul3A_1170 = vector.broadcast %slice3A_1168 : vector<256x1xf32> to vector<256x128xf32>
    %mul3A_1171 = arith.mulf %mul3A_1170, %slice3A_1169 : vector<256x128xf32>
    %add3A_1172 = arith.addf %add3A_1167, %mul3A_1171 : vector<256x128xf32>
    %sub3A_1173 = arith.subf %get3A_7, %add3A_1172 : vector<256x128xf32>
    %mul3A_1174 = arith.mulf %sub3A_1173, %sub3A_1173 : vector<256x128xf32>
    %reduce_sum3A_1175 = arith.constant dense<0.000000e+00> : vector<256xf32>
    %reduce_sum3A_1176 = vector.multi_reduction <add>, %mul3A_1174, %reduce_sum3A_1175 [1] : vector<256x128xf32> to vector<256xf32>
    %broadcast_in_dim3A_1177 = vector.shape_cast %reduce_sum3A_1176 : vector<256xf32> to vector<256x1xf32>
    %ge3A_1178 = arith.constant 12 : i32
    %ge3A_1179 = vector.broadcast %ge3A_1178 : i32 to vector<256x1xi32>
    %ge3A_1180 = arith.cmpi sge, %get3A_4, %ge3A_1179 : vector<256x1xi32>
    %jit3A_1181 = arith.constant 0x7F800000 : f32
    %broadcast_in_dim3A_1182 = vector.broadcast %jit3A_1181 : f32 to vector<256x1xf32>
    %select_n3A_1183 = arith.select %ge3A_1180, %broadcast_in_dim3A_1177, %broadcast_in_dim3A_1182 : vector<256x1xi1>, vector<256x1xf32>
    %lt3A_1184 = arith.cmpf olt, %select_n3A_1183, %select_n3A_1087 : vector<256x1xf32>
    %jit3A_1185 = arith.constant 12 : i32
    %broadcast_in_dim3A_1186 = vector.broadcast %jit3A_1185 : i32 to vector<256x1xi32>
    %select_n3A_1187 = arith.select %lt3A_1184, %broadcast_in_dim3A_1186, %select_n3A_1090 : vector<256x1xi1>, vector<256x1xi32>
    %sub3A_1188 = arith.constant 1 : i32
    %sub3A_1189 = vector.broadcast %sub3A_1188 : i32 to vector<256x1xi32>
    %sub3A_1190 = arith.subi %select_n3A_1187, %sub3A_1189 : vector<256x1xi32>
    %convert_element_type3A_1191 = arith.sitofp %sub3A_1190 : vector<256x1xi32> to vector<256x1xf32>
    %sub3A_1192 = arith.constant 1 : i32
    %sub3A_1193 = vector.broadcast %sub3A_1192 : i32 to vector<256x1xi32>
    %sub3A_1194 = arith.subi %get3A_4, %sub3A_1193 : vector<256x1xi32>
    %convert_element_type3A_1195 = arith.sitofp %sub3A_1194 : vector<256x1xi32> to vector<256x1xf32>
    %div3A = arith.divf %convert_element_type3A_1191, %convert_element_type3A_1195 : vector<256x1xf32>
    %add3A_1196 = arith.constant 1.000000e+00 : f32
    %add3A_1197 = vector.broadcast %add3A_1196 : f32 to vector<256x1xf32>
    %add3A_1198 = arith.addf %div3A, %add3A_1197 : vector<256x1xf32>
    %swap3A = arith.constant 0 : index
    %swap3A_1199 = arith.constant 0 : index
    %swap3A_1200 = vector.load %arg6[%swap3A, %swap3A_1199] : memref<256x1xf32, #tpu.memory_space<vmem>>, vector<256x1xf32>
    tpu.vector_store %arg6[%swap3A, %swap3A_1199], %add3A_1198 {strides = array<i32>} : memref<256x1xf32, #tpu.memory_space<vmem>>, vector<256x1xf32>,
    return
  }
  func.func @transform_0(%arg0: i32) -> (i32, i32) {
    %c0_i32 = arith.constant 0 : i32
    %c0_i32_0 = arith.constant 0 : i32
    return %arg0, %c0_i32 : i32, i32
  }
  func.func @transform_1(%arg0: i32) -> (i32, i32) {
    %c0_i32 = arith.constant 0 : i32
    %c0_i32_0 = arith.constant 0 : i32
    return %arg0, %c0_i32 : i32, i32
  }
  func.func @transform_2(%arg0: i32) -> (i32, i32) {
    %c0_i32 = arith.constant 0 : i32
    %c0_i32_0 = arith.constant 0 : i32
    return %arg0, %c0_i32 : i32, i32
  }
  func.func @transform_3(%arg0: i32) -> (i32, i32) {
    %c0_i32 = arith.constant 0 : i32
    %c0_i32_0 = arith.constant 0 : i32
    return %arg0, %c0_i32 : i32, i32
  }
  func.func @transform_4(%arg0: i32) -> (i32, i32) {
    %c0_i32 = arith.constant 0 : i32
    %c0_i32_0 = arith.constant 0 : i32
    %c0_i32_1 = arith.constant 0 : i32
    return %c0_i32, %c0_i32_0 : i32, i32
  }
  func.func @transform_5(%arg0: i32) -> (i32, i32) {
    %c0_i32 = arith.constant 0 : i32
    %c0_i32_0 = arith.constant 0 : i32
    return %arg0, %c0_i32 : i32, i32
  }
}

</mosaic_0001>

<sc_bundles>
// kernel: kernel.4.cloned.1.call-start
scs
__scs_entry_jumppad:
0x0: {  	(pc) =	sbr.rel $0x88, $3  }
0x1: {  	(tag) =	ssettag $0x0;
	lr =	simm.s32 $0x1  }
0x2: {  	[smem:$0x3F9A] =	sst lr;
	_ =	strace $0xD0000000  }
0x3: {  	_ = 	snop  }
0x4: {  	_ = 	snop  }
0x5: {  	_ = 	snop  }
0x6: {  	_ = 	snop  }
0x7: {  	_ = 	snop  }
__scs_overlays_trampoline_lowered:
0x8: {  	[smem:$0x3FA9] =	sst s0  }
0x9: {  	[smem:$0x3FAA] =	sst s1  }
0xa: {  	[smem:$0x3FAB] =	sst s2  }
0xb: {  	[smem:$0x3FAC] =	sst s3  }
0xc: {  	[smem:$0x3FAD] =	sst s4  }
0xd: {  	[smem:$0x3FAE] =	sst s5  }
0xe: {  	[smem:$0x3FAF] =	sst s6  }
0xf: {  	[smem:$0x3FB0] =	sst s7  }
0x10: {  	[smem:$0x3FB1] =	sst s8  }
0x11: {  	[smem:$0x3FB2] =	sst s9;
	s0 =	simm.s32 @!p0 $0x0  }
0x12: {  	s1 =	sld [smem:$0x3F98];
	s0 =	simm.s32 @p0 $0x1  }
0x13: {  	[smem:$0x3FB3] =	sst s0;
	s0 =	simm.s32 @!p1 $0x0  }
0x14: {  	s2 =	sld [smem:$0x3F97];
	s0 =	simm.s32 @p1 $0x1  }
0x15: {  	[smem:$0x3FB4] =	sst s0;
	s0 =	simm.s32 @!p2 $0x0  }
0x16: {  	s3 =	sld [smem:$0x3FDB];
	s0 =	simm.s32 @p2 $0x1  }
0x17: {  	s4 =	simm.s32 $0x1BF5;
	[smem:$0x3FB6] =	sst s0  }
0x18: {  	s0 =	sld [smem:$0x3F99];
	_ =	swait.ge [sflag:s4], $0x0  }
0x19: {  	s7 =	sld [smem:$0x3F9A]  }
0x1a: {  	s8 =	sadd.s32 $0xFFFFE003, lr  }
0x1b: {  	s9 =	sadd.s32 $0xFFFFFEF7, lr;
	s5 =	simm.s32 $0xFFFFFFFF;
	p2 =	slt.u32 s8, $0xFFFFF086  }
0x1c: {  	p1 =	slt.u32 s9, $0xF7A;
	s5 =	simm.s32 @!p2 $0x0  }
0x1d: {  	s5 =	simm.s32 @p1 $0x1;
	p0 =	seq.s32 s7, s2  }
0x1e: {  	s7 =	smul.u32 @!p0 $0xF7A, s2;
	p2 =	seq.s32 @!p0 s5, $0x0  }
0x1f: {  	s9 =	smul.u32 $0xF7A, s1;
	s8 =	simm.s32 @!p0 $0x1BF5;
	p2 =	por !p2, p0  }
0x20: {  	[sflag:s8] =	ssyncset.s32 @!p0 $0xFFFFF086;
	s6 =	sadd.s32 @!p0 s3, s7;
	s7 =	simm.s32 @!p0 $0x108  }
0x21: {  	s3 =	sadd.s32 s3, s9;
	s6 =	sadd.s32 @!p0 $0x88, s6;
	s7 =	simm.s32 @p2 $0x1082  }
0x22: {  	[simem:s7], [sflag:s8] =	dma.local @!p0 [hbm:s6], $0xF7A  }
0x23: {  	s9 =	sor.u32 $0xD0000000, s2;
	s6 =	simm.s32 $0x108;
	_ =	swait.ge @!p0 [sflag:s8], $0x0  }
0x24: {  	s3 =	sadd.s32 $0x88, s3;
	s6 =	simm.s32 @!p1 $0x1082;
	[sflag:s4] =	ssyncset.s32 $0xFFFFF086  }
0x25: {  	[simem:s6], [sflag:s4] =	dma.local [hbm:s3], $0xF7A  }
0x26: {  	[smem:$0x3F9A] =	sst s1;
	(tag) =	ssettag s2;
	_ =	strace s9  }
0x27: {  	s1 =	sld [smem:$0x3FAA]  }
0x28: {  	s2 =	sld [smem:$0x3FAB]  }
0x29: {  	s4 =	sld [smem:$0x3FAD]  }
0x2a: {  	p0 =	seq.s32 s5, $0x0;
	s5 =	sld [smem:$0x3FAE]  }
0x2b: {  	s6 =	sld [smem:$0x3FAF]  }
0x2c: {  	s7 =	sld [smem:$0x3FB0]  }
0x2d: {  	s3 =	simm.s32 $0x108;
	s8 =	sld [smem:$0x3FB1]  }
0x2e: {  	s3 =	simm.s32 @!p0 $0x1082;
	s9 =	sld [smem:$0x3FB2]  }
0x2f: {  	lr =	sadd.s32 s0, s3;
	s0 =	sld [smem:$0x3FA9]  }
0x30: {  	s3 =	sld [smem:$0x3FAC]  }
0x31: {  	[smem:$0x3FB5] =	sst s10  }
0x32: {  	s10 =	sld [smem:$0x3FB3];
	_ =	sdelay $0x3  }
0x33: {  	p0 =	seq.s32 s10, $0x1;
	s10 =	sld [smem:$0x3FB5];
	_ =	sdelay $0x3  }
0x34: {  	[smem:$0x3FB5] =	sst s10  }
0x35: {  	s10 =	sld [smem:$0x3FB4];
	_ =	sdelay $0x3  }
0x36: {  	p1 =	seq.s32 s10, $0x1;
	s10 =	sld [smem:$0x3FB5];
	_ =	sdelay $0x3  }
0x37: {  	[smem:$0x3FB5] =	sst s10  }
0x38: {  	s10 =	sld [smem:$0x3FB6]  }
0x39: {  	_ = 	snop;
	(pc) =	sbr.ind lr, $3  }
0x3a: {  	_ = 	snop  }
0x3b: {  	_ = 	snop  }
0x3c: {  	p2 =	seq.s32 s10, $0x1;
	s10 =	sld [smem:$0x3FB5]  }
0x3d: {  	_ =	shalt  }
0x3e: {  	_ =	shalt  }
0x3f: {  	_ =	shalt  }
0x40: {  	_ =	shalt  }
0x41: {  	_ =	shalt  }
0x42: {  	_ =	shalt  }
0x43: {  	_ =	shalt  }
0x44: {  	_ =	shalt  }
0x45: {  	_ =	shalt  }
0x46: {  	_ =	shalt  }
0x47: {  	_ =	shalt  }
0x48: {  	_ =	shalt  }
0x49: {  	_ =	shalt  }
0x4a: {  	_ =	shalt  }
0x4b: {  	_ =	shalt  }
0x4c: {  	_ =	shalt  }
0x4d: {  	_ =	shalt  }
0x4e: {  	_ =	shalt  }
0x4f: {  	_ =	shalt  }
0x50: {  	_ =	shalt  }
0x51: {  	_ =	shalt  }
0x52: {  	_ =	shalt  }
0x53: {  	_ =	shalt  }
0x54: {  	_ =	shalt  }
0x55: {  	_ =	shalt  }
0x56: {  	_ =	shalt  }
0x57: {  	_ =	shalt  }
0x58: {  	_ =	shalt  }
0x59: {  	_ =	shalt  }
0x5a: {  	_ =	shalt  }
0x5b: {  	_ =	shalt  }
0x5c: {  	_ =	shalt  }
0x5d: {  	_ =	shalt  }
0x5e: {  	_ =	shalt  }
0x5f: {  	_ =	shalt  }
0x60: {  	_ =	shalt  }
0x61: {  	_ =	shalt  }
0x62: {  	_ =	shalt  }
0x63: {  	_ =	shalt  }
0x64: {  	_ =	shalt  }
0x65: {  	_ =	shalt  }
0x66: {  	_ =	shalt  }
0x67: {  	_ =	shalt  }
0x68: {  	_ =	shalt  }
0x69: {  	_ =	shalt  }
0x6a: {  	_ =	shalt  }
0x6b: {  	_ =	shalt  }
0x6c: {  	_ =	shalt  }
0x6d: {  	_ =	shalt  }
0x6e: {  	_ =	shalt  }
0x6f: {  	_ =	shalt  }
0x70: {  	_ =	shalt  }
0x71: {  	_ =	shalt  }
0x72: {  	_ =	shalt  }
0x73: {  	_ =	shalt  }
0x74: {  	_ =	shalt  }
0x75: {  	_ =	shalt  }
0x76: {  	_ =	shalt  }
0x77: {  	_ =	shalt  }
0x78: {  	_ =	shalt  }
0x79: {  	_ =	shalt  }
0x7a: {  	_ =	shalt  }
0x7b: {  	_ =	shalt  }
0x7c: {  	_ =	shalt  }
0x7d: {  	_ =	shalt  }
0x7e: {  	_ =	shalt  }
0x7f: {  	_ =	shalt  }
0x80: {  	_ =	shalt  }
0x81: {  	_ =	shalt  }
0x82: {  	_ =	shalt  }
0x83: {  	_ =	shalt  }
0x84: {  	_ =	shalt  }
0x85: {  	_ =	shalt  }
0x86: {  	_ =	shalt  }
0x87: {  	_ =	shalt  }
.Lfunc_end0:
.L_simem_size_0:
called_computation_lowered:
.L_overlay_start_0:
0x88: {  	s2 =	sld [smem:$0x3FD9]  }
0x89: {  	s3 =	sld [smem:$0x3FFE];
	_ =	sdelay $0x1  }
0x8a: {  	s1 =	srdreg.scid  }
0x8b: {  	s0 =	sand.u32 $0x1, s1  }
0x8c: {  	s17 =	sshll.u32 s0, $0xA;
	s2 =	sadd.s32 s3, s2  }
0x8d: {  	s2 =	sadd.s32 s2, s17  }
0x8e: {  	[smem:$0x3FC1] =	sst s2  }
0x8f: {  	_ = 	snop  }
0x90: {  	s2 =	sld [smem:$0x3FC9]  }
0x91: {  	s18 =	sld [smem:$0x3FC8]  }
0x92: {  	s4 =	sld [smem:$0x3FC6]  }
0x93: {  	s5 =	sld [smem:$0x3FC3]  }
0x94: {  	s6 =	sld [smem:$0x3FD0];
	(tm) =	ssettm $0x1  }
0x95: {  	s7 =	sld [smem:$0x3FFB];
	_ =	sdelay $0x3  }
0x96: {  	_ =	strace s7  }
0x97: {  	s7 =	sld [smem:$0x3FFC];
	_ =	sdelay $0x3  }
0x98: {  	_ =	strace s7  }
0x99: {  	s7 =	sld [smem:$0x3FFD];
	_ =	sdelay $0x3  }
0x9a: {  	_ =	strace s7  }
0x9b: {  	_ =	strace $0x8FFFFFFF  }
0x9c: {  	s19 =	sld [smem:$0x3FDB];
	_ =	sdelay $0x1  }
0x9d: {  	s8 =	simm.s32 $_scs_section_size  }
0x9e: {  	s9 =	simm.s32 $_size__tile_overlayer_lowered;
	s10 =	simm.s32 $_tile_overlayer_lowered  }
0x9f: {  	s22 =	simm.s32 $0x1BFF;
	s21 =	sshll.u32 s10, $0x1;
	s7 =	sadd.s32 s8, s19  }
0xa0: {  	s11 =	simm.s32 $0x0;
	s20 =	sshll.u32 s9, $0x1;
	s9 =	sadd.s32 s21, s7  }
0xa1: {  	[timem:s11], [sflag:s22] =	dma.local [hbm:s9], s20  }
0xa2: {  	_ =	swait.ge [sflag:s22], s20  }
0xa3: {  	s8 =	ssub.s32 $0x0, s20;
	[sflag:s22] =	ssyncset.done $0x0  }
0xa4: {  	[sflag:s22] =	ssyncadd.s32 s8;
	_ =	sdelay $0x1  }
0xa5: {  	s23 =	simm.s32 $0x1B8B  }
0xa6: {  	_ =	swait.ge [sflag:s23], $0x1  }
0xa7: {  	[sflag:s23] =	ssyncset.done $0x0  }
0xa8: {  	s25 =	simm.s32 $0x1B8E;
	s24 =	sld [smem:$0x3FFE];
	[sflag:s23] =	ssyncadd.s32 $0xFFFFFFFF  }
0xa9: {  	s26 =	simm.s32 $execute0_lowered;
	[smem:$0x3FD2] =	sst s25  }
0xaa: {  	s9 =	sshll.u32 s26, $0x1;
	_ =	strace $0x80000046;
	[dreg:$0x1] =	wrdreg $0xFFFFFFFF  }
0xab: {  	s28 =	simm.s32 $_size_execute0_lowered;
	s7 =	sadd.s32 s7, s9;
	[dreg:$0x0] =	wrdreg $0x0  }
0xac: {  	s9 =	sshll.u32 s28, $0x1;
	[dreg:$0x2] =	wrdreg s7  }
0xad: {  	[dreg:$0x3] =	wrdreg s9  }
0xae: {  	[dreg:$0x4] =	wrdreg $0xC0  }
0xaf: {  	_ =	task [dreg:s11], $0x5FFFF  }
0xb0: {  	[dreg:$0x1] =	wrdreg $0xFFFFFFFF  }
0xb1: {  	[dreg:$0x0] =	wrdreg $0x60  }
0xb2: {  	[dreg:$0x2] =	wrdreg s2  }
0xb3: {  	[dreg:$0x3] =	wrdreg s18  }
0xb4: {  	[dreg:$0x4] =	wrdreg s24  }
0xb5: {  	[dreg:$0x5] =	wrdreg s4  }
0xb6: {  	[dreg:$0x6] =	wrdreg s5  }
0xb7: {  	[dreg:$0x7] =	wrdreg s6  }
0xb8: {  	[dreg:$0x8] =	wrdreg $0x9  }
0xb9: {  	_ =	task.clear_ibuf [dreg:s11], $0x9FFFF;
	_ =	strace $0x90000046  }
0xba: {  	s29 =	simm.s32 $0x9;
	_ =	strace $0x80000048  }
0xbb: {  	_ =	swait.ge [sflag:s29], $0x1  }
0xbc: {  	[sflag:s29] =	ssyncadd.s32 $0xFFFFFFFF  }
0xbd: {  	_ =	strace $0x90000048  }
0xbe: {  	_ =	sfence  }
0xbf: {  	s30 =	sld [smem:$0x0];
	_ =	sdelay $0x2  }
0xc0: {  	s31 =	sshll.u32 s1, $0xD;
	s1 =	sshrl.u32 s1, $0x2  }
0xc1: {  	s3 =	sand.u32 $0x4000, s31;
	s1 =	sadd.s32 s1, s30  }
0xc2: {  	s0 =	sor.u32 s3, s0;
	s1 =	sshll.u32 s1, $0x11  }
0xc3: {  	s0 =	sor.u32 s1, s0  }
0xc4: {  	s0 =	sadd.s32 $0x8F2B, s0  }
0xc5: {  	[sflag:s0] =	ssyncadd.remote.s32 $0x1  }
0xc6: {  	_ =	sfence.sel $0xFFFF  }
0xc7: {  	[dreg:$0x0] =	wrdreg $0xFFFFFFFF;
	(pc) =	sbr.abs _section_cstart, $3  }
0xc8: {  	[dreg:$0x1] =	wrdreg $0xFFFFFFFF  }
0xc9: {  	_ =	task.clear_ibuf [dreg:s11], $0x2FFFF;
	_ =	strace $0x9FFFFFFF  }
0xca: {  	(tm) =	ssettm $0x7FFFFFFF  }
0xcb: {  	_ =	shalt  }
tec
execute0_lowered:
.L_overlay_start_1:
0x0: {  	(tag) =	ssettag $0x1  }
0x1: {  	s4 =	rddreg [dreg:$0x0]  }
0x2: {  	s3 =	rddreg [dreg:$0x1]  }
0x3: {  	s0 =	rddreg [dreg:$0x2]  }
0x4: {  	s1 =	rddreg [dreg:$0x5]  }
0x5: {  	s5 =	srdreg.scid;
	s6 =	stileid.u32  }
0x6: {  	s2 =	simm.s32 $0x0;
	p0 =	por $0x0, $0x0;
	s7 =	sand.u32 $0x1, s5  }
0x7: {  	s17 =	sshll.u32 s6, $0x1;
	[smem:$0x7FF] =	sst s2;
	s5 =	sadd.s32 $0xC00, s0  }
0x8: {  	s6 =	sadd.s32 $0x77C00, s0;
	s8 =	sor.u32 s7, s17;
	_ =	strace $0x80000047  }
0x9: {  	s7 =	ssub.s32 $0x2, s7;
	s9 =	sshll.u32 s8, $0x6;
	s11 =	smul.u32 $0x380, s8  }
0xa: {  	s20 =	sshll.u32 s8, $0xD;
	s12 =	sshll.u32 s8, $0x9;
	s10 =	sadd.s32 s4, s9  }
0xb: {  	s8 =	smul.u32 $0x3800, s8;
	s18 =	sadd.s32 s3, s9;
	[dreg:$0x7] =	wrdreg s10  }
0xc: {  	s21 =	sadd.s32 s6, s20;
	s9 =	sadd.s32 s1, s9;
	[dreg:$0x8] =	wrdreg s18  }
0xd: {  	s22 =	sor.u32 $0x80, s12;
	s31 =	sor.u32 $0x100, s12;
	[dreg:$0xa] =	wrdreg s21  }
0xe: {  	s19 =	sadd.s32 s5, s11;
	s10 =	sadd.s32 $0x7C00, s0;
	[dreg:$0xb] =	wrdreg s9  }
0xf: {  	s23 =	smul.u32 $0xE, s22;
	s13 =	sshrl.u32 s22, $0x3;
	s28 =	sshll.u32 s22, $0x4  }
0x10: {  	s9 =	smul.u32 $0x1C, s22;
	[dreg:$0x9] =	wrdreg s19;
	s8 =	sadd.s32 s10, s8  }
0x11: {  	s14 =	sshrl.u32 s31, $0x3;
	s24 =	sadd.s32 s4, s13;
	[dreg:$0xc] =	wrdreg s8  }
0x12: {  	s18 =	sshll.u32 s31, $0x4;
	s25 =	sadd.s32 s3, s13;
	[dreg:$0xd] =	wrdreg s24  }
0x13: {  	s21 =	sor.u32 $0x180, s12;
	s29 =	sadd.s32 s6, s28;
	[dreg:$0xe] =	wrdreg s25  }
0x14: {  	s30 =	sadd.s32 s1, s13;
	s13 =	smul.u32 $0xE, s31;
	[dreg:$0x10] =	wrdreg s29  }
0x15: {  	s15 =	sadd.s32 s4, s14;
	s16 =	sadd.s32 s3, s14;
	[dreg:$0x11] =	wrdreg s30  }
0x16: {  	s19 =	sadd.s32 s6, s18;
	s20 =	sadd.s32 s1, s14;
	[dreg:$0x13] =	wrdreg s15  }
0x17: {  	s22 =	smul.u32 $0xE, s21;
	s12 =	sshrl.u32 s21, $0x3;
	[dreg:$0x14] =	wrdreg s16  }
0x18: {  	s28 =	smul.u32 $0x1C, s21;
	s11 =	sshrl.u32 s23, $0x3;
	[dreg:$0x16] =	wrdreg s19  }
0x19: {  	s9 =	sadd.s32 s10, s9;
	s8 =	smul.u32 $0x1C, s31;
	[dreg:$0x17] =	wrdreg s20  }
0x1a: {  	s4 =	sadd.s32 s4, s12;
	s3 =	sadd.s32 s3, s12;
	s20 =	rddreg [dreg:$0x7]  }
0x1b: {  	s25 =	sshll.u32 s21, $0x4;
	s29 =	sshrl.u32 s7, $0x1;
	[dreg:$0x12] =	wrdreg s9  }
0x1c: {  	s1 =	sadd.s32 s1, s12;
	s12 =	simm.s32 $0x100;
	[dreg:$0x19] =	wrdreg s4  }
0x1d: {  	s26 =	sadd.s32 s5, s11;
	s11 =	sshrl.u32 s13, $0x3;
	[dreg:$0x1a] =	wrdreg s3  }
0x1e: {  	s23 =	sshrl.u32 s22, $0x3;
	s30 =	ssub.s32 s7, s29;
	[dreg:$0x1d] =	wrdreg s1  }
0x1f: {  	s31 =	sadd.s32 s10, s28;
	s9 =	sadd.s32 $0x155D800, s0;
	s13 =	simm.s32 $0x1  }
0x20: {  	[dreg:$0xf] =	wrdreg s26;
	s17 =	sadd.s32 s5, s11;
	s7 =	smax.u32 s30, $0x1  }
0x21: {  	s8 =	sadd.s32 s10, s8;
	[dreg:$0x1e] =	wrdreg s31;
	p1 =	sne.s32 s7, $0x1  }
.Ltmp0:
0x22: {  	s24 =	sadd.s32 s5, s23;
	[dreg:$0x15] =	wrdreg s17;
	(pc) =	sbr.rel @!p1 .LBB2_1-.Ltmp0, $4  }
0x23: {  	s26 =	sadd.s32 s6, s25;
	s5 =	simm.s32 $0x4;
	[dreg:$0x18] =	wrdreg s8  }
0x24: {  	s11 =	simm.s32 $0x80;
	s10 =	simm.s32 $0x800;
	[dreg:$0x1b] =	wrdreg s24  }
0x25: {  	s6 =	simm.s32 $0x4800;
	[dreg:$0x1c] =	wrdreg s26;
	s8 =	simm.s32 $0xB800  }
0x26: {  	s23 =	sadd.s32 $0xFFFFFFFF, s7;
	s26 =	simm.s32 $0x3;
	s7 =	simm.s32 $0x2  }
0x27: {  	[tilespmem:s2], [sflag:$0x4] =	stream.linear.gather [hbm4b:s20+s2], $0x80, $0x38;
	[tilespmem:$0xB880] =	vst v63  }
0x28: {  	_ =	swait.ge [sflag:s5], $0x80  }
0x29: {  	[sflag:s5] =	ssyncset.done $0x0  }
0x2a: {  	[sflag:s5] =	ssyncadd.s32 $0xFFFFFF80  }
0x2b: {  	s3 =	rddreg [dreg:$0x3]  }
0x2c: {  	[tilespmem:s10], [sflag:$0x1] =	stream.indirect.gather [hbm4b:s3+s11], $0x80, s2, s11, $0xb8;
	[tilespmem:$0xB880] =	vst v63  }
0x2d: {  	s16 =	rddreg [dreg:$0x8]  }
0x2e: {  	[tilespmem:s11], [sflag:$0x4] =	stream.linear.gather [hbm4b:s16+s2], $0x80, $0x38;
	[tilespmem:$0xB880] =	vst v63  }
0x2f: {  	_ =	swait.ge [sflag:s5], $0x80  }
0x30: {  	[sflag:s5] =	ssyncset.done $0x0  }
0x31: {  	[sflag:s5] =	ssyncadd.s32 $0xFFFFFF80  }
0x32: {  	s10 =	smov.u32 s3;
	s3 =	rddreg [dreg:$0x4]  }
0x33: {  	[tilespmem:s8], [sflag:$0x3] =	stream.indirect.gather [hbm4b:s3+s11], $0x1, s11, s11, $0xb8;
	[tilespmem:$0xB880] =	vst v63  }
0x34: {  	s17 =	rddreg [dreg:$0x9]  }
0x35: {  	[tilespmem:s12], [sflag:$0x4] =	stream.linear.gather [hbm4b:s17+s2], $0x700, $0x38;
	[tilespmem:$0xB880] =	vst v63  }
0x36: {  	_ =	swait.ge [sflag:s5], $0x700  }
0x37: {  	[sflag:s5] =	ssyncset.done $0x0  }
0x38: {  	[sflag:s5] =	ssyncadd.s32 $0xFFFFF900  }
0x39: {  	[tilespmem:s6], [sflag:$0x2] =	stream.indirect.gather [hbm4b:s9+s11], $0x10, s12, s11, $0xb8;
	[tilespmem:$0xB880] =	vst v63  }
0x3a: {  	s0 =	simm.s32 $0x180;
	s1 =	simm.s32 $0x5000  }
0x3b: {  	[tilespmem:s1], [sflag:$0x2] =	stream.indirect.gather [hbm4b:s9+s11], $0x10, s0, s11, $0xb8;
	[tilespmem:$0xB880] =	vst v63  }
0x3c: {  	s18 =	simm.s32 $0x200;
	s19 =	simm.s32 $0x5800  }
0x3d: {  	[tilespmem:s19], [sflag:$0x2] =	stream.indirect.gather [hbm4b:s9+s11], $0x10, s18, s11, $0xb8;
	[tilespmem:$0xB880] =	vst v63  }
0x3e: {  	s20 =	simm.s32 $0x280;
	s21 =	simm.s32 $0x6000  }
0x3f: {  	[tilespmem:s21], [sflag:$0x2] =	stream.indirect.gather [hbm4b:s9+s11], $0x10, s20, s11, $0xb8;
	[tilespmem:$0xB880] =	vst v63  }
0x40: {  	s22 =	simm.s32 $0x300;
	s24 =	simm.s32 $0x6800  }
0x41: {  	[tilespmem:s24], [sflag:$0x2] =	stream.indirect.gather [hbm4b:s9+s11], $0x10, s22, s11, $0xb8;
	[tilespmem:$0xB880] =	vst v63  }
0x42: {  	s25 =	simm.s32 $0x380;
	s26 =	simm.s32 $0x7000  }
0x43: {  	[tilespmem:s26], [sflag:$0x2] =	stream.indirect.gather [hbm4b:s9+s11], $0x10, s25, s11, $0xb8;
	[tilespmem:$0xB880] =	vst v63  }
0x44: {  	s28 =	simm.s32 $0x400;
	s29 =	simm.s32 $0x7800  }
0x45: {  	[tilespmem:s29], [sflag:$0x2] =	stream.indirect.gather [hbm4b:s9+s11], $0x10, s28, s11, $0xb8;
	[tilespmem:$0xB880] =	vst v63  }
0x46: {  	s30 =	simm.s32 $0x480;
	s31 =	simm.s32 $0x8000  }
0x47: {  	[tilespmem:s31], [sflag:$0x2] =	stream.indirect.gather [hbm4b:s9+s11], $0x10, s30, s11, $0xb8;
	[tilespmem:$0xB880] =	vst v63  }
0x48: {  	s4 =	simm.s32 $0x500;
	s6 =	simm.s32 $0x8800  }
0x49: {  	[tilespmem:s6], [sflag:$0x2] =	stream.indirect.gather [hbm4b:s9+s11], $0x10, s4, s11, $0xb8;
	[tilespmem:$0xB880] =	vst v63  }
0x4a: {  	s15 =	simm.s32 $0x9000;
	s12 =	simm.s32 $0x580  }
0x4b: {  	[tilespmem:s15], [sflag:$0x2] =	stream.indirect.gather [hbm4b:s9+s11], $0x10, s12, s11, $0xb8;
	[tilespmem:$0xB880] =	vst v63  }
0x4c: {  	s17 =	simm.s32 $0x600;
	s20 =	simm.s32 $0x9800  }
0x4d: {  	[tilespmem:s20], [sflag:$0x2] =	stream.indirect.gather [hbm4b:s9+s11], $0x10, s17, s11, $0xb8;
	[tilespmem:$0xB880] =	vst v63  }
0x4e: {  	[dreg:$0x1f] =	wrdreg s23;
	s23 =	simm.s32 $0xA000;
	s21 =	simm.s32 $0x680  }
0x4f: {  	[tilespmem:s23], [sflag:$0x2] =	stream.indirect.gather [hbm4b:s9+s11], $0x10, s21, s11, $0xb8;
	[tilespmem:$0xB880] =	vst v63  }
0x50: {  	s24 =	simm.s32 $0x700;
	s25 =	simm.s32 $0xA800  }
0x51: {  	[tilespmem:s25], [sflag:$0x2] =	stream.indirect.gather [hbm4b:s9+s11], $0x10, s24, s11, $0xb8;
	[tilespmem:$0xB880] =	vst v63  }
0x52: {  	s19 =	simm.s32 $0x1;
	s29 =	simm.s32 $0x780;
	s31 =	simm.s32 $0xB000  }
0x53: {  	[tilespmem:s31], [sflag:$0x2] =	stream.indirect.gather [hbm4b:s9+s11], $0x10, s29, s11, $0xb8;
	[tilespmem:$0xB880] =	vst v63  }
0x54: {  	_ =	swait.ge [sflag:s19], $0x4000  }
0x55: {  	[sflag:s19] =	ssyncset.done $0x0  }
0x56: {  	s18 =	simm.s32 $0x800;
	s0 =	rddreg [dreg:$0xa];
	[sflag:s19] =	ssyncadd.s32 $0xFFFFC000  }
0x57: {  	[hbm4b:s0+s2] =	stream.linear.scatter [tilespmem:s18], [sflag:$0x4], $0x4000, $0x38;
	[tilespmem:$0xB880] =	vst v63  }
0x58: {  	_ =	swait.ge [sflag:s5], $0x4000  }
0x59: {  	[sflag:s5] =	ssyncset.done $0x0  }
0x5a: {  	s13 =	simm.s32 $0x3;
	[sflag:s5] =	ssyncadd.s32 $0xFFFFC000  }
0x5b: {  	_ =	swait.ge [sflag:s13], $0x80  }
0x5c: {  	[sflag:s13] =	ssyncset.done $0x0  }
0x5d: {  	s22 =	simm.s32 $0xB800;
	s1 =	rddreg [dreg:$0xb];
	[sflag:s13] =	ssyncadd.s32 $0xFFFFFF80  }
0x5e: {  	[hbm4b:s1+s2] =	stream.linear.scatter [tilespmem:s22], [sflag:$0x4], $0x80, $0x38;
	[tilespmem:$0xB880] =	vst v63  }
0x5f: {  	_ =	swait.ge [sflag:s5], $0x80  }
0x60: {  	[sflag:s5] =	ssyncset.done $0x0  }
0x61: {  	[sflag:s5] =	ssyncadd.s32 $0xFFFFFF80  }
0x62: {  	_ =	swait.ge [sflag:s7], $0x800  }
0x63: {  	[sflag:s7] =	ssyncset.done $0x0  }
0x64: {  	[sflag:s7] =	ssyncadd.s32 $0xFFFFF800  }
0x65: {  	_ =	swait.ge [sflag:s7], $0x800  }
0x66: {  	[sflag:s7] =	ssyncset.done $0x0  }
0x67: {  	[sflag:s7] =	ssyncadd.s32 $0xFFFFF800  }
0x68: {  	_ =	swait.ge [sflag:s7], $0x800  }
0x69: {  	[sflag:s7] =	ssyncset.done $0x0  }
0x6a: {  	[sflag:s7] =	ssyncadd.s32 $0xFFFFF800  }
0x6b: {  	_ =	swait.ge [sflag:s7], $0x800  }
0x6c: {  	[sflag:s7] =	ssyncset.done $0x0  }
0x6d: {  	[sflag:s7] =	ssyncadd.s32 $0xFFFFF800  }
0x6e: {  	_ =	swait.ge [sflag:s7], $0x800  }
0x6f: {  	[sflag:s7] =	ssyncset.done $0x0  }
0x70: {  	[sflag:s7] =	ssyncadd.s32 $0xFFFFF800  }
0x71: {  	_ =	swait.ge [sflag:s7], $0x800  }
0x72: {  	[sflag:s7] =	ssyncset.done $0x0  }
0x73: {  	[sflag:s7] =	ssyncadd.s32 $0xFFFFF800  }
0x74: {  	_ =	swait.ge [sflag:s7], $0x800  }
0x75: {  	[sflag:s7] =	ssyncset.done $0x0  }
0x76: {  	[sflag:s7] =	ssyncadd.s32 $0xFFFFF800  }
0x77: {  	_ =	swait.ge [sflag:s7], $0x800  }
0x78: {  	[sflag:s7] =	ssyncset.done $0x0  }
0x79: {  	[sflag:s7] =	ssyncadd.s32 $0xFFFFF800  }
0x7a: {  	_ =	swait.ge [sflag:s7], $0x800  }
0x7b: {  	[sflag:s7] =	ssyncset.done $0x0  }
0x7c: {  	[sflag:s7] =	ssyncadd.s32 $0xFFFFF800  }
0x7d: {  	_ =	swait.ge [sflag:s7], $0x800  }
0x7e: {  	[sflag:s7] =	ssyncset.done $0x0  }
0x7f: {  	[sflag:s7] =	ssyncadd.s32 $0xFFFFF800  }
0x80: {  	_ =	swait.ge [sflag:s7], $0x800  }
0x81: {  	[sflag:s7] =	ssyncset.done $0x0  }
0x82: {  	[sflag:s7] =	ssyncadd.s32 $0xFFFFF800  }
0x83: {  	_ =	swait.ge [sflag:s7], $0x800  }
0x84: {  	[sflag:s7] =	ssyncset.done $0x0  }
0x85: {  	[sflag:s7] =	ssyncadd.s32 $0xFFFFF800  }
0x86: {  	_ =	swait.ge [sflag:s7], $0x800  }
0x87: {  	[sflag:s7] =	ssyncset.done $0x0  }
0x88: {  	[sflag:s7] =	ssyncadd.s32 $0xFFFFF800  }
0x89: {  	_ =	swait.ge [sflag:s7], $0x800  }
0x8a: {  	[sflag:s7] =	ssyncset.done $0x0  }
0x8b: {  	s28 =	simm.s32 $0x4800;
	s6 =	rddreg [dreg:$0xc];
	[sflag:s7] =	ssyncadd.s32 $0xFFFFF800  }
0x8c: {  	[hbm4b:s6+s2] =	stream.linear.scatter [tilespmem:s28], [sflag:$0x4], $0x7000, $0x38;
	[tilespmem:$0xB880] =	vst v63  }
0x8d: {  	_ =	swait.ge [sflag:s5], $0x7000  }
0x8e: {  	[sflag:s5] =	ssyncset.done $0x0  }
0x8f: {  	s12 =	rddreg [dreg:$0xd];
	[sflag:s5] =	ssyncadd.s32 $0xFFFF9000  }
0x90: {  	[tilespmem:s2], [sflag:$0x4] =	stream.linear.gather [hbm4b:s12+s2], $0x80, $0x38;
	[tilespmem:$0xB880] =	vst v63  }
0x91: {  	_ =	swait.ge [sflag:s5], $0x80  }
0x92: {  	[sflag:s5] =	ssyncset.done $0x0  }
0x93: {  	[sflag:s5] =	ssyncadd.s32 $0xFFFFFF80  }
0x94: {  	[tilespmem:s18], [sflag:$0x1] =	stream.indirect.gather [hbm4b:s10+s11], $0x80, s2, s11, $0xb8;
	[tilespmem:$0xB880] =	vst v63  }
0x95: {  	s15 =	rddreg [dreg:$0xe]  }
0x96: {  	[tilespmem:s11], [sflag:$0x4] =	stream.linear.gather [hbm4b:s15+s2], $0x80, $0x38;
	[tilespmem:$0xB880] =	vst v63  }
0x97: {  	_ =	swait.ge [sflag:s5], $0x80  }
0x98: {  	[sflag:s5] =	ssyncset.done $0x0  }
0x99: {  	[sflag:s5] =	ssyncadd.s32 $0xFFFFFF80  }
0x9a: {  	[tilespmem:s22], [sflag:$0x3] =	stream.indirect.gather [hbm4b:s3+s11], $0x1, s11, s11, $0xb8;
	[tilespmem:$0xB880] =	vst v63  }
0x9b: {  	s26 =	simm.s32 $0x100;
	s17 =	rddreg [dreg:$0xf]  }
0x9c: {  	[tilespmem:s26], [sflag:$0x4] =	stream.linear.gather [hbm4b:s17+s2], $0x700, $0x38;
	[tilespmem:$0xB880] =	vst v63  }
0x9d: {  	_ =	swait.ge [sflag:s5], $0x700  }
0x9e: {  	[sflag:s5] =	ssyncset.done $0x0  }
0x9f: {  	[sflag:s5] =	ssyncadd.s32 $0xFFFFF900  }
0xa0: {  	[tilespmem:s28], [sflag:$0x2] =	stream.indirect.gather [hbm4b:s9+s11], $0x10, s26, s11, $0xb8;
	[tilespmem:$0xB880] =	vst v63  }
0xa1: {  	s24 =	simm.s32 $0x5000;
	s25 =	simm.s32 $0x180  }
0xa2: {  	[tilespmem:s24], [sflag:$0x2] =	stream.indirect.gather [hbm4b:s9+s11], $0x10, s25, s11, $0xb8;
	[tilespmem:$0xB880] =	vst v63  }
0xa3: {  	s31 =	simm.s32 $0x200;
	s15 =	simm.s32 $0x5800  }
0xa4: {  	[tilespmem:s15], [sflag:$0x2] =	stream.indirect.gather [hbm4b:s9+s11], $0x10, s31, s11, $0xb8;
	[tilespmem:$0xB880] =	vst v63  }
0xa5: {  	s21 =	simm.s32 $0x280;
	s12 =	simm.s32 $0x6000  }
0xa6: {  	[tilespmem:s12], [sflag:$0x2] =	stream.indirect.gather [hbm4b:s9+s11], $0x10, s21, s11, $0xb8;
	[tilespmem:$0xB880] =	vst v63  }
0xa7: {  	s14 =	simm.s32 $0x6800;
	s17 =	simm.s32 $0x300  }
0xa8: {  	[tilespmem:s14], [sflag:$0x2] =	stream.indirect.gather [hbm4b:s9+s11], $0x10, s17, s11, $0xb8;
	[tilespmem:$0xB880] =	vst v63  }
0xa9: {  	s16 =	simm.s32 $0x7000;
	s14 =	simm.s32 $0x380  }
0xaa: {  	[tilespmem:s16], [sflag:$0x2] =	stream.indirect.gather [hbm4b:s9+s11], $0x10, s14, s11, $0xb8;
	[tilespmem:$0xB880] =	vst v63  }
0xab: {  	s29 =	simm.s32 $0x7800;
	s16 =	simm.s32 $0x400  }
0xac: {  	[tilespmem:s29], [sflag:$0x2] =	stream.indirect.gather [hbm4b:s9+s11], $0x10, s16, s11, $0xb8;
	[tilespmem:$0xB880] =	vst v63  }
0xad: {  	s8 =	simm.s32 $0x8000;
	s10 =	simm.s32 $0x480  }
0xae: {  	[tilespmem:s8], [sflag:$0x2] =	stream.indirect.gather [hbm4b:s9+s11], $0x10, s10, s11, $0xb8;
	[tilespmem:$0xB880] =	vst v63  }
0xaf: {  	s1 =	simm.s32 $0x8800;
	s8 =	simm.s32 $0x500  }
0xb0: {  	[tilespmem:s1], [sflag:$0x2] =	stream.indirect.gather [hbm4b:s9+s11], $0x10, s8, s11, $0xb8;
	[tilespmem:$0xB880] =	vst v63  }
0xb1: {  	s0 =	simm.s32 $0x9000;
	s3 =	simm.s32 $0x580  }
0xb2: {  	[tilespmem:s0], [sflag:$0x2] =	stream.indirect.gather [hbm4b:s9+s11], $0x10, s3, s11, $0xb8;
	[tilespmem:$0xB880] =	vst v63  }
0xb3: {  	s20 =	simm.s32 $0x600;
	s6 =	simm.s32 $0x9800  }
0xb4: {  	[tilespmem:s6], [sflag:$0x2] =	stream.indirect.gather [hbm4b:s9+s11], $0x10, s20, s11, $0xb8;
	[tilespmem:$0xB880] =	vst v63  }
0xb5: {  	s30 =	simm.s32 $0x680;
	s20 =	simm.s32 $0xA000  }
0xb6: {  	[tilespmem:s20], [sflag:$0x2] =	stream.indirect.gather [hbm4b:s9+s11], $0x10, s30, s11, $0xb8;
	[tilespmem:$0xB880] =	vst v63  }
0xb7: {  	s23 =	simm.s32 $0x700;
	s20 =	simm.s32 $0xA800  }
0xb8: {  	[tilespmem:s20], [sflag:$0x2] =	stream.indirect.gather [hbm4b:s9+s11], $0x10, s23, s11, $0xb8;
	[tilespmem:$0xB880] =	vst v63  }
0xb9: {  	s4 =	simm.s32 $0x780;
	s30 =	simm.s32 $0xB000  }
0xba: {  	[tilespmem:s30], [sflag:$0x2] =	stream.indirect.gather [hbm4b:s9+s11], $0x10, s4, s11, $0xb8;
	[tilespmem:$0xB880] =	vst v63  }
0xbb: {  	_ =	swait.ge [sflag:s19], $0x4000  }
0xbc: {  	[sflag:s19] =	ssyncset.done $0x0  }
0xbd: {  	s6 =	rddreg [dreg:$0x10];
	[sflag:s19] =	ssyncadd.s32 $0xFFFFC000  }
0xbe: {  	[hbm4b:s6+s2] =	stream.linear.scatter [tilespmem:s18], [sflag:$0x4], $0x4000, $0x38;
	[tilespmem:$0xB880] =	vst v63  }
0xbf: {  	_ =	swait.ge [sflag:s5], $0x4000  }
0xc0: {  	[sflag:s5] =	ssyncset.done $0x0  }
0xc1: {  	[sflag:s5] =	ssyncadd.s32 $0xFFFFC000  }
0xc2: {  	_ =	swait.ge [sflag:s13], $0x80  }
0xc3: {  	[sflag:s13] =	ssyncset.done $0x0  }
0xc4: {  	s4 =	rddreg [dreg:$0x11];
	[sflag:s13] =	ssyncadd.s32 $0xFFFFFF80  }
0xc5: {  	[hbm4b:s4+s2] =	stream.linear.scatter [tilespmem:s22], [sflag:$0x4], $0x80, $0x38;
	[tilespmem:$0xB880] =	vst v63  }
0xc6: {  	_ =	swait.ge [sflag:s5], $0x80  }
0xc7: {  	[sflag:s5] =	ssyncset.done $0x0  }
0xc8: {  	[sflag:s5] =	ssyncadd.s32 $0xFFFFFF80  }
0xc9: {  	_ =	swait.ge [sflag:s7], $0x800  }
0xca: {  	[sflag:s7] =	ssyncset.done $0x0  }
0xcb: {  	[sflag:s7] =	ssyncadd.s32 $0xFFFFF800  }
0xcc: {  	_ =	swait.ge [sflag:s7], $0x800  }
0xcd: {  	[sflag:s7] =	ssyncset.done $0x0  }
0xce: {  	[sflag:s7] =	ssyncadd.s32 $0xFFFFF800  }
0xcf: {  	_ =	swait.ge [sflag:s7], $0x800  }
0xd0: {  	[sflag:s7] =	ssyncset.done $0x0  }
0xd1: {  	[sflag:s7] =	ssyncadd.s32 $0xFFFFF800  }
0xd2: {  	_ =	swait.ge [sflag:s7], $0x800  }
0xd3: {  	[sflag:s7] =	ssyncset.done $0x0  }
0xd4: {  	[sflag:s7] =	ssyncadd.s32 $0xFFFFF800  }
0xd5: {  	_ =	swait.ge [sflag:s7], $0x800  }
0xd6: {  	[sflag:s7] =	ssyncset.done $0x0  }
0xd7: {  	[sflag:s7] =	ssyncadd.s32 $0xFFFFF800  }
0xd8: {  	_ =	swait.ge [sflag:s7], $0x800  }
0xd9: {  	[sflag:s7] =	ssyncset.done $0x0  }
0xda: {  	[sflag:s7] =	ssyncadd.s32 $0xFFFFF800  }
0xdb: {  	_ =	swait.ge [sflag:s7], $0x800  }
0xdc: {  	[sflag:s7] =	ssyncset.done $0x0  }
0xdd: {  	[sflag:s7] =	ssyncadd.s32 $0xFFFFF800  }
0xde: {  	_ =	swait.ge [sflag:s7], $0x800  }
0xdf: {  	[sflag:s7] =	ssyncset.done $0x0  }
0xe0: {  	[sflag:s7] =	ssyncadd.s32 $0xFFFFF800  }
0xe1: {  	_ =	swait.ge [sflag:s7], $0x800  }
0xe2: {  	[sflag:s7] =	ssyncset.done $0x0  }
0xe3: {  	[sflag:s7] =	ssyncadd.s32 $0xFFFFF800  }
0xe4: {  	_ =	swait.ge [sflag:s7], $0x800  }
0xe5: {  	[sflag:s7] =	ssyncset.done $0x0  }
0xe6: {  	[sflag:s7] =	ssyncadd.s32 $0xFFFFF800  }
0xe7: {  	_ =	swait.ge [sflag:s7], $0x800  }
0xe8: {  	[sflag:s7] =	ssyncset.done $0x0  }
0xe9: {  	[sflag:s7] =	ssyncadd.s32 $0xFFFFF800  }
0xea: {  	_ =	swait.ge [sflag:s7], $0x800  }
0xeb: {  	[sflag:s7] =	ssyncset.done $0x0  }
0xec: {  	[sflag:s7] =	ssyncadd.s32 $0xFFFFF800  }
0xed: {  	_ =	swait.ge [sflag:s7], $0x800  }
0xee: {  	[sflag:s7] =	ssyncset.done $0x0  }
0xef: {  	[sflag:s7] =	ssyncadd.s32 $0xFFFFF800  }
0xf0: {  	_ =	swait.ge [sflag:s7], $0x800  }
0xf1: {  	[sflag:s7] =	ssyncset.done $0x0  }
0xf2: {  	s6 =	rddreg [dreg:$0x12];
	[sflag:s7] =	ssyncadd.s32 $0xFFFFF800  }
0xf3: {  	[hbm4b:s6+s2] =	stream.linear.scatter [tilespmem:s28], [sflag:$0x4], $0x7000, $0x38;
	[tilespmem:$0xB880] =	vst v63  }
0xf4: {  	_ =	swait.ge [sflag:s5], $0x7000  }
0xf5: {  	[sflag:s5] =	ssyncset.done $0x0  }
0xf6: {  	s19 =	rddreg [dreg:$0x13];
	[sflag:s5] =	ssyncadd.s32 $0xFFFF9000  }
0xf7: {  	[tilespmem:s2], [sflag:$0x4] =	stream.linear.gather [hbm4b:s19+s2], $0x80, $0x38;
	[tilespmem:$0xB880] =	vst v63  }
0xf8: {  	_ =	swait.ge [sflag:s5], $0x80  }
0xf9: {  	[sflag:s5] =	ssyncset.done $0x0  }
0xfa: {  	[sflag:s5] =	ssyncadd.s32 $0xFFFFFF80  }
0xfb: {  	s6 =	rddreg [dreg:$0x3]  }
0xfc: {  	[tilespmem:s18], [sflag:$0x1] =	stream.indirect.gather [hbm4b:s6+s11], $0x80, s2, s11, $0xb8;
	[tilespmem:$0xB880] =	vst v63  }
0xfd: {  	s4 =	rddreg [dreg:$0x14]  }
0xfe: {  	[tilespmem:s11], [sflag:$0x4] =	stream.linear.gather [hbm4b:s4+s2], $0x80, $0x38;
	[tilespmem:$0xB880] =	vst v63  }
0xff: {  	_ =	swait.ge [sflag:s5], $0x80  }
0x100: {  	[sflag:s5] =	ssyncset.done $0x0  }
0x101: {  	[sflag:s5] =	ssyncadd.s32 $0xFFFFFF80  }
0x102: {  	s4 =	rddreg [dreg:$0x4]  }
0x103: {  	[tilespmem:s22], [sflag:$0x3] =	stream.indirect.gather [hbm4b:s4+s11], $0x1, s11, s11, $0xb8;
	[tilespmem:$0xB880] =	vst v63  }
0x104: {  	s19 =	rddreg [dreg:$0x15]  }
0x105: {  	[tilespmem:s26], [sflag:$0x4] =	stream.linear.gather [hbm4b:s19+s2], $0x700, $0x38;
	[tilespmem:$0xB880] =	vst v63  }
0x106: {  	_ =	swait.ge [sflag:s5], $0x700  }
0x107: {  	[sflag:s5] =	ssyncset.done $0x0  }
0x108: {  	[sflag:s5] =	ssyncadd.s32 $0xFFFFF900  }
0x109: {  	[tilespmem:s28], [sflag:$0x2] =	stream.indirect.gather [hbm4b:s9+s11], $0x10, s26, s11, $0xb8;
	[tilespmem:$0xB880] =	vst v63  }
0x10a: {  	_ = 	snop  }
0x10b: {  	[tilespmem:s24], [sflag:$0x2] =	stream.indirect.gather [hbm4b:s9+s11], $0x10, s25, s11, $0xb8;
	[tilespmem:$0xB880] =	vst v63  }
0x10c: {  	_ = 	snop  }
0x10d: {  	[tilespmem:s15], [sflag:$0x2] =	stream.indirect.gather [hbm4b:s9+s11], $0x10, s31, s11, $0xb8;
	[tilespmem:$0xB880] =	vst v63  }
0x10e: {  	_ = 	snop  }
0x10f: {  	[tilespmem:s12], [sflag:$0x2] =	stream.indirect.gather [hbm4b:s9+s11], $0x10, s21, s11, $0xb8;
	[tilespmem:$0xB880] =	vst v63  }
0x110: {  	s15 =	simm.s32 $0x6800  }
0x111: {  	[tilespmem:s15], [sflag:$0x2] =	stream.indirect.gather [hbm4b:s9+s11], $0x10, s17, s11, $0xb8;
	[tilespmem:$0xB880] =	vst v63  }
0x112: {  	s17 =	simm.s32 $0x7000  }
0x113: {  	[tilespmem:s17], [sflag:$0x2] =	stream.indirect.gather [hbm4b:s9+s11], $0x10, s14, s11, $0xb8;
	[tilespmem:$0xB880] =	vst v63  }
0x114: {  	_ = 	snop  }
0x115: {  	[tilespmem:s29], [sflag:$0x2] =	stream.indirect.gather [hbm4b:s9+s11], $0x10, s16, s11, $0xb8;
	[tilespmem:$0xB880] =	vst v63  }
0x116: {  	s14 =	simm.s32 $0x8000  }
0x117: {  	[tilespmem:s14], [sflag:$0x2] =	stream.indirect.gather [hbm4b:s9+s11], $0x10, s10, s11, $0xb8;
	[tilespmem:$0xB880] =	vst v63  }
0x118: {  	_ = 	snop  }
0x119: {  	[tilespmem:s1], [sflag:$0x2] =	stream.indirect.gather [hbm4b:s9+s11], $0x10, s8, s11, $0xb8;
	[tilespmem:$0xB880] =	vst v63  }
0x11a: {  	_ = 	snop  }
0x11b: {  	[tilespmem:s0], [sflag:$0x2] =	stream.indirect.gather [hbm4b:s9+s11], $0x10, s3, s11, $0xb8;
	[tilespmem:$0xB880] =	vst v63  }
0x11c: {  	s3 =	simm.s32 $0x9800;
	s0 =	simm.s32 $0x600  }
0x11d: {  	[tilespmem:s3], [sflag:$0x2] =	stream.indirect.gather [hbm4b:s9+s11], $0x10, s0, s11, $0xb8;
	[tilespmem:$0xB880] =	vst v63  }
0x11e: {  	s20 =	simm.s32 $0x680;
	s12 =	simm.s32 $0xA000  }
0x11f: {  	[tilespmem:s12], [sflag:$0x2] =	stream.indirect.gather [hbm4b:s9+s11], $0x10, s20, s11, $0xb8;
	[tilespmem:$0xB880] =	vst v63  }
0x120: {  	s23 =	simm.s32 $0xA800;
	s12 =	simm.s32 $0x700  }
0x121: {  	[tilespmem:s23], [sflag:$0x2] =	stream.indirect.gather [hbm4b:s9+s11], $0x10, s12, s11, $0xb8;
	[tilespmem:$0xB880] =	vst v63  }
0x122: {  	s30 =	simm.s32 $0x780;
	s13 =	simm.s32 $0x1;
	s20 =	simm.s32 $0xB000  }
0x123: {  	[tilespmem:s20], [sflag:$0x2] =	stream.indirect.gather [hbm4b:s9+s11], $0x10, s30, s11, $0xb8;
	[tilespmem:$0xB880] =	vst v63  }
0x124: {  	_ =	swait.ge [sflag:s13], $0x4000  }
0x125: {  	[sflag:s13] =	ssyncset.done $0x0  }
0x126: {  	s8 =	rddreg [dreg:$0x16];
	[sflag:s13] =	ssyncadd.s32 $0xFFFFC000  }
0x127: {  	[hbm4b:s8+s2] =	stream.linear.scatter [tilespmem:s18], [sflag:$0x4], $0x4000, $0x38;
	[tilespmem:$0xB880] =	vst v63  }
0x128: {  	_ =	swait.ge [sflag:s5], $0x4000  }
0x129: {  	[sflag:s5] =	ssyncset.done $0x0  }
0x12a: {  	s26 =	simm.s32 $0x3;
	[sflag:s5] =	ssyncadd.s32 $0xFFFFC000  }
0x12b: {  	_ =	swait.ge [sflag:s26], $0x80  }
0x12c: {  	[sflag:s26] =	ssyncset.done $0x0  }
0x12d: {  	s10 =	rddreg [dreg:$0x17];
	[sflag:s26] =	ssyncadd.s32 $0xFFFFFF80  }
0x12e: {  	[hbm4b:s10+s2] =	stream.linear.scatter [tilespmem:s22], [sflag:$0x4], $0x80, $0x38;
	[tilespmem:$0xB880] =	vst v63  }
0x12f: {  	_ =	swait.ge [sflag:s5], $0x80  }
0x130: {  	[sflag:s5] =	ssyncset.done $0x0  }
0x131: {  	[sflag:s5] =	ssyncadd.s32 $0xFFFFFF80  }
0x132: {  	_ =	swait.ge [sflag:s7], $0x800  }
0x133: {  	[sflag:s7] =	ssyncset.done $0x0  }
0x134: {  	[sflag:s7] =	ssyncadd.s32 $0xFFFFF800  }
0x135: {  	_ =	swait.ge [sflag:s7], $0x800  }
0x136: {  	[sflag:s7] =	ssyncset.done $0x0  }
0x137: {  	[sflag:s7] =	ssyncadd.s32 $0xFFFFF800  }
0x138: {  	_ =	swait.ge [sflag:s7], $0x800  }
0x139: {  	[sflag:s7] =	ssyncset.done $0x0  }
0x13a: {  	[sflag:s7] =	ssyncadd.s32 $0xFFFFF800  }
0x13b: {  	_ =	swait.ge [sflag:s7], $0x800  }
0x13c: {  	[sflag:s7] =	ssyncset.done $0x0  }
0x13d: {  	[sflag:s7] =	ssyncadd.s32 $0xFFFFF800  }
0x13e: {  	_ =	swait.ge [sflag:s7], $0x800  }
0x13f: {  	[sflag:s7] =	ssyncset.done $0x0  }
0x140: {  	[sflag:s7] =	ssyncadd.s32 $0xFFFFF800  }
0x141: {  	_ =	swait.ge [sflag:s7], $0x800  }
0x142: {  	[sflag:s7] =	ssyncset.done $0x0  }
0x143: {  	[sflag:s7] =	ssyncadd.s32 $0xFFFFF800  }
0x144: {  	_ =	swait.ge [sflag:s7], $0x800  }
0x145: {  	[sflag:s7] =	ssyncset.done $0x0  }
0x146: {  	[sflag:s7] =	ssyncadd.s32 $0xFFFFF800  }
0x147: {  	_ =	swait.ge [sflag:s7], $0x800  }
0x148: {  	[sflag:s7] =	ssyncset.done $0x0  }
0x149: {  	[sflag:s7] =	ssyncadd.s32 $0xFFFFF800  }
0x14a: {  	_ =	swait.ge [sflag:s7], $0x800  }
0x14b: {  	[sflag:s7] =	ssyncset.done $0x0  }
0x14c: {  	[sflag:s7] =	ssyncadd.s32 $0xFFFFF800  }
0x14d: {  	_ =	swait.ge [sflag:s7], $0x800  }
0x14e: {  	[sflag:s7] =	ssyncset.done $0x0  }
0x14f: {  	[sflag:s7] =	ssyncadd.s32 $0xFFFFF800  }
0x150: {  	_ =	swait.ge [sflag:s7], $0x800  }
0x151: {  	[sflag:s7] =	ssyncset.done $0x0  }
0x152: {  	[sflag:s7] =	ssyncadd.s32 $0xFFFFF800  }
0x153: {  	_ =	swait.ge [sflag:s7], $0x800  }
0x154: {  	[sflag:s7] =	ssyncset.done $0x0  }
0x155: {  	[sflag:s7] =	ssyncadd.s32 $0xFFFFF800  }
0x156: {  	_ =	swait.ge [sflag:s7], $0x800  }
0x157: {  	[sflag:s7] =	ssyncset.done $0x0  }
0x158: {  	[sflag:s7] =	ssyncadd.s32 $0xFFFFF800  }
0x159: {  	_ =	swait.ge [sflag:s7], $0x800  }
0x15a: {  	[sflag:s7] =	ssyncset.done $0x0  }
0x15b: {  	s12 =	rddreg [dreg:$0x18];
	[sflag:s7] =	ssyncadd.s32 $0xFFFFF800  }
0x15c: {  	[hbm4b:s12+s2] =	stream.linear.scatter [tilespmem:s28], [sflag:$0x4], $0x7000, $0x38;
	[tilespmem:$0xB880] =	vst v63  }
0x15d: {  	_ =	swait.ge [sflag:s5], $0x7000  }
0x15e: {  	[sflag:s5] =	ssyncset.done $0x0  }
0x15f: {  	s8 =	rddreg [dreg:$0x19];
	[sflag:s5] =	ssyncadd.s32 $0xFFFF9000  }
0x160: {  	[tilespmem:s2], [sflag:$0x4] =	stream.linear.gather [hbm4b:s8+s2], $0x80, $0x38;
	[tilespmem:$0xB880] =	vst v63  }
0x161: {  	_ =	swait.ge [sflag:s5], $0x80  }
0x162: {  	[sflag:s5] =	ssyncset.done $0x0  }
0x163: {  	[sflag:s5] =	ssyncadd.s32 $0xFFFFFF80  }
0x164: {  	[tilespmem:s18], [sflag:$0x1] =	stream.indirect.gather [hbm4b:s6+s11], $0x80, s2, s11, $0xb8;
	[tilespmem:$0xB880] =	vst v63  }
0x165: {  	s10 =	rddreg [dreg:$0x1a]  }
0x166: {  	[tilespmem:s11], [sflag:$0x4] =	stream.linear.gather [hbm4b:s10+s2], $0x80, $0x38;
	[tilespmem:$0xB880] =	vst v63  }
0x167: {  	_ =	swait.ge [sflag:s5], $0x80  }
0x168: {  	[sflag:s5] =	ssyncset.done $0x0  }
0x169: {  	[sflag:s5] =	ssyncadd.s32 $0xFFFFFF80  }
0x16a: {  	[tilespmem:s22], [sflag:$0x3] =	stream.indirect.gather [hbm4b:s4+s11], $0x1, s11, s11, $0xb8;
	[tilespmem:$0xB880] =	vst v63  }
0x16b: {  	s12 =	simm.s32 $0x100;
	s18 =	rddreg [dreg:$0x1b]  }
0x16c: {  	[tilespmem:s12], [sflag:$0x4] =	stream.linear.gather [hbm4b:s18+s2], $0x700, $0x38;
	[tilespmem:$0xB880] =	vst v63  }
0x16d: {  	_ =	swait.ge [sflag:s5], $0x700  }
0x16e: {  	[sflag:s5] =	ssyncset.done $0x0  }
0x16f: {  	[sflag:s5] =	ssyncadd.s32 $0xFFFFF900  }
0x170: {  	[tilespmem:s28], [sflag:$0x2] =	stream.indirect.gather [hbm4b:s9+s11], $0x10, s12, s11, $0xb8;
	[tilespmem:$0xB880] =	vst v63  }
0x171: {  	s20 =	simm.s32 $0x180;
	s22 =	simm.s32 $0x5000  }
0x172: {  	[tilespmem:s22], [sflag:$0x2] =	stream.indirect.gather [hbm4b:s9+s11], $0x10, s20, s11, $0xb8;
	[tilespmem:$0xB880] =	vst v63  }
0x173: {  	s19 =	simm.s32 $0x200;
	s28 =	simm.s32 $0x5800  }
0x174: {  	[tilespmem:s28], [sflag:$0x2] =	stream.indirect.gather [hbm4b:s9+s11], $0x10, s19, s11, $0xb8;
	[tilespmem:$0xB880] =	vst v63  }
0x175: {  	s25 =	simm.s32 $0x280;
	s6 =	simm.s32 $0x6000  }
0x176: {  	[tilespmem:s6], [sflag:$0x2] =	stream.indirect.gather [hbm4b:s9+s11], $0x10, s25, s11, $0xb8;
	[tilespmem:$0xB880] =	vst v63  }
0x177: {  	s31 =	simm.s32 $0x300  }
0x178: {  	[tilespmem:s15], [sflag:$0x2] =	stream.indirect.gather [hbm4b:s9+s11], $0x10, s31, s11, $0xb8;
	[tilespmem:$0xB880] =	vst v63  }
0x179: {  	s18 =	simm.s32 $0x380  }
0x17a: {  	[tilespmem:s17], [sflag:$0x2] =	stream.indirect.gather [hbm4b:s9+s11], $0x10, s18, s11, $0xb8;
	[tilespmem:$0xB880] =	vst v63  }
0x17b: {  	s29 =	simm.s32 $0x7800;
	s16 =	simm.s32 $0x400  }
0x17c: {  	[tilespmem:s29], [sflag:$0x2] =	stream.indirect.gather [hbm4b:s9+s11], $0x10, s16, s11, $0xb8;
	[tilespmem:$0xB880] =	vst v63  }
0x17d: {  	s24 =	simm.s32 $0x480  }
0x17e: {  	[tilespmem:s14], [sflag:$0x2] =	stream.indirect.gather [hbm4b:s9+s11], $0x10, s24, s11, $0xb8;
	[tilespmem:$0xB880] =	vst v63  }
0x17f: {  	s21 =	simm.s32 $0x500;
	s19 =	simm.s32 $0x8800  }
0x180: {  	[tilespmem:s19], [sflag:$0x2] =	stream.indirect.gather [hbm4b:s9+s11], $0x10, s21, s11, $0xb8;
	[tilespmem:$0xB880] =	vst v63  }
0x181: {  	s1 =	simm.s32 $0x580;
	s20 =	simm.s32 $0x9000  }
0x182: {  	[tilespmem:s20], [sflag:$0x2] =	stream.indirect.gather [hbm4b:s9+s11], $0x10, s1, s11, $0xb8;
	[tilespmem:$0xB880] =	vst v63  }
0x183: {  	_ = 	snop  }
0x184: {  	[tilespmem:s3], [sflag:$0x2] =	stream.indirect.gather [hbm4b:s9+s11], $0x10, s0, s11, $0xb8;
	[tilespmem:$0xB880] =	vst v63  }
0x185: {  	s22 =	simm.s32 $0x680;
	s21 =	simm.s32 $0xA000  }
0x186: {  	[tilespmem:s21], [sflag:$0x2] =	stream.indirect.gather [hbm4b:s9+s11], $0x10, s22, s11, $0xb8;
	[tilespmem:$0xB880] =	vst v63  }
0x187: {  	s23 =	simm.s32 $0xA800;
	s24 =	simm.s32 $0x700  }
0x188: {  	[tilespmem:s23], [sflag:$0x2] =	stream.indirect.gather [hbm4b:s9+s11], $0x10, s24, s11, $0xb8;
	[tilespmem:$0xB880] =	vst v63  }
0x189: {  	s30 =	simm.s32 $0xB000;
	s25 =	simm.s32 $0x780  }
0x18a: {  	[tilespmem:s30], [sflag:$0x2] =	stream.indirect.gather [hbm4b:s9+s11], $0x10, s25, s11, $0xb8;
	[tilespmem:$0xB880] =	vst v63  }
0x18b: {  	_ =	swait.ge [sflag:s13], $0x4000  }
0x18c: {  	[sflag:s13] =	ssyncset.done $0x0  }
0x18d: {  	s10 =	simm.s32 $0x800;
	s28 =	rddreg [dreg:$0x1c];
	[sflag:s13] =	ssyncadd.s32 $0xFFFFC000  }
0x18e: {  	[hbm4b:s28+s2] =	stream.linear.scatter [tilespmem:s10], [sflag:$0x4], $0x4000, $0x38;
	[tilespmem:$0xB880] =	vst v63  }
0x18f: {  	_ =	swait.ge [sflag:s5], $0x4000  }
0x190: {  	[sflag:s5] =	ssyncset.done $0x0  }
0x191: {  	[sflag:s5] =	ssyncadd.s32 $0xFFFFC000  }
0x192: {  	_ =	swait.ge [sflag:s26], $0x80  }
0x193: {  	[sflag:s26] =	ssyncset.done $0x0  }
0x194: {  	s8 =	simm.s32 $0xB800;
	s29 =	rddreg [dreg:$0x1d];
	[sflag:s26] =	ssyncadd.s32 $0xFFFFFF80  }
0x195: {  	[hbm4b:s29+s2] =	stream.linear.scatter [tilespmem:s8], [sflag:$0x4], $0x80, $0x38;
	[tilespmem:$0xB880] =	vst v63  }
0x196: {  	_ =	swait.ge [sflag:s5], $0x80  }
0x197: {  	[sflag:s5] =	ssyncset.done $0x0  }
0x198: {  	[sflag:s5] =	ssyncadd.s32 $0xFFFFFF80  }
0x199: {  	_ =	swait.ge [sflag:s7], $0x800  }
0x19a: {  	[sflag:s7] =	ssyncset.done $0x0  }
0x19b: {  	[sflag:s7] =	ssyncadd.s32 $0xFFFFF800  }
0x19c: {  	_ =	swait.ge [sflag:s7], $0x800  }
0x19d: {  	[sflag:s7] =	ssyncset.done $0x0  }
0x19e: {  	[sflag:s7] =	ssyncadd.s32 $0xFFFFF800  }
0x19f: {  	_ =	swait.ge [sflag:s7], $0x800  }
0x1a0: {  	[sflag:s7] =	ssyncset.done $0x0  }
0x1a1: {  	[sflag:s7] =	ssyncadd.s32 $0xFFFFF800  }
0x1a2: {  	_ =	swait.ge [sflag:s7], $0x800  }
0x1a3: {  	[sflag:s7] =	ssyncset.done $0x0  }
0x1a4: {  	[sflag:s7] =	ssyncadd.s32 $0xFFFFF800  }
0x1a5: {  	_ =	swait.ge [sflag:s7], $0x800  }
0x1a6: {  	[sflag:s7] =	ssyncset.done $0x0  }
0x1a7: {  	[sflag:s7] =	ssyncadd.s32 $0xFFFFF800  }
0x1a8: {  	_ =	swait.ge [sflag:s7], $0x800  }
0x1a9: {  	[sflag:s7] =	ssyncset.done $0x0  }
0x1aa: {  	[sflag:s7] =	ssyncadd.s32 $0xFFFFF800  }
0x1ab: {  	_ =	swait.ge [sflag:s7], $0x800  }
0x1ac: {  	[sflag:s7] =	ssyncset.done $0x0  }
0x1ad: {  	[sflag:s7] =	ssyncadd.s32 $0xFFFFF800  }
0x1ae: {  	_ =	swait.ge [sflag:s7], $0x800  }
0x1af: {  	[sflag:s7] =	ssyncset.done $0x0  }
0x1b0: {  	[sflag:s7] =	ssyncadd.s32 $0xFFFFF800  }
0x1b1: {  	_ =	swait.ge [sflag:s7], $0x800  }
0x1b2: {  	[sflag:s7] =	ssyncset.done $0x0  }
0x1b3: {  	[sflag:s7] =	ssyncadd.s32 $0xFFFFF800  }
0x1b4: {  	_ =	swait.ge [sflag:s7], $0x800  }
0x1b5: {  	[sflag:s7] =	ssyncset.done $0x0  }
0x1b6: {  	[sflag:s7] =	ssyncadd.s32 $0xFFFFF800  }
0x1b7: {  	_ =	swait.ge [sflag:s7], $0x800  }
0x1b8: {  	[sflag:s7] =	ssyncset.done $0x0  }
0x1b9: {  	[sflag:s7] =	ssyncadd.s32 $0xFFFFF800  }
0x1ba: {  	_ =	swait.ge [sflag:s7], $0x800  }
0x1bb: {  	[sflag:s7] =	ssyncset.done $0x0  }
0x1bc: {  	[sflag:s7] =	ssyncadd.s32 $0xFFFFF800  }
0x1bd: {  	_ =	swait.ge [sflag:s7], $0x800  }
0x1be: {  	[sflag:s7] =	ssyncset.done $0x0  }
0x1bf: {  	[sflag:s7] =	ssyncadd.s32 $0xFFFFF800  }
0x1c0: {  	_ =	swait.ge [sflag:s7], $0x800  }
0x1c1: {  	s31 =	rddreg [dreg:$0x1f]  }
0x1c2: {  	p1 =	sne.s32 s31, $0x1  }
.Ltmp1:
0x1c3: {  	[sflag:s7] =	ssyncset.done $0x0;
	(pc) =	sbr.rel @!p1 .LBB2_7-.Ltmp1, $4  }
0x1c4: {  	s6 =	simm.s32 $0x4800;
	s30 =	rddreg [dreg:$0x1e];
	[sflag:s7] =	ssyncadd.s32 $0xFFFFF800  }
0x1c5: {  	[hbm4b:s30+s2] =	stream.linear.scatter [tilespmem:s6], [sflag:$0x4], $0x7000, $0x38;
	[tilespmem:$0xB880] =	vst v63  }
0x1c6: {  	p0 =	por $0x1, $0x1;
	_ =	swait.ge [sflag:s5], $0x7000  }
0x1c7: {  	s19 =	sadd.s32 $0xFFFFFFFF, s31;
	s20 =	rddreg [dreg:$0x7];
	[sflag:s5] =	ssyncset.done $0x0  }
0x1c8: {  	s25 =	simm.s32 $0x800;
	s28 =	simm.s32 $0xB800;
	s30 =	simm.s32 $0x4800  }
.LBB2_4:
0x1c9: {  	[sflag:s5] =	ssyncadd.s32 $0xFFFF9000  }
0x1ca: {  	[tilespmem:s2], [sflag:$0x4] =	stream.linear.gather [hbm4b:s20+s2], $0x80, $0x38;
	[tilespmem:$0xB880] =	vst v63  }
0x1cb: {  	_ =	swait.ge [sflag:s5], $0x80  }
0x1cc: {  	[sflag:s5] =	ssyncset.done $0x0  }
0x1cd: {  	[sflag:s5] =	ssyncadd.s32 $0xFFFFFF80  }
0x1ce: {  	s14 =	rddreg [dreg:$0x3]  }
0x1cf: {  	[tilespmem:s10], [sflag:$0x1] =	stream.indirect.gather [hbm4b:s14+s11], $0x80, s2, s11, $0xb8;
	[tilespmem:$0xB880] =	vst v63  }
0x1d0: {  	s26 =	rddreg [dreg:$0x8]  }
0x1d1: {  	[tilespmem:s11], [sflag:$0x4] =	stream.linear.gather [hbm4b:s26+s2], $0x80, $0x38;
	[tilespmem:$0xB880] =	vst v63  }
0x1d2: {  	_ =	swait.ge [sflag:s5], $0x80  }
0x1d3: {  	[sflag:s5] =	ssyncset.done $0x0  }
0x1d4: {  	[sflag:s5] =	ssyncadd.s32 $0xFFFFFF80  }
0x1d5: {  	s10 =	rddreg [dreg:$0x4]  }
0x1d6: {  	[tilespmem:s8], [sflag:$0x3] =	stream.indirect.gather [hbm4b:s10+s11], $0x1, s11, s11, $0xb8;
	[tilespmem:$0xB880] =	vst v63  }
0x1d7: {  	s29 =	rddreg [dreg:$0x9]  }
0x1d8: {  	[tilespmem:s12], [sflag:$0x4] =	stream.linear.gather [hbm4b:s29+s2], $0x700, $0x38;
	[tilespmem:$0xB880] =	vst v63  }
0x1d9: {  	_ =	swait.ge [sflag:s5], $0x700  }
0x1da: {  	[sflag:s5] =	ssyncset.done $0x0  }
0x1db: {  	[sflag:s5] =	ssyncadd.s32 $0xFFFFF900  }
0x1dc: {  	[tilespmem:s6], [sflag:$0x2] =	stream.indirect.gather [hbm4b:s9+s11], $0x10, s12, s11, $0xb8;
	[tilespmem:$0xB880] =	vst v63  }
0x1dd: {  	s0 =	simm.s32 $0x180;
	s1 =	simm.s32 $0x5000  }
0x1de: {  	[tilespmem:s1], [sflag:$0x2] =	stream.indirect.gather [hbm4b:s9+s11], $0x10, s0, s11, $0xb8;
	[tilespmem:$0xB880] =	vst v63  }
0x1df: {  	s31 =	simm.s32 $0x200;
	s3 =	simm.s32 $0x5800  }
0x1e0: {  	[tilespmem:s3], [sflag:$0x2] =	stream.indirect.gather [hbm4b:s9+s11], $0x10, s31, s11, $0xb8;
	[tilespmem:$0xB880] =	vst v63  }
0x1e1: {  	s4 =	simm.s32 $0x6000;
	s3 =	simm.s32 $0x280  }
0x1e2: {  	[tilespmem:s4], [sflag:$0x2] =	stream.indirect.gather [hbm4b:s9+s11], $0x10, s3, s11, $0xb8;
	[tilespmem:$0xB880] =	vst v63  }
0x1e3: {  	s8 =	simm.s32 $0x6800;
	s6 =	simm.s32 $0x300  }
0x1e4: {  	[tilespmem:s8], [sflag:$0x2] =	stream.indirect.gather [hbm4b:s9+s11], $0x10, s6, s11, $0xb8;
	[tilespmem:$0xB880] =	vst v63  }
0x1e5: {  	s13 =	simm.s32 $0x7000;
	s12 =	simm.s32 $0x380  }
0x1e6: {  	[tilespmem:s13], [sflag:$0x2] =	stream.indirect.gather [hbm4b:s9+s11], $0x10, s12, s11, $0xb8;
	[tilespmem:$0xB880] =	vst v63  }
0x1e7: {  	s15 =	simm.s32 $0x400;
	s16 =	simm.s32 $0x7800  }
0x1e8: {  	[tilespmem:s16], [sflag:$0x2] =	stream.indirect.gather [hbm4b:s9+s11], $0x10, s15, s11, $0xb8;
	[tilespmem:$0xB880] =	vst v63  }
0x1e9: {  	s17 =	simm.s32 $0x480;
	s18 =	simm.s32 $0x8000  }
0x1ea: {  	[tilespmem:s18], [sflag:$0x2] =	stream.indirect.gather [hbm4b:s9+s11], $0x10, s17, s11, $0xb8;
	[tilespmem:$0xB880] =	vst v63  }
0x1eb: {  	s21 =	simm.s32 $0x8800;
	s20 =	simm.s32 $0x500  }
0x1ec: {  	[tilespmem:s21], [sflag:$0x2] =	stream.indirect.gather [hbm4b:s9+s11], $0x10, s20, s11, $0xb8;
	[tilespmem:$0xB880] =	vst v63  }
0x1ed: {  	s22 =	simm.s32 $0x580;
	s23 =	simm.s32 $0x9000  }
0x1ee: {  	[tilespmem:s23], [sflag:$0x2] =	stream.indirect.gather [hbm4b:s9+s11], $0x10, s22, s11, $0xb8;
	[tilespmem:$0xB880] =	vst v63  }
0x1ef: {  	s24 =	simm.s32 $0x600;
	s31 =	simm.s32 $0x9800  }
0x1f0: {  	[tilespmem:s31], [sflag:$0x2] =	stream.indirect.gather [hbm4b:s9+s11], $0x10, s24, s11, $0xb8;
	[tilespmem:$0xB880] =	vst v63  }
0x1f1: {  	s12 =	simm.s32 $0x680;
	s20 =	simm.s32 $0xA000  }
0x1f2: {  	[tilespmem:s20], [sflag:$0x2] =	stream.indirect.gather [hbm4b:s9+s11], $0x10, s12, s11, $0xb8;
	[tilespmem:$0xB880] =	vst v63  }
0x1f3: {  	s21 =	simm.s32 $0x700;
	s22 =	simm.s32 $0xA800  }
0x1f4: {  	[tilespmem:s22], [sflag:$0x2] =	stream.indirect.gather [hbm4b:s9+s11], $0x10, s21, s11, $0xb8;
	[tilespmem:$0xB880] =	vst v63  }
0x1f5: {  	s0 =	simm.s32 $0x1;
	s23 =	simm.s32 $0x780;
	s24 =	simm.s32 $0xB000  }
0x1f6: {  	[tilespmem:s24], [sflag:$0x2] =	stream.indirect.gather [hbm4b:s9+s11], $0x10, s23, s11, $0xb8;
	[tilespmem:$0xB880] =	vst v63  }
0x1f7: {  	_ =	swait.ge [sflag:s0], $0x4000  }
0x1f8: {  	[sflag:s0] =	ssyncset.done $0x0  }
0x1f9: {  	s6 =	rddreg [dreg:$0xa];
	[sflag:s0] =	ssyncadd.s32 $0xFFFFC000  }
0x1fa: {  	[hbm4b:s6+s2] =	stream.linear.scatter [tilespmem:s25], [sflag:$0x4], $0x4000, $0x38;
	[tilespmem:$0xB880] =	vst v63  }
0x1fb: {  	_ =	swait.ge [sflag:s5], $0x4000  }
0x1fc: {  	[sflag:s5] =	ssyncset.done $0x0  }
0x1fd: {  	s13 =	simm.s32 $0x3;
	[sflag:s5] =	ssyncadd.s32 $0xFFFFC000  }
0x1fe: {  	_ =	swait.ge [sflag:s13], $0x80  }
0x1ff: {  	[sflag:s13] =	ssyncset.done $0x0  }
0x200: {  	s12 =	rddreg [dreg:$0xb];
	[sflag:s13] =	ssyncadd.s32 $0xFFFFFF80  }
0x201: {  	[hbm4b:s12+s2] =	stream.linear.scatter [tilespmem:s28], [sflag:$0x4], $0x80, $0x38;
	[tilespmem:$0xB880] =	vst v63  }
0x202: {  	_ =	swait.ge [sflag:s5], $0x80  }
0x203: {  	[sflag:s5] =	ssyncset.done $0x0  }
0x204: {  	[sflag:s5] =	ssyncadd.s32 $0xFFFFFF80  }
0x205: {  	_ =	swait.ge [sflag:s7], $0x800  }
0x206: {  	[sflag:s7] =	ssyncset.done $0x0  }
0x207: {  	[sflag:s7] =	ssyncadd.s32 $0xFFFFF800  }
0x208: {  	_ =	swait.ge [sflag:s7], $0x800  }
0x209: {  	[sflag:s7] =	ssyncset.done $0x0  }
0x20a: {  	[sflag:s7] =	ssyncadd.s32 $0xFFFFF800  }
0x20b: {  	_ =	swait.ge [sflag:s7], $0x800  }
0x20c: {  	[sflag:s7] =	ssyncset.done $0x0  }
0x20d: {  	[sflag:s7] =	ssyncadd.s32 $0xFFFFF800  }
0x20e: {  	_ =	swait.ge [sflag:s7], $0x800  }
0x20f: {  	[sflag:s7] =	ssyncset.done $0x0  }
0x210: {  	[sflag:s7] =	ssyncadd.s32 $0xFFFFF800  }
0x211: {  	_ =	swait.ge [sflag:s7], $0x800  }
0x212: {  	[sflag:s7] =	ssyncset.done $0x0  }
0x213: {  	[sflag:s7] =	ssyncadd.s32 $0xFFFFF800  }
0x214: {  	_ =	swait.ge [sflag:s7], $0x800  }
0x215: {  	[sflag:s7] =	ssyncset.done $0x0  }
0x216: {  	[sflag:s7] =	ssyncadd.s32 $0xFFFFF800  }
0x217: {  	_ =	swait.ge [sflag:s7], $0x800  }
0x218: {  	[sflag:s7] =	ssyncset.done $0x0  }
0x219: {  	[sflag:s7] =	ssyncadd.s32 $0xFFFFF800  }
0x21a: {  	_ =	swait.ge [sflag:s7], $0x800  }
0x21b: {  	[sflag:s7] =	ssyncset.done $0x0  }
0x21c: {  	[sflag:s7] =	ssyncadd.s32 $0xFFFFF800  }
0x21d: {  	_ =	swait.ge [sflag:s7], $0x800  }
0x21e: {  	[sflag:s7] =	ssyncset.done $0x0  }
0x21f: {  	[sflag:s7] =	ssyncadd.s32 $0xFFFFF800  }
0x220: {  	_ =	swait.ge [sflag:s7], $0x800  }
0x221: {  	[sflag:s7] =	ssyncset.done $0x0  }
0x222: {  	[sflag:s7] =	ssyncadd.s32 $0xFFFFF800  }
0x223: {  	_ =	swait.ge [sflag:s7], $0x800  }
0x224: {  	[sflag:s7] =	ssyncset.done $0x0  }
0x225: {  	[sflag:s7] =	ssyncadd.s32 $0xFFFFF800  }
0x226: {  	_ =	swait.ge [sflag:s7], $0x800  }
0x227: {  	[sflag:s7] =	ssyncset.done $0x0  }
0x228: {  	[sflag:s7] =	ssyncadd.s32 $0xFFFFF800  }
0x229: {  	_ =	swait.ge [sflag:s7], $0x800  }
0x22a: {  	[sflag:s7] =	ssyncset.done $0x0  }
0x22b: {  	[sflag:s7] =	ssyncadd.s32 $0xFFFFF800  }
0x22c: {  	_ =	swait.ge [sflag:s7], $0x800  }
0x22d: {  	[sflag:s7] =	ssyncset.done $0x0  }
0x22e: {  	s21 =	rddreg [dreg:$0xc];
	[sflag:s7] =	ssyncadd.s32 $0xFFFFF800  }
0x22f: {  	[hbm4b:s21+s2] =	stream.linear.scatter [tilespmem:s30], [sflag:$0x4], $0x7000, $0x38;
	[tilespmem:$0xB880] =	vst v63  }
0x230: {  	_ =	swait.ge [sflag:s5], $0x7000  }
0x231: {  	[sflag:s5] =	ssyncset.done $0x0  }
0x232: {  	s22 =	rddreg [dreg:$0xd];
	[sflag:s5] =	ssyncadd.s32 $0xFFFF9000  }
0x233: {  	[tilespmem:s2], [sflag:$0x4] =	stream.linear.gather [hbm4b:s22+s2], $0x80, $0x38;
	[tilespmem:$0xB880] =	vst v63  }
0x234: {  	_ =	swait.ge [sflag:s5], $0x80  }
0x235: {  	[sflag:s5] =	ssyncset.done $0x0  }
0x236: {  	[sflag:s5] =	ssyncadd.s32 $0xFFFFFF80  }
0x237: {  	[tilespmem:s25], [sflag:$0x1] =	stream.indirect.gather [hbm4b:s14+s11], $0x80, s2, s11, $0xb8;
	[tilespmem:$0xB880] =	vst v63  }
0x238: {  	s23 =	rddreg [dreg:$0xe]  }
0x239: {  	[tilespmem:s11], [sflag:$0x4] =	stream.linear.gather [hbm4b:s23+s2], $0x80, $0x38;
	[tilespmem:$0xB880] =	vst v63  }
0x23a: {  	_ =	swait.ge [sflag:s5], $0x80  }
0x23b: {  	[sflag:s5] =	ssyncset.done $0x0  }
0x23c: {  	[sflag:s5] =	ssyncadd.s32 $0xFFFFFF80  }
0x23d: {  	[tilespmem:s28], [sflag:$0x3] =	stream.indirect.gather [hbm4b:s10+s11], $0x1, s11, s11, $0xb8;
	[tilespmem:$0xB880] =	vst v63  }
0x23e: {  	s26 =	simm.s32 $0x100;
	s24 =	rddreg [dreg:$0xf]  }
0x23f: {  	[tilespmem:s26], [sflag:$0x4] =	stream.linear.gather [hbm4b:s24+s2], $0x700, $0x38;
	[tilespmem:$0xB880] =	vst v63  }
0x240: {  	_ =	swait.ge [sflag:s5], $0x700  }
0x241: {  	[sflag:s5] =	ssyncset.done $0x0  }
0x242: {  	[sflag:s5] =	ssyncadd.s32 $0xFFFFF900  }
0x243: {  	[tilespmem:s30], [sflag:$0x2] =	stream.indirect.gather [hbm4b:s9+s11], $0x10, s26, s11, $0xb8;
	[tilespmem:$0xB880] =	vst v63  }
0x244: {  	s1 =	simm.s32 $0x180;
	s6 =	simm.s32 $0x5000  }
0x245: {  	[tilespmem:s6], [sflag:$0x2] =	stream.indirect.gather [hbm4b:s9+s11], $0x10, s1, s11, $0xb8;
	[tilespmem:$0xB880] =	vst v63  }
0x246: {  	s23 =	simm.s32 $0x5800;
	s1 =	simm.s32 $0x200  }
0x247: {  	[tilespmem:s23], [sflag:$0x2] =	stream.indirect.gather [hbm4b:s9+s11], $0x10, s1, s11, $0xb8;
	[tilespmem:$0xB880] =	vst v63  }
0x248: {  	s29 =	simm.s32 $0x6000;
	s4 =	simm.s32 $0x280  }
0x249: {  	[tilespmem:s29], [sflag:$0x2] =	stream.indirect.gather [hbm4b:s9+s11], $0x10, s4, s11, $0xb8;
	[tilespmem:$0xB880] =	vst v63  }
0x24a: {  	s8 =	simm.s32 $0x300;
	s22 =	simm.s32 $0x6800  }
0x24b: {  	[tilespmem:s22], [sflag:$0x2] =	stream.indirect.gather [hbm4b:s9+s11], $0x10, s8, s11, $0xb8;
	[tilespmem:$0xB880] =	vst v63  }
0x24c: {  	s3 =	simm.s32 $0x380;
	s8 =	simm.s32 $0x7000  }
0x24d: {  	[tilespmem:s8], [sflag:$0x2] =	stream.indirect.gather [hbm4b:s9+s11], $0x10, s3, s11, $0xb8;
	[tilespmem:$0xB880] =	vst v63  }
0x24e: {  	s12 =	simm.s32 $0x7800;
	s29 =	simm.s32 $0x400  }
0x24f: {  	[tilespmem:s12], [sflag:$0x2] =	stream.indirect.gather [hbm4b:s9+s11], $0x10, s29, s11, $0xb8;
	[tilespmem:$0xB880] =	vst v63  }
0x250: {  	s15 =	simm.s32 $0x8000;
	s24 =	simm.s32 $0x480  }
0x251: {  	[tilespmem:s15], [sflag:$0x2] =	stream.indirect.gather [hbm4b:s9+s11], $0x10, s24, s11, $0xb8;
	[tilespmem:$0xB880] =	vst v63  }
0x252: {  	s16 =	simm.s32 $0x8800;
	s15 =	simm.s32 $0x500  }
0x253: {  	[tilespmem:s16], [sflag:$0x2] =	stream.indirect.gather [hbm4b:s9+s11], $0x10, s15, s11, $0xb8;
	[tilespmem:$0xB880] =	vst v63  }
0x254: {  	s18 =	simm.s32 $0x580;
	s21 =	simm.s32 $0x9000  }
0x255: {  	[tilespmem:s21], [sflag:$0x2] =	stream.indirect.gather [hbm4b:s9+s11], $0x10, s18, s11, $0xb8;
	[tilespmem:$0xB880] =	vst v63  }
0x256: {  	s17 =	simm.s32 $0x600;
	s18 =	simm.s32 $0x9800  }
0x257: {  	[tilespmem:s18], [sflag:$0x2] =	stream.indirect.gather [hbm4b:s9+s11], $0x10, s17, s11, $0xb8;
	[tilespmem:$0xB880] =	vst v63  }
0x258: {  	s31 =	simm.s32 $0x680;
	s17 =	simm.s32 $0xA000  }
0x259: {  	[tilespmem:s17], [sflag:$0x2] =	stream.indirect.gather [hbm4b:s9+s11], $0x10, s31, s11, $0xb8;
	[tilespmem:$0xB880] =	vst v63  }
0x25a: {  	s4 =	simm.s32 $0x700;
	s16 =	simm.s32 $0xA800  }
0x25b: {  	[tilespmem:s16], [sflag:$0x2] =	stream.indirect.gather [hbm4b:s9+s11], $0x10, s4, s11, $0xb8;
	[tilespmem:$0xB880] =	vst v63  }
0x25c: {  	s20 =	simm.s32 $0xB000;
	s31 =	simm.s32 $0x780  }
0x25d: {  	[tilespmem:s20], [sflag:$0x2] =	stream.indirect.gather [hbm4b:s9+s11], $0x10, s31, s11, $0xb8;
	[tilespmem:$0xB880] =	vst v63  }
0x25e: {  	_ =	swait.ge [sflag:s0], $0x4000  }
0x25f: {  	[sflag:s0] =	ssyncset.done $0x0  }
0x260: {  	s31 =	rddreg [dreg:$0x10];
	[sflag:s0] =	ssyncadd.s32 $0xFFFFC000  }
0x261: {  	[hbm4b:s31+s2] =	stream.linear.scatter [tilespmem:s25], [sflag:$0x4], $0x4000, $0x38;
	[tilespmem:$0xB880] =	vst v63  }
0x262: {  	_ =	swait.ge [sflag:s5], $0x4000  }
0x263: {  	[sflag:s5] =	ssyncset.done $0x0  }
0x264: {  	[sflag:s5] =	ssyncadd.s32 $0xFFFFC000  }
0x265: {  	_ =	swait.ge [sflag:s13], $0x80  }
0x266: {  	[sflag:s13] =	ssyncset.done $0x0  }
0x267: {  	s31 =	rddreg [dreg:$0x11];
	[sflag:s13] =	ssyncadd.s32 $0xFFFFFF80  }
0x268: {  	[hbm4b:s31+s2] =	stream.linear.scatter [tilespmem:s28], [sflag:$0x4], $0x80, $0x38;
	[tilespmem:$0xB880] =	vst v63  }
0x269: {  	_ =	swait.ge [sflag:s5], $0x80  }
0x26a: {  	[sflag:s5] =	ssyncset.done $0x0  }
0x26b: {  	[sflag:s5] =	ssyncadd.s32 $0xFFFFFF80  }
0x26c: {  	_ =	swait.ge [sflag:s7], $0x800  }
0x26d: {  	[sflag:s7] =	ssyncset.done $0x0  }
0x26e: {  	[sflag:s7] =	ssyncadd.s32 $0xFFFFF800  }
0x26f: {  	_ =	swait.ge [sflag:s7], $0x800  }
0x270: {  	[sflag:s7] =	ssyncset.done $0x0  }
0x271: {  	[sflag:s7] =	ssyncadd.s32 $0xFFFFF800  }
0x272: {  	_ =	swait.ge [sflag:s7], $0x800  }
0x273: {  	[sflag:s7] =	ssyncset.done $0x0  }
0x274: {  	[sflag:s7] =	ssyncadd.s32 $0xFFFFF800  }
0x275: {  	_ =	swait.ge [sflag:s7], $0x800  }
0x276: {  	[sflag:s7] =	ssyncset.done $0x0  }
0x277: {  	[sflag:s7] =	ssyncadd.s32 $0xFFFFF800  }
0x278: {  	_ =	swait.ge [sflag:s7], $0x800  }
0x279: {  	[sflag:s7] =	ssyncset.done $0x0  }
0x27a: {  	[sflag:s7] =	ssyncadd.s32 $0xFFFFF800  }
0x27b: {  	_ =	swait.ge [sflag:s7], $0x800  }
0x27c: {  	[sflag:s7] =	ssyncset.done $0x0  }
0x27d: {  	[sflag:s7] =	ssyncadd.s32 $0xFFFFF800  }
0x27e: {  	_ =	swait.ge [sflag:s7], $0x800  }
0x27f: {  	[sflag:s7] =	ssyncset.done $0x0  }
0x280: {  	[sflag:s7] =	ssyncadd.s32 $0xFFFFF800  }
0x281: {  	_ =	swait.ge [sflag:s7], $0x800  }
0x282: {  	[sflag:s7] =	ssyncset.done $0x0  }
0x283: {  	[sflag:s7] =	ssyncadd.s32 $0xFFFFF800  }
0x284: {  	_ =	swait.ge [sflag:s7], $0x800  }
0x285: {  	[sflag:s7] =	ssyncset.done $0x0  }
0x286: {  	[sflag:s7] =	ssyncadd.s32 $0xFFFFF800  }
0x287: {  	_ =	swait.ge [sflag:s7], $0x800  }
0x288: {  	[sflag:s7] =	ssyncset.done $0x0  }
0x289: {  	[sflag:s7] =	ssyncadd.s32 $0xFFFFF800  }
0x28a: {  	_ =	swait.ge [sflag:s7], $0x800  }
0x28b: {  	[sflag:s7] =	ssyncset.done $0x0  }
0x28c: {  	[sflag:s7] =	ssyncadd.s32 $0xFFFFF800  }
0x28d: {  	_ =	swait.ge [sflag:s7], $0x800  }
0x28e: {  	[sflag:s7] =	ssyncset.done $0x0  }
0x28f: {  	[sflag:s7] =	ssyncadd.s32 $0xFFFFF800  }
0x290: {  	_ =	swait.ge [sflag:s7], $0x800  }
0x291: {  	[sflag:s7] =	ssyncset.done $0x0  }
0x292: {  	[sflag:s7] =	ssyncadd.s32 $0xFFFFF800  }
0x293: {  	_ =	swait.ge [sflag:s7], $0x800  }
0x294: {  	[sflag:s7] =	ssyncset.done $0x0  }
0x295: {  	s0 =	rddreg [dreg:$0x12];
	[sflag:s7] =	ssyncadd.s32 $0xFFFFF800  }
0x296: {  	[hbm4b:s0+s2] =	stream.linear.scatter [tilespmem:s30], [sflag:$0x4], $0x7000, $0x38;
	[tilespmem:$0xB880] =	vst v63  }
0x297: {  	_ =	swait.ge [sflag:s5], $0x7000  }
0x298: {  	[sflag:s5] =	ssyncset.done $0x0  }
0x299: {  	s31 =	rddreg [dreg:$0x13];
	[sflag:s5] =	ssyncadd.s32 $0xFFFF9000  }
0x29a: {  	[tilespmem:s2], [sflag:$0x4] =	stream.linear.gather [hbm4b:s31+s2], $0x80, $0x38;
	[tilespmem:$0xB880] =	vst v63  }
0x29b: {  	_ =	swait.ge [sflag:s5], $0x80  }
0x29c: {  	[sflag:s5] =	ssyncset.done $0x0  }
0x29d: {  	[sflag:s5] =	ssyncadd.s32 $0xFFFFFF80  }
0x29e: {  	[tilespmem:s25], [sflag:$0x1] =	stream.indirect.gather [hbm4b:s14+s11], $0x80, s2, s11, $0xb8;
	[tilespmem:$0xB880] =	vst v63  }
0x29f: {  	s0 =	rddreg [dreg:$0x14]  }
0x2a0: {  	[tilespmem:s11], [sflag:$0x4] =	stream.linear.gather [hbm4b:s0+s2], $0x80, $0x38;
	[tilespmem:$0xB880] =	vst v63  }
0x2a1: {  	_ =	swait.ge [sflag:s5], $0x80  }
0x2a2: {  	[sflag:s5] =	ssyncset.done $0x0  }
0x2a3: {  	[sflag:s5] =	ssyncadd.s32 $0xFFFFFF80  }
0x2a4: {  	[tilespmem:s28], [sflag:$0x3] =	stream.indirect.gather [hbm4b:s10+s11], $0x1, s11, s11, $0xb8;
	[tilespmem:$0xB880] =	vst v63  }
0x2a5: {  	s0 =	rddreg [dreg:$0x15]  }
0x2a6: {  	[tilespmem:s26], [sflag:$0x4] =	stream.linear.gather [hbm4b:s0+s2], $0x700, $0x38;
	[tilespmem:$0xB880] =	vst v63  }
0x2a7: {  	_ =	swait.ge [sflag:s5], $0x700  }
0x2a8: {  	[sflag:s5] =	ssyncset.done $0x0  }
0x2a9: {  	[sflag:s5] =	ssyncadd.s32 $0xFFFFF900  }
0x2aa: {  	[tilespmem:s30], [sflag:$0x2] =	stream.indirect.gather [hbm4b:s9+s11], $0x10, s26, s11, $0xb8;
	[tilespmem:$0xB880] =	vst v63  }
0x2ab: {  	s0 =	simm.s32 $0x180  }
0x2ac: {  	[tilespmem:s6], [sflag:$0x2] =	stream.indirect.gather [hbm4b:s9+s11], $0x10, s0, s11, $0xb8;
	[tilespmem:$0xB880] =	vst v63  }
0x2ad: {  	_ = 	snop  }
0x2ae: {  	[tilespmem:s23], [sflag:$0x2] =	stream.indirect.gather [hbm4b:s9+s11], $0x10, s1, s11, $0xb8;
	[tilespmem:$0xB880] =	vst v63  }
0x2af: {  	s20 =	simm.s32 $0x6000;
	s23 =	simm.s32 $0x280  }
0x2b0: {  	[tilespmem:s20], [sflag:$0x2] =	stream.indirect.gather [hbm4b:s9+s11], $0x10, s23, s11, $0xb8;
	[tilespmem:$0xB880] =	vst v63  }
0x2b1: {  	s23 =	simm.s32 $0x300  }
0x2b2: {  	[tilespmem:s22], [sflag:$0x2] =	stream.indirect.gather [hbm4b:s9+s11], $0x10, s23, s11, $0xb8;
	[tilespmem:$0xB880] =	vst v63  }
0x2b3: {  	_ = 	snop  }
0x2b4: {  	[tilespmem:s8], [sflag:$0x2] =	stream.indirect.gather [hbm4b:s9+s11], $0x10, s3, s11, $0xb8;
	[tilespmem:$0xB880] =	vst v63  }
0x2b5: {  	_ = 	snop  }
0x2b6: {  	[tilespmem:s12], [sflag:$0x2] =	stream.indirect.gather [hbm4b:s9+s11], $0x10, s29, s11, $0xb8;
	[tilespmem:$0xB880] =	vst v63  }
0x2b7: {  	s20 =	simm.s32 $0x8000  }
0x2b8: {  	[tilespmem:s20], [sflag:$0x2] =	stream.indirect.gather [hbm4b:s9+s11], $0x10, s24, s11, $0xb8;
	[tilespmem:$0xB880] =	vst v63  }
0x2b9: {  	s31 =	smov.u32 s14;
	s14 =	smov.u32 s10;
	s10 =	simm.s32 $0x8800  }
0x2ba: {  	[tilespmem:s10], [sflag:$0x2] =	stream.indirect.gather [hbm4b:s9+s11], $0x10, s15, s11, $0xb8;
	[tilespmem:$0xB880] =	vst v63  }
0x2bb: {  	s12 =	simm.s32 $0x580  }
0x2bc: {  	[tilespmem:s21], [sflag:$0x2] =	stream.indirect.gather [hbm4b:s9+s11], $0x10, s12, s11, $0xb8;
	[tilespmem:$0xB880] =	vst v63  }
0x2bd: {  	s20 =	simm.s32 $0x600  }
0x2be: {  	[tilespmem:s18], [sflag:$0x2] =	stream.indirect.gather [hbm4b:s9+s11], $0x10, s20, s11, $0xb8;
	[tilespmem:$0xB880] =	vst v63  }
0x2bf: {  	s10 =	simm.s32 $0x680  }
0x2c0: {  	[tilespmem:s17], [sflag:$0x2] =	stream.indirect.gather [hbm4b:s9+s11], $0x10, s10, s11, $0xb8;
	[tilespmem:$0xB880] =	vst v63  }
0x2c1: {  	_ = 	snop  }
0x2c2: {  	[tilespmem:s16], [sflag:$0x2] =	stream.indirect.gather [hbm4b:s9+s11], $0x10, s4, s11, $0xb8;
	[tilespmem:$0xB880] =	vst v63  }
0x2c3: {  	s13 =	simm.s32 $0x1;
	s12 =	simm.s32 $0x780;
	s20 =	simm.s32 $0xB000  }
0x2c4: {  	[tilespmem:s20], [sflag:$0x2] =	stream.indirect.gather [hbm4b:s9+s11], $0x10, s12, s11, $0xb8;
	[tilespmem:$0xB880] =	vst v63  }
0x2c5: {  	_ =	swait.ge [sflag:s13], $0x4000  }
0x2c6: {  	[sflag:s13] =	ssyncset.done $0x0  }
0x2c7: {  	s8 =	rddreg [dreg:$0x16];
	[sflag:s13] =	ssyncadd.s32 $0xFFFFC000  }
0x2c8: {  	[hbm4b:s8+s2] =	stream.linear.scatter [tilespmem:s25], [sflag:$0x4], $0x4000, $0x38;
	[tilespmem:$0xB880] =	vst v63  }
0x2c9: {  	_ =	swait.ge [sflag:s5], $0x4000  }
0x2ca: {  	[sflag:s5] =	ssyncset.done $0x0  }
0x2cb: {  	s26 =	simm.s32 $0x3;
	[sflag:s5] =	ssyncadd.s32 $0xFFFFC000  }
0x2cc: {  	_ =	swait.ge [sflag:s26], $0x80  }
0x2cd: {  	[sflag:s26] =	ssyncset.done $0x0  }
0x2ce: {  	s10 =	rddreg [dreg:$0x17];
	[sflag:s26] =	ssyncadd.s32 $0xFFFFFF80  }
0x2cf: {  	[hbm4b:s10+s2] =	stream.linear.scatter [tilespmem:s28], [sflag:$0x4], $0x80, $0x38;
	[tilespmem:$0xB880] =	vst v63  }
0x2d0: {  	_ =	swait.ge [sflag:s5], $0x80  }
0x2d1: {  	[sflag:s5] =	ssyncset.done $0x0  }
0x2d2: {  	[sflag:s5] =	ssyncadd.s32 $0xFFFFFF80  }
0x2d3: {  	_ =	swait.ge [sflag:s7], $0x800  }
0x2d4: {  	[sflag:s7] =	ssyncset.done $0x0  }
0x2d5: {  	[sflag:s7] =	ssyncadd.s32 $0xFFFFF800  }
0x2d6: {  	_ =	swait.ge [sflag:s7], $0x800  }
0x2d7: {  	[sflag:s7] =	ssyncset.done $0x0  }
0x2d8: {  	[sflag:s7] =	ssyncadd.s32 $0xFFFFF800  }
0x2d9: {  	_ =	swait.ge [sflag:s7], $0x800  }
0x2da: {  	[sflag:s7] =	ssyncset.done $0x0  }
0x2db: {  	[sflag:s7] =	ssyncadd.s32 $0xFFFFF800  }
0x2dc: {  	_ =	swait.ge [sflag:s7], $0x800  }
0x2dd: {  	[sflag:s7] =	ssyncset.done $0x0  }
0x2de: {  	[sflag:s7] =	ssyncadd.s32 $0xFFFFF800  }
0x2df: {  	_ =	swait.ge [sflag:s7], $0x800  }
0x2e0: {  	[sflag:s7] =	ssyncset.done $0x0  }
0x2e1: {  	[sflag:s7] =	ssyncadd.s32 $0xFFFFF800  }
0x2e2: {  	_ =	swait.ge [sflag:s7], $0x800  }
0x2e3: {  	[sflag:s7] =	ssyncset.done $0x0  }
0x2e4: {  	[sflag:s7] =	ssyncadd.s32 $0xFFFFF800  }
0x2e5: {  	_ =	swait.ge [sflag:s7], $0x800  }
0x2e6: {  	[sflag:s7] =	ssyncset.done $0x0  }
0x2e7: {  	[sflag:s7] =	ssyncadd.s32 $0xFFFFF800  }
0x2e8: {  	_ =	swait.ge [sflag:s7], $0x800  }
0x2e9: {  	[sflag:s7] =	ssyncset.done $0x0  }
0x2ea: {  	[sflag:s7] =	ssyncadd.s32 $0xFFFFF800  }
0x2eb: {  	_ =	swait.ge [sflag:s7], $0x800  }
0x2ec: {  	[sflag:s7] =	ssyncset.done $0x0  }
0x2ed: {  	[sflag:s7] =	ssyncadd.s32 $0xFFFFF800  }
0x2ee: {  	_ =	swait.ge [sflag:s7], $0x800  }
0x2ef: {  	[sflag:s7] =	ssyncset.done $0x0  }
0x2f0: {  	[sflag:s7] =	ssyncadd.s32 $0xFFFFF800  }
0x2f1: {  	_ =	swait.ge [sflag:s7], $0x800  }
0x2f2: {  	[sflag:s7] =	ssyncset.done $0x0  }
0x2f3: {  	[sflag:s7] =	ssyncadd.s32 $0xFFFFF800  }
0x2f4: {  	_ =	swait.ge [sflag:s7], $0x800  }
0x2f5: {  	[sflag:s7] =	ssyncset.done $0x0  }
0x2f6: {  	[sflag:s7] =	ssyncadd.s32 $0xFFFFF800  }
0x2f7: {  	_ =	swait.ge [sflag:s7], $0x800  }
0x2f8: {  	[sflag:s7] =	ssyncset.done $0x0  }
0x2f9: {  	[sflag:s7] =	ssyncadd.s32 $0xFFFFF800  }
0x2fa: {  	_ =	swait.ge [sflag:s7], $0x800  }
0x2fb: {  	[sflag:s7] =	ssyncset.done $0x0  }
0x2fc: {  	s12 =	rddreg [dreg:$0x18];
	[sflag:s7] =	ssyncadd.s32 $0xFFFFF800  }
0x2fd: {  	[hbm4b:s12+s2] =	stream.linear.scatter [tilespmem:s30], [sflag:$0x4], $0x7000, $0x38;
	[tilespmem:$0xB880] =	vst v63  }
0x2fe: {  	_ =	swait.ge [sflag:s5], $0x7000  }
0x2ff: {  	[sflag:s5] =	ssyncset.done $0x0  }
0x300: {  	s8 =	rddreg [dreg:$0x19];
	[sflag:s5] =	ssyncadd.s32 $0xFFFF9000  }
0x301: {  	[tilespmem:s2], [sflag:$0x4] =	stream.linear.gather [hbm4b:s8+s2], $0x80, $0x38;
	[tilespmem:$0xB880] =	vst v63  }
0x302: {  	_ =	swait.ge [sflag:s5], $0x80  }
0x303: {  	[sflag:s5] =	ssyncset.done $0x0  }
0x304: {  	[sflag:s5] =	ssyncadd.s32 $0xFFFFFF80  }
0x305: {  	[tilespmem:s25], [sflag:$0x1] =	stream.indirect.gather [hbm4b:s31+s11], $0x80, s2, s11, $0xb8;
	[tilespmem:$0xB880] =	vst v63  }
0x306: {  	s10 =	rddreg [dreg:$0x1a]  }
0x307: {  	[tilespmem:s11], [sflag:$0x4] =	stream.linear.gather [hbm4b:s10+s2], $0x80, $0x38;
	[tilespmem:$0xB880] =	vst v63  }
0x308: {  	_ =	swait.ge [sflag:s5], $0x80  }
0x309: {  	[sflag:s5] =	ssyncset.done $0x0  }
0x30a: {  	[sflag:s5] =	ssyncadd.s32 $0xFFFFFF80  }
0x30b: {  	[tilespmem:s28], [sflag:$0x3] =	stream.indirect.gather [hbm4b:s14+s11], $0x1, s11, s11, $0xb8;
	[tilespmem:$0xB880] =	vst v63  }
0x30c: {  	s12 =	simm.s32 $0x100;
	s31 =	rddreg [dreg:$0x1b]  }
0x30d: {  	[tilespmem:s12], [sflag:$0x4] =	stream.linear.gather [hbm4b:s31+s2], $0x700, $0x38;
	[tilespmem:$0xB880] =	vst v63  }
0x30e: {  	_ =	swait.ge [sflag:s5], $0x700  }
0x30f: {  	[sflag:s5] =	ssyncset.done $0x0  }
0x310: {  	[sflag:s5] =	ssyncadd.s32 $0xFFFFF900  }
0x311: {  	[tilespmem:s30], [sflag:$0x2] =	stream.indirect.gather [hbm4b:s9+s11], $0x10, s12, s11, $0xb8;
	[tilespmem:$0xB880] =	vst v63  }
0x312: {  	s6 =	simm.s32 $0x5000  }
0x313: {  	[tilespmem:s6], [sflag:$0x2] =	stream.indirect.gather [hbm4b:s9+s11], $0x10, s0, s11, $0xb8;
	[tilespmem:$0xB880] =	vst v63  }
0x314: {  	s1 =	simm.s32 $0x5800;
	s6 =	simm.s32 $0x200  }
0x315: {  	[tilespmem:s1], [sflag:$0x2] =	stream.indirect.gather [hbm4b:s9+s11], $0x10, s6, s11, $0xb8;
	[tilespmem:$0xB880] =	vst v63  }
0x316: {  	s20 =	simm.s32 $0x6000;
	s14 =	simm.s32 $0x280  }
0x317: {  	[tilespmem:s20], [sflag:$0x2] =	stream.indirect.gather [hbm4b:s9+s11], $0x10, s14, s11, $0xb8;
	[tilespmem:$0xB880] =	vst v63  }
0x318: {  	s23 =	simm.s32 $0x6800;
	s31 =	simm.s32 $0x300  }
0x319: {  	[tilespmem:s23], [sflag:$0x2] =	stream.indirect.gather [hbm4b:s9+s11], $0x10, s31, s11, $0xb8;
	[tilespmem:$0xB880] =	vst v63  }
0x31a: {  	s3 =	simm.s32 $0x7000;
	s1 =	simm.s32 $0x380  }
0x31b: {  	[tilespmem:s3], [sflag:$0x2] =	stream.indirect.gather [hbm4b:s9+s11], $0x10, s1, s11, $0xb8;
	[tilespmem:$0xB880] =	vst v63  }
0x31c: {  	s22 =	simm.s32 $0x7800;
	s29 =	simm.s32 $0x400  }
0x31d: {  	[tilespmem:s22], [sflag:$0x2] =	stream.indirect.gather [hbm4b:s9+s11], $0x10, s29, s11, $0xb8;
	[tilespmem:$0xB880] =	vst v63  }
0x31e: {  	s24 =	simm.s32 $0x480;
	s6 =	simm.s32 $0x8000  }
0x31f: {  	[tilespmem:s6], [sflag:$0x2] =	stream.indirect.gather [hbm4b:s9+s11], $0x10, s24, s11, $0xb8;
	[tilespmem:$0xB880] =	vst v63  }
0x320: {  	s15 =	simm.s32 $0x500;
	s14 =	simm.s32 $0x8800  }
0x321: {  	[tilespmem:s14], [sflag:$0x2] =	stream.indirect.gather [hbm4b:s9+s11], $0x10, s15, s11, $0xb8;
	[tilespmem:$0xB880] =	vst v63  }
0x322: {  	s21 =	simm.s32 $0x9000;
	s15 =	simm.s32 $0x580  }
0x323: {  	[tilespmem:s21], [sflag:$0x2] =	stream.indirect.gather [hbm4b:s9+s11], $0x10, s15, s11, $0xb8;
	[tilespmem:$0xB880] =	vst v63  }
0x324: {  	s18 =	simm.s32 $0x9800;
	s20 =	simm.s32 $0x600  }
0x325: {  	[tilespmem:s18], [sflag:$0x2] =	stream.indirect.gather [hbm4b:s9+s11], $0x10, s20, s11, $0xb8;
	[tilespmem:$0xB880] =	vst v63  }
0x326: {  	s17 =	simm.s32 $0xA000;
	s21 =	simm.s32 $0x680  }
0x327: {  	[tilespmem:s17], [sflag:$0x2] =	stream.indirect.gather [hbm4b:s9+s11], $0x10, s21, s11, $0xb8;
	[tilespmem:$0xB880] =	vst v63  }
0x328: {  	s16 =	simm.s32 $0xA800;
	s22 =	simm.s32 $0x700  }
0x329: {  	[tilespmem:s16], [sflag:$0x2] =	stream.indirect.gather [hbm4b:s9+s11], $0x10, s22, s11, $0xb8;
	[tilespmem:$0xB880] =	vst v63  }
0x32a: {  	s4 =	simm.s32 $0x780;
	s23 =	simm.s32 $0xB000  }
0x32b: {  	[tilespmem:s23], [sflag:$0x2] =	stream.indirect.gather [hbm4b:s9+s11], $0x10, s4, s11, $0xb8;
	[tilespmem:$0xB880] =	vst v63  }
0x32c: {  	_ =	swait.ge [sflag:s13], $0x4000  }
0x32d: {  	[sflag:s13] =	ssyncset.done $0x0  }
0x32e: {  	s10 =	simm.s32 $0x800;
	s24 =	rddreg [dreg:$0x1c];
	[sflag:s13] =	ssyncadd.s32 $0xFFFFC000  }
0x32f: {  	[hbm4b:s24+s2] =	stream.linear.scatter [tilespmem:s10], [sflag:$0x4], $0x4000, $0x38;
	[tilespmem:$0xB880] =	vst v63  }
0x330: {  	_ =	swait.ge [sflag:s5], $0x4000  }
0x331: {  	[sflag:s5] =	ssyncset.done $0x0  }
0x332: {  	[sflag:s5] =	ssyncadd.s32 $0xFFFFC000  }
0x333: {  	_ =	swait.ge [sflag:s26], $0x80  }
0x334: {  	[sflag:s26] =	ssyncset.done $0x0  }
0x335: {  	s8 =	simm.s32 $0xB800;
	s29 =	rddreg [dreg:$0x1d];
	[sflag:s26] =	ssyncadd.s32 $0xFFFFFF80  }
0x336: {  	[hbm4b:s29+s2] =	stream.linear.scatter [tilespmem:s8], [sflag:$0x4], $0x80, $0x38;
	[tilespmem:$0xB880] =	vst v63  }
0x337: {  	_ =	swait.ge [sflag:s5], $0x80  }
0x338: {  	[sflag:s5] =	ssyncset.done $0x0  }
0x339: {  	[sflag:s5] =	ssyncadd.s32 $0xFFFFFF80  }
0x33a: {  	_ =	swait.ge [sflag:s7], $0x800  }
0x33b: {  	[sflag:s7] =	ssyncset.done $0x0  }
0x33c: {  	[sflag:s7] =	ssyncadd.s32 $0xFFFFF800  }
0x33d: {  	_ =	swait.ge [sflag:s7], $0x800  }
0x33e: {  	[sflag:s7] =	ssyncset.done $0x0  }
0x33f: {  	[sflag:s7] =	ssyncadd.s32 $0xFFFFF800  }
0x340: {  	_ =	swait.ge [sflag:s7], $0x800  }
0x341: {  	[sflag:s7] =	ssyncset.done $0x0  }
0x342: {  	[sflag:s7] =	ssyncadd.s32 $0xFFFFF800  }
0x343: {  	_ =	swait.ge [sflag:s7], $0x800  }
0x344: {  	[sflag:s7] =	ssyncset.done $0x0  }
0x345: {  	[sflag:s7] =	ssyncadd.s32 $0xFFFFF800  }
0x346: {  	_ =	swait.ge [sflag:s7], $0x800  }
0x347: {  	[sflag:s7] =	ssyncset.done $0x0  }
0x348: {  	[sflag:s7] =	ssyncadd.s32 $0xFFFFF800  }
0x349: {  	_ =	swait.ge [sflag:s7], $0x800  }
0x34a: {  	[sflag:s7] =	ssyncset.done $0x0  }
0x34b: {  	[sflag:s7] =	ssyncadd.s32 $0xFFFFF800  }
0x34c: {  	_ =	swait.ge [sflag:s7], $0x800  }
0x34d: {  	[sflag:s7] =	ssyncset.done $0x0  }
0x34e: {  	[sflag:s7] =	ssyncadd.s32 $0xFFFFF800  }
0x34f: {  	_ =	swait.ge [sflag:s7], $0x800  }
0x350: {  	[sflag:s7] =	ssyncset.done $0x0  }
0x351: {  	[sflag:s7] =	ssyncadd.s32 $0xFFFFF800  }
0x352: {  	_ =	swait.ge [sflag:s7], $0x800  }
0x353: {  	[sflag:s7] =	ssyncset.done $0x0  }
0x354: {  	[sflag:s7] =	ssyncadd.s32 $0xFFFFF800  }
0x355: {  	_ =	swait.ge [sflag:s7], $0x800  }
0x356: {  	[sflag:s7] =	ssyncset.done $0x0  }
0x357: {  	[sflag:s7] =	ssyncadd.s32 $0xFFFFF800  }
0x358: {  	_ =	swait.ge [sflag:s7], $0x800  }
0x359: {  	[sflag:s7] =	ssyncset.done $0x0  }
0x35a: {  	[sflag:s7] =	ssyncadd.s32 $0xFFFFF800  }
0x35b: {  	_ =	swait.ge [sflag:s7], $0x800  }
0x35c: {  	[sflag:s7] =	ssyncset.done $0x0  }
0x35d: {  	[sflag:s7] =	ssyncadd.s32 $0xFFFFF800  }
0x35e: {  	_ =	swait.ge [sflag:s7], $0x800  }
0x35f: {  	[sflag:s7] =	ssyncset.done $0x0  }
0x360: {  	[sflag:s7] =	ssyncadd.s32 $0xFFFFF800  }
0x361: {  	p1 =	sne.s32 s19, $0x1;
	_ =	swait.ge [sflag:s7], $0x800  }
.Ltmp2:
0x362: {  	[sflag:s7] =	ssyncset.done $0x0;
	(pc) =	sbr.rel @p1 .LBB2_4-.Ltmp2, $4  }
0x363: {  	s6 =	simm.s32 $0x4800;
	s31 =	rddreg [dreg:$0x1e];
	[sflag:s7] =	ssyncadd.s32 $0xFFFFF800  }
0x364: {  	[hbm4b:s31+s2] =	stream.linear.scatter [tilespmem:s6], [sflag:$0x4], $0x7000, $0x38;
	[tilespmem:$0xB880] =	vst v63  }
0x365: {  	_ =	swait.ge [sflag:s5], $0x7000  }
0x366: {  	s19 =	sadd.s32 $0xFFFFFFFF, s19;
	s20 =	rddreg [dreg:$0x7];
	[sflag:s5] =	ssyncset.done $0x0  }
0x367: {  	s22 =	rddreg [dreg:$0x3]  }
0x368: {  	s21 =	rddreg [dreg:$0x4]  }
.LBB2_6:
0x369: {  	[sflag:s5] =	ssyncadd.s32 @p0 $0xFFFF9000  }
0x36a: {  	[tilespmem:s2], [sflag:$0x4] =	stream.linear.gather [hbm4b:s20+s2], $0x80, $0x38;
	[tilespmem:$0xB880] =	vst v63  }
0x36b: {  	_ =	swait.ge [sflag:s5], $0x80  }
0x36c: {  	[sflag:s5] =	ssyncset.done $0x0  }
0x36d: {  	[sflag:s5] =	ssyncadd.s32 $0xFFFFFF80  }
0x36e: {  	[tilespmem:s10], [sflag:$0x1] =	stream.indirect.gather [hbm4b:s22+s11], $0x80, s2, s11, $0xb8;
	[tilespmem:$0xB880] =	vst v63  }
0x36f: {  	s19 =	rddreg [dreg:$0x8]  }
0x370: {  	[tilespmem:s11], [sflag:$0x4] =	stream.linear.gather [hbm4b:s19+s2], $0x80, $0x38;
	[tilespmem:$0xB880] =	vst v63  }
0x371: {  	_ =	swait.ge [sflag:s5], $0x80  }
0x372: {  	[sflag:s5] =	ssyncset.done $0x0  }
0x373: {  	[sflag:s5] =	ssyncadd.s32 $0xFFFFFF80  }
0x374: {  	[tilespmem:s8], [sflag:$0x3] =	stream.indirect.gather [hbm4b:s21+s11], $0x1, s11, s11, $0xb8;
	[tilespmem:$0xB880] =	vst v63  }
0x375: {  	s28 =	rddreg [dreg:$0x9]  }
0x376: {  	[tilespmem:s12], [sflag:$0x4] =	stream.linear.gather [hbm4b:s28+s2], $0x700, $0x38;
	[tilespmem:$0xB880] =	vst v63  }
0x377: {  	_ =	swait.ge [sflag:s5], $0x700  }
0x378: {  	[sflag:s5] =	ssyncset.done $0x0  }
0x379: {  	[sflag:s5] =	ssyncadd.s32 $0xFFFFF900  }
0x37a: {  	[tilespmem:s6], [sflag:$0x2] =	stream.indirect.gather [hbm4b:s9+s11], $0x10, s12, s11, $0xb8;
	[tilespmem:$0xB880] =	vst v63  }
0x37b: {  	s0 =	simm.s32 $0x180;
	s1 =	simm.s32 $0x5000  }
0x37c: {  	[tilespmem:s1], [sflag:$0x2] =	stream.indirect.gather [hbm4b:s9+s11], $0x10, s0, s11, $0xb8;
	[tilespmem:$0xB880] =	vst v63  }
0x37d: {  	s29 =	simm.s32 $0x200;
	s3 =	simm.s32 $0x5800  }
0x37e: {  	[tilespmem:s3], [sflag:$0x2] =	stream.indirect.gather [hbm4b:s9+s11], $0x10, s29, s11, $0xb8;
	[tilespmem:$0xB880] =	vst v63  }
0x37f: {  	s30 =	simm.s32 $0x280;
	s31 =	simm.s32 $0x6000  }
0x380: {  	[tilespmem:s31], [sflag:$0x2] =	stream.indirect.gather [hbm4b:s9+s11], $0x10, s30, s11, $0xb8;
	[tilespmem:$0xB880] =	vst v63  }
0x381: {  	s15 =	simm.s32 $0x6800;
	s3 =	simm.s32 $0x300  }
0x382: {  	[tilespmem:s15], [sflag:$0x2] =	stream.indirect.gather [hbm4b:s9+s11], $0x10, s3, s11, $0xb8;
	[tilespmem:$0xB880] =	vst v63  }
0x383: {  	s16 =	simm.s32 $0x380;
	s17 =	simm.s32 $0x7000  }
0x384: {  	[tilespmem:s17], [sflag:$0x2] =	stream.indirect.gather [hbm4b:s9+s11], $0x10, s16, s11, $0xb8;
	[tilespmem:$0xB880] =	vst v63  }
0x385: {  	s18 =	simm.s32 $0x400;
	s19 =	simm.s32 $0x7800  }
0x386: {  	[tilespmem:s19], [sflag:$0x2] =	stream.indirect.gather [hbm4b:s9+s11], $0x10, s18, s11, $0xb8;
	[tilespmem:$0xB880] =	vst v63  }
0x387: {  	s23 =	simm.s32 $0x8000;
	s20 =	smov.u32 s21;
	s21 =	simm.s32 $0x480  }
0x388: {  	[tilespmem:s23], [sflag:$0x2] =	stream.indirect.gather [hbm4b:s9+s11], $0x10, s21, s11, $0xb8;
	[tilespmem:$0xB880] =	vst v63  }
0x389: {  	s24 =	simm.s32 $0x500;
	s25 =	simm.s32 $0x8800  }
0x38a: {  	[tilespmem:s25], [sflag:$0x2] =	stream.indirect.gather [hbm4b:s9+s11], $0x10, s24, s11, $0xb8;
	[tilespmem:$0xB880] =	vst v63  }
0x38b: {  	s28 =	simm.s32 $0x580;
	s29 =	simm.s32 $0x9000  }
0x38c: {  	[tilespmem:s29], [sflag:$0x2] =	stream.indirect.gather [hbm4b:s9+s11], $0x10, s28, s11, $0xb8;
	[tilespmem:$0xB880] =	vst v63  }
0x38d: {  	s30 =	simm.s32 $0x600;
	s31 =	simm.s32 $0x9800  }
0x38e: {  	[tilespmem:s31], [sflag:$0x2] =	stream.indirect.gather [hbm4b:s9+s11], $0x10, s30, s11, $0xb8;
	[tilespmem:$0xB880] =	vst v63  }
0x38f: {  	s16 =	simm.s32 $0x680;
	s17 =	simm.s32 $0xA000  }
0x390: {  	[tilespmem:s17], [sflag:$0x2] =	stream.indirect.gather [hbm4b:s9+s11], $0x10, s16, s11, $0xb8;
	[tilespmem:$0xB880] =	vst v63  }
0x391: {  	s18 =	simm.s32 $0x700;
	s19 =	simm.s32 $0xA800  }
0x392: {  	[tilespmem:s19], [sflag:$0x2] =	stream.indirect.gather [hbm4b:s9+s11], $0x10, s18, s11, $0xb8;
	[tilespmem:$0xB880] =	vst v63  }
0x393: {  	s21 =	simm.s32 $0x780;
	s23 =	simm.s32 $0xB000  }
0x394: {  	[tilespmem:s23], [sflag:$0x2] =	stream.indirect.gather [hbm4b:s9+s11], $0x10, s21, s11, $0xb8;
	[tilespmem:$0xB880] =	vst v63  }
0x395: {  	_ =	swait.ge [sflag:s13], $0x4000  }
0x396: {  	[sflag:s13] =	ssyncset.done $0x0  }
0x397: {  	s31 =	rddreg [dreg:$0xa];
	[sflag:s13] =	ssyncadd.s32 $0xFFFFC000  }
0x398: {  	[hbm4b:s31+s2] =	stream.linear.scatter [tilespmem:s10], [sflag:$0x4], $0x4000, $0x38;
	[tilespmem:$0xB880] =	vst v63  }
0x399: {  	_ =	swait.ge [sflag:s5], $0x4000  }
0x39a: {  	[sflag:s5] =	ssyncset.done $0x0  }
0x39b: {  	[sflag:s5] =	ssyncadd.s32 $0xFFFFC000  }
0x39c: {  	_ =	swait.ge [sflag:s26], $0x80  }
0x39d: {  	[sflag:s26] =	ssyncset.done $0x0  }
0x39e: {  	s0 =	rddreg [dreg:$0xb];
	[sflag:s26] =	ssyncadd.s32 $0xFFFFFF80  }
0x39f: {  	[hbm4b:s0+s2] =	stream.linear.scatter [tilespmem:s8], [sflag:$0x4], $0x80, $0x38;
	[tilespmem:$0xB880] =	vst v63  }
0x3a0: {  	_ =	swait.ge [sflag:s5], $0x80  }
0x3a1: {  	[sflag:s5] =	ssyncset.done $0x0  }
0x3a2: {  	[sflag:s5] =	ssyncadd.s32 $0xFFFFFF80  }
0x3a3: {  	_ =	swait.ge [sflag:s7], $0x800  }
0x3a4: {  	[sflag:s7] =	ssyncset.done $0x0  }
0x3a5: {  	[sflag:s7] =	ssyncadd.s32 $0xFFFFF800  }
0x3a6: {  	_ =	swait.ge [sflag:s7], $0x800  }
0x3a7: {  	[sflag:s7] =	ssyncset.done $0x0  }
0x3a8: {  	[sflag:s7] =	ssyncadd.s32 $0xFFFFF800  }
0x3a9: {  	_ =	swait.ge [sflag:s7], $0x800  }
0x3aa: {  	[sflag:s7] =	ssyncset.done $0x0  }
0x3ab: {  	[sflag:s7] =	ssyncadd.s32 $0xFFFFF800  }
0x3ac: {  	_ =	swait.ge [sflag:s7], $0x800  }
0x3ad: {  	[sflag:s7] =	ssyncset.done $0x0  }
0x3ae: {  	[sflag:s7] =	ssyncadd.s32 $0xFFFFF800  }
0x3af: {  	_ =	swait.ge [sflag:s7], $0x800  }
0x3b0: {  	[sflag:s7] =	ssyncset.done $0x0  }
0x3b1: {  	[sflag:s7] =	ssyncadd.s32 $0xFFFFF800  }
0x3b2: {  	_ =	swait.ge [sflag:s7], $0x800  }
0x3b3: {  	[sflag:s7] =	ssyncset.done $0x0  }
0x3b4: {  	[sflag:s7] =	ssyncadd.s32 $0xFFFFF800  }
0x3b5: {  	_ =	swait.ge [sflag:s7], $0x800  }
0x3b6: {  	[sflag:s7] =	ssyncset.done $0x0  }
0x3b7: {  	[sflag:s7] =	ssyncadd.s32 $0xFFFFF800  }
0x3b8: {  	_ =	swait.ge [sflag:s7], $0x800  }
0x3b9: {  	[sflag:s7] =	ssyncset.done $0x0  }
0x3ba: {  	[sflag:s7] =	ssyncadd.s32 $0xFFFFF800  }
0x3bb: {  	_ =	swait.ge [sflag:s7], $0x800  }
0x3bc: {  	[sflag:s7] =	ssyncset.done $0x0  }
0x3bd: {  	[sflag:s7] =	ssyncadd.s32 $0xFFFFF800  }
0x3be: {  	_ =	swait.ge [sflag:s7], $0x800  }
0x3bf: {  	[sflag:s7] =	ssyncset.done $0x0  }
0x3c0: {  	[sflag:s7] =	ssyncadd.s32 $0xFFFFF800  }
0x3c1: {  	_ =	swait.ge [sflag:s7], $0x800  }
0x3c2: {  	[sflag:s7] =	ssyncset.done $0x0  }
0x3c3: {  	[sflag:s7] =	ssyncadd.s32 $0xFFFFF800  }
0x3c4: {  	_ =	swait.ge [sflag:s7], $0x800  }
0x3c5: {  	[sflag:s7] =	ssyncset.done $0x0  }
0x3c6: {  	[sflag:s7] =	ssyncadd.s32 $0xFFFFF800  }
0x3c7: {  	_ =	swait.ge [sflag:s7], $0x800  }
0x3c8: {  	[sflag:s7] =	ssyncset.done $0x0  }
0x3c9: {  	[sflag:s7] =	ssyncadd.s32 $0xFFFFF800  }
0x3ca: {  	_ =	swait.ge [sflag:s7], $0x800  }
0x3cb: {  	[sflag:s7] =	ssyncset.done $0x0  }
0x3cc: {  	s3 =	rddreg [dreg:$0xc];
	[sflag:s7] =	ssyncadd.s32 $0xFFFFF800  }
0x3cd: {  	[hbm4b:s3+s2] =	stream.linear.scatter [tilespmem:s6], [sflag:$0x4], $0x7000, $0x38;
	[tilespmem:$0xB880] =	vst v63  }
0x3ce: {  	_ =	swait.ge [sflag:s5], $0x7000  }
0x3cf: {  	[sflag:s5] =	ssyncset.done $0x0  }
0x3d0: {  	s16 =	rddreg [dreg:$0xd];
	[sflag:s5] =	ssyncadd.s32 $0xFFFF9000  }
0x3d1: {  	[tilespmem:s2], [sflag:$0x4] =	stream.linear.gather [hbm4b:s16+s2], $0x80, $0x38;
	[tilespmem:$0xB880] =	vst v63  }
0x3d2: {  	_ =	swait.ge [sflag:s5], $0x80  }
0x3d3: {  	[sflag:s5] =	ssyncset.done $0x0  }
0x3d4: {  	[sflag:s5] =	ssyncadd.s32 $0xFFFFFF80  }
0x3d5: {  	[tilespmem:s10], [sflag:$0x1] =	stream.indirect.gather [hbm4b:s22+s11], $0x80, s2, s11, $0xb8;
	[tilespmem:$0xB880] =	vst v63  }
0x3d6: {  	s17 =	rddreg [dreg:$0xe]  }
0x3d7: {  	[tilespmem:s11], [sflag:$0x4] =	stream.linear.gather [hbm4b:s17+s2], $0x80, $0x38;
	[tilespmem:$0xB880] =	vst v63  }
0x3d8: {  	_ =	swait.ge [sflag:s5], $0x80  }
0x3d9: {  	[sflag:s5] =	ssyncset.done $0x0  }
0x3da: {  	[sflag:s5] =	ssyncadd.s32 $0xFFFFFF80  }
0x3db: {  	[tilespmem:s8], [sflag:$0x3] =	stream.indirect.gather [hbm4b:s20+s11], $0x1, s11, s11, $0xb8;
	[tilespmem:$0xB880] =	vst v63  }
0x3dc: {  	s18 =	rddreg [dreg:$0xf]  }
0x3dd: {  	[tilespmem:s12], [sflag:$0x4] =	stream.linear.gather [hbm4b:s18+s2], $0x700, $0x38;
	[tilespmem:$0xB880] =	vst v63  }
0x3de: {  	_ =	swait.ge [sflag:s5], $0x700  }
0x3df: {  	[sflag:s5] =	ssyncset.done $0x0  }
0x3e0: {  	[sflag:s5] =	ssyncadd.s32 $0xFFFFF900  }
0x3e1: {  	[tilespmem:s6], [sflag:$0x2] =	stream.indirect.gather [hbm4b:s9+s11], $0x10, s12, s11, $0xb8;
	[tilespmem:$0xB880] =	vst v63  }
0x3e2: {  	s1 =	simm.s32 $0x5000;
	s16 =	simm.s32 $0x180  }
0x3e3: {  	[tilespmem:s1], [sflag:$0x2] =	stream.indirect.gather [hbm4b:s9+s11], $0x10, s16, s11, $0xb8;
	[tilespmem:$0xB880] =	vst v63  }
0x3e4: {  	s4 =	simm.s32 $0x5800;
	s17 =	simm.s32 $0x200  }
0x3e5: {  	[tilespmem:s4], [sflag:$0x2] =	stream.indirect.gather [hbm4b:s9+s11], $0x10, s17, s11, $0xb8;
	[tilespmem:$0xB880] =	vst v63  }
0x3e6: {  	s14 =	simm.s32 $0x6000;
	s3 =	simm.s32 $0x280  }
0x3e7: {  	[tilespmem:s14], [sflag:$0x2] =	stream.indirect.gather [hbm4b:s9+s11], $0x10, s3, s11, $0xb8;
	[tilespmem:$0xB880] =	vst v63  }
0x3e8: {  	s15 =	simm.s32 $0x6800;
	s4 =	simm.s32 $0x300  }
0x3e9: {  	[tilespmem:s15], [sflag:$0x2] =	stream.indirect.gather [hbm4b:s9+s11], $0x10, s4, s11, $0xb8;
	[tilespmem:$0xB880] =	vst v63  }
0x3ea: {  	s0 =	simm.s32 $0x7000;
	s14 =	simm.s32 $0x380  }
0x3eb: {  	[tilespmem:s0], [sflag:$0x2] =	stream.indirect.gather [hbm4b:s9+s11], $0x10, s14, s11, $0xb8;
	[tilespmem:$0xB880] =	vst v63  }
0x3ec: {  	s1 =	simm.s32 $0x7800;
	s15 =	simm.s32 $0x400  }
0x3ed: {  	[tilespmem:s1], [sflag:$0x2] =	stream.indirect.gather [hbm4b:s9+s11], $0x10, s15, s11, $0xb8;
	[tilespmem:$0xB880] =	vst v63  }
0x3ee: {  	s31 =	simm.s32 $0x480;
	s18 =	simm.s32 $0x8000  }
0x3ef: {  	[tilespmem:s18], [sflag:$0x2] =	stream.indirect.gather [hbm4b:s9+s11], $0x10, s31, s11, $0xb8;
	[tilespmem:$0xB880] =	vst v63  }
0x3f0: {  	s19 =	simm.s32 $0x8800;
	s31 =	simm.s32 $0x500  }
0x3f1: {  	[tilespmem:s19], [sflag:$0x2] =	stream.indirect.gather [hbm4b:s9+s11], $0x10, s31, s11, $0xb8;
	[tilespmem:$0xB880] =	vst v63  }
0x3f2: {  	s19 =	simm.s32 $0x9000;
	s31 =	simm.s32 $0x580  }
0x3f3: {  	[tilespmem:s19], [sflag:$0x2] =	stream.indirect.gather [hbm4b:s9+s11], $0x10, s31, s11, $0xb8;
	[tilespmem:$0xB880] =	vst v63  }
0x3f4: {  	s30 =	simm.s32 $0x600;
	s31 =	simm.s32 $0x9800  }
0x3f5: {  	[tilespmem:s31], [sflag:$0x2] =	stream.indirect.gather [hbm4b:s9+s11], $0x10, s30, s11, $0xb8;
	[tilespmem:$0xB880] =	vst v63  }
0x3f6: {  	s29 =	simm.s32 $0xA000;
	s28 =	simm.s32 $0x680  }
0x3f7: {  	[tilespmem:s29], [sflag:$0x2] =	stream.indirect.gather [hbm4b:s9+s11], $0x10, s28, s11, $0xb8;
	[tilespmem:$0xB880] =	vst v63  }
0x3f8: {  	s25 =	simm.s32 $0xA800;
	s24 =	simm.s32 $0x700  }
0x3f9: {  	[tilespmem:s25], [sflag:$0x2] =	stream.indirect.gather [hbm4b:s9+s11], $0x10, s24, s11, $0xb8;
	[tilespmem:$0xB880] =	vst v63  }
0x3fa: {  	s23 =	simm.s32 $0xB000;
	s21 =	simm.s32 $0x780  }
0x3fb: {  	[tilespmem:s23], [sflag:$0x2] =	stream.indirect.gather [hbm4b:s9+s11], $0x10, s21, s11, $0xb8;
	[tilespmem:$0xB880] =	vst v63  }
0x3fc: {  	_ =	swait.ge [sflag:s13], $0x4000  }
0x3fd: {  	[sflag:s13] =	ssyncset.done $0x0  }
0x3fe: {  	s21 =	rddreg [dreg:$0x10];
	[sflag:s13] =	ssyncadd.s32 $0xFFFFC000  }
0x3ff: {  	[hbm4b:s21+s2] =	stream.linear.scatter [tilespmem:s10], [sflag:$0x4], $0x4000, $0x38;
	[tilespmem:$0xB880] =	vst v63  }
0x400: {  	_ =	swait.ge [sflag:s5], $0x4000  }
0x401: {  	[sflag:s5] =	ssyncset.done $0x0  }
0x402: {  	[sflag:s5] =	ssyncadd.s32 $0xFFFFC000  }
0x403: {  	_ =	swait.ge [sflag:s26], $0x80  }
0x404: {  	[sflag:s26] =	ssyncset.done $0x0  }
0x405: {  	s24 =	rddreg [dreg:$0x11];
	[sflag:s26] =	ssyncadd.s32 $0xFFFFFF80  }
0x406: {  	[hbm4b:s24+s2] =	stream.linear.scatter [tilespmem:s8], [sflag:$0x4], $0x80, $0x38;
	[tilespmem:$0xB880] =	vst v63  }
0x407: {  	_ =	swait.ge [sflag:s5], $0x80  }
0x408: {  	[sflag:s5] =	ssyncset.done $0x0  }
0x409: {  	[sflag:s5] =	ssyncadd.s32 $0xFFFFFF80  }
0x40a: {  	_ =	swait.ge [sflag:s7], $0x800  }
0x40b: {  	[sflag:s7] =	ssyncset.done $0x0  }
0x40c: {  	[sflag:s7] =	ssyncadd.s32 $0xFFFFF800  }
0x40d: {  	_ =	swait.ge [sflag:s7], $0x800  }
0x40e: {  	[sflag:s7] =	ssyncset.done $0x0  }
0x40f: {  	[sflag:s7] =	ssyncadd.s32 $0xFFFFF800  }
0x410: {  	_ =	swait.ge [sflag:s7], $0x800  }
0x411: {  	[sflag:s7] =	ssyncset.done $0x0  }
0x412: {  	[sflag:s7] =	ssyncadd.s32 $0xFFFFF800  }
0x413: {  	_ =	swait.ge [sflag:s7], $0x800  }
0x414: {  	[sflag:s7] =	ssyncset.done $0x0  }
0x415: {  	[sflag:s7] =	ssyncadd.s32 $0xFFFFF800  }
0x416: {  	_ =	swait.ge [sflag:s7], $0x800  }
0x417: {  	[sflag:s7] =	ssyncset.done $0x0  }
0x418: {  	[sflag:s7] =	ssyncadd.s32 $0xFFFFF800  }
0x419: {  	_ =	swait.ge [sflag:s7], $0x800  }
0x41a: {  	[sflag:s7] =	ssyncset.done $0x0  }
0x41b: {  	[sflag:s7] =	ssyncadd.s32 $0xFFFFF800  }
0x41c: {  	_ =	swait.ge [sflag:s7], $0x800  }
0x41d: {  	[sflag:s7] =	ssyncset.done $0x0  }
0x41e: {  	[sflag:s7] =	ssyncadd.s32 $0xFFFFF800  }
0x41f: {  	_ =	swait.ge [sflag:s7], $0x800  }
0x420: {  	[sflag:s7] =	ssyncset.done $0x0  }
0x421: {  	[sflag:s7] =	ssyncadd.s32 $0xFFFFF800  }
0x422: {  	_ =	swait.ge [sflag:s7], $0x800  }
0x423: {  	[sflag:s7] =	ssyncset.done $0x0  }
0x424: {  	[sflag:s7] =	ssyncadd.s32 $0xFFFFF800  }
0x425: {  	_ =	swait.ge [sflag:s7], $0x800  }
0x426: {  	[sflag:s7] =	ssyncset.done $0x0  }
0x427: {  	[sflag:s7] =	ssyncadd.s32 $0xFFFFF800  }
0x428: {  	_ =	swait.ge [sflag:s7], $0x800  }
0x429: {  	[sflag:s7] =	ssyncset.done $0x0  }
0x42a: {  	[sflag:s7] =	ssyncadd.s32 $0xFFFFF800  }
0x42b: {  	_ =	swait.ge [sflag:s7], $0x800  }
0x42c: {  	[sflag:s7] =	ssyncset.done $0x0  }
0x42d: {  	[sflag:s7] =	ssyncadd.s32 $0xFFFFF800  }
0x42e: {  	_ =	swait.ge [sflag:s7], $0x800  }
0x42f: {  	[sflag:s7] =	ssyncset.done $0x0  }
0x430: {  	[sflag:s7] =	ssyncadd.s32 $0xFFFFF800  }
0x431: {  	_ =	swait.ge [sflag:s7], $0x800  }
0x432: {  	[sflag:s7] =	ssyncset.done $0x0  }
0x433: {  	s25 =	rddreg [dreg:$0x12];
	[sflag:s7] =	ssyncadd.s32 $0xFFFFF800  }
0x434: {  	[hbm4b:s25+s2] =	stream.linear.scatter [tilespmem:s6], [sflag:$0x4], $0x7000, $0x38;
	[tilespmem:$0xB880] =	vst v63  }
0x435: {  	_ =	swait.ge [sflag:s5], $0x7000  }
0x436: {  	[sflag:s5] =	ssyncset.done $0x0  }
0x437: {  	s28 =	rddreg [dreg:$0x13];
	[sflag:s5] =	ssyncadd.s32 $0xFFFF9000  }
0x438: {  	[tilespmem:s2], [sflag:$0x4] =	stream.linear.gather [hbm4b:s28+s2], $0x80, $0x38;
	[tilespmem:$0xB880] =	vst v63  }
0x439: {  	_ =	swait.ge [sflag:s5], $0x80  }
0x43a: {  	[sflag:s5] =	ssyncset.done $0x0  }
0x43b: {  	[sflag:s5] =	ssyncadd.s32 $0xFFFFFF80  }
0x43c: {  	[tilespmem:s10], [sflag:$0x1] =	stream.indirect.gather [hbm4b:s22+s11], $0x80, s2, s11, $0xb8;
	[tilespmem:$0xB880] =	vst v63  }
0x43d: {  	s29 =	rddreg [dreg:$0x14]  }
0x43e: {  	[tilespmem:s11], [sflag:$0x4] =	stream.linear.gather [hbm4b:s29+s2], $0x80, $0x38;
	[tilespmem:$0xB880] =	vst v63  }
0x43f: {  	_ =	swait.ge [sflag:s5], $0x80  }
0x440: {  	[sflag:s5] =	ssyncset.done $0x0  }
0x441: {  	[sflag:s5] =	ssyncadd.s32 $0xFFFFFF80  }
0x442: {  	[tilespmem:s8], [sflag:$0x3] =	stream.indirect.gather [hbm4b:s20+s11], $0x1, s11, s11, $0xb8;
	[tilespmem:$0xB880] =	vst v63  }
0x443: {  	s21 =	rddreg [dreg:$0x15]  }
0x444: {  	[tilespmem:s12], [sflag:$0x4] =	stream.linear.gather [hbm4b:s21+s2], $0x700, $0x38;
	[tilespmem:$0xB880] =	vst v63  }
0x445: {  	_ =	swait.ge [sflag:s5], $0x700  }
0x446: {  	[sflag:s5] =	ssyncset.done $0x0  }
0x447: {  	[sflag:s5] =	ssyncadd.s32 $0xFFFFF900  }
0x448: {  	[tilespmem:s6], [sflag:$0x2] =	stream.indirect.gather [hbm4b:s9+s11], $0x10, s12, s11, $0xb8;
	[tilespmem:$0xB880] =	vst v63  }
0x449: {  	s24 =	simm.s32 $0x5000  }
0x44a: {  	[tilespmem:s24], [sflag:$0x2] =	stream.indirect.gather [hbm4b:s9+s11], $0x10, s16, s11, $0xb8;
	[tilespmem:$0xB880] =	vst v63  }
0x44b: {  	s25 =	simm.s32 $0x5800  }
0x44c: {  	[tilespmem:s25], [sflag:$0x2] =	stream.indirect.gather [hbm4b:s9+s11], $0x10, s17, s11, $0xb8;
	[tilespmem:$0xB880] =	vst v63  }
0x44d: {  	s28 =	simm.s32 $0x6000  }
0x44e: {  	[tilespmem:s28], [sflag:$0x2] =	stream.indirect.gather [hbm4b:s9+s11], $0x10, s3, s11, $0xb8;
	[tilespmem:$0xB880] =	vst v63  }
0x44f: {  	s29 =	simm.s32 $0x6800  }
0x450: {  	[tilespmem:s29], [sflag:$0x2] =	stream.indirect.gather [hbm4b:s9+s11], $0x10, s4, s11, $0xb8;
	[tilespmem:$0xB880] =	vst v63  }
0x451: {  	_ = 	snop  }
0x452: {  	[tilespmem:s0], [sflag:$0x2] =	stream.indirect.gather [hbm4b:s9+s11], $0x10, s14, s11, $0xb8;
	[tilespmem:$0xB880] =	vst v63  }
0x453: {  	_ = 	snop  }
0x454: {  	[tilespmem:s1], [sflag:$0x2] =	stream.indirect.gather [hbm4b:s9+s11], $0x10, s15, s11, $0xb8;
	[tilespmem:$0xB880] =	vst v63  }
0x455: {  	s3 =	simm.s32 $0x480  }
0x456: {  	[tilespmem:s18], [sflag:$0x2] =	stream.indirect.gather [hbm4b:s9+s11], $0x10, s3, s11, $0xb8;
	[tilespmem:$0xB880] =	vst v63  }
0x457: {  	s4 =	simm.s32 $0x8800;
	s14 =	simm.s32 $0x500  }
0x458: {  	[tilespmem:s4], [sflag:$0x2] =	stream.indirect.gather [hbm4b:s9+s11], $0x10, s14, s11, $0xb8;
	[tilespmem:$0xB880] =	vst v63  }
0x459: {  	s0 =	simm.s32 $0x580;
	s14 =	simm.s32 $0x9000  }
0x45a: {  	[tilespmem:s14], [sflag:$0x2] =	stream.indirect.gather [hbm4b:s9+s11], $0x10, s0, s11, $0xb8;
	[tilespmem:$0xB880] =	vst v63  }
0x45b: {  	s30 =	simm.s32 $0x9800;
	s15 =	simm.s32 $0x600  }
0x45c: {  	[tilespmem:s30], [sflag:$0x2] =	stream.indirect.gather [hbm4b:s9+s11], $0x10, s15, s11, $0xb8;
	[tilespmem:$0xB880] =	vst v63  }
0x45d: {  	s19 =	simm.s32 $0x680;
	s31 =	simm.s32 $0xA000  }
0x45e: {  	[tilespmem:s31], [sflag:$0x2] =	stream.indirect.gather [hbm4b:s9+s11], $0x10, s19, s11, $0xb8;
	[tilespmem:$0xB880] =	vst v63  }
0x45f: {  	s21 =	simm.s32 $0xA800;
	s1 =	simm.s32 $0x700  }
0x460: {  	[tilespmem:s21], [sflag:$0x2] =	stream.indirect.gather [hbm4b:s9+s11], $0x10, s1, s11, $0xb8;
	[tilespmem:$0xB880] =	vst v63  }
0x461: {  	s23 =	simm.s32 $0x780;
	s3 =	simm.s32 $0xB000  }
0x462: {  	[tilespmem:s3], [sflag:$0x2] =	stream.indirect.gather [hbm4b:s9+s11], $0x10, s23, s11, $0xb8;
	[tilespmem:$0xB880] =	vst v63  }
0x463: {  	_ =	swait.ge [sflag:s13], $0x4000  }
0x464: {  	[sflag:s13] =	ssyncset.done $0x0  }
0x465: {  	s19 =	rddreg [dreg:$0x16];
	[sflag:s13] =	ssyncadd.s32 $0xFFFFC000  }
0x466: {  	[hbm4b:s19+s2] =	stream.linear.scatter [tilespmem:s10], [sflag:$0x4], $0x4000, $0x38;
	[tilespmem:$0xB880] =	vst v63  }
0x467: {  	_ =	swait.ge [sflag:s5], $0x4000  }
0x468: {  	[sflag:s5] =	ssyncset.done $0x0  }
0x469: {  	[sflag:s5] =	ssyncadd.s32 $0xFFFFC000  }
0x46a: {  	_ =	swait.ge [sflag:s26], $0x80  }
0x46b: {  	[sflag:s26] =	ssyncset.done $0x0  }
0x46c: {  	s19 =	rddreg [dreg:$0x17];
	[sflag:s26] =	ssyncadd.s32 $0xFFFFFF80  }
0x46d: {  	[hbm4b:s19+s2] =	stream.linear.scatter [tilespmem:s8], [sflag:$0x4], $0x80, $0x38;
	[tilespmem:$0xB880] =	vst v63  }
0x46e: {  	_ =	swait.ge [sflag:s5], $0x80  }
0x46f: {  	[sflag:s5] =	ssyncset.done $0x0  }
0x470: {  	[sflag:s5] =	ssyncadd.s32 $0xFFFFFF80  }
0x471: {  	_ =	swait.ge [sflag:s7], $0x800  }
0x472: {  	[sflag:s7] =	ssyncset.done $0x0  }
0x473: {  	[sflag:s7] =	ssyncadd.s32 $0xFFFFF800  }
0x474: {  	_ =	swait.ge [sflag:s7], $0x800  }
0x475: {  	[sflag:s7] =	ssyncset.done $0x0  }
0x476: {  	[sflag:s7] =	ssyncadd.s32 $0xFFFFF800  }
0x477: {  	_ =	swait.ge [sflag:s7], $0x800  }
0x478: {  	[sflag:s7] =	ssyncset.done $0x0  }
0x479: {  	[sflag:s7] =	ssyncadd.s32 $0xFFFFF800  }
0x47a: {  	_ =	swait.ge [sflag:s7], $0x800  }
0x47b: {  	[sflag:s7] =	ssyncset.done $0x0  }
0x47c: {  	[sflag:s7] =	ssyncadd.s32 $0xFFFFF800  }
0x47d: {  	_ =	swait.ge [sflag:s7], $0x800  }
0x47e: {  	[sflag:s7] =	ssyncset.done $0x0  }
0x47f: {  	[sflag:s7] =	ssyncadd.s32 $0xFFFFF800  }
0x480: {  	_ =	swait.ge [sflag:s7], $0x800  }
0x481: {  	[sflag:s7] =	ssyncset.done $0x0  }
0x482: {  	[sflag:s7] =	ssyncadd.s32 $0xFFFFF800  }
0x483: {  	_ =	swait.ge [sflag:s7], $0x800  }
0x484: {  	[sflag:s7] =	ssyncset.done $0x0  }
0x485: {  	[sflag:s7] =	ssyncadd.s32 $0xFFFFF800  }
0x486: {  	_ =	swait.ge [sflag:s7], $0x800  }
0x487: {  	[sflag:s7] =	ssyncset.done $0x0  }
0x488: {  	[sflag:s7] =	ssyncadd.s32 $0xFFFFF800  }
0x489: {  	_ =	swait.ge [sflag:s7], $0x800  }
0x48a: {  	[sflag:s7] =	ssyncset.done $0x0  }
0x48b: {  	[sflag:s7] =	ssyncadd.s32 $0xFFFFF800  }
0x48c: {  	_ =	swait.ge [sflag:s7], $0x800  }
0x48d: {  	[sflag:s7] =	ssyncset.done $0x0  }
0x48e: {  	[sflag:s7] =	ssyncadd.s32 $0xFFFFF800  }
0x48f: {  	_ =	swait.ge [sflag:s7], $0x800  }
0x490: {  	[sflag:s7] =	ssyncset.done $0x0  }
0x491: {  	[sflag:s7] =	ssyncadd.s32 $0xFFFFF800  }
0x492: {  	_ =	swait.ge [sflag:s7], $0x800  }
0x493: {  	[sflag:s7] =	ssyncset.done $0x0  }
0x494: {  	[sflag:s7] =	ssyncadd.s32 $0xFFFFF800  }
0x495: {  	_ =	swait.ge [sflag:s7], $0x800  }
0x496: {  	[sflag:s7] =	ssyncset.done $0x0  }
0x497: {  	[sflag:s7] =	ssyncadd.s32 $0xFFFFF800  }
0x498: {  	_ =	swait.ge [sflag:s7], $0x800  }
0x499: {  	[sflag:s7] =	ssyncset.done $0x0  }
0x49a: {  	s19 =	rddreg [dreg:$0x18];
	[sflag:s7] =	ssyncadd.s32 $0xFFFFF800  }
0x49b: {  	[hbm4b:s19+s2] =	stream.linear.scatter [tilespmem:s6], [sflag:$0x4], $0x7000, $0x38;
	[tilespmem:$0xB880] =	vst v63  }
0x49c: {  	_ =	swait.ge [sflag:s5], $0x7000  }
0x49d: {  	[sflag:s5] =	ssyncset.done $0x0  }
0x49e: {  	s19 =	rddreg [dreg:$0x19];
	[sflag:s5] =	ssyncadd.s32 $0xFFFF9000  }
0x49f: {  	[tilespmem:s2], [sflag:$0x4] =	stream.linear.gather [hbm4b:s19+s2], $0x80, $0x38;
	[tilespmem:$0xB880] =	vst v63  }
0x4a0: {  	_ =	swait.ge [sflag:s5], $0x80  }
0x4a1: {  	[sflag:s5] =	ssyncset.done $0x0  }
0x4a2: {  	[sflag:s5] =	ssyncadd.s32 $0xFFFFFF80  }
0x4a3: {  	[tilespmem:s10], [sflag:$0x1] =	stream.indirect.gather [hbm4b:s22+s11], $0x80, s2, s11, $0xb8;
	[tilespmem:$0xB880] =	vst v63  }
0x4a4: {  	s19 =	rddreg [dreg:$0x1a]  }
0x4a5: {  	[tilespmem:s11], [sflag:$0x4] =	stream.linear.gather [hbm4b:s19+s2], $0x80, $0x38;
	[tilespmem:$0xB880] =	vst v63  }
0x4a6: {  	_ =	swait.ge [sflag:s5], $0x80  }
0x4a7: {  	[sflag:s5] =	ssyncset.done $0x0  }
0x4a8: {  	[sflag:s5] =	ssyncadd.s32 $0xFFFFFF80  }
0x4a9: {  	[tilespmem:s8], [sflag:$0x3] =	stream.indirect.gather [hbm4b:s20+s11], $0x1, s11, s11, $0xb8;
	[tilespmem:$0xB880] =	vst v63  }
0x4aa: {  	s22 =	rddreg [dreg:$0x1b]  }
0x4ab: {  	[tilespmem:s12], [sflag:$0x4] =	stream.linear.gather [hbm4b:s22+s2], $0x700, $0x38;
	[tilespmem:$0xB880] =	vst v63  }
0x4ac: {  	_ =	swait.ge [sflag:s5], $0x700  }
0x4ad: {  	[sflag:s5] =	ssyncset.done $0x0  }
0x4ae: {  	[sflag:s5] =	ssyncadd.s32 $0xFFFFF900  }
0x4af: {  	[tilespmem:s6], [sflag:$0x2] =	stream.indirect.gather [hbm4b:s9+s11], $0x10, s12, s11, $0xb8;
	[tilespmem:$0xB880] =	vst v63  }
0x4b0: {  	s16 =	simm.s32 $0x180;
	s19 =	simm.s32 $0x5000  }
0x4b1: {  	[tilespmem:s19], [sflag:$0x2] =	stream.indirect.gather [hbm4b:s9+s11], $0x10, s16, s11, $0xb8;
	[tilespmem:$0xB880] =	vst v63  }
0x4b2: {  	s17 =	simm.s32 $0x200;
	s20 =	simm.s32 $0x5800  }
0x4b3: {  	[tilespmem:s20], [sflag:$0x2] =	stream.indirect.gather [hbm4b:s9+s11], $0x10, s17, s11, $0xb8;
	[tilespmem:$0xB880] =	vst v63  }
0x4b4: {  	s25 =	simm.s32 $0x280;
	s22 =	simm.s32 $0x6000  }
0x4b5: {  	[tilespmem:s22], [sflag:$0x2] =	stream.indirect.gather [hbm4b:s9+s11], $0x10, s25, s11, $0xb8;
	[tilespmem:$0xB880] =	vst v63  }
0x4b6: {  	s28 =	simm.s32 $0x300;
	s16 =	simm.s32 $0x6800  }
0x4b7: {  	[tilespmem:s16], [sflag:$0x2] =	stream.indirect.gather [hbm4b:s9+s11], $0x10, s28, s11, $0xb8;
	[tilespmem:$0xB880] =	vst v63  }
0x4b8: {  	s29 =	simm.s32 $0x380;
	s17 =	simm.s32 $0x7000  }
0x4b9: {  	[tilespmem:s17], [sflag:$0x2] =	stream.indirect.gather [hbm4b:s9+s11], $0x10, s29, s11, $0xb8;
	[tilespmem:$0xB880] =	vst v63  }
0x4ba: {  	s19 =	simm.s32 $0x7800;
	s20 =	simm.s32 $0x400  }
0x4bb: {  	[tilespmem:s19], [sflag:$0x2] =	stream.indirect.gather [hbm4b:s9+s11], $0x10, s20, s11, $0xb8;
	[tilespmem:$0xB880] =	vst v63  }
0x4bc: {  	s18 =	simm.s32 $0x8000;
	s22 =	simm.s32 $0x480  }
0x4bd: {  	[tilespmem:s18], [sflag:$0x2] =	stream.indirect.gather [hbm4b:s9+s11], $0x10, s22, s11, $0xb8;
	[tilespmem:$0xB880] =	vst v63  }
0x4be: {  	s24 =	simm.s32 $0x8800;
	s25 =	simm.s32 $0x500  }
0x4bf: {  	[tilespmem:s24], [sflag:$0x2] =	stream.indirect.gather [hbm4b:s9+s11], $0x10, s25, s11, $0xb8;
	[tilespmem:$0xB880] =	vst v63  }
0x4c0: {  	_ = 	snop  }
0x4c1: {  	[tilespmem:s14], [sflag:$0x2] =	stream.indirect.gather [hbm4b:s9+s11], $0x10, s0, s11, $0xb8;
	[tilespmem:$0xB880] =	vst v63  }
0x4c2: {  	s15 =	simm.s32 $0x600;
	s30 =	simm.s32 $0x9800  }
0x4c3: {  	[tilespmem:s30], [sflag:$0x2] =	stream.indirect.gather [hbm4b:s9+s11], $0x10, s15, s11, $0xb8;
	[tilespmem:$0xB880] =	vst v63  }
0x4c4: {  	s4 =	simm.s32 $0x680;
	s31 =	simm.s32 $0xA000  }
0x4c5: {  	[tilespmem:s31], [sflag:$0x2] =	stream.indirect.gather [hbm4b:s9+s11], $0x10, s4, s11, $0xb8;
	[tilespmem:$0xB880] =	vst v63  }
0x4c6: {  	s21 =	simm.s32 $0xA800  }
0x4c7: {  	[tilespmem:s21], [sflag:$0x2] =	stream.indirect.gather [hbm4b:s9+s11], $0x10, s1, s11, $0xb8;
	[tilespmem:$0xB880] =	vst v63  }
0x4c8: {  	s3 =	simm.s32 $0x780;
	s23 =	simm.s32 $0xB000  }
0x4c9: {  	[tilespmem:s23], [sflag:$0x2] =	stream.indirect.gather [hbm4b:s9+s11], $0x10, s3, s11, $0xb8;
	[tilespmem:$0xB880] =	vst v63  }
0x4ca: {  	_ =	swait.ge [sflag:s13], $0x4000  }
0x4cb: {  	[sflag:s13] =	ssyncset.done $0x0  }
0x4cc: {  	s28 =	rddreg [dreg:$0x1c];
	[sflag:s13] =	ssyncadd.s32 $0xFFFFC000  }
0x4cd: {  	[hbm4b:s28+s2] =	stream.linear.scatter [tilespmem:s10], [sflag:$0x4], $0x4000, $0x38;
	[tilespmem:$0xB880] =	vst v63  }
0x4ce: {  	_ =	swait.ge [sflag:s5], $0x4000  }
0x4cf: {  	[sflag:s5] =	ssyncset.done $0x0  }
0x4d0: {  	[sflag:s5] =	ssyncadd.s32 $0xFFFFC000  }
0x4d1: {  	_ =	swait.ge [sflag:s26], $0x80  }
0x4d2: {  	[sflag:s26] =	ssyncset.done $0x0  }
0x4d3: {  	s29 =	rddreg [dreg:$0x1d];
	[sflag:s26] =	ssyncadd.s32 $0xFFFFFF80  }
0x4d4: {  	[hbm4b:s29+s2] =	stream.linear.scatter [tilespmem:s8], [sflag:$0x4], $0x80, $0x38;
	[tilespmem:$0xB880] =	vst v63  }
0x4d5: {  	_ =	swait.ge [sflag:s5], $0x80  }
0x4d6: {  	[sflag:s5] =	ssyncset.done $0x0  }
0x4d7: {  	[sflag:s5] =	ssyncadd.s32 $0xFFFFFF80  }
0x4d8: {  	_ =	swait.ge [sflag:s7], $0x800  }
0x4d9: {  	[sflag:s7] =	ssyncset.done $0x0  }
0x4da: {  	[sflag:s7] =	ssyncadd.s32 $0xFFFFF800  }
0x4db: {  	_ =	swait.ge [sflag:s7], $0x800  }
0x4dc: {  	[sflag:s7] =	ssyncset.done $0x0  }
0x4dd: {  	[sflag:s7] =	ssyncadd.s32 $0xFFFFF800  }
0x4de: {  	_ =	swait.ge [sflag:s7], $0x800  }
0x4df: {  	[sflag:s7] =	ssyncset.done $0x0  }
0x4e0: {  	[sflag:s7] =	ssyncadd.s32 $0xFFFFF800  }
0x4e1: {  	_ =	swait.ge [sflag:s7], $0x800  }
0x4e2: {  	[sflag:s7] =	ssyncset.done $0x0  }
0x4e3: {  	[sflag:s7] =	ssyncadd.s32 $0xFFFFF800  }
0x4e4: {  	_ =	swait.ge [sflag:s7], $0x800  }
0x4e5: {  	[sflag:s7] =	ssyncset.done $0x0  }
0x4e6: {  	[sflag:s7] =	ssyncadd.s32 $0xFFFFF800  }
0x4e7: {  	_ =	swait.ge [sflag:s7], $0x800  }
0x4e8: {  	[sflag:s7] =	ssyncset.done $0x0  }
0x4e9: {  	[sflag:s7] =	ssyncadd.s32 $0xFFFFF800  }
0x4ea: {  	_ =	swait.ge [sflag:s7], $0x800  }
0x4eb: {  	[sflag:s7] =	ssyncset.done $0x0  }
0x4ec: {  	[sflag:s7] =	ssyncadd.s32 $0xFFFFF800  }
0x4ed: {  	_ =	swait.ge [sflag:s7], $0x800  }
0x4ee: {  	[sflag:s7] =	ssyncset.done $0x0  }
0x4ef: {  	[sflag:s7] =	ssyncadd.s32 $0xFFFFF800  }
0x4f0: {  	_ =	swait.ge [sflag:s7], $0x800  }
0x4f1: {  	[sflag:s7] =	ssyncset.done $0x0  }
0x4f2: {  	[sflag:s7] =	ssyncadd.s32 $0xFFFFF800  }
0x4f3: {  	_ =	swait.ge [sflag:s7], $0x800  }
0x4f4: {  	[sflag:s7] =	ssyncset.done $0x0  }
0x4f5: {  	[sflag:s7] =	ssyncadd.s32 $0xFFFFF800  }
0x4f6: {  	_ =	swait.ge [sflag:s7], $0x800  }
0x4f7: {  	[sflag:s7] =	ssyncset.done $0x0  }
0x4f8: {  	[sflag:s7] =	ssyncadd.s32 $0xFFFFF800  }
0x4f9: {  	_ =	swait.ge [sflag:s7], $0x800  }
0x4fa: {  	[sflag:s7] =	ssyncset.done $0x0  }
0x4fb: {  	[sflag:s7] =	ssyncadd.s32 $0xFFFFF800  }
0x4fc: {  	_ =	swait.ge [sflag:s7], $0x800  }
0x4fd: {  	[sflag:s7] =	ssyncset.done $0x0  }
0x4fe: {  	[sflag:s7] =	ssyncadd.s32 $0xFFFFF800  }
0x4ff: {  	_ =	swait.ge [sflag:s7], $0x800  }
0x500: {  	[sflag:s7] =	ssyncset.done $0x0  }
0x501: {  	s30 =	rddreg [dreg:$0x1e];
	[sflag:s7] =	ssyncadd.s32 $0xFFFFF800  }
0x502: {  	[hbm4b:s30+s2] =	stream.linear.scatter [tilespmem:s6], [sflag:$0x4], $0x7000, $0x38;
	[tilespmem:$0xB880] =	vst v63  }
0x503: {  	_ =	swait.ge [sflag:s5], $0x7000  }
0x504: {  	[sflag:s5] =	ssyncset.done $0x0  }
0x505: {  	[sflag:s5] =	ssyncadd.s32 $0xFFFF9000  }
0x506: {  	_ =	sfence.sel $0x180000  }
0x507: {  	[bflag:$0x0] =	sbarrier.arrive $0xFFFF  }
0x508: {  	_ =	strace $0x90000047  }
0x509: {  	s31 =	stileid.u32;
	[bflag:$0x2] =	sbarrier.arrive $0xFFFF  }
0x50a: {  	p0 =	sne.s32 s31, $0x0;
	s0 =	rddreg [dreg:$0x6]  }
0x50b: {  	s0 =	sadd.s32 @!p0 $0x100000, s0  }
0x50c: {  	[sflag:s0] =	ssyncadd.tile.s32 @!p0 $0x1;
	_ =	shalt  }
.LBB2_1:
.Ltmp3:
0x50d: {  	(pc) =	sbr.rel .LBB2_6-.Ltmp3, $3  }
0x50e: {  	_ =	sdelay $0x1  }
0x50f: {  	s22 =	rddreg [dreg:$0x3]  }
0x510: {  	s21 =	rddreg [dreg:$0x4]  }
.LBB2_7:
.Ltmp4:
0x511: {  	(pc) =	sbr.rel .LBB2_6-.Ltmp4, $3  }
0x512: {  	_ =	sdelay $0x1  }
0x513: {  	s22 =	rddreg [dreg:$0x3]  }
0x514: {  	s21 =	rddreg [dreg:$0x4]  }
.Lfunc_end2:
_tile_overlayer_lowered:
.L_overlay_start_2:
0x515: {  	(tag) =	ssettag $0x2  }
0x516: {  	s0 =	rddreg [dreg:$0x0];
	s2 =	stileid.u32  }
0x517: {  	s1 =	rddreg [dreg:$0x1];
	p0 =	sne.s32 s2, $0x0  }
0x518: {  	s3 =	rddreg [dreg:$0x2];
	[bflag:$0x3] =	sbarrier.arrive $0xFFFF;
	s2 =	simm.s32 @!p0 $0x1C04  }
0x519: {  	[timem:s3], [sflag:s2] =	dma.local @!p0 [hbm:s0], s1  }
0x51a: {  	s0 =	simm.s32 @!p0 $0x4  }
0x51b: {  	_ =	swait.ge @!p0 [sflag:s0], s1  }
0x51c: {  	s1 =	ssub.s32 @!p0 $0x0, s1;
	[sflag:s0] =	ssyncset.done @!p0 $0x0  }
0x51d: {  	[sflag:s0] =	ssyncadd.s32 @!p0 s1  }
0x51e: {  	[bflag:$0x3] =	sbarrier.arrive $0xFFFF  }
0x51f: {  	_ =	shalt  }

</sc_bundles>
